<compile_context>
chip_gen: v7x
topology: tpu7x:2x2x1
jax: 0.10.2.dev20260603
libtpu: 0.0.44.dev20260713+nightly
codegen_flags: <defaults>
</compile_context>

<pallas_src>
import functools

import jax
import jax.numpy as jnp
from jax import lax
from jax.experimental import pallas as pl
from jax.experimental.pallas import tpu as pltpu
from jax.experimental.pallas import tpu_sc as plsc

_H = 320
_W = 320
_WP = 336
_NW = 32
_ROWS = _H // _NW
_L = 16
_NCH = _W // _L
_NACC = 8


def _sc_body(w_hbm, out_hbm, buf, acc_v):
    wid = lax.axis_index("s") * 2 + lax.axis_index("c")
    r0 = wid * _ROWS
    zero = jnp.zeros((_L,), jnp.float32)

    @pl.when(wid < _NW - 1)
    def _copy_with_halo():
        pltpu.sync_copy(
            w_hbm.at[pl.ds(r0, _ROWS + 1)],
            buf.at[pl.ds(0, _ROWS + 1), pl.ds(0, _W)],
        )

    @pl.when(wid == _NW - 1)
    def _copy_last():
        pltpu.sync_copy(
            w_hbm.at[pl.ds(r0, _ROWS)], buf.at[pl.ds(0, _ROWS), pl.ds(0, _W)]
        )
        for c in range(_NCH):
            buf[_ROWS, pl.ds(c * _L, _L)] = zero

    for k in range(_ROWS):
        buf[k, pl.ds(_W, _L)] = zero

    accs = [zero] * _NACC
    i = 0
    for c in range(_NCH):
        prev = buf[0, pl.ds(c * _L, _L)]
        for k in range(_ROWS):
            y = buf[k, pl.ds(c * _L + 1, _L)]
            accs[i % _NACC] = accs[i % _NACC] + prev * y * (prev + y)
            i += 1
            cur = buf[k + 1, pl.ds(c * _L, _L)]
            accs[i % _NACC] = accs[i % _NACC] + prev * cur * (prev + cur)
            i += 1
            prev = cur

    acc = accs[0]
    for a in accs[1:]:
        acc = acc + a
    acc_v[...] = acc
    pltpu.sync_copy(acc_v, out_hbm.at[pl.ds(wid * _L, _L)])


@functools.lru_cache(maxsize=1)
def _make_sc_partials():
    return pl.kernel(
        _sc_body,
        mesh=plsc.VectorSubcoreMesh(core_axis_name="c", subcore_axis_name="s"),
        out_type=jax.ShapeDtypeStruct((_NW * _L,), jnp.float32),
        scratch_types=[
            pltpu.VMEM((_ROWS + 1, _WP), jnp.float32),
            pltpu.VMEM((_L,), jnp.float32),
        ],
        compiler_params=pltpu.CompilerParams(use_tc_tiling_on_sc=False),
    )


def _finish_body(p_ref, o_ref):
    o_ref[...] = jnp.sqrt(jnp.sum(p_ref[...]))[None, None]


def kernel(activities, vertex_weights):
    del activities
    partials = _make_sc_partials()(vertex_weights)
    out = pl.pallas_call(
        _finish_body,
        out_shape=jax.ShapeDtypeStruct((1, 1), jnp.float32),
    )(partials)
    return out[0, 0]

# --- scband reference (transcript-rebuilt; emitter-appended) ---
"""Pipeline reference for scband-grid-graph-23210003267891 (READ-ONLY COPY).

The authoritative reference and input builder live on the scoring server;
editing this copy changes nothing except your own understanding.
"""

import jax, jax.numpy as jnp
import numpy as np

H, W = 320, 320
NB_ACTIVE = H * W
NEIGHBORS = jnp.array([(1, 0), (-1, 0), (0, 1), (0, -1)])


def setup_inputs(seed: int = 0) -> dict:
    key = jax.random.key(seed)
    k1, k2 = jax.random.split(key)
    activities = jnp.ones((H, W), dtype=bool)
    vertex_weights = jax.random.uniform(k2, (H, W), dtype=jnp.float32)
    return {"activities": activities, "vertex_weights": vertex_weights}


def _graph_forward(activities, vertex_weights):
    # Faithful translation of GridGraph.equivalent_connected_habitat():
    #   q = active vertex weights; K = adjacency (edge weight = target vertex weight,
    #   rook contiguity); return sqrt(q @ (K @ q)).
    nrows, ncols = activities.shape
    n = NB_ACTIVE
    # list_active_vertices / active_vertex_index_to_coord
    rows, cols = jnp.nonzero(activities, size=n)
    source_xy = jnp.stack([rows, cols], axis=1)
    # scatter: build active_map (passive coord -> active index)
    active_map = jnp.full((nrows, ncols), -1, dtype=jnp.int32)
    active_map = active_map.at[rows, cols].set(jnp.arange(n, dtype=jnp.int32))
    num_neighbors = NEIGHBORS.shape[0]
    cand = source_xy[:, None, :] + NEIGHBORS[None, :, :]
    in_bounds = (
        (cand[..., 0] >= 0)
        & (cand[..., 0] < nrows)
        & (cand[..., 1] >= 0)
        & (cand[..., 1] < ncols)
    )
    ci = cand[..., 0].clip(0, nrows - 1)
    cj = cand[..., 1].clip(0, ncols - 1)
    target_active = activities[ci, cj]
    valid = in_bounds & target_active
    target_xy = jnp.where(valid[..., None], cand, 0)
    tgt = active_map[target_xy[..., 0], target_xy[..., 1]]
    tgt = jnp.where(valid, tgt, 0)
    src = jnp.broadcast_to(jnp.arange(n)[:, None], (n, num_neighbors))
    src = jnp.where(valid, src, 0)
    # fun = lambda x, y: y  -> edge weight is the target vertex weight
    vals = vertex_weights[target_xy[..., 0], target_xy[..., 1]]
    vals = jnp.where(valid, vals, 0.0)
    src = src.ravel()
    tgt = tgt.ravel()
    vals = vals.ravel()
    # q = active vertex weights (array_to_node_values)
    q = vertex_weights[rows, cols]
    # sparse matvec K @ q as a scatter-add over COO edges
    Kq = jnp.zeros((n,), dtype=vals.dtype).at[src].add(vals * q[tgt])
    return jnp.sqrt(q @ Kq)


def reference(activities, vertex_weights):
    return _graph_forward(activities, vertex_weights)

if __name__ == "__main__":
    import jax
    _d = setup_inputs()
    print(jax.jit(kernel)(*tuple(_d.values())))

</pallas_src>

<mosaic_0001>
#map = affine_map<(d0, d1) -> (0, 0)>
#map1 = affine_map<(d0, d1) -> (0)>
module attributes {stable_mosaic.version = 14 : i64} {
  func.func @_sc_body(%arg0: i32, %arg1: i32, %arg2: memref<320x320xf32, #tpu.memory_space<hbm>>, %arg3: memref<512xf32, #tpu.memory_space<hbm>>, %arg4: memref<11x336xf32, #tpu.memory_space<vmem>>, %arg5: memref<16xf32, #tpu.memory_space<vmem>>) attributes {dimension_semantics = [#tpu.dimension_semantics<core_parallel>, #tpu.dimension_semantics<subcore_parallel>], iteration_bounds = array<i64: 2, 16>, scalar_prefetch = 0 : i64, scratch_operands = 2 : i64, tpu.core_type = #tpu.core_type<sc_vector_subcore>, window_params = [{transform_indices = #map}, {transform_indices = #map1}]} {
    %mul3A = arith.constant 2 : i32
    %mul3A_0 = arith.muli %arg1, %mul3A : i32
    %add3A = arith.addi %mul3A_0, %arg0 : i32
    %mul3A_1 = arith.constant 10 : i32
    %mul3A_2 = arith.muli %add3A, %mul3A_1 : i32
    %broadcast_in_dim3A = arith.constant 0.000000e+00 : f32
    %broadcast_in_dim3A_3 = vector.broadcast %broadcast_in_dim3A : f32 to vector<16xf32>
    %lt3A = arith.constant 31 : i32
    %lt3A_4 = arith.cmpi slt, %add3A, %lt3A : i32
    %convert_element_type3A = arith.extui %lt3A_4 : i1 to i32
    %cond3A = arith.constant 0 : i32
    %cond3A_5 = arith.cmpi ne, %convert_element_type3A, %cond3A : i32
    scf.if %cond3A_5 {
      "tpu.region"() ({
        %run_scoped3A = tpu.sem_alloc : memref<!tpu.dma_semaphore, #tpu.memory_space<semaphore_mem>>
        %dma_start3A = arith.constant 0 : i32
        %dma_start3A_3781 = arith.constant 0 : i32
        %dma_start3A_3782 = tpu.memref_slice %arg4[%dma_start3A, %dma_start3A_3781] : memref<11x336xf32, #tpu.memory_space<vmem>> -> memref<11x320xf32, #tpu.memory_space<vmem>>
        %dma_start3A_3783 = arith.constant 0 : i32
        %dma_start3A_3784 = tpu.memref_slice %arg2[%mul3A_2, %dma_start3A_3783] : memref<320x320xf32, #tpu.memory_space<hbm>> -> memref<11x320xf32, #tpu.memory_space<hbm>>
        %dma_start3A_3785 = arith.constant 0 : i32
        %dma_start3A_3786 = arith.constant 0 : i32
        %dma_start3A_3787 = tpu.memref_slice %arg4[%dma_start3A_3785, %dma_start3A_3786] : memref<11x336xf32, #tpu.memory_space<vmem>> -> memref<11x320xf32, #tpu.memory_space<vmem>>
        %dma_start3A_3788 = arith.constant 0 : i32
        %dma_start3A_3789 = tpu.memref_slice %arg2[%mul3A_2, %dma_start3A_3788] : memref<320x320xf32, #tpu.memory_space<hbm>> -> memref<11x320xf32, #tpu.memory_space<hbm>>
        tpu.enqueue_dma source(%dma_start3A_3789 : memref<11x320xf32, #tpu.memory_space<hbm>>) target(%dma_start3A_3787 : memref<11x320xf32, #tpu.memory_space<vmem>>) target_semaphore(%run_scoped3A : memref<!tpu.dma_semaphore, #tpu.memory_space<semaphore_mem>>)
        %dma_wait3A = arith.constant 0 : i32
        %dma_wait3A_3790 = arith.constant 0 : i32
        %dma_wait3A_3791 = tpu.memref_slice %arg4[%dma_wait3A, %dma_wait3A_3790] : memref<11x336xf32, #tpu.memory_space<vmem>> -> memref<11x320xf32, #tpu.memory_space<vmem>>
        %dma_wait3A_3792 = arith.constant 0 : i32
        %dma_wait3A_3793 = tpu.memref_slice %arg2[%mul3A_2, %dma_wait3A_3792] : memref<320x320xf32, #tpu.memory_space<hbm>> -> memref<11x320xf32, #tpu.memory_space<hbm>>
        %dma_wait3A_3794 = arith.constant 0 : i32
        %dma_wait3A_3795 = arith.constant 0 : i32
        %dma_wait3A_3796 = tpu.memref_slice %arg4[%dma_wait3A_3794, %dma_wait3A_3795] : memref<11x336xf32, #tpu.memory_space<vmem>> -> memref<11x320xf32, #tpu.memory_space<vmem>>
        %dma_wait3A_3797 = arith.constant 0 : i32
        %dma_wait3A_3798 = tpu.memref_slice %arg2[%mul3A_2, %dma_wait3A_3797] : memref<320x320xf32, #tpu.memory_space<hbm>> -> memref<11x320xf32, #tpu.memory_space<hbm>>
        tpu.wait_dma2 semaphore(%run_scoped3A : memref<!tpu.dma_semaphore, #tpu.memory_space<semaphore_mem>>) src(%dma_wait3A_3798 : memref<11x320xf32, #tpu.memory_space<hbm>>) dst(%dma_wait3A_3796 : memref<11x320xf32, #tpu.memory_space<vmem>>)
        tpu.yield
      }) : () -> ()
    } else {
    }
    %eq3A = arith.constant 31 : i32
    %eq3A_6 = arith.cmpi eq, %add3A, %eq3A : i32
    %convert_element_type3A_7 = arith.extui %eq3A_6 : i1 to i32
    %cond3A_8 = arith.constant 0 : i32
    %cond3A_9 = arith.cmpi ne, %convert_element_type3A_7, %cond3A_8 : i32
    scf.if %cond3A_9 {
      "tpu.region"() ({
        %run_scoped3A = tpu.sem_alloc : memref<!tpu.dma_semaphore, #tpu.memory_space<semaphore_mem>>
        %dma_start3A = arith.constant 0 : i32
        %dma_start3A_3901 = arith.constant 0 : i32
        %dma_start3A_3902 = tpu.memref_slice %arg4[%dma_start3A, %dma_start3A_3901] : memref<11x336xf32, #tpu.memory_space<vmem>> -> memref<10x320xf32, #tpu.memory_space<vmem>>
        %dma_start3A_3903 = arith.constant 0 : i32
        %dma_start3A_3904 = tpu.memref_slice %arg2[%mul3A_2, %dma_start3A_3903] : memref<320x320xf32, #tpu.memory_space<hbm>> -> memref<10x320xf32, #tpu.memory_space<hbm>>
        %dma_start3A_3905 = arith.constant 0 : i32
        %dma_start3A_3906 = arith.constant 0 : i32
        %dma_start3A_3907 = tpu.memref_slice %arg4[%dma_start3A_3905, %dma_start3A_3906] : memref<11x336xf32, #tpu.memory_space<vmem>> -> memref<10x320xf32, #tpu.memory_space<vmem>>
        %dma_start3A_3908 = arith.constant 0 : i32
        %dma_start3A_3909 = tpu.memref_slice %arg2[%mul3A_2, %dma_start3A_3908] : memref<320x320xf32, #tpu.memory_space<hbm>> -> memref<10x320xf32, #tpu.memory_space<hbm>>
        tpu.enqueue_dma source(%dma_start3A_3909 : memref<10x320xf32, #tpu.memory_space<hbm>>) target(%dma_start3A_3907 : memref<10x320xf32, #tpu.memory_space<vmem>>) target_semaphore(%run_scoped3A : memref<!tpu.dma_semaphore, #tpu.memory_space<semaphore_mem>>)
        %dma_wait3A = arith.constant 0 : i32
        %dma_wait3A_3910 = arith.constant 0 : i32
        %dma_wait3A_3911 = tpu.memref_slice %arg4[%dma_wait3A, %dma_wait3A_3910] : memref<11x336xf32, #tpu.memory_space<vmem>> -> memref<10x320xf32, #tpu.memory_space<vmem>>
        %dma_wait3A_3912 = arith.constant 0 : i32
        %dma_wait3A_3913 = tpu.memref_slice %arg2[%mul3A_2, %dma_wait3A_3912] : memref<320x320xf32, #tpu.memory_space<hbm>> -> memref<10x320xf32, #tpu.memory_space<hbm>>
        %dma_wait3A_3914 = arith.constant 0 : i32
        %dma_wait3A_3915 = arith.constant 0 : i32
        %dma_wait3A_3916 = tpu.memref_slice %arg4[%dma_wait3A_3914, %dma_wait3A_3915] : memref<11x336xf32, #tpu.memory_space<vmem>> -> memref<10x320xf32, #tpu.memory_space<vmem>>
        %dma_wait3A_3917 = arith.constant 0 : i32
        %dma_wait3A_3918 = tpu.memref_slice %arg2[%mul3A_2, %dma_wait3A_3917] : memref<320x320xf32, #tpu.memory_space<hbm>> -> memref<10x320xf32, #tpu.memory_space<hbm>>
        tpu.wait_dma2 semaphore(%run_scoped3A : memref<!tpu.dma_semaphore, #tpu.memory_space<semaphore_mem>>) src(%dma_wait3A_3918 : memref<10x320xf32, #tpu.memory_space<hbm>>) dst(%dma_wait3A_3916 : memref<10x320xf32, #tpu.memory_space<vmem>>)
        tpu.yield
      }) : () -> ()
      %swap3A_3781 = arith.constant 10 : i32
      %swap3A_3782 = arith.index_cast %swap3A_3781 : i32 to index
      %swap3A_3783 = arith.constant 0 : index
      %swap3A_3784 = tpu.vector_load %arg4[%swap3A_3782, %swap3A_3783] {strides = array<i32>} : memref<11x336xf32, #tpu.memory_space<vmem>>, vector<1x16xf32>,
      %swap3A_3785 = vector.shape_cast %swap3A_3784 : vector<1x16xf32> to vector<16xf32>
      %swap3A_3786 = vector.shape_cast %broadcast_in_dim3A_3 : vector<16xf32> to vector<1x16xf32>
      tpu.vector_store %arg4[%swap3A_3782, %swap3A_3783], %swap3A_3786 {strides = array<i32>} : memref<11x336xf32, #tpu.memory_space<vmem>>, vector<1x16xf32>,
      %swap3A_3787 = arith.constant 10 : i32
      %swap3A_3788 = arith.index_cast %swap3A_3787 : i32 to index
      %swap3A_3789 = arith.constant 16 : index
      %swap3A_3790 = tpu.vector_load %arg4[%swap3A_3788, %swap3A_3789] {strides = array<i32>} : memref<11x336xf32, #tpu.memory_space<vmem>>, vector<1x16xf32>,
      %swap3A_3791 = vector.shape_cast %swap3A_3790 : vector<1x16xf32> to vector<16xf32>
      %swap3A_3792 = vector.shape_cast %broadcast_in_dim3A_3 : vector<16xf32> to vector<1x16xf32>
      tpu.vector_store %arg4[%swap3A_3788, %swap3A_3789], %swap3A_3792 {strides = array<i32>} : memref<11x336xf32, #tpu.memory_space<vmem>>, vector<1x16xf32>,
      %swap3A_3793 = arith.constant 10 : i32
      %swap3A_3794 = arith.index_cast %swap3A_3793 : i32 to index
      %swap3A_3795 = arith.constant 32 : index
      %swap3A_3796 = tpu.vector_load %arg4[%swap3A_3794, %swap3A_3795] {strides = array<i32>} : memref<11x336xf32, #tpu.memory_space<vmem>>, vector<1x16xf32>,
      %swap3A_3797 = vector.shape_cast %swap3A_3796 : vector<1x16xf32> to vector<16xf32>
      %swap3A_3798 = vector.shape_cast %broadcast_in_dim3A_3 : vector<16xf32> to vector<1x16xf32>
      tpu.vector_store %arg4[%swap3A_3794, %swap3A_3795], %swap3A_3798 {strides = array<i32>} : memref<11x336xf32, #tpu.memory_space<vmem>>, vector<1x16xf32>,
      %swap3A_3799 = arith.constant 10 : i32
      %swap3A_3800 = arith.index_cast %swap3A_3799 : i32 to index
      %swap3A_3801 = arith.constant 48 : index
      %swap3A_3802 = tpu.vector_load %arg4[%swap3A_3800, %swap3A_3801] {strides = array<i32>} : memref<11x336xf32, #tpu.memory_space<vmem>>, vector<1x16xf32>,
      %swap3A_3803 = vector.shape_cast %swap3A_3802 : vector<1x16xf32> to vector<16xf32>
      %swap3A_3804 = vector.shape_cast %broadcast_in_dim3A_3 : vector<16xf32> to vector<1x16xf32>
      tpu.vector_store %arg4[%swap3A_3800, %swap3A_3801], %swap3A_3804 {strides = array<i32>} : memref<11x336xf32, #tpu.memory_space<vmem>>, vector<1x16xf32>,
      %swap3A_3805 = arith.constant 10 : i32
      %swap3A_3806 = arith.index_cast %swap3A_3805 : i32 to index
      %swap3A_3807 = arith.constant 64 : index
      %swap3A_3808 = tpu.vector_load %arg4[%swap3A_3806, %swap3A_3807] {strides = array<i32>} : memref<11x336xf32, #tpu.memory_space<vmem>>, vector<1x16xf32>,
      %swap3A_3809 = vector.shape_cast %swap3A_3808 : vector<1x16xf32> to vector<16xf32>
      %swap3A_3810 = vector.shape_cast %broadcast_in_dim3A_3 : vector<16xf32> to vector<1x16xf32>
      tpu.vector_store %arg4[%swap3A_3806, %swap3A_3807], %swap3A_3810 {strides = array<i32>} : memref<11x336xf32, #tpu.memory_space<vmem>>, vector<1x16xf32>,
      %swap3A_3811 = arith.constant 10 : i32
      %swap3A_3812 = arith.index_cast %swap3A_3811 : i32 to index
      %swap3A_3813 = arith.constant 80 : index
      %swap3A_3814 = tpu.vector_load %arg4[%swap3A_3812, %swap3A_3813] {strides = array<i32>} : memref<11x336xf32, #tpu.memory_space<vmem>>, vector<1x16xf32>,
      %swap3A_3815 = vector.shape_cast %swap3A_3814 : vector<1x16xf32> to vector<16xf32>
      %swap3A_3816 = vector.shape_cast %broadcast_in_dim3A_3 : vector<16xf32> to vector<1x16xf32>
      tpu.vector_store %arg4[%swap3A_3812, %swap3A_3813], %swap3A_3816 {strides = array<i32>} : memref<11x336xf32, #tpu.memory_space<vmem>>, vector<1x16xf32>,
      %swap3A_3817 = arith.constant 10 : i32
      %swap3A_3818 = arith.index_cast %swap3A_3817 : i32 to index
      %swap3A_3819 = arith.constant 96 : index
      %swap3A_3820 = tpu.vector_load %arg4[%swap3A_3818, %swap3A_3819] {strides = array<i32>} : memref<11x336xf32, #tpu.memory_space<vmem>>, vector<1x16xf32>,
      %swap3A_3821 = vector.shape_cast %swap3A_3820 : vector<1x16xf32> to vector<16xf32>
      %swap3A_3822 = vector.shape_cast %broadcast_in_dim3A_3 : vector<16xf32> to vector<1x16xf32>
      tpu.vector_store %arg4[%swap3A_3818, %swap3A_3819], %swap3A_3822 {strides = array<i32>} : memref<11x336xf32, #tpu.memory_space<vmem>>, vector<1x16xf32>,
      %swap3A_3823 = arith.constant 10 : i32
      %swap3A_3824 = arith.index_cast %swap3A_3823 : i32 to index
      %swap3A_3825 = arith.constant 112 : index
      %swap3A_3826 = tpu.vector_load %arg4[%swap3A_3824, %swap3A_3825] {strides = array<i32>} : memref<11x336xf32, #tpu.memory_space<vmem>>, vector<1x16xf32>,
      %swap3A_3827 = vector.shape_cast %swap3A_3826 : vector<1x16xf32> to vector<16xf32>
      %swap3A_3828 = vector.shape_cast %broadcast_in_dim3A_3 : vector<16xf32> to vector<1x16xf32>
      tpu.vector_store %arg4[%swap3A_3824, %swap3A_3825], %swap3A_3828 {strides = array<i32>} : memref<11x336xf32, #tpu.memory_space<vmem>>, vector<1x16xf32>,
      %swap3A_3829 = arith.constant 10 : i32
      %swap3A_3830 = arith.index_cast %swap3A_3829 : i32 to index
      %swap3A_3831 = arith.constant 128 : index
      %swap3A_3832 = tpu.vector_load %arg4[%swap3A_3830, %swap3A_3831] {strides = array<i32>} : memref<11x336xf32, #tpu.memory_space<vmem>>, vector<1x16xf32>,
      %swap3A_3833 = vector.shape_cast %swap3A_3832 : vector<1x16xf32> to vector<16xf32>
      %swap3A_3834 = vector.shape_cast %broadcast_in_dim3A_3 : vector<16xf32> to vector<1x16xf32>
      tpu.vector_store %arg4[%swap3A_3830, %swap3A_3831], %swap3A_3834 {strides = array<i32>} : memref<11x336xf32, #tpu.memory_space<vmem>>, vector<1x16xf32>,
      %swap3A_3835 = arith.constant 10 : i32
      %swap3A_3836 = arith.index_cast %swap3A_3835 : i32 to index
      %swap3A_3837 = arith.constant 144 : index
      %swap3A_3838 = tpu.vector_load %arg4[%swap3A_3836, %swap3A_3837] {strides = array<i32>} : memref<11x336xf32, #tpu.memory_space<vmem>>, vector<1x16xf32>,
      %swap3A_3839 = vector.shape_cast %swap3A_3838 : vector<1x16xf32> to vector<16xf32>
      %swap3A_3840 = vector.shape_cast %broadcast_in_dim3A_3 : vector<16xf32> to vector<1x16xf32>
      tpu.vector_store %arg4[%swap3A_3836, %swap3A_3837], %swap3A_3840 {strides = array<i32>} : memref<11x336xf32, #tpu.memory_space<vmem>>, vector<1x16xf32>,
      %swap3A_3841 = arith.constant 10 : i32
      %swap3A_3842 = arith.index_cast %swap3A_3841 : i32 to index
      %swap3A_3843 = arith.constant 160 : index
      %swap3A_3844 = tpu.vector_load %arg4[%swap3A_3842, %swap3A_3843] {strides = array<i32>} : memref<11x336xf32, #tpu.memory_space<vmem>>, vector<1x16xf32>,
      %swap3A_3845 = vector.shape_cast %swap3A_3844 : vector<1x16xf32> to vector<16xf32>
      %swap3A_3846 = vector.shape_cast %broadcast_in_dim3A_3 : vector<16xf32> to vector<1x16xf32>
      tpu.vector_store %arg4[%swap3A_3842, %swap3A_3843], %swap3A_3846 {strides = array<i32>} : memref<11x336xf32, #tpu.memory_space<vmem>>, vector<1x16xf32>,
      %swap3A_3847 = arith.constant 10 : i32
      %swap3A_3848 = arith.index_cast %swap3A_3847 : i32 to index
      %swap3A_3849 = arith.constant 176 : index
      %swap3A_3850 = tpu.vector_load %arg4[%swap3A_3848, %swap3A_3849] {strides = array<i32>} : memref<11x336xf32, #tpu.memory_space<vmem>>, vector<1x16xf32>,
      %swap3A_3851 = vector.shape_cast %swap3A_3850 : vector<1x16xf32> to vector<16xf32>
      %swap3A_3852 = vector.shape_cast %broadcast_in_dim3A_3 : vector<16xf32> to vector<1x16xf32>
      tpu.vector_store %arg4[%swap3A_3848, %swap3A_3849], %swap3A_3852 {strides = array<i32>} : memref<11x336xf32, #tpu.memory_space<vmem>>, vector<1x16xf32>,
      %swap3A_3853 = arith.constant 10 : i32
      %swap3A_3854 = arith.index_cast %swap3A_3853 : i32 to index
      %swap3A_3855 = arith.constant 192 : index
      %swap3A_3856 = tpu.vector_load %arg4[%swap3A_3854, %swap3A_3855] {strides = array<i32>} : memref<11x336xf32, #tpu.memory_space<vmem>>, vector<1x16xf32>,
      %swap3A_3857 = vector.shape_cast %swap3A_3856 : vector<1x16xf32> to vector<16xf32>
      %swap3A_3858 = vector.shape_cast %broadcast_in_dim3A_3 : vector<16xf32> to vector<1x16xf32>
      tpu.vector_store %arg4[%swap3A_3854, %swap3A_3855], %swap3A_3858 {strides = array<i32>} : memref<11x336xf32, #tpu.memory_space<vmem>>, vector<1x16xf32>,
      %swap3A_3859 = arith.constant 10 : i32
      %swap3A_3860 = arith.index_cast %swap3A_3859 : i32 to index
      %swap3A_3861 = arith.constant 208 : index
      %swap3A_3862 = tpu.vector_load %arg4[%swap3A_3860, %swap3A_3861] {strides = array<i32>} : memref<11x336xf32, #tpu.memory_space<vmem>>, vector<1x16xf32>,
      %swap3A_3863 = vector.shape_cast %swap3A_3862 : vector<1x16xf32> to vector<16xf32>
      %swap3A_3864 = vector.shape_cast %broadcast_in_dim3A_3 : vector<16xf32> to vector<1x16xf32>
      tpu.vector_store %arg4[%swap3A_3860, %swap3A_3861], %swap3A_3864 {strides = array<i32>} : memref<11x336xf32, #tpu.memory_space<vmem>>, vector<1x16xf32>,
      %swap3A_3865 = arith.constant 10 : i32
      %swap3A_3866 = arith.index_cast %swap3A_3865 : i32 to index
      %swap3A_3867 = arith.constant 224 : index
      %swap3A_3868 = tpu.vector_load %arg4[%swap3A_3866, %swap3A_3867] {strides = array<i32>} : memref<11x336xf32, #tpu.memory_space<vmem>>, vector<1x16xf32>,
      %swap3A_3869 = vector.shape_cast %swap3A_3868 : vector<1x16xf32> to vector<16xf32>
      %swap3A_3870 = vector.shape_cast %broadcast_in_dim3A_3 : vector<16xf32> to vector<1x16xf32>
      tpu.vector_store %arg4[%swap3A_3866, %swap3A_3867], %swap3A_3870 {strides = array<i32>} : memref<11x336xf32, #tpu.memory_space<vmem>>, vector<1x16xf32>,
      %swap3A_3871 = arith.constant 10 : i32
      %swap3A_3872 = arith.index_cast %swap3A_3871 : i32 to index
      %swap3A_3873 = arith.constant 240 : index
      %swap3A_3874 = tpu.vector_load %arg4[%swap3A_3872, %swap3A_3873] {strides = array<i32>} : memref<11x336xf32, #tpu.memory_space<vmem>>, vector<1x16xf32>,
      %swap3A_3875 = vector.shape_cast %swap3A_3874 : vector<1x16xf32> to vector<16xf32>
      %swap3A_3876 = vector.shape_cast %broadcast_in_dim3A_3 : vector<16xf32> to vector<1x16xf32>
      tpu.vector_store %arg4[%swap3A_3872, %swap3A_3873], %swap3A_3876 {strides = array<i32>} : memref<11x336xf32, #tpu.memory_space<vmem>>, vector<1x16xf32>,
      %swap3A_3877 = arith.constant 10 : i32
      %swap3A_3878 = arith.index_cast %swap3A_3877 : i32 to index
      %swap3A_3879 = arith.constant 256 : index
      %swap3A_3880 = tpu.vector_load %arg4[%swap3A_3878, %swap3A_3879] {strides = array<i32>} : memref<11x336xf32, #tpu.memory_space<vmem>>, vector<1x16xf32>,
      %swap3A_3881 = vector.shape_cast %swap3A_3880 : vector<1x16xf32> to vector<16xf32>
      %swap3A_3882 = vector.shape_cast %broadcast_in_dim3A_3 : vector<16xf32> to vector<1x16xf32>
      tpu.vector_store %arg4[%swap3A_3878, %swap3A_3879], %swap3A_3882 {strides = array<i32>} : memref<11x336xf32, #tpu.memory_space<vmem>>, vector<1x16xf32>,
      %swap3A_3883 = arith.constant 10 : i32
      %swap3A_3884 = arith.index_cast %swap3A_3883 : i32 to index
      %swap3A_3885 = arith.constant 272 : index
      %swap3A_3886 = tpu.vector_load %arg4[%swap3A_3884, %swap3A_3885] {strides = array<i32>} : memref<11x336xf32, #tpu.memory_space<vmem>>, vector<1x16xf32>,
      %swap3A_3887 = vector.shape_cast %swap3A_3886 : vector<1x16xf32> to vector<16xf32>
      %swap3A_3888 = vector.shape_cast %broadcast_in_dim3A_3 : vector<16xf32> to vector<1x16xf32>
      tpu.vector_store %arg4[%swap3A_3884, %swap3A_3885], %swap3A_3888 {strides = array<i32>} : memref<11x336xf32, #tpu.memory_space<vmem>>, vector<1x16xf32>,
      %swap3A_3889 = arith.constant 10 : i32
      %swap3A_3890 = arith.index_cast %swap3A_3889 : i32 to index
      %swap3A_3891 = arith.constant 288 : index
      %swap3A_3892 = tpu.vector_load %arg4[%swap3A_3890, %swap3A_3891] {strides = array<i32>} : memref<11x336xf32, #tpu.memory_space<vmem>>, vector<1x16xf32>,
      %swap3A_3893 = vector.shape_cast %swap3A_3892 : vector<1x16xf32> to vector<16xf32>
      %swap3A_3894 = vector.shape_cast %broadcast_in_dim3A_3 : vector<16xf32> to vector<1x16xf32>
      tpu.vector_store %arg4[%swap3A_3890, %swap3A_3891], %swap3A_3894 {strides = array<i32>} : memref<11x336xf32, #tpu.memory_space<vmem>>, vector<1x16xf32>,
      %swap3A_3895 = arith.constant 10 : i32
      %swap3A_3896 = arith.index_cast %swap3A_3895 : i32 to index
      %swap3A_3897 = arith.constant 304 : index
      %swap3A_3898 = tpu.vector_load %arg4[%swap3A_3896, %swap3A_3897] {strides = array<i32>} : memref<11x336xf32, #tpu.memory_space<vmem>>, vector<1x16xf32>,
      %swap3A_3899 = vector.shape_cast %swap3A_3898 : vector<1x16xf32> to vector<16xf32>
      %swap3A_3900 = vector.shape_cast %broadcast_in_dim3A_3 : vector<16xf32> to vector<1x16xf32>
      tpu.vector_store %arg4[%swap3A_3896, %swap3A_3897], %swap3A_3900 {strides = array<i32>} : memref<11x336xf32, #tpu.memory_space<vmem>>, vector<1x16xf32>,
    } else {
    }
    %swap3A = arith.constant 0 : i32
    %swap3A_10 = arith.index_cast %swap3A : i32 to index
    %swap3A_11 = arith.constant 320 : index
    %swap3A_12 = tpu.vector_load %arg4[%swap3A_10, %swap3A_11] {strides = array<i32>} : memref<11x336xf32, #tpu.memory_space<vmem>>, vector<1x16xf32>,
    %swap3A_13 = vector.shape_cast %swap3A_12 : vector<1x16xf32> to vector<16xf32>
    %swap3A_14 = vector.shape_cast %broadcast_in_dim3A_3 : vector<16xf32> to vector<1x16xf32>
    tpu.vector_store %arg4[%swap3A_10, %swap3A_11], %swap3A_14 {strides = array<i32>} : memref<11x336xf32, #tpu.memory_space<vmem>>, vector<1x16xf32>,
    %swap3A_15 = arith.constant 1 : i32
    %swap3A_16 = arith.index_cast %swap3A_15 : i32 to index
    %swap3A_17 = arith.constant 320 : index
    %swap3A_18 = tpu.vector_load %arg4[%swap3A_16, %swap3A_17] {strides = array<i32>} : memref<11x336xf32, #tpu.memory_space<vmem>>, vector<1x16xf32>,
    %swap3A_19 = vector.shape_cast %swap3A_18 : vector<1x16xf32> to vector<16xf32>
    %swap3A_20 = vector.shape_cast %broadcast_in_dim3A_3 : vector<16xf32> to vector<1x16xf32>
    tpu.vector_store %arg4[%swap3A_16, %swap3A_17], %swap3A_20 {strides = array<i32>} : memref<11x336xf32, #tpu.memory_space<vmem>>, vector<1x16xf32>,
    %swap3A_21 = arith.constant 2 : i32
    %swap3A_22 = arith.index_cast %swap3A_21 : i32 to index
    %swap3A_23 = arith.constant 320 : index
    %swap3A_24 = tpu.vector_load %arg4[%swap3A_22, %swap3A_23] {strides = array<i32>} : memref<11x336xf32, #tpu.memory_space<vmem>>, vector<1x16xf32>,
    %swap3A_25 = vector.shape_cast %swap3A_24 : vector<1x16xf32> to vector<16xf32>
    %swap3A_26 = vector.shape_cast %broadcast_in_dim3A_3 : vector<16xf32> to vector<1x16xf32>
    tpu.vector_store %arg4[%swap3A_22, %swap3A_23], %swap3A_26 {strides = array<i32>} : memref<11x336xf32, #tpu.memory_space<vmem>>, vector<1x16xf32>,
    %swap3A_27 = arith.constant 3 : i32
    %swap3A_28 = arith.index_cast %swap3A_27 : i32 to index
    %swap3A_29 = arith.constant 320 : index
    %swap3A_30 = tpu.vector_load %arg4[%swap3A_28, %swap3A_29] {strides = array<i32>} : memref<11x336xf32, #tpu.memory_space<vmem>>, vector<1x16xf32>,
    %swap3A_31 = vector.shape_cast %swap3A_30 : vector<1x16xf32> to vector<16xf32>
    %swap3A_32 = vector.shape_cast %broadcast_in_dim3A_3 : vector<16xf32> to vector<1x16xf32>
    tpu.vector_store %arg4[%swap3A_28, %swap3A_29], %swap3A_32 {strides = array<i32>} : memref<11x336xf32, #tpu.memory_space<vmem>>, vector<1x16xf32>,
    %swap3A_33 = arith.constant 4 : i32
    %swap3A_34 = arith.index_cast %swap3A_33 : i32 to index
    %swap3A_35 = arith.constant 320 : index
    %swap3A_36 = tpu.vector_load %arg4[%swap3A_34, %swap3A_35] {strides = array<i32>} : memref<11x336xf32, #tpu.memory_space<vmem>>, vector<1x16xf32>,
    %swap3A_37 = vector.shape_cast %swap3A_36 : vector<1x16xf32> to vector<16xf32>
    %swap3A_38 = vector.shape_cast %broadcast_in_dim3A_3 : vector<16xf32> to vector<1x16xf32>
    tpu.vector_store %arg4[%swap3A_34, %swap3A_35], %swap3A_38 {strides = array<i32>} : memref<11x336xf32, #tpu.memory_space<vmem>>, vector<1x16xf32>,
    %swap3A_39 = arith.constant 5 : i32
    %swap3A_40 = arith.index_cast %swap3A_39 : i32 to index
    %swap3A_41 = arith.constant 320 : index
    %swap3A_42 = tpu.vector_load %arg4[%swap3A_40, %swap3A_41] {strides = array<i32>} : memref<11x336xf32, #tpu.memory_space<vmem>>, vector<1x16xf32>,
    %swap3A_43 = vector.shape_cast %swap3A_42 : vector<1x16xf32> to vector<16xf32>
    %swap3A_44 = vector.shape_cast %broadcast_in_dim3A_3 : vector<16xf32> to vector<1x16xf32>
    tpu.vector_store %arg4[%swap3A_40, %swap3A_41], %swap3A_44 {strides = array<i32>} : memref<11x336xf32, #tpu.memory_space<vmem>>, vector<1x16xf32>,
    %swap3A_45 = arith.constant 6 : i32
    %swap3A_46 = arith.index_cast %swap3A_45 : i32 to index
    %swap3A_47 = arith.constant 320 : index
    %swap3A_48 = tpu.vector_load %arg4[%swap3A_46, %swap3A_47] {strides = array<i32>} : memref<11x336xf32, #tpu.memory_space<vmem>>, vector<1x16xf32>,
    %swap3A_49 = vector.shape_cast %swap3A_48 : vector<1x16xf32> to vector<16xf32>
    %swap3A_50 = vector.shape_cast %broadcast_in_dim3A_3 : vector<16xf32> to vector<1x16xf32>
    tpu.vector_store %arg4[%swap3A_46, %swap3A_47], %swap3A_50 {strides = array<i32>} : memref<11x336xf32, #tpu.memory_space<vmem>>, vector<1x16xf32>,
    %swap3A_51 = arith.constant 7 : i32
    %swap3A_52 = arith.index_cast %swap3A_51 : i32 to index
    %swap3A_53 = arith.constant 320 : index
    %swap3A_54 = tpu.vector_load %arg4[%swap3A_52, %swap3A_53] {strides = array<i32>} : memref<11x336xf32, #tpu.memory_space<vmem>>, vector<1x16xf32>,
    %swap3A_55 = vector.shape_cast %swap3A_54 : vector<1x16xf32> to vector<16xf32>
    %swap3A_56 = vector.shape_cast %broadcast_in_dim3A_3 : vector<16xf32> to vector<1x16xf32>
    tpu.vector_store %arg4[%swap3A_52, %swap3A_53], %swap3A_56 {strides = array<i32>} : memref<11x336xf32, #tpu.memory_space<vmem>>, vector<1x16xf32>,
    %swap3A_57 = arith.constant 8 : i32
    %swap3A_58 = arith.index_cast %swap3A_57 : i32 to index
    %swap3A_59 = arith.constant 320 : index
    %swap3A_60 = tpu.vector_load %arg4[%swap3A_58, %swap3A_59] {strides = array<i32>} : memref<11x336xf32, #tpu.memory_space<vmem>>, vector<1x16xf32>,
    %swap3A_61 = vector.shape_cast %swap3A_60 : vector<1x16xf32> to vector<16xf32>
    %swap3A_62 = vector.shape_cast %broadcast_in_dim3A_3 : vector<16xf32> to vector<1x16xf32>
    tpu.vector_store %arg4[%swap3A_58, %swap3A_59], %swap3A_62 {strides = array<i32>} : memref<11x336xf32, #tpu.memory_space<vmem>>, vector<1x16xf32>,
    %swap3A_63 = arith.constant 9 : i32
    %swap3A_64 = arith.index_cast %swap3A_63 : i32 to index
    %swap3A_65 = arith.constant 320 : index
    %swap3A_66 = tpu.vector_load %arg4[%swap3A_64, %swap3A_65] {strides = array<i32>} : memref<11x336xf32, #tpu.memory_space<vmem>>, vector<1x16xf32>,
    %swap3A_67 = vector.shape_cast %swap3A_66 : vector<1x16xf32> to vector<16xf32>
    %swap3A_68 = vector.shape_cast %broadcast_in_dim3A_3 : vector<16xf32> to vector<1x16xf32>
    tpu.vector_store %arg4[%swap3A_64, %swap3A_65], %swap3A_68 {strides = array<i32>} : memref<11x336xf32, #tpu.memory_space<vmem>>, vector<1x16xf32>,
    %get3A = arith.constant 0 : i32
    %get3A_69 = arith.index_cast %get3A : i32 to index
    %get3A_70 = arith.constant 0 : index
    %get3A_71 = tpu.vector_load %arg4[%get3A_69, %get3A_70] {strides = array<i32>} : memref<11x336xf32, #tpu.memory_space<vmem>>, vector<1x16xf32>,
    %get3A_72 = vector.shape_cast %get3A_71 : vector<1x16xf32> to vector<16xf32>
    %get3A_73 = arith.constant 0 : i32
    %get3A_74 = arith.index_cast %get3A_73 : i32 to index
    %get3A_75 = arith.constant 1 : index
    %get3A_76 = tpu.vector_load %arg4[%get3A_74, %get3A_75] {strides = array<i32>} : memref<11x336xf32, #tpu.memory_space<vmem>>, vector<1x16xf32>,
    %get3A_77 = vector.shape_cast %get3A_76 : vector<1x16xf32> to vector<16xf32>
    %mul3A_78 = arith.mulf %get3A_72, %get3A_77 : vector<16xf32>
    %add3A_79 = arith.addf %get3A_72, %get3A_77 : vector<16xf32>
    %mul3A_80 = arith.mulf %mul3A_78, %add3A_79 : vector<16xf32>
    %add3A_81 = arith.addf %broadcast_in_dim3A_3, %mul3A_80 : vector<16xf32>
    %get3A_82 = arith.constant 1 : i32
    %get3A_83 = arith.index_cast %get3A_82 : i32 to index
    %get3A_84 = arith.constant 0 : index
    %get3A_85 = tpu.vector_load %arg4[%get3A_83, %get3A_84] {strides = array<i32>} : memref<11x336xf32, #tpu.memory_space<vmem>>, vector<1x16xf32>,
    %get3A_86 = vector.shape_cast %get3A_85 : vector<1x16xf32> to vector<16xf32>
    %mul3A_87 = arith.mulf %get3A_72, %get3A_86 : vector<16xf32>
    %add3A_88 = arith.addf %get3A_72, %get3A_86 : vector<16xf32>
    %mul3A_89 = arith.mulf %mul3A_87, %add3A_88 : vector<16xf32>
    %add3A_90 = arith.addf %broadcast_in_dim3A_3, %mul3A_89 : vector<16xf32>
    %get3A_91 = arith.constant 1 : i32
    %get3A_92 = arith.index_cast %get3A_91 : i32 to index
    %get3A_93 = arith.constant 1 : index
    %get3A_94 = tpu.vector_load %arg4[%get3A_92, %get3A_93] {strides = array<i32>} : memref<11x336xf32, #tpu.memory_space<vmem>>, vector<1x16xf32>,
    %get3A_95 = vector.shape_cast %get3A_94 : vector<1x16xf32> to vector<16xf32>
    %mul3A_96 = arith.mulf %get3A_86, %get3A_95 : vector<16xf32>
    %add3A_97 = arith.addf %get3A_86, %get3A_95 : vector<16xf32>
    %mul3A_98 = arith.mulf %mul3A_96, %add3A_97 : vector<16xf32>
    %add3A_99 = arith.addf %broadcast_in_dim3A_3, %mul3A_98 : vector<16xf32>
    %get3A_100 = arith.constant 2 : i32
    %get3A_101 = arith.index_cast %get3A_100 : i32 to index
    %get3A_102 = arith.constant 0 : index
    %get3A_103 = tpu.vector_load %arg4[%get3A_101, %get3A_102] {strides = array<i32>} : memref<11x336xf32, #tpu.memory_space<vmem>>, vector<1x16xf32>,
    %get3A_104 = vector.shape_cast %get3A_103 : vector<1x16xf32> to vector<16xf32>
    %mul3A_105 = arith.mulf %get3A_86, %get3A_104 : vector<16xf32>
    %add3A_106 = arith.addf %get3A_86, %get3A_104 : vector<16xf32>
    %mul3A_107 = arith.mulf %mul3A_105, %add3A_106 : vector<16xf32>
    %add3A_108 = arith.addf %broadcast_in_dim3A_3, %mul3A_107 : vector<16xf32>
    %get3A_109 = arith.constant 2 : i32
    %get3A_110 = arith.index_cast %get3A_109 : i32 to index
    %get3A_111 = arith.constant 1 : index
    %get3A_112 = tpu.vector_load %arg4[%get3A_110, %get3A_111] {strides = array<i32>} : memref<11x336xf32, #tpu.memory_space<vmem>>, vector<1x16xf32>,
    %get3A_113 = vector.shape_cast %get3A_112 : vector<1x16xf32> to vector<16xf32>
    %mul3A_114 = arith.mulf %get3A_104, %get3A_113 : vector<16xf32>
    %add3A_115 = arith.addf %get3A_104, %get3A_113 : vector<16xf32>
    %mul3A_116 = arith.mulf %mul3A_114, %add3A_115 : vector<16xf32>
    %add3A_117 = arith.addf %broadcast_in_dim3A_3, %mul3A_116 : vector<16xf32>
    %get3A_118 = arith.constant 3 : i32
    %get3A_119 = arith.index_cast %get3A_118 : i32 to index
    %get3A_120 = arith.constant 0 : index
    %get3A_121 = tpu.vector_load %arg4[%get3A_119, %get3A_120] {strides = array<i32>} : memref<11x336xf32, #tpu.memory_space<vmem>>, vector<1x16xf32>,
    %get3A_122 = vector.shape_cast %get3A_121 : vector<1x16xf32> to vector<16xf32>
    %mul3A_123 = arith.mulf %get3A_104, %get3A_122 : vector<16xf32>
    %add3A_124 = arith.addf %get3A_104, %get3A_122 : vector<16xf32>
    %mul3A_125 = arith.mulf %mul3A_123, %add3A_124 : vector<16xf32>
    %add3A_126 = arith.addf %broadcast_in_dim3A_3, %mul3A_125 : vector<16xf32>
    %get3A_127 = arith.constant 3 : i32
    %get3A_128 = arith.index_cast %get3A_127 : i32 to index
    %get3A_129 = arith.constant 1 : index
    %get3A_130 = tpu.vector_load %arg4[%get3A_128, %get3A_129] {strides = array<i32>} : memref<11x336xf32, #tpu.memory_space<vmem>>, vector<1x16xf32>,
    %get3A_131 = vector.shape_cast %get3A_130 : vector<1x16xf32> to vector<16xf32>
    %mul3A_132 = arith.mulf %get3A_122, %get3A_131 : vector<16xf32>
    %add3A_133 = arith.addf %get3A_122, %get3A_131 : vector<16xf32>
    %mul3A_134 = arith.mulf %mul3A_132, %add3A_133 : vector<16xf32>
    %add3A_135 = arith.addf %broadcast_in_dim3A_3, %mul3A_134 : vector<16xf32>
    %get3A_136 = arith.constant 4 : i32
    %get3A_137 = arith.index_cast %get3A_136 : i32 to index
    %get3A_138 = arith.constant 0 : index
    %get3A_139 = tpu.vector_load %arg4[%get3A_137, %get3A_138] {strides = array<i32>} : memref<11x336xf32, #tpu.memory_space<vmem>>, vector<1x16xf32>,
    %get3A_140 = vector.shape_cast %get3A_139 : vector<1x16xf32> to vector<16xf32>
    %mul3A_141 = arith.mulf %get3A_122, %get3A_140 : vector<16xf32>
    %add3A_142 = arith.addf %get3A_122, %get3A_140 : vector<16xf32>
    %mul3A_143 = arith.mulf %mul3A_141, %add3A_142 : vector<16xf32>
    %add3A_144 = arith.addf %broadcast_in_dim3A_3, %mul3A_143 : vector<16xf32>
    %get3A_145 = arith.constant 4 : i32
    %get3A_146 = arith.index_cast %get3A_145 : i32 to index
    %get3A_147 = arith.constant 1 : index
    %get3A_148 = tpu.vector_load %arg4[%get3A_146, %get3A_147] {strides = array<i32>} : memref<11x336xf32, #tpu.memory_space<vmem>>, vector<1x16xf32>,
    %get3A_149 = vector.shape_cast %get3A_148 : vector<1x16xf32> to vector<16xf32>
    %mul3A_150 = arith.mulf %get3A_140, %get3A_149 : vector<16xf32>
    %add3A_151 = arith.addf %get3A_140, %get3A_149 : vector<16xf32>
    %mul3A_152 = arith.mulf %mul3A_150, %add3A_151 : vector<16xf32>
    %add3A_153 = arith.addf %add3A_81, %mul3A_152 : vector<16xf32>
    %get3A_154 = arith.constant 5 : i32
    %get3A_155 = arith.index_cast %get3A_154 : i32 to index
    %get3A_156 = arith.constant 0 : index
    %get3A_157 = tpu.vector_load %arg4[%get3A_155, %get3A_156] {strides = array<i32>} : memref<11x336xf32, #tpu.memory_space<vmem>>, vector<1x16xf32>,
    %get3A_158 = vector.shape_cast %get3A_157 : vector<1x16xf32> to vector<16xf32>
    %mul3A_159 = arith.mulf %get3A_140, %get3A_158 : vector<16xf32>
    %add3A_160 = arith.addf %get3A_140, %get3A_158 : vector<16xf32>
    %mul3A_161 = arith.mulf %mul3A_159, %add3A_160 : vector<16xf32>
    %add3A_162 = arith.addf %add3A_90, %mul3A_161 : vector<16xf32>
    %get3A_163 = arith.constant 5 : i32
    %get3A_164 = arith.index_cast %get3A_163 : i32 to index
    %get3A_165 = arith.constant 1 : index
    %get3A_166 = tpu.vector_load %arg4[%get3A_164, %get3A_165] {strides = array<i32>} : memref<11x336xf32, #tpu.memory_space<vmem>>, vector<1x16xf32>,
    %get3A_167 = vector.shape_cast %get3A_166 : vector<1x16xf32> to vector<16xf32>
    %mul3A_168 = arith.mulf %get3A_158, %get3A_167 : vector<16xf32>
    %add3A_169 = arith.addf %get3A_158, %get3A_167 : vector<16xf32>
    %mul3A_170 = arith.mulf %mul3A_168, %add3A_169 : vector<16xf32>
    %add3A_171 = arith.addf %add3A_99, %mul3A_170 : vector<16xf32>
    %get3A_172 = arith.constant 6 : i32
    %get3A_173 = arith.index_cast %get3A_172 : i32 to index
    %get3A_174 = arith.constant 0 : index
    %get3A_175 = tpu.vector_load %arg4[%get3A_173, %get3A_174] {strides = array<i32>} : memref<11x336xf32, #tpu.memory_space<vmem>>, vector<1x16xf32>,
    %get3A_176 = vector.shape_cast %get3A_175 : vector<1x16xf32> to vector<16xf32>
    %mul3A_177 = arith.mulf %get3A_158, %get3A_176 : vector<16xf32>
    %add3A_178 = arith.addf %get3A_158, %get3A_176 : vector<16xf32>
    %mul3A_179 = arith.mulf %mul3A_177, %add3A_178 : vector<16xf32>
    %add3A_180 = arith.addf %add3A_108, %mul3A_179 : vector<16xf32>
    %get3A_181 = arith.constant 6 : i32
    %get3A_182 = arith.index_cast %get3A_181 : i32 to index
    %get3A_183 = arith.constant 1 : index
    %get3A_184 = tpu.vector_load %arg4[%get3A_182, %get3A_183] {strides = array<i32>} : memref<11x336xf32, #tpu.memory_space<vmem>>, vector<1x16xf32>,
    %get3A_185 = vector.shape_cast %get3A_184 : vector<1x16xf32> to vector<16xf32>
    %mul3A_186 = arith.mulf %get3A_176, %get3A_185 : vector<16xf32>
    %add3A_187 = arith.addf %get3A_176, %get3A_185 : vector<16xf32>
    %mul3A_188 = arith.mulf %mul3A_186, %add3A_187 : vector<16xf32>
    %add3A_189 = arith.addf %add3A_117, %mul3A_188 : vector<16xf32>
    %get3A_190 = arith.constant 7 : i32
    %get3A_191 = arith.index_cast %get3A_190 : i32 to index
    %get3A_192 = arith.constant 0 : index
    %get3A_193 = tpu.vector_load %arg4[%get3A_191, %get3A_192] {strides = array<i32>} : memref<11x336xf32, #tpu.memory_space<vmem>>, vector<1x16xf32>,
    %get3A_194 = vector.shape_cast %get3A_193 : vector<1x16xf32> to vector<16xf32>
    %mul3A_195 = arith.mulf %get3A_176, %get3A_194 : vector<16xf32>
    %add3A_196 = arith.addf %get3A_176, %get3A_194 : vector<16xf32>
    %mul3A_197 = arith.mulf %mul3A_195, %add3A_196 : vector<16xf32>
    %add3A_198 = arith.addf %add3A_126, %mul3A_197 : vector<16xf32>
    %get3A_199 = arith.constant 7 : i32
    %get3A_200 = arith.index_cast %get3A_199 : i32 to index
    %get3A_201 = arith.constant 1 : index
    %get3A_202 = tpu.vector_load %arg4[%get3A_200, %get3A_201] {strides = array<i32>} : memref<11x336xf32, #tpu.memory_space<vmem>>, vector<1x16xf32>,
    %get3A_203 = vector.shape_cast %get3A_202 : vector<1x16xf32> to vector<16xf32>
    %mul3A_204 = arith.mulf %get3A_194, %get3A_203 : vector<16xf32>
    %add3A_205 = arith.addf %get3A_194, %get3A_203 : vector<16xf32>
    %mul3A_206 = arith.mulf %mul3A_204, %add3A_205 : vector<16xf32>
    %add3A_207 = arith.addf %add3A_135, %mul3A_206 : vector<16xf32>
    %get3A_208 = arith.constant 8 : i32
    %get3A_209 = arith.index_cast %get3A_208 : i32 to index
    %get3A_210 = arith.constant 0 : index
    %get3A_211 = tpu.vector_load %arg4[%get3A_209, %get3A_210] {strides = array<i32>} : memref<11x336xf32, #tpu.memory_space<vmem>>, vector<1x16xf32>,
    %get3A_212 = vector.shape_cast %get3A_211 : vector<1x16xf32> to vector<16xf32>
    %mul3A_213 = arith.mulf %get3A_194, %get3A_212 : vector<16xf32>
    %add3A_214 = arith.addf %get3A_194, %get3A_212 : vector<16xf32>
    %mul3A_215 = arith.mulf %mul3A_213, %add3A_214 : vector<16xf32>
    %add3A_216 = arith.addf %add3A_144, %mul3A_215 : vector<16xf32>
    %get3A_217 = arith.constant 8 : i32
    %get3A_218 = arith.index_cast %get3A_217 : i32 to index
    %get3A_219 = arith.constant 1 : index
    %get3A_220 = tpu.vector_load %arg4[%get3A_218, %get3A_219] {strides = array<i32>} : memref<11x336xf32, #tpu.memory_space<vmem>>, vector<1x16xf32>,
    %get3A_221 = vector.shape_cast %get3A_220 : vector<1x16xf32> to vector<16xf32>
    %mul3A_222 = arith.mulf %get3A_212, %get3A_221 : vector<16xf32>
    %add3A_223 = arith.addf %get3A_212, %get3A_221 : vector<16xf32>
    %mul3A_224 = arith.mulf %mul3A_222, %add3A_223 : vector<16xf32>
    %add3A_225 = arith.addf %add3A_153, %mul3A_224 : vector<16xf32>
    %get3A_226 = arith.constant 9 : i32
    %get3A_227 = arith.index_cast %get3A_226 : i32 to index
    %get3A_228 = arith.constant 0 : index
    %get3A_229 = tpu.vector_load %arg4[%get3A_227, %get3A_228] {strides = array<i32>} : memref<11x336xf32, #tpu.memory_space<vmem>>, vector<1x16xf32>,
    %get3A_230 = vector.shape_cast %get3A_229 : vector<1x16xf32> to vector<16xf32>
    %mul3A_231 = arith.mulf %get3A_212, %get3A_230 : vector<16xf32>
    %add3A_232 = arith.addf %get3A_212, %get3A_230 : vector<16xf32>
    %mul3A_233 = arith.mulf %mul3A_231, %add3A_232 : vector<16xf32>
    %add3A_234 = arith.addf %add3A_162, %mul3A_233 : vector<16xf32>
    %get3A_235 = arith.constant 9 : i32
    %get3A_236 = arith.index_cast %get3A_235 : i32 to index
    %get3A_237 = arith.constant 1 : index
    %get3A_238 = tpu.vector_load %arg4[%get3A_236, %get3A_237] {strides = array<i32>} : memref<11x336xf32, #tpu.memory_space<vmem>>, vector<1x16xf32>,
    %get3A_239 = vector.shape_cast %get3A_238 : vector<1x16xf32> to vector<16xf32>
    %mul3A_240 = arith.mulf %get3A_230, %get3A_239 : vector<16xf32>
    %add3A_241 = arith.addf %get3A_230, %get3A_239 : vector<16xf32>
    %mul3A_242 = arith.mulf %mul3A_240, %add3A_241 : vector<16xf32>
    %add3A_243 = arith.addf %add3A_171, %mul3A_242 : vector<16xf32>
    %get3A_244 = arith.constant 10 : i32
    %get3A_245 = arith.index_cast %get3A_244 : i32 to index
    %get3A_246 = arith.constant 0 : index
    %get3A_247 = tpu.vector_load %arg4[%get3A_245, %get3A_246] {strides = array<i32>} : memref<11x336xf32, #tpu.memory_space<vmem>>, vector<1x16xf32>,
    %get3A_248 = vector.shape_cast %get3A_247 : vector<1x16xf32> to vector<16xf32>
    %mul3A_249 = arith.mulf %get3A_230, %get3A_248 : vector<16xf32>
    %add3A_250 = arith.addf %get3A_230, %get3A_248 : vector<16xf32>
    %mul3A_251 = arith.mulf %mul3A_249, %add3A_250 : vector<16xf32>
    %add3A_252 = arith.addf %add3A_180, %mul3A_251 : vector<16xf32>
    %get3A_253 = arith.constant 0 : i32
    %get3A_254 = arith.index_cast %get3A_253 : i32 to index
    %get3A_255 = arith.constant 16 : index
    %get3A_256 = tpu.vector_load %arg4[%get3A_254, %get3A_255] {strides = array<i32>} : memref<11x336xf32, #tpu.memory_space<vmem>>, vector<1x16xf32>,
    %get3A_257 = vector.shape_cast %get3A_256 : vector<1x16xf32> to vector<16xf32>
    %get3A_258 = arith.constant 0 : i32
    %get3A_259 = arith.index_cast %get3A_258 : i32 to index
    %get3A_260 = arith.constant 17 : index
    %get3A_261 = tpu.vector_load %arg4[%get3A_259, %get3A_260] {strides = array<i32>} : memref<11x336xf32, #tpu.memory_space<vmem>>, vector<1x16xf32>,
    %get3A_262 = vector.shape_cast %get3A_261 : vector<1x16xf32> to vector<16xf32>
    %mul3A_263 = arith.mulf %get3A_257, %get3A_262 : vector<16xf32>
    %add3A_264 = arith.addf %get3A_257, %get3A_262 : vector<16xf32>
    %mul3A_265 = arith.mulf %mul3A_263, %add3A_264 : vector<16xf32>
    %add3A_266 = arith.addf %add3A_189, %mul3A_265 : vector<16xf32>
    %get3A_267 = arith.constant 1 : i32
    %get3A_268 = arith.index_cast %get3A_267 : i32 to index
    %get3A_269 = arith.constant 16 : index
    %get3A_270 = tpu.vector_load %arg4[%get3A_268, %get3A_269] {strides = array<i32>} : memref<11x336xf32, #tpu.memory_space<vmem>>, vector<1x16xf32>,
    %get3A_271 = vector.shape_cast %get3A_270 : vector<1x16xf32> to vector<16xf32>
    %mul3A_272 = arith.mulf %get3A_257, %get3A_271 : vector<16xf32>
    %add3A_273 = arith.addf %get3A_257, %get3A_271 : vector<16xf32>
    %mul3A_274 = arith.mulf %mul3A_272, %add3A_273 : vector<16xf32>
    %add3A_275 = arith.addf %add3A_198, %mul3A_274 : vector<16xf32>
    %get3A_276 = arith.constant 1 : i32
    %get3A_277 = arith.index_cast %get3A_276 : i32 to index
    %get3A_278 = arith.constant 17 : index
    %get3A_279 = tpu.vector_load %arg4[%get3A_277, %get3A_278] {strides = array<i32>} : memref<11x336xf32, #tpu.memory_space<vmem>>, vector<1x16xf32>,
    %get3A_280 = vector.shape_cast %get3A_279 : vector<1x16xf32> to vector<16xf32>
    %mul3A_281 = arith.mulf %get3A_271, %get3A_280 : vector<16xf32>
    %add3A_282 = arith.addf %get3A_271, %get3A_280 : vector<16xf32>
    %mul3A_283 = arith.mulf %mul3A_281, %add3A_282 : vector<16xf32>
    %add3A_284 = arith.addf %add3A_207, %mul3A_283 : vector<16xf32>
    %get3A_285 = arith.constant 2 : i32
    %get3A_286 = arith.index_cast %get3A_285 : i32 to index
    %get3A_287 = arith.constant 16 : index
    %get3A_288 = tpu.vector_load %arg4[%get3A_286, %get3A_287] {strides = array<i32>} : memref<11x336xf32, #tpu.memory_space<vmem>>, vector<1x16xf32>,
    %get3A_289 = vector.shape_cast %get3A_288 : vector<1x16xf32> to vector<16xf32>
    %mul3A_290 = arith.mulf %get3A_271, %get3A_289 : vector<16xf32>
    %add3A_291 = arith.addf %get3A_271, %get3A_289 : vector<16xf32>
    %mul3A_292 = arith.mulf %mul3A_290, %add3A_291 : vector<16xf32>
    %add3A_293 = arith.addf %add3A_216, %mul3A_292 : vector<16xf32>
    %get3A_294 = arith.constant 2 : i32
    %get3A_295 = arith.index_cast %get3A_294 : i32 to index
    %get3A_296 = arith.constant 17 : index
    %get3A_297 = tpu.vector_load %arg4[%get3A_295, %get3A_296] {strides = array<i32>} : memref<11x336xf32, #tpu.memory_space<vmem>>, vector<1x16xf32>,
    %get3A_298 = vector.shape_cast %get3A_297 : vector<1x16xf32> to vector<16xf32>
    %mul3A_299 = arith.mulf %get3A_289, %get3A_298 : vector<16xf32>
    %add3A_300 = arith.addf %get3A_289, %get3A_298 : vector<16xf32>
    %mul3A_301 = arith.mulf %mul3A_299, %add3A_300 : vector<16xf32>
    %add3A_302 = arith.addf %add3A_225, %mul3A_301 : vector<16xf32>
    %get3A_303 = arith.constant 3 : i32
    %get3A_304 = arith.index_cast %get3A_303 : i32 to index
    %get3A_305 = arith.constant 16 : index
    %get3A_306 = tpu.vector_load %arg4[%get3A_304, %get3A_305] {strides = array<i32>} : memref<11x336xf32, #tpu.memory_space<vmem>>, vector<1x16xf32>,
    %get3A_307 = vector.shape_cast %get3A_306 : vector<1x16xf32> to vector<16xf32>
    %mul3A_308 = arith.mulf %get3A_289, %get3A_307 : vector<16xf32>
    %add3A_309 = arith.addf %get3A_289, %get3A_307 : vector<16xf32>
    %mul3A_310 = arith.mulf %mul3A_308, %add3A_309 : vector<16xf32>
    %add3A_311 = arith.addf %add3A_234, %mul3A_310 : vector<16xf32>
    %get3A_312 = arith.constant 3 : i32
    %get3A_313 = arith.index_cast %get3A_312 : i32 to index
    %get3A_314 = arith.constant 17 : index
    %get3A_315 = tpu.vector_load %arg4[%get3A_313, %get3A_314] {strides = array<i32>} : memref<11x336xf32, #tpu.memory_space<vmem>>, vector<1x16xf32>,
    %get3A_316 = vector.shape_cast %get3A_315 : vector<1x16xf32> to vector<16xf32>
    %mul3A_317 = arith.mulf %get3A_307, %get3A_316 : vector<16xf32>
    %add3A_318 = arith.addf %get3A_307, %get3A_316 : vector<16xf32>
    %mul3A_319 = arith.mulf %mul3A_317, %add3A_318 : vector<16xf32>
    %add3A_320 = arith.addf %add3A_243, %mul3A_319 : vector<16xf32>
    %get3A_321 = arith.constant 4 : i32
    %get3A_322 = arith.index_cast %get3A_321 : i32 to index
    %get3A_323 = arith.constant 16 : index
    %get3A_324 = tpu.vector_load %arg4[%get3A_322, %get3A_323] {strides = array<i32>} : memref<11x336xf32, #tpu.memory_space<vmem>>, vector<1x16xf32>,
    %get3A_325 = vector.shape_cast %get3A_324 : vector<1x16xf32> to vector<16xf32>
    %mul3A_326 = arith.mulf %get3A_307, %get3A_325 : vector<16xf32>
    %add3A_327 = arith.addf %get3A_307, %get3A_325 : vector<16xf32>
    %mul3A_328 = arith.mulf %mul3A_326, %add3A_327 : vector<16xf32>
    %add3A_329 = arith.addf %add3A_252, %mul3A_328 : vector<16xf32>
    %get3A_330 = arith.constant 4 : i32
    %get3A_331 = arith.index_cast %get3A_330 : i32 to index
    %get3A_332 = arith.constant 17 : index
    %get3A_333 = tpu.vector_load %arg4[%get3A_331, %get3A_332] {strides = array<i32>} : memref<11x336xf32, #tpu.memory_space<vmem>>, vector<1x16xf32>,
    %get3A_334 = vector.shape_cast %get3A_333 : vector<1x16xf32> to vector<16xf32>
    %mul3A_335 = arith.mulf %get3A_325, %get3A_334 : vector<16xf32>
    %add3A_336 = arith.addf %get3A_325, %get3A_334 : vector<16xf32>
    %mul3A_337 = arith.mulf %mul3A_335, %add3A_336 : vector<16xf32>
    %add3A_338 = arith.addf %add3A_266, %mul3A_337 : vector<16xf32>
    %get3A_339 = arith.constant 5 : i32
    %get3A_340 = arith.index_cast %get3A_339 : i32 to index
    %get3A_341 = arith.constant 16 : index
    %get3A_342 = tpu.vector_load %arg4[%get3A_340, %get3A_341] {strides = array<i32>} : memref<11x336xf32, #tpu.memory_space<vmem>>, vector<1x16xf32>,
    %get3A_343 = vector.shape_cast %get3A_342 : vector<1x16xf32> to vector<16xf32>
    %mul3A_344 = arith.mulf %get3A_325, %get3A_343 : vector<16xf32>
    %add3A_345 = arith.addf %get3A_325, %get3A_343 : vector<16xf32>
    %mul3A_346 = arith.mulf %mul3A_344, %add3A_345 : vector<16xf32>
    %add3A_347 = arith.addf %add3A_275, %mul3A_346 : vector<16xf32>
    %get3A_348 = arith.constant 5 : i32
    %get3A_349 = arith.index_cast %get3A_348 : i32 to index
    %get3A_350 = arith.constant 17 : index
    %get3A_351 = tpu.vector_load %arg4[%get3A_349, %get3A_350] {strides = array<i32>} : memref<11x336xf32, #tpu.memory_space<vmem>>, vector<1x16xf32>,
    %get3A_352 = vector.shape_cast %get3A_351 : vector<1x16xf32> to vector<16xf32>
    %mul3A_353 = arith.mulf %get3A_343, %get3A_352 : vector<16xf32>
    %add3A_354 = arith.addf %get3A_343, %get3A_352 : vector<16xf32>
    %mul3A_355 = arith.mulf %mul3A_353, %add3A_354 : vector<16xf32>
    %add3A_356 = arith.addf %add3A_284, %mul3A_355 : vector<16xf32>
    %get3A_357 = arith.constant 6 : i32
    %get3A_358 = arith.index_cast %get3A_357 : i32 to index
    %get3A_359 = arith.constant 16 : index
    %get3A_360 = tpu.vector_load %arg4[%get3A_358, %get3A_359] {strides = array<i32>} : memref<11x336xf32, #tpu.memory_space<vmem>>, vector<1x16xf32>,
    %get3A_361 = vector.shape_cast %get3A_360 : vector<1x16xf32> to vector<16xf32>
    %mul3A_362 = arith.mulf %get3A_343, %get3A_361 : vector<16xf32>
    %add3A_363 = arith.addf %get3A_343, %get3A_361 : vector<16xf32>
    %mul3A_364 = arith.mulf %mul3A_362, %add3A_363 : vector<16xf32>
    %add3A_365 = arith.addf %add3A_293, %mul3A_364 : vector<16xf32>
    %get3A_366 = arith.constant 6 : i32
    %get3A_367 = arith.index_cast %get3A_366 : i32 to index
    %get3A_368 = arith.constant 17 : index
    %get3A_369 = tpu.vector_load %arg4[%get3A_367, %get3A_368] {strides = array<i32>} : memref<11x336xf32, #tpu.memory_space<vmem>>, vector<1x16xf32>,
    %get3A_370 = vector.shape_cast %get3A_369 : vector<1x16xf32> to vector<16xf32>
    %mul3A_371 = arith.mulf %get3A_361, %get3A_370 : vector<16xf32>
    %add3A_372 = arith.addf %get3A_361, %get3A_370 : vector<16xf32>
    %mul3A_373 = arith.mulf %mul3A_371, %add3A_372 : vector<16xf32>
    %add3A_374 = arith.addf %add3A_302, %mul3A_373 : vector<16xf32>
    %get3A_375 = arith.constant 7 : i32
    %get3A_376 = arith.index_cast %get3A_375 : i32 to index
    %get3A_377 = arith.constant 16 : index
    %get3A_378 = tpu.vector_load %arg4[%get3A_376, %get3A_377] {strides = array<i32>} : memref<11x336xf32, #tpu.memory_space<vmem>>, vector<1x16xf32>,
    %get3A_379 = vector.shape_cast %get3A_378 : vector<1x16xf32> to vector<16xf32>
    %mul3A_380 = arith.mulf %get3A_361, %get3A_379 : vector<16xf32>
    %add3A_381 = arith.addf %get3A_361, %get3A_379 : vector<16xf32>
    %mul3A_382 = arith.mulf %mul3A_380, %add3A_381 : vector<16xf32>
    %add3A_383 = arith.addf %add3A_311, %mul3A_382 : vector<16xf32>
    %get3A_384 = arith.constant 7 : i32
    %get3A_385 = arith.index_cast %get3A_384 : i32 to index
    %get3A_386 = arith.constant 17 : index
    %get3A_387 = tpu.vector_load %arg4[%get3A_385, %get3A_386] {strides = array<i32>} : memref<11x336xf32, #tpu.memory_space<vmem>>, vector<1x16xf32>,
    %get3A_388 = vector.shape_cast %get3A_387 : vector<1x16xf32> to vector<16xf32>
    %mul3A_389 = arith.mulf %get3A_379, %get3A_388 : vector<16xf32>
    %add3A_390 = arith.addf %get3A_379, %get3A_388 : vector<16xf32>
    %mul3A_391 = arith.mulf %mul3A_389, %add3A_390 : vector<16xf32>
    %add3A_392 = arith.addf %add3A_320, %mul3A_391 : vector<16xf32>
    %get3A_393 = arith.constant 8 : i32
    %get3A_394 = arith.index_cast %get3A_393 : i32 to index
    %get3A_395 = arith.constant 16 : index
    %get3A_396 = tpu.vector_load %arg4[%get3A_394, %get3A_395] {strides = array<i32>} : memref<11x336xf32, #tpu.memory_space<vmem>>, vector<1x16xf32>,
    %get3A_397 = vector.shape_cast %get3A_396 : vector<1x16xf32> to vector<16xf32>
    %mul3A_398 = arith.mulf %get3A_379, %get3A_397 : vector<16xf32>
    %add3A_399 = arith.addf %get3A_379, %get3A_397 : vector<16xf32>
    %mul3A_400 = arith.mulf %mul3A_398, %add3A_399 : vector<16xf32>
    %add3A_401 = arith.addf %add3A_329, %mul3A_400 : vector<16xf32>
    %get3A_402 = arith.constant 8 : i32
    %get3A_403 = arith.index_cast %get3A_402 : i32 to index
    %get3A_404 = arith.constant 17 : index
    %get3A_405 = tpu.vector_load %arg4[%get3A_403, %get3A_404] {strides = array<i32>} : memref<11x336xf32, #tpu.memory_space<vmem>>, vector<1x16xf32>,
    %get3A_406 = vector.shape_cast %get3A_405 : vector<1x16xf32> to vector<16xf32>
    %mul3A_407 = arith.mulf %get3A_397, %get3A_406 : vector<16xf32>
    %add3A_408 = arith.addf %get3A_397, %get3A_406 : vector<16xf32>
    %mul3A_409 = arith.mulf %mul3A_407, %add3A_408 : vector<16xf32>
    %add3A_410 = arith.addf %add3A_338, %mul3A_409 : vector<16xf32>
    %get3A_411 = arith.constant 9 : i32
    %get3A_412 = arith.index_cast %get3A_411 : i32 to index
    %get3A_413 = arith.constant 16 : index
    %get3A_414 = tpu.vector_load %arg4[%get3A_412, %get3A_413] {strides = array<i32>} : memref<11x336xf32, #tpu.memory_space<vmem>>, vector<1x16xf32>,
    %get3A_415 = vector.shape_cast %get3A_414 : vector<1x16xf32> to vector<16xf32>
    %mul3A_416 = arith.mulf %get3A_397, %get3A_415 : vector<16xf32>
    %add3A_417 = arith.addf %get3A_397, %get3A_415 : vector<16xf32>
    %mul3A_418 = arith.mulf %mul3A_416, %add3A_417 : vector<16xf32>
    %add3A_419 = arith.addf %add3A_347, %mul3A_418 : vector<16xf32>
    %get3A_420 = arith.constant 9 : i32
    %get3A_421 = arith.index_cast %get3A_420 : i32 to index
    %get3A_422 = arith.constant 17 : index
    %get3A_423 = tpu.vector_load %arg4[%get3A_421, %get3A_422] {strides = array<i32>} : memref<11x336xf32, #tpu.memory_space<vmem>>, vector<1x16xf32>,
    %get3A_424 = vector.shape_cast %get3A_423 : vector<1x16xf32> to vector<16xf32>
    %mul3A_425 = arith.mulf %get3A_415, %get3A_424 : vector<16xf32>
    %add3A_426 = arith.addf %get3A_415, %get3A_424 : vector<16xf32>
    %mul3A_427 = arith.mulf %mul3A_425, %add3A_426 : vector<16xf32>
    %add3A_428 = arith.addf %add3A_356, %mul3A_427 : vector<16xf32>
    %get3A_429 = arith.constant 10 : i32
    %get3A_430 = arith.index_cast %get3A_429 : i32 to index
    %get3A_431 = arith.constant 16 : index
    %get3A_432 = tpu.vector_load %arg4[%get3A_430, %get3A_431] {strides = array<i32>} : memref<11x336xf32, #tpu.memory_space<vmem>>, vector<1x16xf32>,
    %get3A_433 = vector.shape_cast %get3A_432 : vector<1x16xf32> to vector<16xf32>
    %mul3A_434 = arith.mulf %get3A_415, %get3A_433 : vector<16xf32>
    %add3A_435 = arith.addf %get3A_415, %get3A_433 : vector<16xf32>
    %mul3A_436 = arith.mulf %mul3A_434, %add3A_435 : vector<16xf32>
    %add3A_437 = arith.addf %add3A_365, %mul3A_436 : vector<16xf32>
    %get3A_438 = arith.constant 0 : i32
    %get3A_439 = arith.index_cast %get3A_438 : i32 to index
    %get3A_440 = arith.constant 32 : index
    %get3A_441 = tpu.vector_load %arg4[%get3A_439, %get3A_440] {strides = array<i32>} : memref<11x336xf32, #tpu.memory_space<vmem>>, vector<1x16xf32>,
    %get3A_442 = vector.shape_cast %get3A_441 : vector<1x16xf32> to vector<16xf32>
    %get3A_443 = arith.constant 0 : i32
    %get3A_444 = arith.index_cast %get3A_443 : i32 to index
    %get3A_445 = arith.constant 33 : index
    %get3A_446 = tpu.vector_load %arg4[%get3A_444, %get3A_445] {strides = array<i32>} : memref<11x336xf32, #tpu.memory_space<vmem>>, vector<1x16xf32>,
    %get3A_447 = vector.shape_cast %get3A_446 : vector<1x16xf32> to vector<16xf32>
    %mul3A_448 = arith.mulf %get3A_442, %get3A_447 : vector<16xf32>
    %add3A_449 = arith.addf %get3A_442, %get3A_447 : vector<16xf32>
    %mul3A_450 = arith.mulf %mul3A_448, %add3A_449 : vector<16xf32>
    %add3A_451 = arith.addf %add3A_374, %mul3A_450 : vector<16xf32>
    %get3A_452 = arith.constant 1 : i32
    %get3A_453 = arith.index_cast %get3A_452 : i32 to index
    %get3A_454 = arith.constant 32 : index
    %get3A_455 = tpu.vector_load %arg4[%get3A_453, %get3A_454] {strides = array<i32>} : memref<11x336xf32, #tpu.memory_space<vmem>>, vector<1x16xf32>,
    %get3A_456 = vector.shape_cast %get3A_455 : vector<1x16xf32> to vector<16xf32>
    %mul3A_457 = arith.mulf %get3A_442, %get3A_456 : vector<16xf32>
    %add3A_458 = arith.addf %get3A_442, %get3A_456 : vector<16xf32>
    %mul3A_459 = arith.mulf %mul3A_457, %add3A_458 : vector<16xf32>
    %add3A_460 = arith.addf %add3A_383, %mul3A_459 : vector<16xf32>
    %get3A_461 = arith.constant 1 : i32
    %get3A_462 = arith.index_cast %get3A_461 : i32 to index
    %get3A_463 = arith.constant 33 : index
    %get3A_464 = tpu.vector_load %arg4[%get3A_462, %get3A_463] {strides = array<i32>} : memref<11x336xf32, #tpu.memory_space<vmem>>, vector<1x16xf32>,
    %get3A_465 = vector.shape_cast %get3A_464 : vector<1x16xf32> to vector<16xf32>
    %mul3A_466 = arith.mulf %get3A_456, %get3A_465 : vector<16xf32>
    %add3A_467 = arith.addf %get3A_456, %get3A_465 : vector<16xf32>
    %mul3A_468 = arith.mulf %mul3A_466, %add3A_467 : vector<16xf32>
    %add3A_469 = arith.addf %add3A_392, %mul3A_468 : vector<16xf32>
    %get3A_470 = arith.constant 2 : i32
    %get3A_471 = arith.index_cast %get3A_470 : i32 to index
    %get3A_472 = arith.constant 32 : index
    %get3A_473 = tpu.vector_load %arg4[%get3A_471, %get3A_472] {strides = array<i32>} : memref<11x336xf32, #tpu.memory_space<vmem>>, vector<1x16xf32>,
    %get3A_474 = vector.shape_cast %get3A_473 : vector<1x16xf32> to vector<16xf32>
    %mul3A_475 = arith.mulf %get3A_456, %get3A_474 : vector<16xf32>
    %add3A_476 = arith.addf %get3A_456, %get3A_474 : vector<16xf32>
    %mul3A_477 = arith.mulf %mul3A_475, %add3A_476 : vector<16xf32>
    %add3A_478 = arith.addf %add3A_401, %mul3A_477 : vector<16xf32>
    %get3A_479 = arith.constant 2 : i32
    %get3A_480 = arith.index_cast %get3A_479 : i32 to index
    %get3A_481 = arith.constant 33 : index
    %get3A_482 = tpu.vector_load %arg4[%get3A_480, %get3A_481] {strides = array<i32>} : memref<11x336xf32, #tpu.memory_space<vmem>>, vector<1x16xf32>,
    %get3A_483 = vector.shape_cast %get3A_482 : vector<1x16xf32> to vector<16xf32>
    %mul3A_484 = arith.mulf %get3A_474, %get3A_483 : vector<16xf32>
    %add3A_485 = arith.addf %get3A_474, %get3A_483 : vector<16xf32>
    %mul3A_486 = arith.mulf %mul3A_484, %add3A_485 : vector<16xf32>
    %add3A_487 = arith.addf %add3A_410, %mul3A_486 : vector<16xf32>
    %get3A_488 = arith.constant 3 : i32
    %get3A_489 = arith.index_cast %get3A_488 : i32 to index
    %get3A_490 = arith.constant 32 : index
    %get3A_491 = tpu.vector_load %arg4[%get3A_489, %get3A_490] {strides = array<i32>} : memref<11x336xf32, #tpu.memory_space<vmem>>, vector<1x16xf32>,
    %get3A_492 = vector.shape_cast %get3A_491 : vector<1x16xf32> to vector<16xf32>
    %mul3A_493 = arith.mulf %get3A_474, %get3A_492 : vector<16xf32>
    %add3A_494 = arith.addf %get3A_474, %get3A_492 : vector<16xf32>
    %mul3A_495 = arith.mulf %mul3A_493, %add3A_494 : vector<16xf32>
    %add3A_496 = arith.addf %add3A_419, %mul3A_495 : vector<16xf32>
    %get3A_497 = arith.constant 3 : i32
    %get3A_498 = arith.index_cast %get3A_497 : i32 to index
    %get3A_499 = arith.constant 33 : index
    %get3A_500 = tpu.vector_load %arg4[%get3A_498, %get3A_499] {strides = array<i32>} : memref<11x336xf32, #tpu.memory_space<vmem>>, vector<1x16xf32>,
    %get3A_501 = vector.shape_cast %get3A_500 : vector<1x16xf32> to vector<16xf32>
    %mul3A_502 = arith.mulf %get3A_492, %get3A_501 : vector<16xf32>
    %add3A_503 = arith.addf %get3A_492, %get3A_501 : vector<16xf32>
    %mul3A_504 = arith.mulf %mul3A_502, %add3A_503 : vector<16xf32>
    %add3A_505 = arith.addf %add3A_428, %mul3A_504 : vector<16xf32>
    %get3A_506 = arith.constant 4 : i32
    %get3A_507 = arith.index_cast %get3A_506 : i32 to index
    %get3A_508 = arith.constant 32 : index
    %get3A_509 = tpu.vector_load %arg4[%get3A_507, %get3A_508] {strides = array<i32>} : memref<11x336xf32, #tpu.memory_space<vmem>>, vector<1x16xf32>,
    %get3A_510 = vector.shape_cast %get3A_509 : vector<1x16xf32> to vector<16xf32>
    %mul3A_511 = arith.mulf %get3A_492, %get3A_510 : vector<16xf32>
    %add3A_512 = arith.addf %get3A_492, %get3A_510 : vector<16xf32>
    %mul3A_513 = arith.mulf %mul3A_511, %add3A_512 : vector<16xf32>
    %add3A_514 = arith.addf %add3A_437, %mul3A_513 : vector<16xf32>
    %get3A_515 = arith.constant 4 : i32
    %get3A_516 = arith.index_cast %get3A_515 : i32 to index
    %get3A_517 = arith.constant 33 : index
    %get3A_518 = tpu.vector_load %arg4[%get3A_516, %get3A_517] {strides = array<i32>} : memref<11x336xf32, #tpu.memory_space<vmem>>, vector<1x16xf32>,
    %get3A_519 = vector.shape_cast %get3A_518 : vector<1x16xf32> to vector<16xf32>
    %mul3A_520 = arith.mulf %get3A_510, %get3A_519 : vector<16xf32>
    %add3A_521 = arith.addf %get3A_510, %get3A_519 : vector<16xf32>
    %mul3A_522 = arith.mulf %mul3A_520, %add3A_521 : vector<16xf32>
    %add3A_523 = arith.addf %add3A_451, %mul3A_522 : vector<16xf32>
    %get3A_524 = arith.constant 5 : i32
    %get3A_525 = arith.index_cast %get3A_524 : i32 to index
    %get3A_526 = arith.constant 32 : index
    %get3A_527 = tpu.vector_load %arg4[%get3A_525, %get3A_526] {strides = array<i32>} : memref<11x336xf32, #tpu.memory_space<vmem>>, vector<1x16xf32>,
    %get3A_528 = vector.shape_cast %get3A_527 : vector<1x16xf32> to vector<16xf32>
    %mul3A_529 = arith.mulf %get3A_510, %get3A_528 : vector<16xf32>
    %add3A_530 = arith.addf %get3A_510, %get3A_528 : vector<16xf32>
    %mul3A_531 = arith.mulf %mul3A_529, %add3A_530 : vector<16xf32>
    %add3A_532 = arith.addf %add3A_460, %mul3A_531 : vector<16xf32>
    %get3A_533 = arith.constant 5 : i32
    %get3A_534 = arith.index_cast %get3A_533 : i32 to index
    %get3A_535 = arith.constant 33 : index
    %get3A_536 = tpu.vector_load %arg4[%get3A_534, %get3A_535] {strides = array<i32>} : memref<11x336xf32, #tpu.memory_space<vmem>>, vector<1x16xf32>,
    %get3A_537 = vector.shape_cast %get3A_536 : vector<1x16xf32> to vector<16xf32>
    %mul3A_538 = arith.mulf %get3A_528, %get3A_537 : vector<16xf32>
    %add3A_539 = arith.addf %get3A_528, %get3A_537 : vector<16xf32>
    %mul3A_540 = arith.mulf %mul3A_538, %add3A_539 : vector<16xf32>
    %add3A_541 = arith.addf %add3A_469, %mul3A_540 : vector<16xf32>
    %get3A_542 = arith.constant 6 : i32
    %get3A_543 = arith.index_cast %get3A_542 : i32 to index
    %get3A_544 = arith.constant 32 : index
    %get3A_545 = tpu.vector_load %arg4[%get3A_543, %get3A_544] {strides = array<i32>} : memref<11x336xf32, #tpu.memory_space<vmem>>, vector<1x16xf32>,
    %get3A_546 = vector.shape_cast %get3A_545 : vector<1x16xf32> to vector<16xf32>
    %mul3A_547 = arith.mulf %get3A_528, %get3A_546 : vector<16xf32>
    %add3A_548 = arith.addf %get3A_528, %get3A_546 : vector<16xf32>
    %mul3A_549 = arith.mulf %mul3A_547, %add3A_548 : vector<16xf32>
    %add3A_550 = arith.addf %add3A_478, %mul3A_549 : vector<16xf32>
    %get3A_551 = arith.constant 6 : i32
    %get3A_552 = arith.index_cast %get3A_551 : i32 to index
    %get3A_553 = arith.constant 33 : index
    %get3A_554 = tpu.vector_load %arg4[%get3A_552, %get3A_553] {strides = array<i32>} : memref<11x336xf32, #tpu.memory_space<vmem>>, vector<1x16xf32>,
    %get3A_555 = vector.shape_cast %get3A_554 : vector<1x16xf32> to vector<16xf32>
    %mul3A_556 = arith.mulf %get3A_546, %get3A_555 : vector<16xf32>
    %add3A_557 = arith.addf %get3A_546, %get3A_555 : vector<16xf32>
    %mul3A_558 = arith.mulf %mul3A_556, %add3A_557 : vector<16xf32>
    %add3A_559 = arith.addf %add3A_487, %mul3A_558 : vector<16xf32>
    %get3A_560 = arith.constant 7 : i32
    %get3A_561 = arith.index_cast %get3A_560 : i32 to index
    %get3A_562 = arith.constant 32 : index
    %get3A_563 = tpu.vector_load %arg4[%get3A_561, %get3A_562] {strides = array<i32>} : memref<11x336xf32, #tpu.memory_space<vmem>>, vector<1x16xf32>,
    %get3A_564 = vector.shape_cast %get3A_563 : vector<1x16xf32> to vector<16xf32>
    %mul3A_565 = arith.mulf %get3A_546, %get3A_564 : vector<16xf32>
    %add3A_566 = arith.addf %get3A_546, %get3A_564 : vector<16xf32>
    %mul3A_567 = arith.mulf %mul3A_565, %add3A_566 : vector<16xf32>
    %add3A_568 = arith.addf %add3A_496, %mul3A_567 : vector<16xf32>
    %get3A_569 = arith.constant 7 : i32
    %get3A_570 = arith.index_cast %get3A_569 : i32 to index
    %get3A_571 = arith.constant 33 : index
    %get3A_572 = tpu.vector_load %arg4[%get3A_570, %get3A_571] {strides = array<i32>} : memref<11x336xf32, #tpu.memory_space<vmem>>, vector<1x16xf32>,
    %get3A_573 = vector.shape_cast %get3A_572 : vector<1x16xf32> to vector<16xf32>
    %mul3A_574 = arith.mulf %get3A_564, %get3A_573 : vector<16xf32>
    %add3A_575 = arith.addf %get3A_564, %get3A_573 : vector<16xf32>
    %mul3A_576 = arith.mulf %mul3A_574, %add3A_575 : vector<16xf32>
    %add3A_577 = arith.addf %add3A_505, %mul3A_576 : vector<16xf32>
    %get3A_578 = arith.constant 8 : i32
    %get3A_579 = arith.index_cast %get3A_578 : i32 to index
    %get3A_580 = arith.constant 32 : index
    %get3A_581 = tpu.vector_load %arg4[%get3A_579, %get3A_580] {strides = array<i32>} : memref<11x336xf32, #tpu.memory_space<vmem>>, vector<1x16xf32>,
    %get3A_582 = vector.shape_cast %get3A_581 : vector<1x16xf32> to vector<16xf32>
    %mul3A_583 = arith.mulf %get3A_564, %get3A_582 : vector<16xf32>
    %add3A_584 = arith.addf %get3A_564, %get3A_582 : vector<16xf32>
    %mul3A_585 = arith.mulf %mul3A_583, %add3A_584 : vector<16xf32>
    %add3A_586 = arith.addf %add3A_514, %mul3A_585 : vector<16xf32>
    %get3A_587 = arith.constant 8 : i32
    %get3A_588 = arith.index_cast %get3A_587 : i32 to index
    %get3A_589 = arith.constant 33 : index
    %get3A_590 = tpu.vector_load %arg4[%get3A_588, %get3A_589] {strides = array<i32>} : memref<11x336xf32, #tpu.memory_space<vmem>>, vector<1x16xf32>,
    %get3A_591 = vector.shape_cast %get3A_590 : vector<1x16xf32> to vector<16xf32>
    %mul3A_592 = arith.mulf %get3A_582, %get3A_591 : vector<16xf32>
    %add3A_593 = arith.addf %get3A_582, %get3A_591 : vector<16xf32>
    %mul3A_594 = arith.mulf %mul3A_592, %add3A_593 : vector<16xf32>
    %add3A_595 = arith.addf %add3A_523, %mul3A_594 : vector<16xf32>
    %get3A_596 = arith.constant 9 : i32
    %get3A_597 = arith.index_cast %get3A_596 : i32 to index
    %get3A_598 = arith.constant 32 : index
    %get3A_599 = tpu.vector_load %arg4[%get3A_597, %get3A_598] {strides = array<i32>} : memref<11x336xf32, #tpu.memory_space<vmem>>, vector<1x16xf32>,
    %get3A_600 = vector.shape_cast %get3A_599 : vector<1x16xf32> to vector<16xf32>
    %mul3A_601 = arith.mulf %get3A_582, %get3A_600 : vector<16xf32>
    %add3A_602 = arith.addf %get3A_582, %get3A_600 : vector<16xf32>
    %mul3A_603 = arith.mulf %mul3A_601, %add3A_602 : vector<16xf32>
    %add3A_604 = arith.addf %add3A_532, %mul3A_603 : vector<16xf32>
    %get3A_605 = arith.constant 9 : i32
    %get3A_606 = arith.index_cast %get3A_605 : i32 to index
    %get3A_607 = arith.constant 33 : index
    %get3A_608 = tpu.vector_load %arg4[%get3A_606, %get3A_607] {strides = array<i32>} : memref<11x336xf32, #tpu.memory_space<vmem>>, vector<1x16xf32>,
    %get3A_609 = vector.shape_cast %get3A_608 : vector<1x16xf32> to vector<16xf32>
    %mul3A_610 = arith.mulf %get3A_600, %get3A_609 : vector<16xf32>
    %add3A_611 = arith.addf %get3A_600, %get3A_609 : vector<16xf32>
    %mul3A_612 = arith.mulf %mul3A_610, %add3A_611 : vector<16xf32>
    %add3A_613 = arith.addf %add3A_541, %mul3A_612 : vector<16xf32>
    %get3A_614 = arith.constant 10 : i32
    %get3A_615 = arith.index_cast %get3A_614 : i32 to index
    %get3A_616 = arith.constant 32 : index
    %get3A_617 = tpu.vector_load %arg4[%get3A_615, %get3A_616] {strides = array<i32>} : memref<11x336xf32, #tpu.memory_space<vmem>>, vector<1x16xf32>,
    %get3A_618 = vector.shape_cast %get3A_617 : vector<1x16xf32> to vector<16xf32>
    %mul3A_619 = arith.mulf %get3A_600, %get3A_618 : vector<16xf32>
    %add3A_620 = arith.addf %get3A_600, %get3A_618 : vector<16xf32>
    %mul3A_621 = arith.mulf %mul3A_619, %add3A_620 : vector<16xf32>
    %add3A_622 = arith.addf %add3A_550, %mul3A_621 : vector<16xf32>
    %get3A_623 = arith.constant 0 : i32
    %get3A_624 = arith.index_cast %get3A_623 : i32 to index
    %get3A_625 = arith.constant 48 : index
    %get3A_626 = tpu.vector_load %arg4[%get3A_624, %get3A_625] {strides = array<i32>} : memref<11x336xf32, #tpu.memory_space<vmem>>, vector<1x16xf32>,
    %get3A_627 = vector.shape_cast %get3A_626 : vector<1x16xf32> to vector<16xf32>
    %get3A_628 = arith.constant 0 : i32
    %get3A_629 = arith.index_cast %get3A_628 : i32 to index
    %get3A_630 = arith.constant 49 : index
    %get3A_631 = tpu.vector_load %arg4[%get3A_629, %get3A_630] {strides = array<i32>} : memref<11x336xf32, #tpu.memory_space<vmem>>, vector<1x16xf32>,
    %get3A_632 = vector.shape_cast %get3A_631 : vector<1x16xf32> to vector<16xf32>
    %mul3A_633 = arith.mulf %get3A_627, %get3A_632 : vector<16xf32>
    %add3A_634 = arith.addf %get3A_627, %get3A_632 : vector<16xf32>
    %mul3A_635 = arith.mulf %mul3A_633, %add3A_634 : vector<16xf32>
    %add3A_636 = arith.addf %add3A_559, %mul3A_635 : vector<16xf32>
    %get3A_637 = arith.constant 1 : i32
    %get3A_638 = arith.index_cast %get3A_637 : i32 to index
    %get3A_639 = arith.constant 48 : index
    %get3A_640 = tpu.vector_load %arg4[%get3A_638, %get3A_639] {strides = array<i32>} : memref<11x336xf32, #tpu.memory_space<vmem>>, vector<1x16xf32>,
    %get3A_641 = vector.shape_cast %get3A_640 : vector<1x16xf32> to vector<16xf32>
    %mul3A_642 = arith.mulf %get3A_627, %get3A_641 : vector<16xf32>
    %add3A_643 = arith.addf %get3A_627, %get3A_641 : vector<16xf32>
    %mul3A_644 = arith.mulf %mul3A_642, %add3A_643 : vector<16xf32>
    %add3A_645 = arith.addf %add3A_568, %mul3A_644 : vector<16xf32>
    %get3A_646 = arith.constant 1 : i32
    %get3A_647 = arith.index_cast %get3A_646 : i32 to index
    %get3A_648 = arith.constant 49 : index
    %get3A_649 = tpu.vector_load %arg4[%get3A_647, %get3A_648] {strides = array<i32>} : memref<11x336xf32, #tpu.memory_space<vmem>>, vector<1x16xf32>,
    %get3A_650 = vector.shape_cast %get3A_649 : vector<1x16xf32> to vector<16xf32>
    %mul3A_651 = arith.mulf %get3A_641, %get3A_650 : vector<16xf32>
    %add3A_652 = arith.addf %get3A_641, %get3A_650 : vector<16xf32>
    %mul3A_653 = arith.mulf %mul3A_651, %add3A_652 : vector<16xf32>
    %add3A_654 = arith.addf %add3A_577, %mul3A_653 : vector<16xf32>
    %get3A_655 = arith.constant 2 : i32
    %get3A_656 = arith.index_cast %get3A_655 : i32 to index
    %get3A_657 = arith.constant 48 : index
    %get3A_658 = tpu.vector_load %arg4[%get3A_656, %get3A_657] {strides = array<i32>} : memref<11x336xf32, #tpu.memory_space<vmem>>, vector<1x16xf32>,
    %get3A_659 = vector.shape_cast %get3A_658 : vector<1x16xf32> to vector<16xf32>
    %mul3A_660 = arith.mulf %get3A_641, %get3A_659 : vector<16xf32>
    %add3A_661 = arith.addf %get3A_641, %get3A_659 : vector<16xf32>
    %mul3A_662 = arith.mulf %mul3A_660, %add3A_661 : vector<16xf32>
    %add3A_663 = arith.addf %add3A_586, %mul3A_662 : vector<16xf32>
    %get3A_664 = arith.constant 2 : i32
    %get3A_665 = arith.index_cast %get3A_664 : i32 to index
    %get3A_666 = arith.constant 49 : index
    %get3A_667 = tpu.vector_load %arg4[%get3A_665, %get3A_666] {strides = array<i32>} : memref<11x336xf32, #tpu.memory_space<vmem>>, vector<1x16xf32>,
    %get3A_668 = vector.shape_cast %get3A_667 : vector<1x16xf32> to vector<16xf32>
    %mul3A_669 = arith.mulf %get3A_659, %get3A_668 : vector<16xf32>
    %add3A_670 = arith.addf %get3A_659, %get3A_668 : vector<16xf32>
    %mul3A_671 = arith.mulf %mul3A_669, %add3A_670 : vector<16xf32>
    %add3A_672 = arith.addf %add3A_595, %mul3A_671 : vector<16xf32>
    %get3A_673 = arith.constant 3 : i32
    %get3A_674 = arith.index_cast %get3A_673 : i32 to index
    %get3A_675 = arith.constant 48 : index
    %get3A_676 = tpu.vector_load %arg4[%get3A_674, %get3A_675] {strides = array<i32>} : memref<11x336xf32, #tpu.memory_space<vmem>>, vector<1x16xf32>,
    %get3A_677 = vector.shape_cast %get3A_676 : vector<1x16xf32> to vector<16xf32>
    %mul3A_678 = arith.mulf %get3A_659, %get3A_677 : vector<16xf32>
    %add3A_679 = arith.addf %get3A_659, %get3A_677 : vector<16xf32>
    %mul3A_680 = arith.mulf %mul3A_678, %add3A_679 : vector<16xf32>
    %add3A_681 = arith.addf %add3A_604, %mul3A_680 : vector<16xf32>
    %get3A_682 = arith.constant 3 : i32
    %get3A_683 = arith.index_cast %get3A_682 : i32 to index
    %get3A_684 = arith.constant 49 : index
    %get3A_685 = tpu.vector_load %arg4[%get3A_683, %get3A_684] {strides = array<i32>} : memref<11x336xf32, #tpu.memory_space<vmem>>, vector<1x16xf32>,
    %get3A_686 = vector.shape_cast %get3A_685 : vector<1x16xf32> to vector<16xf32>
    %mul3A_687 = arith.mulf %get3A_677, %get3A_686 : vector<16xf32>
    %add3A_688 = arith.addf %get3A_677, %get3A_686 : vector<16xf32>
    %mul3A_689 = arith.mulf %mul3A_687, %add3A_688 : vector<16xf32>
    %add3A_690 = arith.addf %add3A_613, %mul3A_689 : vector<16xf32>
    %get3A_691 = arith.constant 4 : i32
    %get3A_692 = arith.index_cast %get3A_691 : i32 to index
    %get3A_693 = arith.constant 48 : index
    %get3A_694 = tpu.vector_load %arg4[%get3A_692, %get3A_693] {strides = array<i32>} : memref<11x336xf32, #tpu.memory_space<vmem>>, vector<1x16xf32>,
    %get3A_695 = vector.shape_cast %get3A_694 : vector<1x16xf32> to vector<16xf32>
    %mul3A_696 = arith.mulf %get3A_677, %get3A_695 : vector<16xf32>
    %add3A_697 = arith.addf %get3A_677, %get3A_695 : vector<16xf32>
    %mul3A_698 = arith.mulf %mul3A_696, %add3A_697 : vector<16xf32>
    %add3A_699 = arith.addf %add3A_622, %mul3A_698 : vector<16xf32>
    %get3A_700 = arith.constant 4 : i32
    %get3A_701 = arith.index_cast %get3A_700 : i32 to index
    %get3A_702 = arith.constant 49 : index
    %get3A_703 = tpu.vector_load %arg4[%get3A_701, %get3A_702] {strides = array<i32>} : memref<11x336xf32, #tpu.memory_space<vmem>>, vector<1x16xf32>,
    %get3A_704 = vector.shape_cast %get3A_703 : vector<1x16xf32> to vector<16xf32>
    %mul3A_705 = arith.mulf %get3A_695, %get3A_704 : vector<16xf32>
    %add3A_706 = arith.addf %get3A_695, %get3A_704 : vector<16xf32>
    %mul3A_707 = arith.mulf %mul3A_705, %add3A_706 : vector<16xf32>
    %add3A_708 = arith.addf %add3A_636, %mul3A_707 : vector<16xf32>
    %get3A_709 = arith.constant 5 : i32
    %get3A_710 = arith.index_cast %get3A_709 : i32 to index
    %get3A_711 = arith.constant 48 : index
    %get3A_712 = tpu.vector_load %arg4[%get3A_710, %get3A_711] {strides = array<i32>} : memref<11x336xf32, #tpu.memory_space<vmem>>, vector<1x16xf32>,
    %get3A_713 = vector.shape_cast %get3A_712 : vector<1x16xf32> to vector<16xf32>
    %mul3A_714 = arith.mulf %get3A_695, %get3A_713 : vector<16xf32>
    %add3A_715 = arith.addf %get3A_695, %get3A_713 : vector<16xf32>
    %mul3A_716 = arith.mulf %mul3A_714, %add3A_715 : vector<16xf32>
    %add3A_717 = arith.addf %add3A_645, %mul3A_716 : vector<16xf32>
    %get3A_718 = arith.constant 5 : i32
    %get3A_719 = arith.index_cast %get3A_718 : i32 to index
    %get3A_720 = arith.constant 49 : index
    %get3A_721 = tpu.vector_load %arg4[%get3A_719, %get3A_720] {strides = array<i32>} : memref<11x336xf32, #tpu.memory_space<vmem>>, vector<1x16xf32>,
    %get3A_722 = vector.shape_cast %get3A_721 : vector<1x16xf32> to vector<16xf32>
    %mul3A_723 = arith.mulf %get3A_713, %get3A_722 : vector<16xf32>
    %add3A_724 = arith.addf %get3A_713, %get3A_722 : vector<16xf32>
    %mul3A_725 = arith.mulf %mul3A_723, %add3A_724 : vector<16xf32>
    %add3A_726 = arith.addf %add3A_654, %mul3A_725 : vector<16xf32>
    %get3A_727 = arith.constant 6 : i32
    %get3A_728 = arith.index_cast %get3A_727 : i32 to index
    %get3A_729 = arith.constant 48 : index
    %get3A_730 = tpu.vector_load %arg4[%get3A_728, %get3A_729] {strides = array<i32>} : memref<11x336xf32, #tpu.memory_space<vmem>>, vector<1x16xf32>,
    %get3A_731 = vector.shape_cast %get3A_730 : vector<1x16xf32> to vector<16xf32>
    %mul3A_732 = arith.mulf %get3A_713, %get3A_731 : vector<16xf32>
    %add3A_733 = arith.addf %get3A_713, %get3A_731 : vector<16xf32>
    %mul3A_734 = arith.mulf %mul3A_732, %add3A_733 : vector<16xf32>
    %add3A_735 = arith.addf %add3A_663, %mul3A_734 : vector<16xf32>
    %get3A_736 = arith.constant 6 : i32
    %get3A_737 = arith.index_cast %get3A_736 : i32 to index
    %get3A_738 = arith.constant 49 : index
    %get3A_739 = tpu.vector_load %arg4[%get3A_737, %get3A_738] {strides = array<i32>} : memref<11x336xf32, #tpu.memory_space<vmem>>, vector<1x16xf32>,
    %get3A_740 = vector.shape_cast %get3A_739 : vector<1x16xf32> to vector<16xf32>
    %mul3A_741 = arith.mulf %get3A_731, %get3A_740 : vector<16xf32>
    %add3A_742 = arith.addf %get3A_731, %get3A_740 : vector<16xf32>
    %mul3A_743 = arith.mulf %mul3A_741, %add3A_742 : vector<16xf32>
    %add3A_744 = arith.addf %add3A_672, %mul3A_743 : vector<16xf32>
    %get3A_745 = arith.constant 7 : i32
    %get3A_746 = arith.index_cast %get3A_745 : i32 to index
    %get3A_747 = arith.constant 48 : index
    %get3A_748 = tpu.vector_load %arg4[%get3A_746, %get3A_747] {strides = array<i32>} : memref<11x336xf32, #tpu.memory_space<vmem>>, vector<1x16xf32>,
    %get3A_749 = vector.shape_cast %get3A_748 : vector<1x16xf32> to vector<16xf32>
    %mul3A_750 = arith.mulf %get3A_731, %get3A_749 : vector<16xf32>
    %add3A_751 = arith.addf %get3A_731, %get3A_749 : vector<16xf32>
    %mul3A_752 = arith.mulf %mul3A_750, %add3A_751 : vector<16xf32>
    %add3A_753 = arith.addf %add3A_681, %mul3A_752 : vector<16xf32>
    %get3A_754 = arith.constant 7 : i32
    %get3A_755 = arith.index_cast %get3A_754 : i32 to index
    %get3A_756 = arith.constant 49 : index
    %get3A_757 = tpu.vector_load %arg4[%get3A_755, %get3A_756] {strides = array<i32>} : memref<11x336xf32, #tpu.memory_space<vmem>>, vector<1x16xf32>,
    %get3A_758 = vector.shape_cast %get3A_757 : vector<1x16xf32> to vector<16xf32>
    %mul3A_759 = arith.mulf %get3A_749, %get3A_758 : vector<16xf32>
    %add3A_760 = arith.addf %get3A_749, %get3A_758 : vector<16xf32>
    %mul3A_761 = arith.mulf %mul3A_759, %add3A_760 : vector<16xf32>
    %add3A_762 = arith.addf %add3A_690, %mul3A_761 : vector<16xf32>
    %get3A_763 = arith.constant 8 : i32
    %get3A_764 = arith.index_cast %get3A_763 : i32 to index
    %get3A_765 = arith.constant 48 : index
    %get3A_766 = tpu.vector_load %arg4[%get3A_764, %get3A_765] {strides = array<i32>} : memref<11x336xf32, #tpu.memory_space<vmem>>, vector<1x16xf32>,
    %get3A_767 = vector.shape_cast %get3A_766 : vector<1x16xf32> to vector<16xf32>
    %mul3A_768 = arith.mulf %get3A_749, %get3A_767 : vector<16xf32>
    %add3A_769 = arith.addf %get3A_749, %get3A_767 : vector<16xf32>
    %mul3A_770 = arith.mulf %mul3A_768, %add3A_769 : vector<16xf32>
    %add3A_771 = arith.addf %add3A_699, %mul3A_770 : vector<16xf32>
    %get3A_772 = arith.constant 8 : i32
    %get3A_773 = arith.index_cast %get3A_772 : i32 to index
    %get3A_774 = arith.constant 49 : index
    %get3A_775 = tpu.vector_load %arg4[%get3A_773, %get3A_774] {strides = array<i32>} : memref<11x336xf32, #tpu.memory_space<vmem>>, vector<1x16xf32>,
    %get3A_776 = vector.shape_cast %get3A_775 : vector<1x16xf32> to vector<16xf32>
    %mul3A_777 = arith.mulf %get3A_767, %get3A_776 : vector<16xf32>
    %add3A_778 = arith.addf %get3A_767, %get3A_776 : vector<16xf32>
    %mul3A_779 = arith.mulf %mul3A_777, %add3A_778 : vector<16xf32>
    %add3A_780 = arith.addf %add3A_708, %mul3A_779 : vector<16xf32>
    %get3A_781 = arith.constant 9 : i32
    %get3A_782 = arith.index_cast %get3A_781 : i32 to index
    %get3A_783 = arith.constant 48 : index
    %get3A_784 = tpu.vector_load %arg4[%get3A_782, %get3A_783] {strides = array<i32>} : memref<11x336xf32, #tpu.memory_space<vmem>>, vector<1x16xf32>,
    %get3A_785 = vector.shape_cast %get3A_784 : vector<1x16xf32> to vector<16xf32>
    %mul3A_786 = arith.mulf %get3A_767, %get3A_785 : vector<16xf32>
    %add3A_787 = arith.addf %get3A_767, %get3A_785 : vector<16xf32>
    %mul3A_788 = arith.mulf %mul3A_786, %add3A_787 : vector<16xf32>
    %add3A_789 = arith.addf %add3A_717, %mul3A_788 : vector<16xf32>
    %get3A_790 = arith.constant 9 : i32
    %get3A_791 = arith.index_cast %get3A_790 : i32 to index
    %get3A_792 = arith.constant 49 : index
    %get3A_793 = tpu.vector_load %arg4[%get3A_791, %get3A_792] {strides = array<i32>} : memref<11x336xf32, #tpu.memory_space<vmem>>, vector<1x16xf32>,
    %get3A_794 = vector.shape_cast %get3A_793 : vector<1x16xf32> to vector<16xf32>
    %mul3A_795 = arith.mulf %get3A_785, %get3A_794 : vector<16xf32>
    %add3A_796 = arith.addf %get3A_785, %get3A_794 : vector<16xf32>
    %mul3A_797 = arith.mulf %mul3A_795, %add3A_796 : vector<16xf32>
    %add3A_798 = arith.addf %add3A_726, %mul3A_797 : vector<16xf32>
    %get3A_799 = arith.constant 10 : i32
    %get3A_800 = arith.index_cast %get3A_799 : i32 to index
    %get3A_801 = arith.constant 48 : index
    %get3A_802 = tpu.vector_load %arg4[%get3A_800, %get3A_801] {strides = array<i32>} : memref<11x336xf32, #tpu.memory_space<vmem>>, vector<1x16xf32>,
    %get3A_803 = vector.shape_cast %get3A_802 : vector<1x16xf32> to vector<16xf32>
    %mul3A_804 = arith.mulf %get3A_785, %get3A_803 : vector<16xf32>
    %add3A_805 = arith.addf %get3A_785, %get3A_803 : vector<16xf32>
    %mul3A_806 = arith.mulf %mul3A_804, %add3A_805 : vector<16xf32>
    %add3A_807 = arith.addf %add3A_735, %mul3A_806 : vector<16xf32>
    %get3A_808 = arith.constant 0 : i32
    %get3A_809 = arith.index_cast %get3A_808 : i32 to index
    %get3A_810 = arith.constant 64 : index
    %get3A_811 = tpu.vector_load %arg4[%get3A_809, %get3A_810] {strides = array<i32>} : memref<11x336xf32, #tpu.memory_space<vmem>>, vector<1x16xf32>,
    %get3A_812 = vector.shape_cast %get3A_811 : vector<1x16xf32> to vector<16xf32>
    %get3A_813 = arith.constant 0 : i32
    %get3A_814 = arith.index_cast %get3A_813 : i32 to index
    %get3A_815 = arith.constant 65 : index
    %get3A_816 = tpu.vector_load %arg4[%get3A_814, %get3A_815] {strides = array<i32>} : memref<11x336xf32, #tpu.memory_space<vmem>>, vector<1x16xf32>,
    %get3A_817 = vector.shape_cast %get3A_816 : vector<1x16xf32> to vector<16xf32>
    %mul3A_818 = arith.mulf %get3A_812, %get3A_817 : vector<16xf32>
    %add3A_819 = arith.addf %get3A_812, %get3A_817 : vector<16xf32>
    %mul3A_820 = arith.mulf %mul3A_818, %add3A_819 : vector<16xf32>
    %add3A_821 = arith.addf %add3A_744, %mul3A_820 : vector<16xf32>
    %get3A_822 = arith.constant 1 : i32
    %get3A_823 = arith.index_cast %get3A_822 : i32 to index
    %get3A_824 = arith.constant 64 : index
    %get3A_825 = tpu.vector_load %arg4[%get3A_823, %get3A_824] {strides = array<i32>} : memref<11x336xf32, #tpu.memory_space<vmem>>, vector<1x16xf32>,
    %get3A_826 = vector.shape_cast %get3A_825 : vector<1x16xf32> to vector<16xf32>
    %mul3A_827 = arith.mulf %get3A_812, %get3A_826 : vector<16xf32>
    %add3A_828 = arith.addf %get3A_812, %get3A_826 : vector<16xf32>
    %mul3A_829 = arith.mulf %mul3A_827, %add3A_828 : vector<16xf32>
    %add3A_830 = arith.addf %add3A_753, %mul3A_829 : vector<16xf32>
    %get3A_831 = arith.constant 1 : i32
    %get3A_832 = arith.index_cast %get3A_831 : i32 to index
    %get3A_833 = arith.constant 65 : index
    %get3A_834 = tpu.vector_load %arg4[%get3A_832, %get3A_833] {strides = array<i32>} : memref<11x336xf32, #tpu.memory_space<vmem>>, vector<1x16xf32>,
    %get3A_835 = vector.shape_cast %get3A_834 : vector<1x16xf32> to vector<16xf32>
    %mul3A_836 = arith.mulf %get3A_826, %get3A_835 : vector<16xf32>
    %add3A_837 = arith.addf %get3A_826, %get3A_835 : vector<16xf32>
    %mul3A_838 = arith.mulf %mul3A_836, %add3A_837 : vector<16xf32>
    %add3A_839 = arith.addf %add3A_762, %mul3A_838 : vector<16xf32>
    %get3A_840 = arith.constant 2 : i32
    %get3A_841 = arith.index_cast %get3A_840 : i32 to index
    %get3A_842 = arith.constant 64 : index
    %get3A_843 = tpu.vector_load %arg4[%get3A_841, %get3A_842] {strides = array<i32>} : memref<11x336xf32, #tpu.memory_space<vmem>>, vector<1x16xf32>,
    %get3A_844 = vector.shape_cast %get3A_843 : vector<1x16xf32> to vector<16xf32>
    %mul3A_845 = arith.mulf %get3A_826, %get3A_844 : vector<16xf32>
    %add3A_846 = arith.addf %get3A_826, %get3A_844 : vector<16xf32>
    %mul3A_847 = arith.mulf %mul3A_845, %add3A_846 : vector<16xf32>
    %add3A_848 = arith.addf %add3A_771, %mul3A_847 : vector<16xf32>
    %get3A_849 = arith.constant 2 : i32
    %get3A_850 = arith.index_cast %get3A_849 : i32 to index
    %get3A_851 = arith.constant 65 : index
    %get3A_852 = tpu.vector_load %arg4[%get3A_850, %get3A_851] {strides = array<i32>} : memref<11x336xf32, #tpu.memory_space<vmem>>, vector<1x16xf32>,
    %get3A_853 = vector.shape_cast %get3A_852 : vector<1x16xf32> to vector<16xf32>
    %mul3A_854 = arith.mulf %get3A_844, %get3A_853 : vector<16xf32>
    %add3A_855 = arith.addf %get3A_844, %get3A_853 : vector<16xf32>
    %mul3A_856 = arith.mulf %mul3A_854, %add3A_855 : vector<16xf32>
    %add3A_857 = arith.addf %add3A_780, %mul3A_856 : vector<16xf32>
    %get3A_858 = arith.constant 3 : i32
    %get3A_859 = arith.index_cast %get3A_858 : i32 to index
    %get3A_860 = arith.constant 64 : index
    %get3A_861 = tpu.vector_load %arg4[%get3A_859, %get3A_860] {strides = array<i32>} : memref<11x336xf32, #tpu.memory_space<vmem>>, vector<1x16xf32>,
    %get3A_862 = vector.shape_cast %get3A_861 : vector<1x16xf32> to vector<16xf32>
    %mul3A_863 = arith.mulf %get3A_844, %get3A_862 : vector<16xf32>
    %add3A_864 = arith.addf %get3A_844, %get3A_862 : vector<16xf32>
    %mul3A_865 = arith.mulf %mul3A_863, %add3A_864 : vector<16xf32>
    %add3A_866 = arith.addf %add3A_789, %mul3A_865 : vector<16xf32>
    %get3A_867 = arith.constant 3 : i32
    %get3A_868 = arith.index_cast %get3A_867 : i32 to index
    %get3A_869 = arith.constant 65 : index
    %get3A_870 = tpu.vector_load %arg4[%get3A_868, %get3A_869] {strides = array<i32>} : memref<11x336xf32, #tpu.memory_space<vmem>>, vector<1x16xf32>,
    %get3A_871 = vector.shape_cast %get3A_870 : vector<1x16xf32> to vector<16xf32>
    %mul3A_872 = arith.mulf %get3A_862, %get3A_871 : vector<16xf32>
    %add3A_873 = arith.addf %get3A_862, %get3A_871 : vector<16xf32>
    %mul3A_874 = arith.mulf %mul3A_872, %add3A_873 : vector<16xf32>
    %add3A_875 = arith.addf %add3A_798, %mul3A_874 : vector<16xf32>
    %get3A_876 = arith.constant 4 : i32
    %get3A_877 = arith.index_cast %get3A_876 : i32 to index
    %get3A_878 = arith.constant 64 : index
    %get3A_879 = tpu.vector_load %arg4[%get3A_877, %get3A_878] {strides = array<i32>} : memref<11x336xf32, #tpu.memory_space<vmem>>, vector<1x16xf32>,
    %get3A_880 = vector.shape_cast %get3A_879 : vector<1x16xf32> to vector<16xf32>
    %mul3A_881 = arith.mulf %get3A_862, %get3A_880 : vector<16xf32>
    %add3A_882 = arith.addf %get3A_862, %get3A_880 : vector<16xf32>
    %mul3A_883 = arith.mulf %mul3A_881, %add3A_882 : vector<16xf32>
    %add3A_884 = arith.addf %add3A_807, %mul3A_883 : vector<16xf32>
    %get3A_885 = arith.constant 4 : i32
    %get3A_886 = arith.index_cast %get3A_885 : i32 to index
    %get3A_887 = arith.constant 65 : index
    %get3A_888 = tpu.vector_load %arg4[%get3A_886, %get3A_887] {strides = array<i32>} : memref<11x336xf32, #tpu.memory_space<vmem>>, vector<1x16xf32>,
    %get3A_889 = vector.shape_cast %get3A_888 : vector<1x16xf32> to vector<16xf32>
    %mul3A_890 = arith.mulf %get3A_880, %get3A_889 : vector<16xf32>
    %add3A_891 = arith.addf %get3A_880, %get3A_889 : vector<16xf32>
    %mul3A_892 = arith.mulf %mul3A_890, %add3A_891 : vector<16xf32>
    %add3A_893 = arith.addf %add3A_821, %mul3A_892 : vector<16xf32>
    %get3A_894 = arith.constant 5 : i32
    %get3A_895 = arith.index_cast %get3A_894 : i32 to index
    %get3A_896 = arith.constant 64 : index
    %get3A_897 = tpu.vector_load %arg4[%get3A_895, %get3A_896] {strides = array<i32>} : memref<11x336xf32, #tpu.memory_space<vmem>>, vector<1x16xf32>,
    %get3A_898 = vector.shape_cast %get3A_897 : vector<1x16xf32> to vector<16xf32>
    %mul3A_899 = arith.mulf %get3A_880, %get3A_898 : vector<16xf32>
    %add3A_900 = arith.addf %get3A_880, %get3A_898 : vector<16xf32>
    %mul3A_901 = arith.mulf %mul3A_899, %add3A_900 : vector<16xf32>
    %add3A_902 = arith.addf %add3A_830, %mul3A_901 : vector<16xf32>
    %get3A_903 = arith.constant 5 : i32
    %get3A_904 = arith.index_cast %get3A_903 : i32 to index
    %get3A_905 = arith.constant 65 : index
    %get3A_906 = tpu.vector_load %arg4[%get3A_904, %get3A_905] {strides = array<i32>} : memref<11x336xf32, #tpu.memory_space<vmem>>, vector<1x16xf32>,
    %get3A_907 = vector.shape_cast %get3A_906 : vector<1x16xf32> to vector<16xf32>
    %mul3A_908 = arith.mulf %get3A_898, %get3A_907 : vector<16xf32>
    %add3A_909 = arith.addf %get3A_898, %get3A_907 : vector<16xf32>
    %mul3A_910 = arith.mulf %mul3A_908, %add3A_909 : vector<16xf32>
    %add3A_911 = arith.addf %add3A_839, %mul3A_910 : vector<16xf32>
    %get3A_912 = arith.constant 6 : i32
    %get3A_913 = arith.index_cast %get3A_912 : i32 to index
    %get3A_914 = arith.constant 64 : index
    %get3A_915 = tpu.vector_load %arg4[%get3A_913, %get3A_914] {strides = array<i32>} : memref<11x336xf32, #tpu.memory_space<vmem>>, vector<1x16xf32>,
    %get3A_916 = vector.shape_cast %get3A_915 : vector<1x16xf32> to vector<16xf32>
    %mul3A_917 = arith.mulf %get3A_898, %get3A_916 : vector<16xf32>
    %add3A_918 = arith.addf %get3A_898, %get3A_916 : vector<16xf32>
    %mul3A_919 = arith.mulf %mul3A_917, %add3A_918 : vector<16xf32>
    %add3A_920 = arith.addf %add3A_848, %mul3A_919 : vector<16xf32>
    %get3A_921 = arith.constant 6 : i32
    %get3A_922 = arith.index_cast %get3A_921 : i32 to index
    %get3A_923 = arith.constant 65 : index
    %get3A_924 = tpu.vector_load %arg4[%get3A_922, %get3A_923] {strides = array<i32>} : memref<11x336xf32, #tpu.memory_space<vmem>>, vector<1x16xf32>,
    %get3A_925 = vector.shape_cast %get3A_924 : vector<1x16xf32> to vector<16xf32>
    %mul3A_926 = arith.mulf %get3A_916, %get3A_925 : vector<16xf32>
    %add3A_927 = arith.addf %get3A_916, %get3A_925 : vector<16xf32>
    %mul3A_928 = arith.mulf %mul3A_926, %add3A_927 : vector<16xf32>
    %add3A_929 = arith.addf %add3A_857, %mul3A_928 : vector<16xf32>
    %get3A_930 = arith.constant 7 : i32
    %get3A_931 = arith.index_cast %get3A_930 : i32 to index
    %get3A_932 = arith.constant 64 : index
    %get3A_933 = tpu.vector_load %arg4[%get3A_931, %get3A_932] {strides = array<i32>} : memref<11x336xf32, #tpu.memory_space<vmem>>, vector<1x16xf32>,
    %get3A_934 = vector.shape_cast %get3A_933 : vector<1x16xf32> to vector<16xf32>
    %mul3A_935 = arith.mulf %get3A_916, %get3A_934 : vector<16xf32>
    %add3A_936 = arith.addf %get3A_916, %get3A_934 : vector<16xf32>
    %mul3A_937 = arith.mulf %mul3A_935, %add3A_936 : vector<16xf32>
    %add3A_938 = arith.addf %add3A_866, %mul3A_937 : vector<16xf32>
    %get3A_939 = arith.constant 7 : i32
    %get3A_940 = arith.index_cast %get3A_939 : i32 to index
    %get3A_941 = arith.constant 65 : index
    %get3A_942 = tpu.vector_load %arg4[%get3A_940, %get3A_941] {strides = array<i32>} : memref<11x336xf32, #tpu.memory_space<vmem>>, vector<1x16xf32>,
    %get3A_943 = vector.shape_cast %get3A_942 : vector<1x16xf32> to vector<16xf32>
    %mul3A_944 = arith.mulf %get3A_934, %get3A_943 : vector<16xf32>
    %add3A_945 = arith.addf %get3A_934, %get3A_943 : vector<16xf32>
    %mul3A_946 = arith.mulf %mul3A_944, %add3A_945 : vector<16xf32>
    %add3A_947 = arith.addf %add3A_875, %mul3A_946 : vector<16xf32>
    %get3A_948 = arith.constant 8 : i32
    %get3A_949 = arith.index_cast %get3A_948 : i32 to index
    %get3A_950 = arith.constant 64 : index
    %get3A_951 = tpu.vector_load %arg4[%get3A_949, %get3A_950] {strides = array<i32>} : memref<11x336xf32, #tpu.memory_space<vmem>>, vector<1x16xf32>,
    %get3A_952 = vector.shape_cast %get3A_951 : vector<1x16xf32> to vector<16xf32>
    %mul3A_953 = arith.mulf %get3A_934, %get3A_952 : vector<16xf32>
    %add3A_954 = arith.addf %get3A_934, %get3A_952 : vector<16xf32>
    %mul3A_955 = arith.mulf %mul3A_953, %add3A_954 : vector<16xf32>
    %add3A_956 = arith.addf %add3A_884, %mul3A_955 : vector<16xf32>
    %get3A_957 = arith.constant 8 : i32
    %get3A_958 = arith.index_cast %get3A_957 : i32 to index
    %get3A_959 = arith.constant 65 : index
    %get3A_960 = tpu.vector_load %arg4[%get3A_958, %get3A_959] {strides = array<i32>} : memref<11x336xf32, #tpu.memory_space<vmem>>, vector<1x16xf32>,
    %get3A_961 = vector.shape_cast %get3A_960 : vector<1x16xf32> to vector<16xf32>
    %mul3A_962 = arith.mulf %get3A_952, %get3A_961 : vector<16xf32>
    %add3A_963 = arith.addf %get3A_952, %get3A_961 : vector<16xf32>
    %mul3A_964 = arith.mulf %mul3A_962, %add3A_963 : vector<16xf32>
    %add3A_965 = arith.addf %add3A_893, %mul3A_964 : vector<16xf32>
    %get3A_966 = arith.constant 9 : i32
    %get3A_967 = arith.index_cast %get3A_966 : i32 to index
    %get3A_968 = arith.constant 64 : index
    %get3A_969 = tpu.vector_load %arg4[%get3A_967, %get3A_968] {strides = array<i32>} : memref<11x336xf32, #tpu.memory_space<vmem>>, vector<1x16xf32>,
    %get3A_970 = vector.shape_cast %get3A_969 : vector<1x16xf32> to vector<16xf32>
    %mul3A_971 = arith.mulf %get3A_952, %get3A_970 : vector<16xf32>
    %add3A_972 = arith.addf %get3A_952, %get3A_970 : vector<16xf32>
    %mul3A_973 = arith.mulf %mul3A_971, %add3A_972 : vector<16xf32>
    %add3A_974 = arith.addf %add3A_902, %mul3A_973 : vector<16xf32>
    %get3A_975 = arith.constant 9 : i32
    %get3A_976 = arith.index_cast %get3A_975 : i32 to index
    %get3A_977 = arith.constant 65 : index
    %get3A_978 = tpu.vector_load %arg4[%get3A_976, %get3A_977] {strides = array<i32>} : memref<11x336xf32, #tpu.memory_space<vmem>>, vector<1x16xf32>,
    %get3A_979 = vector.shape_cast %get3A_978 : vector<1x16xf32> to vector<16xf32>
    %mul3A_980 = arith.mulf %get3A_970, %get3A_979 : vector<16xf32>
    %add3A_981 = arith.addf %get3A_970, %get3A_979 : vector<16xf32>
    %mul3A_982 = arith.mulf %mul3A_980, %add3A_981 : vector<16xf32>
    %add3A_983 = arith.addf %add3A_911, %mul3A_982 : vector<16xf32>
    %get3A_984 = arith.constant 10 : i32
    %get3A_985 = arith.index_cast %get3A_984 : i32 to index
    %get3A_986 = arith.constant 64 : index
    %get3A_987 = tpu.vector_load %arg4[%get3A_985, %get3A_986] {strides = array<i32>} : memref<11x336xf32, #tpu.memory_space<vmem>>, vector<1x16xf32>,
    %get3A_988 = vector.shape_cast %get3A_987 : vector<1x16xf32> to vector<16xf32>
    %mul3A_989 = arith.mulf %get3A_970, %get3A_988 : vector<16xf32>
    %add3A_990 = arith.addf %get3A_970, %get3A_988 : vector<16xf32>
    %mul3A_991 = arith.mulf %mul3A_989, %add3A_990 : vector<16xf32>
    %add3A_992 = arith.addf %add3A_920, %mul3A_991 : vector<16xf32>
    %get3A_993 = arith.constant 0 : i32
    %get3A_994 = arith.index_cast %get3A_993 : i32 to index
    %get3A_995 = arith.constant 80 : index
    %get3A_996 = tpu.vector_load %arg4[%get3A_994, %get3A_995] {strides = array<i32>} : memref<11x336xf32, #tpu.memory_space<vmem>>, vector<1x16xf32>,
    %get3A_997 = vector.shape_cast %get3A_996 : vector<1x16xf32> to vector<16xf32>
    %get3A_998 = arith.constant 0 : i32
    %get3A_999 = arith.index_cast %get3A_998 : i32 to index
    %get3A_1000 = arith.constant 81 : index
    %get3A_1001 = tpu.vector_load %arg4[%get3A_999, %get3A_1000] {strides = array<i32>} : memref<11x336xf32, #tpu.memory_space<vmem>>, vector<1x16xf32>,
    %get3A_1002 = vector.shape_cast %get3A_1001 : vector<1x16xf32> to vector<16xf32>
    %mul3A_1003 = arith.mulf %get3A_997, %get3A_1002 : vector<16xf32>
    %add3A_1004 = arith.addf %get3A_997, %get3A_1002 : vector<16xf32>
    %mul3A_1005 = arith.mulf %mul3A_1003, %add3A_1004 : vector<16xf32>
    %add3A_1006 = arith.addf %add3A_929, %mul3A_1005 : vector<16xf32>
    %get3A_1007 = arith.constant 1 : i32
    %get3A_1008 = arith.index_cast %get3A_1007 : i32 to index
    %get3A_1009 = arith.constant 80 : index
    %get3A_1010 = tpu.vector_load %arg4[%get3A_1008, %get3A_1009] {strides = array<i32>} : memref<11x336xf32, #tpu.memory_space<vmem>>, vector<1x16xf32>,
    %get3A_1011 = vector.shape_cast %get3A_1010 : vector<1x16xf32> to vector<16xf32>
    %mul3A_1012 = arith.mulf %get3A_997, %get3A_1011 : vector<16xf32>
    %add3A_1013 = arith.addf %get3A_997, %get3A_1011 : vector<16xf32>
    %mul3A_1014 = arith.mulf %mul3A_1012, %add3A_1013 : vector<16xf32>
    %add3A_1015 = arith.addf %add3A_938, %mul3A_1014 : vector<16xf32>
    %get3A_1016 = arith.constant 1 : i32
    %get3A_1017 = arith.index_cast %get3A_1016 : i32 to index
    %get3A_1018 = arith.constant 81 : index
    %get3A_1019 = tpu.vector_load %arg4[%get3A_1017, %get3A_1018] {strides = array<i32>} : memref<11x336xf32, #tpu.memory_space<vmem>>, vector<1x16xf32>,
    %get3A_1020 = vector.shape_cast %get3A_1019 : vector<1x16xf32> to vector<16xf32>
    %mul3A_1021 = arith.mulf %get3A_1011, %get3A_1020 : vector<16xf32>
    %add3A_1022 = arith.addf %get3A_1011, %get3A_1020 : vector<16xf32>
    %mul3A_1023 = arith.mulf %mul3A_1021, %add3A_1022 : vector<16xf32>
    %add3A_1024 = arith.addf %add3A_947, %mul3A_1023 : vector<16xf32>
    %get3A_1025 = arith.constant 2 : i32
    %get3A_1026 = arith.index_cast %get3A_1025 : i32 to index
    %get3A_1027 = arith.constant 80 : index
    %get3A_1028 = tpu.vector_load %arg4[%get3A_1026, %get3A_1027] {strides = array<i32>} : memref<11x336xf32, #tpu.memory_space<vmem>>, vector<1x16xf32>,
    %get3A_1029 = vector.shape_cast %get3A_1028 : vector<1x16xf32> to vector<16xf32>
    %mul3A_1030 = arith.mulf %get3A_1011, %get3A_1029 : vector<16xf32>
    %add3A_1031 = arith.addf %get3A_1011, %get3A_1029 : vector<16xf32>
    %mul3A_1032 = arith.mulf %mul3A_1030, %add3A_1031 : vector<16xf32>
    %add3A_1033 = arith.addf %add3A_956, %mul3A_1032 : vector<16xf32>
    %get3A_1034 = arith.constant 2 : i32
    %get3A_1035 = arith.index_cast %get3A_1034 : i32 to index
    %get3A_1036 = arith.constant 81 : index
    %get3A_1037 = tpu.vector_load %arg4[%get3A_1035, %get3A_1036] {strides = array<i32>} : memref<11x336xf32, #tpu.memory_space<vmem>>, vector<1x16xf32>,
    %get3A_1038 = vector.shape_cast %get3A_1037 : vector<1x16xf32> to vector<16xf32>
    %mul3A_1039 = arith.mulf %get3A_1029, %get3A_1038 : vector<16xf32>
    %add3A_1040 = arith.addf %get3A_1029, %get3A_1038 : vector<16xf32>
    %mul3A_1041 = arith.mulf %mul3A_1039, %add3A_1040 : vector<16xf32>
    %add3A_1042 = arith.addf %add3A_965, %mul3A_1041 : vector<16xf32>
    %get3A_1043 = arith.constant 3 : i32
    %get3A_1044 = arith.index_cast %get3A_1043 : i32 to index
    %get3A_1045 = arith.constant 80 : index
    %get3A_1046 = tpu.vector_load %arg4[%get3A_1044, %get3A_1045] {strides = array<i32>} : memref<11x336xf32, #tpu.memory_space<vmem>>, vector<1x16xf32>,
    %get3A_1047 = vector.shape_cast %get3A_1046 : vector<1x16xf32> to vector<16xf32>
    %mul3A_1048 = arith.mulf %get3A_1029, %get3A_1047 : vector<16xf32>
    %add3A_1049 = arith.addf %get3A_1029, %get3A_1047 : vector<16xf32>
    %mul3A_1050 = arith.mulf %mul3A_1048, %add3A_1049 : vector<16xf32>
    %add3A_1051 = arith.addf %add3A_974, %mul3A_1050 : vector<16xf32>
    %get3A_1052 = arith.constant 3 : i32
    %get3A_1053 = arith.index_cast %get3A_1052 : i32 to index
    %get3A_1054 = arith.constant 81 : index
    %get3A_1055 = tpu.vector_load %arg4[%get3A_1053, %get3A_1054] {strides = array<i32>} : memref<11x336xf32, #tpu.memory_space<vmem>>, vector<1x16xf32>,
    %get3A_1056 = vector.shape_cast %get3A_1055 : vector<1x16xf32> to vector<16xf32>
    %mul3A_1057 = arith.mulf %get3A_1047, %get3A_1056 : vector<16xf32>
    %add3A_1058 = arith.addf %get3A_1047, %get3A_1056 : vector<16xf32>
    %mul3A_1059 = arith.mulf %mul3A_1057, %add3A_1058 : vector<16xf32>
    %add3A_1060 = arith.addf %add3A_983, %mul3A_1059 : vector<16xf32>
    %get3A_1061 = arith.constant 4 : i32
    %get3A_1062 = arith.index_cast %get3A_1061 : i32 to index
    %get3A_1063 = arith.constant 80 : index
    %get3A_1064 = tpu.vector_load %arg4[%get3A_1062, %get3A_1063] {strides = array<i32>} : memref<11x336xf32, #tpu.memory_space<vmem>>, vector<1x16xf32>,
    %get3A_1065 = vector.shape_cast %get3A_1064 : vector<1x16xf32> to vector<16xf32>
    %mul3A_1066 = arith.mulf %get3A_1047, %get3A_1065 : vector<16xf32>
    %add3A_1067 = arith.addf %get3A_1047, %get3A_1065 : vector<16xf32>
    %mul3A_1068 = arith.mulf %mul3A_1066, %add3A_1067 : vector<16xf32>
    %add3A_1069 = arith.addf %add3A_992, %mul3A_1068 : vector<16xf32>
    %get3A_1070 = arith.constant 4 : i32
    %get3A_1071 = arith.index_cast %get3A_1070 : i32 to index
    %get3A_1072 = arith.constant 81 : index
    %get3A_1073 = tpu.vector_load %arg4[%get3A_1071, %get3A_1072] {strides = array<i32>} : memref<11x336xf32, #tpu.memory_space<vmem>>, vector<1x16xf32>,
    %get3A_1074 = vector.shape_cast %get3A_1073 : vector<1x16xf32> to vector<16xf32>
    %mul3A_1075 = arith.mulf %get3A_1065, %get3A_1074 : vector<16xf32>
    %add3A_1076 = arith.addf %get3A_1065, %get3A_1074 : vector<16xf32>
    %mul3A_1077 = arith.mulf %mul3A_1075, %add3A_1076 : vector<16xf32>
    %add3A_1078 = arith.addf %add3A_1006, %mul3A_1077 : vector<16xf32>
    %get3A_1079 = arith.constant 5 : i32
    %get3A_1080 = arith.index_cast %get3A_1079 : i32 to index
    %get3A_1081 = arith.constant 80 : index
    %get3A_1082 = tpu.vector_load %arg4[%get3A_1080, %get3A_1081] {strides = array<i32>} : memref<11x336xf32, #tpu.memory_space<vmem>>, vector<1x16xf32>,
    %get3A_1083 = vector.shape_cast %get3A_1082 : vector<1x16xf32> to vector<16xf32>
    %mul3A_1084 = arith.mulf %get3A_1065, %get3A_1083 : vector<16xf32>
    %add3A_1085 = arith.addf %get3A_1065, %get3A_1083 : vector<16xf32>
    %mul3A_1086 = arith.mulf %mul3A_1084, %add3A_1085 : vector<16xf32>
    %add3A_1087 = arith.addf %add3A_1015, %mul3A_1086 : vector<16xf32>
    %get3A_1088 = arith.constant 5 : i32
    %get3A_1089 = arith.index_cast %get3A_1088 : i32 to index
    %get3A_1090 = arith.constant 81 : index
    %get3A_1091 = tpu.vector_load %arg4[%get3A_1089, %get3A_1090] {strides = array<i32>} : memref<11x336xf32, #tpu.memory_space<vmem>>, vector<1x16xf32>,
    %get3A_1092 = vector.shape_cast %get3A_1091 : vector<1x16xf32> to vector<16xf32>
    %mul3A_1093 = arith.mulf %get3A_1083, %get3A_1092 : vector<16xf32>
    %add3A_1094 = arith.addf %get3A_1083, %get3A_1092 : vector<16xf32>
    %mul3A_1095 = arith.mulf %mul3A_1093, %add3A_1094 : vector<16xf32>
    %add3A_1096 = arith.addf %add3A_1024, %mul3A_1095 : vector<16xf32>
    %get3A_1097 = arith.constant 6 : i32
    %get3A_1098 = arith.index_cast %get3A_1097 : i32 to index
    %get3A_1099 = arith.constant 80 : index
    %get3A_1100 = tpu.vector_load %arg4[%get3A_1098, %get3A_1099] {strides = array<i32>} : memref<11x336xf32, #tpu.memory_space<vmem>>, vector<1x16xf32>,
    %get3A_1101 = vector.shape_cast %get3A_1100 : vector<1x16xf32> to vector<16xf32>
    %mul3A_1102 = arith.mulf %get3A_1083, %get3A_1101 : vector<16xf32>
    %add3A_1103 = arith.addf %get3A_1083, %get3A_1101 : vector<16xf32>
    %mul3A_1104 = arith.mulf %mul3A_1102, %add3A_1103 : vector<16xf32>
    %add3A_1105 = arith.addf %add3A_1033, %mul3A_1104 : vector<16xf32>
    %get3A_1106 = arith.constant 6 : i32
    %get3A_1107 = arith.index_cast %get3A_1106 : i32 to index
    %get3A_1108 = arith.constant 81 : index
    %get3A_1109 = tpu.vector_load %arg4[%get3A_1107, %get3A_1108] {strides = array<i32>} : memref<11x336xf32, #tpu.memory_space<vmem>>, vector<1x16xf32>,
    %get3A_1110 = vector.shape_cast %get3A_1109 : vector<1x16xf32> to vector<16xf32>
    %mul3A_1111 = arith.mulf %get3A_1101, %get3A_1110 : vector<16xf32>
    %add3A_1112 = arith.addf %get3A_1101, %get3A_1110 : vector<16xf32>
    %mul3A_1113 = arith.mulf %mul3A_1111, %add3A_1112 : vector<16xf32>
    %add3A_1114 = arith.addf %add3A_1042, %mul3A_1113 : vector<16xf32>
    %get3A_1115 = arith.constant 7 : i32
    %get3A_1116 = arith.index_cast %get3A_1115 : i32 to index
    %get3A_1117 = arith.constant 80 : index
    %get3A_1118 = tpu.vector_load %arg4[%get3A_1116, %get3A_1117] {strides = array<i32>} : memref<11x336xf32, #tpu.memory_space<vmem>>, vector<1x16xf32>,
    %get3A_1119 = vector.shape_cast %get3A_1118 : vector<1x16xf32> to vector<16xf32>
    %mul3A_1120 = arith.mulf %get3A_1101, %get3A_1119 : vector<16xf32>
    %add3A_1121 = arith.addf %get3A_1101, %get3A_1119 : vector<16xf32>
    %mul3A_1122 = arith.mulf %mul3A_1120, %add3A_1121 : vector<16xf32>
    %add3A_1123 = arith.addf %add3A_1051, %mul3A_1122 : vector<16xf32>
    %get3A_1124 = arith.constant 7 : i32
    %get3A_1125 = arith.index_cast %get3A_1124 : i32 to index
    %get3A_1126 = arith.constant 81 : index
    %get3A_1127 = tpu.vector_load %arg4[%get3A_1125, %get3A_1126] {strides = array<i32>} : memref<11x336xf32, #tpu.memory_space<vmem>>, vector<1x16xf32>,
    %get3A_1128 = vector.shape_cast %get3A_1127 : vector<1x16xf32> to vector<16xf32>
    %mul3A_1129 = arith.mulf %get3A_1119, %get3A_1128 : vector<16xf32>
    %add3A_1130 = arith.addf %get3A_1119, %get3A_1128 : vector<16xf32>
    %mul3A_1131 = arith.mulf %mul3A_1129, %add3A_1130 : vector<16xf32>
    %add3A_1132 = arith.addf %add3A_1060, %mul3A_1131 : vector<16xf32>
    %get3A_1133 = arith.constant 8 : i32
    %get3A_1134 = arith.index_cast %get3A_1133 : i32 to index
    %get3A_1135 = arith.constant 80 : index
    %get3A_1136 = tpu.vector_load %arg4[%get3A_1134, %get3A_1135] {strides = array<i32>} : memref<11x336xf32, #tpu.memory_space<vmem>>, vector<1x16xf32>,
    %get3A_1137 = vector.shape_cast %get3A_1136 : vector<1x16xf32> to vector<16xf32>
    %mul3A_1138 = arith.mulf %get3A_1119, %get3A_1137 : vector<16xf32>
    %add3A_1139 = arith.addf %get3A_1119, %get3A_1137 : vector<16xf32>
    %mul3A_1140 = arith.mulf %mul3A_1138, %add3A_1139 : vector<16xf32>
    %add3A_1141 = arith.addf %add3A_1069, %mul3A_1140 : vector<16xf32>
    %get3A_1142 = arith.constant 8 : i32
    %get3A_1143 = arith.index_cast %get3A_1142 : i32 to index
    %get3A_1144 = arith.constant 81 : index
    %get3A_1145 = tpu.vector_load %arg4[%get3A_1143, %get3A_1144] {strides = array<i32>} : memref<11x336xf32, #tpu.memory_space<vmem>>, vector<1x16xf32>,
    %get3A_1146 = vector.shape_cast %get3A_1145 : vector<1x16xf32> to vector<16xf32>
    %mul3A_1147 = arith.mulf %get3A_1137, %get3A_1146 : vector<16xf32>
    %add3A_1148 = arith.addf %get3A_1137, %get3A_1146 : vector<16xf32>
    %mul3A_1149 = arith.mulf %mul3A_1147, %add3A_1148 : vector<16xf32>
    %add3A_1150 = arith.addf %add3A_1078, %mul3A_1149 : vector<16xf32>
    %get3A_1151 = arith.constant 9 : i32
    %get3A_1152 = arith.index_cast %get3A_1151 : i32 to index
    %get3A_1153 = arith.constant 80 : index
    %get3A_1154 = tpu.vector_load %arg4[%get3A_1152, %get3A_1153] {strides = array<i32>} : memref<11x336xf32, #tpu.memory_space<vmem>>, vector<1x16xf32>,
    %get3A_1155 = vector.shape_cast %get3A_1154 : vector<1x16xf32> to vector<16xf32>
    %mul3A_1156 = arith.mulf %get3A_1137, %get3A_1155 : vector<16xf32>
    %add3A_1157 = arith.addf %get3A_1137, %get3A_1155 : vector<16xf32>
    %mul3A_1158 = arith.mulf %mul3A_1156, %add3A_1157 : vector<16xf32>
    %add3A_1159 = arith.addf %add3A_1087, %mul3A_1158 : vector<16xf32>
    %get3A_1160 = arith.constant 9 : i32
    %get3A_1161 = arith.index_cast %get3A_1160 : i32 to index
    %get3A_1162 = arith.constant 81 : index
    %get3A_1163 = tpu.vector_load %arg4[%get3A_1161, %get3A_1162] {strides = array<i32>} : memref<11x336xf32, #tpu.memory_space<vmem>>, vector<1x16xf32>,
    %get3A_1164 = vector.shape_cast %get3A_1163 : vector<1x16xf32> to vector<16xf32>
    %mul3A_1165 = arith.mulf %get3A_1155, %get3A_1164 : vector<16xf32>
    %add3A_1166 = arith.addf %get3A_1155, %get3A_1164 : vector<16xf32>
    %mul3A_1167 = arith.mulf %mul3A_1165, %add3A_1166 : vector<16xf32>
    %add3A_1168 = arith.addf %add3A_1096, %mul3A_1167 : vector<16xf32>
    %get3A_1169 = arith.constant 10 : i32
    %get3A_1170 = arith.index_cast %get3A_1169 : i32 to index
    %get3A_1171 = arith.constant 80 : index
    %get3A_1172 = tpu.vector_load %arg4[%get3A_1170, %get3A_1171] {strides = array<i32>} : memref<11x336xf32, #tpu.memory_space<vmem>>, vector<1x16xf32>,
    %get3A_1173 = vector.shape_cast %get3A_1172 : vector<1x16xf32> to vector<16xf32>
    %mul3A_1174 = arith.mulf %get3A_1155, %get3A_1173 : vector<16xf32>
    %add3A_1175 = arith.addf %get3A_1155, %get3A_1173 : vector<16xf32>
    %mul3A_1176 = arith.mulf %mul3A_1174, %add3A_1175 : vector<16xf32>
    %add3A_1177 = arith.addf %add3A_1105, %mul3A_1176 : vector<16xf32>
    %get3A_1178 = arith.constant 0 : i32
    %get3A_1179 = arith.index_cast %get3A_1178 : i32 to index
    %get3A_1180 = arith.constant 96 : index
    %get3A_1181 = tpu.vector_load %arg4[%get3A_1179, %get3A_1180] {strides = array<i32>} : memref<11x336xf32, #tpu.memory_space<vmem>>, vector<1x16xf32>,
    %get3A_1182 = vector.shape_cast %get3A_1181 : vector<1x16xf32> to vector<16xf32>
    %get3A_1183 = arith.constant 0 : i32
    %get3A_1184 = arith.index_cast %get3A_1183 : i32 to index
    %get3A_1185 = arith.constant 97 : index
    %get3A_1186 = tpu.vector_load %arg4[%get3A_1184, %get3A_1185] {strides = array<i32>} : memref<11x336xf32, #tpu.memory_space<vmem>>, vector<1x16xf32>,
    %get3A_1187 = vector.shape_cast %get3A_1186 : vector<1x16xf32> to vector<16xf32>
    %mul3A_1188 = arith.mulf %get3A_1182, %get3A_1187 : vector<16xf32>
    %add3A_1189 = arith.addf %get3A_1182, %get3A_1187 : vector<16xf32>
    %mul3A_1190 = arith.mulf %mul3A_1188, %add3A_1189 : vector<16xf32>
    %add3A_1191 = arith.addf %add3A_1114, %mul3A_1190 : vector<16xf32>
    %get3A_1192 = arith.constant 1 : i32
    %get3A_1193 = arith.index_cast %get3A_1192 : i32 to index
    %get3A_1194 = arith.constant 96 : index
    %get3A_1195 = tpu.vector_load %arg4[%get3A_1193, %get3A_1194] {strides = array<i32>} : memref<11x336xf32, #tpu.memory_space<vmem>>, vector<1x16xf32>,
    %get3A_1196 = vector.shape_cast %get3A_1195 : vector<1x16xf32> to vector<16xf32>
    %mul3A_1197 = arith.mulf %get3A_1182, %get3A_1196 : vector<16xf32>
    %add3A_1198 = arith.addf %get3A_1182, %get3A_1196 : vector<16xf32>
    %mul3A_1199 = arith.mulf %mul3A_1197, %add3A_1198 : vector<16xf32>
    %add3A_1200 = arith.addf %add3A_1123, %mul3A_1199 : vector<16xf32>
    %get3A_1201 = arith.constant 1 : i32
    %get3A_1202 = arith.index_cast %get3A_1201 : i32 to index
    %get3A_1203 = arith.constant 97 : index
    %get3A_1204 = tpu.vector_load %arg4[%get3A_1202, %get3A_1203] {strides = array<i32>} : memref<11x336xf32, #tpu.memory_space<vmem>>, vector<1x16xf32>,
    %get3A_1205 = vector.shape_cast %get3A_1204 : vector<1x16xf32> to vector<16xf32>
    %mul3A_1206 = arith.mulf %get3A_1196, %get3A_1205 : vector<16xf32>
    %add3A_1207 = arith.addf %get3A_1196, %get3A_1205 : vector<16xf32>
    %mul3A_1208 = arith.mulf %mul3A_1206, %add3A_1207 : vector<16xf32>
    %add3A_1209 = arith.addf %add3A_1132, %mul3A_1208 : vector<16xf32>
    %get3A_1210 = arith.constant 2 : i32
    %get3A_1211 = arith.index_cast %get3A_1210 : i32 to index
    %get3A_1212 = arith.constant 96 : index
    %get3A_1213 = tpu.vector_load %arg4[%get3A_1211, %get3A_1212] {strides = array<i32>} : memref<11x336xf32, #tpu.memory_space<vmem>>, vector<1x16xf32>,
    %get3A_1214 = vector.shape_cast %get3A_1213 : vector<1x16xf32> to vector<16xf32>
    %mul3A_1215 = arith.mulf %get3A_1196, %get3A_1214 : vector<16xf32>
    %add3A_1216 = arith.addf %get3A_1196, %get3A_1214 : vector<16xf32>
    %mul3A_1217 = arith.mulf %mul3A_1215, %add3A_1216 : vector<16xf32>
    %add3A_1218 = arith.addf %add3A_1141, %mul3A_1217 : vector<16xf32>
    %get3A_1219 = arith.constant 2 : i32
    %get3A_1220 = arith.index_cast %get3A_1219 : i32 to index
    %get3A_1221 = arith.constant 97 : index
    %get3A_1222 = tpu.vector_load %arg4[%get3A_1220, %get3A_1221] {strides = array<i32>} : memref<11x336xf32, #tpu.memory_space<vmem>>, vector<1x16xf32>,
    %get3A_1223 = vector.shape_cast %get3A_1222 : vector<1x16xf32> to vector<16xf32>
    %mul3A_1224 = arith.mulf %get3A_1214, %get3A_1223 : vector<16xf32>
    %add3A_1225 = arith.addf %get3A_1214, %get3A_1223 : vector<16xf32>
    %mul3A_1226 = arith.mulf %mul3A_1224, %add3A_1225 : vector<16xf32>
    %add3A_1227 = arith.addf %add3A_1150, %mul3A_1226 : vector<16xf32>
    %get3A_1228 = arith.constant 3 : i32
    %get3A_1229 = arith.index_cast %get3A_1228 : i32 to index
    %get3A_1230 = arith.constant 96 : index
    %get3A_1231 = tpu.vector_load %arg4[%get3A_1229, %get3A_1230] {strides = array<i32>} : memref<11x336xf32, #tpu.memory_space<vmem>>, vector<1x16xf32>,
    %get3A_1232 = vector.shape_cast %get3A_1231 : vector<1x16xf32> to vector<16xf32>
    %mul3A_1233 = arith.mulf %get3A_1214, %get3A_1232 : vector<16xf32>
    %add3A_1234 = arith.addf %get3A_1214, %get3A_1232 : vector<16xf32>
    %mul3A_1235 = arith.mulf %mul3A_1233, %add3A_1234 : vector<16xf32>
    %add3A_1236 = arith.addf %add3A_1159, %mul3A_1235 : vector<16xf32>
    %get3A_1237 = arith.constant 3 : i32
    %get3A_1238 = arith.index_cast %get3A_1237 : i32 to index
    %get3A_1239 = arith.constant 97 : index
    %get3A_1240 = tpu.vector_load %arg4[%get3A_1238, %get3A_1239] {strides = array<i32>} : memref<11x336xf32, #tpu.memory_space<vmem>>, vector<1x16xf32>,
    %get3A_1241 = vector.shape_cast %get3A_1240 : vector<1x16xf32> to vector<16xf32>
    %mul3A_1242 = arith.mulf %get3A_1232, %get3A_1241 : vector<16xf32>
    %add3A_1243 = arith.addf %get3A_1232, %get3A_1241 : vector<16xf32>
    %mul3A_1244 = arith.mulf %mul3A_1242, %add3A_1243 : vector<16xf32>
    %add3A_1245 = arith.addf %add3A_1168, %mul3A_1244 : vector<16xf32>
    %get3A_1246 = arith.constant 4 : i32
    %get3A_1247 = arith.index_cast %get3A_1246 : i32 to index
    %get3A_1248 = arith.constant 96 : index
    %get3A_1249 = tpu.vector_load %arg4[%get3A_1247, %get3A_1248] {strides = array<i32>} : memref<11x336xf32, #tpu.memory_space<vmem>>, vector<1x16xf32>,
    %get3A_1250 = vector.shape_cast %get3A_1249 : vector<1x16xf32> to vector<16xf32>
    %mul3A_1251 = arith.mulf %get3A_1232, %get3A_1250 : vector<16xf32>
    %add3A_1252 = arith.addf %get3A_1232, %get3A_1250 : vector<16xf32>
    %mul3A_1253 = arith.mulf %mul3A_1251, %add3A_1252 : vector<16xf32>
    %add3A_1254 = arith.addf %add3A_1177, %mul3A_1253 : vector<16xf32>
    %get3A_1255 = arith.constant 4 : i32
    %get3A_1256 = arith.index_cast %get3A_1255 : i32 to index
    %get3A_1257 = arith.constant 97 : index
    %get3A_1258 = tpu.vector_load %arg4[%get3A_1256, %get3A_1257] {strides = array<i32>} : memref<11x336xf32, #tpu.memory_space<vmem>>, vector<1x16xf32>,
    %get3A_1259 = vector.shape_cast %get3A_1258 : vector<1x16xf32> to vector<16xf32>
    %mul3A_1260 = arith.mulf %get3A_1250, %get3A_1259 : vector<16xf32>
    %add3A_1261 = arith.addf %get3A_1250, %get3A_1259 : vector<16xf32>
    %mul3A_1262 = arith.mulf %mul3A_1260, %add3A_1261 : vector<16xf32>
    %add3A_1263 = arith.addf %add3A_1191, %mul3A_1262 : vector<16xf32>
    %get3A_1264 = arith.constant 5 : i32
    %get3A_1265 = arith.index_cast %get3A_1264 : i32 to index
    %get3A_1266 = arith.constant 96 : index
    %get3A_1267 = tpu.vector_load %arg4[%get3A_1265, %get3A_1266] {strides = array<i32>} : memref<11x336xf32, #tpu.memory_space<vmem>>, vector<1x16xf32>,
    %get3A_1268 = vector.shape_cast %get3A_1267 : vector<1x16xf32> to vector<16xf32>
    %mul3A_1269 = arith.mulf %get3A_1250, %get3A_1268 : vector<16xf32>
    %add3A_1270 = arith.addf %get3A_1250, %get3A_1268 : vector<16xf32>
    %mul3A_1271 = arith.mulf %mul3A_1269, %add3A_1270 : vector<16xf32>
    %add3A_1272 = arith.addf %add3A_1200, %mul3A_1271 : vector<16xf32>
    %get3A_1273 = arith.constant 5 : i32
    %get3A_1274 = arith.index_cast %get3A_1273 : i32 to index
    %get3A_1275 = arith.constant 97 : index
    %get3A_1276 = tpu.vector_load %arg4[%get3A_1274, %get3A_1275] {strides = array<i32>} : memref<11x336xf32, #tpu.memory_space<vmem>>, vector<1x16xf32>,
    %get3A_1277 = vector.shape_cast %get3A_1276 : vector<1x16xf32> to vector<16xf32>
    %mul3A_1278 = arith.mulf %get3A_1268, %get3A_1277 : vector<16xf32>
    %add3A_1279 = arith.addf %get3A_1268, %get3A_1277 : vector<16xf32>
    %mul3A_1280 = arith.mulf %mul3A_1278, %add3A_1279 : vector<16xf32>
    %add3A_1281 = arith.addf %add3A_1209, %mul3A_1280 : vector<16xf32>
    %get3A_1282 = arith.constant 6 : i32
    %get3A_1283 = arith.index_cast %get3A_1282 : i32 to index
    %get3A_1284 = arith.constant 96 : index
    %get3A_1285 = tpu.vector_load %arg4[%get3A_1283, %get3A_1284] {strides = array<i32>} : memref<11x336xf32, #tpu.memory_space<vmem>>, vector<1x16xf32>,
    %get3A_1286 = vector.shape_cast %get3A_1285 : vector<1x16xf32> to vector<16xf32>
    %mul3A_1287 = arith.mulf %get3A_1268, %get3A_1286 : vector<16xf32>
    %add3A_1288 = arith.addf %get3A_1268, %get3A_1286 : vector<16xf32>
    %mul3A_1289 = arith.mulf %mul3A_1287, %add3A_1288 : vector<16xf32>
    %add3A_1290 = arith.addf %add3A_1218, %mul3A_1289 : vector<16xf32>
    %get3A_1291 = arith.constant 6 : i32
    %get3A_1292 = arith.index_cast %get3A_1291 : i32 to index
    %get3A_1293 = arith.constant 97 : index
    %get3A_1294 = tpu.vector_load %arg4[%get3A_1292, %get3A_1293] {strides = array<i32>} : memref<11x336xf32, #tpu.memory_space<vmem>>, vector<1x16xf32>,
    %get3A_1295 = vector.shape_cast %get3A_1294 : vector<1x16xf32> to vector<16xf32>
    %mul3A_1296 = arith.mulf %get3A_1286, %get3A_1295 : vector<16xf32>
    %add3A_1297 = arith.addf %get3A_1286, %get3A_1295 : vector<16xf32>
    %mul3A_1298 = arith.mulf %mul3A_1296, %add3A_1297 : vector<16xf32>
    %add3A_1299 = arith.addf %add3A_1227, %mul3A_1298 : vector<16xf32>
    %get3A_1300 = arith.constant 7 : i32
    %get3A_1301 = arith.index_cast %get3A_1300 : i32 to index
    %get3A_1302 = arith.constant 96 : index
    %get3A_1303 = tpu.vector_load %arg4[%get3A_1301, %get3A_1302] {strides = array<i32>} : memref<11x336xf32, #tpu.memory_space<vmem>>, vector<1x16xf32>,
    %get3A_1304 = vector.shape_cast %get3A_1303 : vector<1x16xf32> to vector<16xf32>
    %mul3A_1305 = arith.mulf %get3A_1286, %get3A_1304 : vector<16xf32>
    %add3A_1306 = arith.addf %get3A_1286, %get3A_1304 : vector<16xf32>
    %mul3A_1307 = arith.mulf %mul3A_1305, %add3A_1306 : vector<16xf32>
    %add3A_1308 = arith.addf %add3A_1236, %mul3A_1307 : vector<16xf32>
    %get3A_1309 = arith.constant 7 : i32
    %get3A_1310 = arith.index_cast %get3A_1309 : i32 to index
    %get3A_1311 = arith.constant 97 : index
    %get3A_1312 = tpu.vector_load %arg4[%get3A_1310, %get3A_1311] {strides = array<i32>} : memref<11x336xf32, #tpu.memory_space<vmem>>, vector<1x16xf32>,
    %get3A_1313 = vector.shape_cast %get3A_1312 : vector<1x16xf32> to vector<16xf32>
    %mul3A_1314 = arith.mulf %get3A_1304, %get3A_1313 : vector<16xf32>
    %add3A_1315 = arith.addf %get3A_1304, %get3A_1313 : vector<16xf32>
    %mul3A_1316 = arith.mulf %mul3A_1314, %add3A_1315 : vector<16xf32>
    %add3A_1317 = arith.addf %add3A_1245, %mul3A_1316 : vector<16xf32>
    %get3A_1318 = arith.constant 8 : i32
    %get3A_1319 = arith.index_cast %get3A_1318 : i32 to index
    %get3A_1320 = arith.constant 96 : index
    %get3A_1321 = tpu.vector_load %arg4[%get3A_1319, %get3A_1320] {strides = array<i32>} : memref<11x336xf32, #tpu.memory_space<vmem>>, vector<1x16xf32>,
    %get3A_1322 = vector.shape_cast %get3A_1321 : vector<1x16xf32> to vector<16xf32>
    %mul3A_1323 = arith.mulf %get3A_1304, %get3A_1322 : vector<16xf32>
    %add3A_1324 = arith.addf %get3A_1304, %get3A_1322 : vector<16xf32>
    %mul3A_1325 = arith.mulf %mul3A_1323, %add3A_1324 : vector<16xf32>
    %add3A_1326 = arith.addf %add3A_1254, %mul3A_1325 : vector<16xf32>
    %get3A_1327 = arith.constant 8 : i32
    %get3A_1328 = arith.index_cast %get3A_1327 : i32 to index
    %get3A_1329 = arith.constant 97 : index
    %get3A_1330 = tpu.vector_load %arg4[%get3A_1328, %get3A_1329] {strides = array<i32>} : memref<11x336xf32, #tpu.memory_space<vmem>>, vector<1x16xf32>,
    %get3A_1331 = vector.shape_cast %get3A_1330 : vector<1x16xf32> to vector<16xf32>
    %mul3A_1332 = arith.mulf %get3A_1322, %get3A_1331 : vector<16xf32>
    %add3A_1333 = arith.addf %get3A_1322, %get3A_1331 : vector<16xf32>
    %mul3A_1334 = arith.mulf %mul3A_1332, %add3A_1333 : vector<16xf32>
    %add3A_1335 = arith.addf %add3A_1263, %mul3A_1334 : vector<16xf32>
    %get3A_1336 = arith.constant 9 : i32
    %get3A_1337 = arith.index_cast %get3A_1336 : i32 to index
    %get3A_1338 = arith.constant 96 : index
    %get3A_1339 = tpu.vector_load %arg4[%get3A_1337, %get3A_1338] {strides = array<i32>} : memref<11x336xf32, #tpu.memory_space<vmem>>, vector<1x16xf32>,
    %get3A_1340 = vector.shape_cast %get3A_1339 : vector<1x16xf32> to vector<16xf32>
    %mul3A_1341 = arith.mulf %get3A_1322, %get3A_1340 : vector<16xf32>
    %add3A_1342 = arith.addf %get3A_1322, %get3A_1340 : vector<16xf32>
    %mul3A_1343 = arith.mulf %mul3A_1341, %add3A_1342 : vector<16xf32>
    %add3A_1344 = arith.addf %add3A_1272, %mul3A_1343 : vector<16xf32>
    %get3A_1345 = arith.constant 9 : i32
    %get3A_1346 = arith.index_cast %get3A_1345 : i32 to index
    %get3A_1347 = arith.constant 97 : index
    %get3A_1348 = tpu.vector_load %arg4[%get3A_1346, %get3A_1347] {strides = array<i32>} : memref<11x336xf32, #tpu.memory_space<vmem>>, vector<1x16xf32>,
    %get3A_1349 = vector.shape_cast %get3A_1348 : vector<1x16xf32> to vector<16xf32>
    %mul3A_1350 = arith.mulf %get3A_1340, %get3A_1349 : vector<16xf32>
    %add3A_1351 = arith.addf %get3A_1340, %get3A_1349 : vector<16xf32>
    %mul3A_1352 = arith.mulf %mul3A_1350, %add3A_1351 : vector<16xf32>
    %add3A_1353 = arith.addf %add3A_1281, %mul3A_1352 : vector<16xf32>
    %get3A_1354 = arith.constant 10 : i32
    %get3A_1355 = arith.index_cast %get3A_1354 : i32 to index
    %get3A_1356 = arith.constant 96 : index
    %get3A_1357 = tpu.vector_load %arg4[%get3A_1355, %get3A_1356] {strides = array<i32>} : memref<11x336xf32, #tpu.memory_space<vmem>>, vector<1x16xf32>,
    %get3A_1358 = vector.shape_cast %get3A_1357 : vector<1x16xf32> to vector<16xf32>
    %mul3A_1359 = arith.mulf %get3A_1340, %get3A_1358 : vector<16xf32>
    %add3A_1360 = arith.addf %get3A_1340, %get3A_1358 : vector<16xf32>
    %mul3A_1361 = arith.mulf %mul3A_1359, %add3A_1360 : vector<16xf32>
    %add3A_1362 = arith.addf %add3A_1290, %mul3A_1361 : vector<16xf32>
    %get3A_1363 = arith.constant 0 : i32
    %get3A_1364 = arith.index_cast %get3A_1363 : i32 to index
    %get3A_1365 = arith.constant 112 : index
    %get3A_1366 = tpu.vector_load %arg4[%get3A_1364, %get3A_1365] {strides = array<i32>} : memref<11x336xf32, #tpu.memory_space<vmem>>, vector<1x16xf32>,
    %get3A_1367 = vector.shape_cast %get3A_1366 : vector<1x16xf32> to vector<16xf32>
    %get3A_1368 = arith.constant 0 : i32
    %get3A_1369 = arith.index_cast %get3A_1368 : i32 to index
    %get3A_1370 = arith.constant 113 : index
    %get3A_1371 = tpu.vector_load %arg4[%get3A_1369, %get3A_1370] {strides = array<i32>} : memref<11x336xf32, #tpu.memory_space<vmem>>, vector<1x16xf32>,
    %get3A_1372 = vector.shape_cast %get3A_1371 : vector<1x16xf32> to vector<16xf32>
    %mul3A_1373 = arith.mulf %get3A_1367, %get3A_1372 : vector<16xf32>
    %add3A_1374 = arith.addf %get3A_1367, %get3A_1372 : vector<16xf32>
    %mul3A_1375 = arith.mulf %mul3A_1373, %add3A_1374 : vector<16xf32>
    %add3A_1376 = arith.addf %add3A_1299, %mul3A_1375 : vector<16xf32>
    %get3A_1377 = arith.constant 1 : i32
    %get3A_1378 = arith.index_cast %get3A_1377 : i32 to index
    %get3A_1379 = arith.constant 112 : index
    %get3A_1380 = tpu.vector_load %arg4[%get3A_1378, %get3A_1379] {strides = array<i32>} : memref<11x336xf32, #tpu.memory_space<vmem>>, vector<1x16xf32>,
    %get3A_1381 = vector.shape_cast %get3A_1380 : vector<1x16xf32> to vector<16xf32>
    %mul3A_1382 = arith.mulf %get3A_1367, %get3A_1381 : vector<16xf32>
    %add3A_1383 = arith.addf %get3A_1367, %get3A_1381 : vector<16xf32>
    %mul3A_1384 = arith.mulf %mul3A_1382, %add3A_1383 : vector<16xf32>
    %add3A_1385 = arith.addf %add3A_1308, %mul3A_1384 : vector<16xf32>
    %get3A_1386 = arith.constant 1 : i32
    %get3A_1387 = arith.index_cast %get3A_1386 : i32 to index
    %get3A_1388 = arith.constant 113 : index
    %get3A_1389 = tpu.vector_load %arg4[%get3A_1387, %get3A_1388] {strides = array<i32>} : memref<11x336xf32, #tpu.memory_space<vmem>>, vector<1x16xf32>,
    %get3A_1390 = vector.shape_cast %get3A_1389 : vector<1x16xf32> to vector<16xf32>
    %mul3A_1391 = arith.mulf %get3A_1381, %get3A_1390 : vector<16xf32>
    %add3A_1392 = arith.addf %get3A_1381, %get3A_1390 : vector<16xf32>
    %mul3A_1393 = arith.mulf %mul3A_1391, %add3A_1392 : vector<16xf32>
    %add3A_1394 = arith.addf %add3A_1317, %mul3A_1393 : vector<16xf32>
    %get3A_1395 = arith.constant 2 : i32
    %get3A_1396 = arith.index_cast %get3A_1395 : i32 to index
    %get3A_1397 = arith.constant 112 : index
    %get3A_1398 = tpu.vector_load %arg4[%get3A_1396, %get3A_1397] {strides = array<i32>} : memref<11x336xf32, #tpu.memory_space<vmem>>, vector<1x16xf32>,
    %get3A_1399 = vector.shape_cast %get3A_1398 : vector<1x16xf32> to vector<16xf32>
    %mul3A_1400 = arith.mulf %get3A_1381, %get3A_1399 : vector<16xf32>
    %add3A_1401 = arith.addf %get3A_1381, %get3A_1399 : vector<16xf32>
    %mul3A_1402 = arith.mulf %mul3A_1400, %add3A_1401 : vector<16xf32>
    %add3A_1403 = arith.addf %add3A_1326, %mul3A_1402 : vector<16xf32>
    %get3A_1404 = arith.constant 2 : i32
    %get3A_1405 = arith.index_cast %get3A_1404 : i32 to index
    %get3A_1406 = arith.constant 113 : index
    %get3A_1407 = tpu.vector_load %arg4[%get3A_1405, %get3A_1406] {strides = array<i32>} : memref<11x336xf32, #tpu.memory_space<vmem>>, vector<1x16xf32>,
    %get3A_1408 = vector.shape_cast %get3A_1407 : vector<1x16xf32> to vector<16xf32>
    %mul3A_1409 = arith.mulf %get3A_1399, %get3A_1408 : vector<16xf32>
    %add3A_1410 = arith.addf %get3A_1399, %get3A_1408 : vector<16xf32>
    %mul3A_1411 = arith.mulf %mul3A_1409, %add3A_1410 : vector<16xf32>
    %add3A_1412 = arith.addf %add3A_1335, %mul3A_1411 : vector<16xf32>
    %get3A_1413 = arith.constant 3 : i32
    %get3A_1414 = arith.index_cast %get3A_1413 : i32 to index
    %get3A_1415 = arith.constant 112 : index
    %get3A_1416 = tpu.vector_load %arg4[%get3A_1414, %get3A_1415] {strides = array<i32>} : memref<11x336xf32, #tpu.memory_space<vmem>>, vector<1x16xf32>,
    %get3A_1417 = vector.shape_cast %get3A_1416 : vector<1x16xf32> to vector<16xf32>
    %mul3A_1418 = arith.mulf %get3A_1399, %get3A_1417 : vector<16xf32>
    %add3A_1419 = arith.addf %get3A_1399, %get3A_1417 : vector<16xf32>
    %mul3A_1420 = arith.mulf %mul3A_1418, %add3A_1419 : vector<16xf32>
    %add3A_1421 = arith.addf %add3A_1344, %mul3A_1420 : vector<16xf32>
    %get3A_1422 = arith.constant 3 : i32
    %get3A_1423 = arith.index_cast %get3A_1422 : i32 to index
    %get3A_1424 = arith.constant 113 : index
    %get3A_1425 = tpu.vector_load %arg4[%get3A_1423, %get3A_1424] {strides = array<i32>} : memref<11x336xf32, #tpu.memory_space<vmem>>, vector<1x16xf32>,
    %get3A_1426 = vector.shape_cast %get3A_1425 : vector<1x16xf32> to vector<16xf32>
    %mul3A_1427 = arith.mulf %get3A_1417, %get3A_1426 : vector<16xf32>
    %add3A_1428 = arith.addf %get3A_1417, %get3A_1426 : vector<16xf32>
    %mul3A_1429 = arith.mulf %mul3A_1427, %add3A_1428 : vector<16xf32>
    %add3A_1430 = arith.addf %add3A_1353, %mul3A_1429 : vector<16xf32>
    %get3A_1431 = arith.constant 4 : i32
    %get3A_1432 = arith.index_cast %get3A_1431 : i32 to index
    %get3A_1433 = arith.constant 112 : index
    %get3A_1434 = tpu.vector_load %arg4[%get3A_1432, %get3A_1433] {strides = array<i32>} : memref<11x336xf32, #tpu.memory_space<vmem>>, vector<1x16xf32>,
    %get3A_1435 = vector.shape_cast %get3A_1434 : vector<1x16xf32> to vector<16xf32>
    %mul3A_1436 = arith.mulf %get3A_1417, %get3A_1435 : vector<16xf32>
    %add3A_1437 = arith.addf %get3A_1417, %get3A_1435 : vector<16xf32>
    %mul3A_1438 = arith.mulf %mul3A_1436, %add3A_1437 : vector<16xf32>
    %add3A_1439 = arith.addf %add3A_1362, %mul3A_1438 : vector<16xf32>
    %get3A_1440 = arith.constant 4 : i32
    %get3A_1441 = arith.index_cast %get3A_1440 : i32 to index
    %get3A_1442 = arith.constant 113 : index
    %get3A_1443 = tpu.vector_load %arg4[%get3A_1441, %get3A_1442] {strides = array<i32>} : memref<11x336xf32, #tpu.memory_space<vmem>>, vector<1x16xf32>,
    %get3A_1444 = vector.shape_cast %get3A_1443 : vector<1x16xf32> to vector<16xf32>
    %mul3A_1445 = arith.mulf %get3A_1435, %get3A_1444 : vector<16xf32>
    %add3A_1446 = arith.addf %get3A_1435, %get3A_1444 : vector<16xf32>
    %mul3A_1447 = arith.mulf %mul3A_1445, %add3A_1446 : vector<16xf32>
    %add3A_1448 = arith.addf %add3A_1376, %mul3A_1447 : vector<16xf32>
    %get3A_1449 = arith.constant 5 : i32
    %get3A_1450 = arith.index_cast %get3A_1449 : i32 to index
    %get3A_1451 = arith.constant 112 : index
    %get3A_1452 = tpu.vector_load %arg4[%get3A_1450, %get3A_1451] {strides = array<i32>} : memref<11x336xf32, #tpu.memory_space<vmem>>, vector<1x16xf32>,
    %get3A_1453 = vector.shape_cast %get3A_1452 : vector<1x16xf32> to vector<16xf32>
    %mul3A_1454 = arith.mulf %get3A_1435, %get3A_1453 : vector<16xf32>
    %add3A_1455 = arith.addf %get3A_1435, %get3A_1453 : vector<16xf32>
    %mul3A_1456 = arith.mulf %mul3A_1454, %add3A_1455 : vector<16xf32>
    %add3A_1457 = arith.addf %add3A_1385, %mul3A_1456 : vector<16xf32>
    %get3A_1458 = arith.constant 5 : i32
    %get3A_1459 = arith.index_cast %get3A_1458 : i32 to index
    %get3A_1460 = arith.constant 113 : index
    %get3A_1461 = tpu.vector_load %arg4[%get3A_1459, %get3A_1460] {strides = array<i32>} : memref<11x336xf32, #tpu.memory_space<vmem>>, vector<1x16xf32>,
    %get3A_1462 = vector.shape_cast %get3A_1461 : vector<1x16xf32> to vector<16xf32>
    %mul3A_1463 = arith.mulf %get3A_1453, %get3A_1462 : vector<16xf32>
    %add3A_1464 = arith.addf %get3A_1453, %get3A_1462 : vector<16xf32>
    %mul3A_1465 = arith.mulf %mul3A_1463, %add3A_1464 : vector<16xf32>
    %add3A_1466 = arith.addf %add3A_1394, %mul3A_1465 : vector<16xf32>
    %get3A_1467 = arith.constant 6 : i32
    %get3A_1468 = arith.index_cast %get3A_1467 : i32 to index
    %get3A_1469 = arith.constant 112 : index
    %get3A_1470 = tpu.vector_load %arg4[%get3A_1468, %get3A_1469] {strides = array<i32>} : memref<11x336xf32, #tpu.memory_space<vmem>>, vector<1x16xf32>,
    %get3A_1471 = vector.shape_cast %get3A_1470 : vector<1x16xf32> to vector<16xf32>
    %mul3A_1472 = arith.mulf %get3A_1453, %get3A_1471 : vector<16xf32>
    %add3A_1473 = arith.addf %get3A_1453, %get3A_1471 : vector<16xf32>
    %mul3A_1474 = arith.mulf %mul3A_1472, %add3A_1473 : vector<16xf32>
    %add3A_1475 = arith.addf %add3A_1403, %mul3A_1474 : vector<16xf32>
    %get3A_1476 = arith.constant 6 : i32
    %get3A_1477 = arith.index_cast %get3A_1476 : i32 to index
    %get3A_1478 = arith.constant 113 : index
    %get3A_1479 = tpu.vector_load %arg4[%get3A_1477, %get3A_1478] {strides = array<i32>} : memref<11x336xf32, #tpu.memory_space<vmem>>, vector<1x16xf32>,
    %get3A_1480 = vector.shape_cast %get3A_1479 : vector<1x16xf32> to vector<16xf32>
    %mul3A_1481 = arith.mulf %get3A_1471, %get3A_1480 : vector<16xf32>
    %add3A_1482 = arith.addf %get3A_1471, %get3A_1480 : vector<16xf32>
    %mul3A_1483 = arith.mulf %mul3A_1481, %add3A_1482 : vector<16xf32>
    %add3A_1484 = arith.addf %add3A_1412, %mul3A_1483 : vector<16xf32>
    %get3A_1485 = arith.constant 7 : i32
    %get3A_1486 = arith.index_cast %get3A_1485 : i32 to index
    %get3A_1487 = arith.constant 112 : index
    %get3A_1488 = tpu.vector_load %arg4[%get3A_1486, %get3A_1487] {strides = array<i32>} : memref<11x336xf32, #tpu.memory_space<vmem>>, vector<1x16xf32>,
    %get3A_1489 = vector.shape_cast %get3A_1488 : vector<1x16xf32> to vector<16xf32>
    %mul3A_1490 = arith.mulf %get3A_1471, %get3A_1489 : vector<16xf32>
    %add3A_1491 = arith.addf %get3A_1471, %get3A_1489 : vector<16xf32>
    %mul3A_1492 = arith.mulf %mul3A_1490, %add3A_1491 : vector<16xf32>
    %add3A_1493 = arith.addf %add3A_1421, %mul3A_1492 : vector<16xf32>
    %get3A_1494 = arith.constant 7 : i32
    %get3A_1495 = arith.index_cast %get3A_1494 : i32 to index
    %get3A_1496 = arith.constant 113 : index
    %get3A_1497 = tpu.vector_load %arg4[%get3A_1495, %get3A_1496] {strides = array<i32>} : memref<11x336xf32, #tpu.memory_space<vmem>>, vector<1x16xf32>,
    %get3A_1498 = vector.shape_cast %get3A_1497 : vector<1x16xf32> to vector<16xf32>
    %mul3A_1499 = arith.mulf %get3A_1489, %get3A_1498 : vector<16xf32>
    %add3A_1500 = arith.addf %get3A_1489, %get3A_1498 : vector<16xf32>
    %mul3A_1501 = arith.mulf %mul3A_1499, %add3A_1500 : vector<16xf32>
    %add3A_1502 = arith.addf %add3A_1430, %mul3A_1501 : vector<16xf32>
    %get3A_1503 = arith.constant 8 : i32
    %get3A_1504 = arith.index_cast %get3A_1503 : i32 to index
    %get3A_1505 = arith.constant 112 : index
    %get3A_1506 = tpu.vector_load %arg4[%get3A_1504, %get3A_1505] {strides = array<i32>} : memref<11x336xf32, #tpu.memory_space<vmem>>, vector<1x16xf32>,
    %get3A_1507 = vector.shape_cast %get3A_1506 : vector<1x16xf32> to vector<16xf32>
    %mul3A_1508 = arith.mulf %get3A_1489, %get3A_1507 : vector<16xf32>
    %add3A_1509 = arith.addf %get3A_1489, %get3A_1507 : vector<16xf32>
    %mul3A_1510 = arith.mulf %mul3A_1508, %add3A_1509 : vector<16xf32>
    %add3A_1511 = arith.addf %add3A_1439, %mul3A_1510 : vector<16xf32>
    %get3A_1512 = arith.constant 8 : i32
    %get3A_1513 = arith.index_cast %get3A_1512 : i32 to index
    %get3A_1514 = arith.constant 113 : index
    %get3A_1515 = tpu.vector_load %arg4[%get3A_1513, %get3A_1514] {strides = array<i32>} : memref<11x336xf32, #tpu.memory_space<vmem>>, vector<1x16xf32>,
    %get3A_1516 = vector.shape_cast %get3A_1515 : vector<1x16xf32> to vector<16xf32>
    %mul3A_1517 = arith.mulf %get3A_1507, %get3A_1516 : vector<16xf32>
    %add3A_1518 = arith.addf %get3A_1507, %get3A_1516 : vector<16xf32>
    %mul3A_1519 = arith.mulf %mul3A_1517, %add3A_1518 : vector<16xf32>
    %add3A_1520 = arith.addf %add3A_1448, %mul3A_1519 : vector<16xf32>
    %get3A_1521 = arith.constant 9 : i32
    %get3A_1522 = arith.index_cast %get3A_1521 : i32 to index
    %get3A_1523 = arith.constant 112 : index
    %get3A_1524 = tpu.vector_load %arg4[%get3A_1522, %get3A_1523] {strides = array<i32>} : memref<11x336xf32, #tpu.memory_space<vmem>>, vector<1x16xf32>,
    %get3A_1525 = vector.shape_cast %get3A_1524 : vector<1x16xf32> to vector<16xf32>
    %mul3A_1526 = arith.mulf %get3A_1507, %get3A_1525 : vector<16xf32>
    %add3A_1527 = arith.addf %get3A_1507, %get3A_1525 : vector<16xf32>
    %mul3A_1528 = arith.mulf %mul3A_1526, %add3A_1527 : vector<16xf32>
    %add3A_1529 = arith.addf %add3A_1457, %mul3A_1528 : vector<16xf32>
    %get3A_1530 = arith.constant 9 : i32
    %get3A_1531 = arith.index_cast %get3A_1530 : i32 to index
    %get3A_1532 = arith.constant 113 : index
    %get3A_1533 = tpu.vector_load %arg4[%get3A_1531, %get3A_1532] {strides = array<i32>} : memref<11x336xf32, #tpu.memory_space<vmem>>, vector<1x16xf32>,
    %get3A_1534 = vector.shape_cast %get3A_1533 : vector<1x16xf32> to vector<16xf32>
    %mul3A_1535 = arith.mulf %get3A_1525, %get3A_1534 : vector<16xf32>
    %add3A_1536 = arith.addf %get3A_1525, %get3A_1534 : vector<16xf32>
    %mul3A_1537 = arith.mulf %mul3A_1535, %add3A_1536 : vector<16xf32>
    %add3A_1538 = arith.addf %add3A_1466, %mul3A_1537 : vector<16xf32>
    %get3A_1539 = arith.constant 10 : i32
    %get3A_1540 = arith.index_cast %get3A_1539 : i32 to index
    %get3A_1541 = arith.constant 112 : index
    %get3A_1542 = tpu.vector_load %arg4[%get3A_1540, %get3A_1541] {strides = array<i32>} : memref<11x336xf32, #tpu.memory_space<vmem>>, vector<1x16xf32>,
    %get3A_1543 = vector.shape_cast %get3A_1542 : vector<1x16xf32> to vector<16xf32>
    %mul3A_1544 = arith.mulf %get3A_1525, %get3A_1543 : vector<16xf32>
    %add3A_1545 = arith.addf %get3A_1525, %get3A_1543 : vector<16xf32>
    %mul3A_1546 = arith.mulf %mul3A_1544, %add3A_1545 : vector<16xf32>
    %add3A_1547 = arith.addf %add3A_1475, %mul3A_1546 : vector<16xf32>
    %get3A_1548 = arith.constant 0 : i32
    %get3A_1549 = arith.index_cast %get3A_1548 : i32 to index
    %get3A_1550 = arith.constant 128 : index
    %get3A_1551 = tpu.vector_load %arg4[%get3A_1549, %get3A_1550] {strides = array<i32>} : memref<11x336xf32, #tpu.memory_space<vmem>>, vector<1x16xf32>,
    %get3A_1552 = vector.shape_cast %get3A_1551 : vector<1x16xf32> to vector<16xf32>
    %get3A_1553 = arith.constant 0 : i32
    %get3A_1554 = arith.index_cast %get3A_1553 : i32 to index
    %get3A_1555 = arith.constant 129 : index
    %get3A_1556 = tpu.vector_load %arg4[%get3A_1554, %get3A_1555] {strides = array<i32>} : memref<11x336xf32, #tpu.memory_space<vmem>>, vector<1x16xf32>,
    %get3A_1557 = vector.shape_cast %get3A_1556 : vector<1x16xf32> to vector<16xf32>
    %mul3A_1558 = arith.mulf %get3A_1552, %get3A_1557 : vector<16xf32>
    %add3A_1559 = arith.addf %get3A_1552, %get3A_1557 : vector<16xf32>
    %mul3A_1560 = arith.mulf %mul3A_1558, %add3A_1559 : vector<16xf32>
    %add3A_1561 = arith.addf %add3A_1484, %mul3A_1560 : vector<16xf32>
    %get3A_1562 = arith.constant 1 : i32
    %get3A_1563 = arith.index_cast %get3A_1562 : i32 to index
    %get3A_1564 = arith.constant 128 : index
    %get3A_1565 = tpu.vector_load %arg4[%get3A_1563, %get3A_1564] {strides = array<i32>} : memref<11x336xf32, #tpu.memory_space<vmem>>, vector<1x16xf32>,
    %get3A_1566 = vector.shape_cast %get3A_1565 : vector<1x16xf32> to vector<16xf32>
    %mul3A_1567 = arith.mulf %get3A_1552, %get3A_1566 : vector<16xf32>
    %add3A_1568 = arith.addf %get3A_1552, %get3A_1566 : vector<16xf32>
    %mul3A_1569 = arith.mulf %mul3A_1567, %add3A_1568 : vector<16xf32>
    %add3A_1570 = arith.addf %add3A_1493, %mul3A_1569 : vector<16xf32>
    %get3A_1571 = arith.constant 1 : i32
    %get3A_1572 = arith.index_cast %get3A_1571 : i32 to index
    %get3A_1573 = arith.constant 129 : index
    %get3A_1574 = tpu.vector_load %arg4[%get3A_1572, %get3A_1573] {strides = array<i32>} : memref<11x336xf32, #tpu.memory_space<vmem>>, vector<1x16xf32>,
    %get3A_1575 = vector.shape_cast %get3A_1574 : vector<1x16xf32> to vector<16xf32>
    %mul3A_1576 = arith.mulf %get3A_1566, %get3A_1575 : vector<16xf32>
    %add3A_1577 = arith.addf %get3A_1566, %get3A_1575 : vector<16xf32>
    %mul3A_1578 = arith.mulf %mul3A_1576, %add3A_1577 : vector<16xf32>
    %add3A_1579 = arith.addf %add3A_1502, %mul3A_1578 : vector<16xf32>
    %get3A_1580 = arith.constant 2 : i32
    %get3A_1581 = arith.index_cast %get3A_1580 : i32 to index
    %get3A_1582 = arith.constant 128 : index
    %get3A_1583 = tpu.vector_load %arg4[%get3A_1581, %get3A_1582] {strides = array<i32>} : memref<11x336xf32, #tpu.memory_space<vmem>>, vector<1x16xf32>,
    %get3A_1584 = vector.shape_cast %get3A_1583 : vector<1x16xf32> to vector<16xf32>
    %mul3A_1585 = arith.mulf %get3A_1566, %get3A_1584 : vector<16xf32>
    %add3A_1586 = arith.addf %get3A_1566, %get3A_1584 : vector<16xf32>
    %mul3A_1587 = arith.mulf %mul3A_1585, %add3A_1586 : vector<16xf32>
    %add3A_1588 = arith.addf %add3A_1511, %mul3A_1587 : vector<16xf32>
    %get3A_1589 = arith.constant 2 : i32
    %get3A_1590 = arith.index_cast %get3A_1589 : i32 to index
    %get3A_1591 = arith.constant 129 : index
    %get3A_1592 = tpu.vector_load %arg4[%get3A_1590, %get3A_1591] {strides = array<i32>} : memref<11x336xf32, #tpu.memory_space<vmem>>, vector<1x16xf32>,
    %get3A_1593 = vector.shape_cast %get3A_1592 : vector<1x16xf32> to vector<16xf32>
    %mul3A_1594 = arith.mulf %get3A_1584, %get3A_1593 : vector<16xf32>
    %add3A_1595 = arith.addf %get3A_1584, %get3A_1593 : vector<16xf32>
    %mul3A_1596 = arith.mulf %mul3A_1594, %add3A_1595 : vector<16xf32>
    %add3A_1597 = arith.addf %add3A_1520, %mul3A_1596 : vector<16xf32>
    %get3A_1598 = arith.constant 3 : i32
    %get3A_1599 = arith.index_cast %get3A_1598 : i32 to index
    %get3A_1600 = arith.constant 128 : index
    %get3A_1601 = tpu.vector_load %arg4[%get3A_1599, %get3A_1600] {strides = array<i32>} : memref<11x336xf32, #tpu.memory_space<vmem>>, vector<1x16xf32>,
    %get3A_1602 = vector.shape_cast %get3A_1601 : vector<1x16xf32> to vector<16xf32>
    %mul3A_1603 = arith.mulf %get3A_1584, %get3A_1602 : vector<16xf32>
    %add3A_1604 = arith.addf %get3A_1584, %get3A_1602 : vector<16xf32>
    %mul3A_1605 = arith.mulf %mul3A_1603, %add3A_1604 : vector<16xf32>
    %add3A_1606 = arith.addf %add3A_1529, %mul3A_1605 : vector<16xf32>
    %get3A_1607 = arith.constant 3 : i32
    %get3A_1608 = arith.index_cast %get3A_1607 : i32 to index
    %get3A_1609 = arith.constant 129 : index
    %get3A_1610 = tpu.vector_load %arg4[%get3A_1608, %get3A_1609] {strides = array<i32>} : memref<11x336xf32, #tpu.memory_space<vmem>>, vector<1x16xf32>,
    %get3A_1611 = vector.shape_cast %get3A_1610 : vector<1x16xf32> to vector<16xf32>
    %mul3A_1612 = arith.mulf %get3A_1602, %get3A_1611 : vector<16xf32>
    %add3A_1613 = arith.addf %get3A_1602, %get3A_1611 : vector<16xf32>
    %mul3A_1614 = arith.mulf %mul3A_1612, %add3A_1613 : vector<16xf32>
    %add3A_1615 = arith.addf %add3A_1538, %mul3A_1614 : vector<16xf32>
    %get3A_1616 = arith.constant 4 : i32
    %get3A_1617 = arith.index_cast %get3A_1616 : i32 to index
    %get3A_1618 = arith.constant 128 : index
    %get3A_1619 = tpu.vector_load %arg4[%get3A_1617, %get3A_1618] {strides = array<i32>} : memref<11x336xf32, #tpu.memory_space<vmem>>, vector<1x16xf32>,
    %get3A_1620 = vector.shape_cast %get3A_1619 : vector<1x16xf32> to vector<16xf32>
    %mul3A_1621 = arith.mulf %get3A_1602, %get3A_1620 : vector<16xf32>
    %add3A_1622 = arith.addf %get3A_1602, %get3A_1620 : vector<16xf32>
    %mul3A_1623 = arith.mulf %mul3A_1621, %add3A_1622 : vector<16xf32>
    %add3A_1624 = arith.addf %add3A_1547, %mul3A_1623 : vector<16xf32>
    %get3A_1625 = arith.constant 4 : i32
    %get3A_1626 = arith.index_cast %get3A_1625 : i32 to index
    %get3A_1627 = arith.constant 129 : index
    %get3A_1628 = tpu.vector_load %arg4[%get3A_1626, %get3A_1627] {strides = array<i32>} : memref<11x336xf32, #tpu.memory_space<vmem>>, vector<1x16xf32>,
    %get3A_1629 = vector.shape_cast %get3A_1628 : vector<1x16xf32> to vector<16xf32>
    %mul3A_1630 = arith.mulf %get3A_1620, %get3A_1629 : vector<16xf32>
    %add3A_1631 = arith.addf %get3A_1620, %get3A_1629 : vector<16xf32>
    %mul3A_1632 = arith.mulf %mul3A_1630, %add3A_1631 : vector<16xf32>
    %add3A_1633 = arith.addf %add3A_1561, %mul3A_1632 : vector<16xf32>
    %get3A_1634 = arith.constant 5 : i32
    %get3A_1635 = arith.index_cast %get3A_1634 : i32 to index
    %get3A_1636 = arith.constant 128 : index
    %get3A_1637 = tpu.vector_load %arg4[%get3A_1635, %get3A_1636] {strides = array<i32>} : memref<11x336xf32, #tpu.memory_space<vmem>>, vector<1x16xf32>,
    %get3A_1638 = vector.shape_cast %get3A_1637 : vector<1x16xf32> to vector<16xf32>
    %mul3A_1639 = arith.mulf %get3A_1620, %get3A_1638 : vector<16xf32>
    %add3A_1640 = arith.addf %get3A_1620, %get3A_1638 : vector<16xf32>
    %mul3A_1641 = arith.mulf %mul3A_1639, %add3A_1640 : vector<16xf32>
    %add3A_1642 = arith.addf %add3A_1570, %mul3A_1641 : vector<16xf32>
    %get3A_1643 = arith.constant 5 : i32
    %get3A_1644 = arith.index_cast %get3A_1643 : i32 to index
    %get3A_1645 = arith.constant 129 : index
    %get3A_1646 = tpu.vector_load %arg4[%get3A_1644, %get3A_1645] {strides = array<i32>} : memref<11x336xf32, #tpu.memory_space<vmem>>, vector<1x16xf32>,
    %get3A_1647 = vector.shape_cast %get3A_1646 : vector<1x16xf32> to vector<16xf32>
    %mul3A_1648 = arith.mulf %get3A_1638, %get3A_1647 : vector<16xf32>
    %add3A_1649 = arith.addf %get3A_1638, %get3A_1647 : vector<16xf32>
    %mul3A_1650 = arith.mulf %mul3A_1648, %add3A_1649 : vector<16xf32>
    %add3A_1651 = arith.addf %add3A_1579, %mul3A_1650 : vector<16xf32>
    %get3A_1652 = arith.constant 6 : i32
    %get3A_1653 = arith.index_cast %get3A_1652 : i32 to index
    %get3A_1654 = arith.constant 128 : index
    %get3A_1655 = tpu.vector_load %arg4[%get3A_1653, %get3A_1654] {strides = array<i32>} : memref<11x336xf32, #tpu.memory_space<vmem>>, vector<1x16xf32>,
    %get3A_1656 = vector.shape_cast %get3A_1655 : vector<1x16xf32> to vector<16xf32>
    %mul3A_1657 = arith.mulf %get3A_1638, %get3A_1656 : vector<16xf32>
    %add3A_1658 = arith.addf %get3A_1638, %get3A_1656 : vector<16xf32>
    %mul3A_1659 = arith.mulf %mul3A_1657, %add3A_1658 : vector<16xf32>
    %add3A_1660 = arith.addf %add3A_1588, %mul3A_1659 : vector<16xf32>
    %get3A_1661 = arith.constant 6 : i32
    %get3A_1662 = arith.index_cast %get3A_1661 : i32 to index
    %get3A_1663 = arith.constant 129 : index
    %get3A_1664 = tpu.vector_load %arg4[%get3A_1662, %get3A_1663] {strides = array<i32>} : memref<11x336xf32, #tpu.memory_space<vmem>>, vector<1x16xf32>,
    %get3A_1665 = vector.shape_cast %get3A_1664 : vector<1x16xf32> to vector<16xf32>
    %mul3A_1666 = arith.mulf %get3A_1656, %get3A_1665 : vector<16xf32>
    %add3A_1667 = arith.addf %get3A_1656, %get3A_1665 : vector<16xf32>
    %mul3A_1668 = arith.mulf %mul3A_1666, %add3A_1667 : vector<16xf32>
    %add3A_1669 = arith.addf %add3A_1597, %mul3A_1668 : vector<16xf32>
    %get3A_1670 = arith.constant 7 : i32
    %get3A_1671 = arith.index_cast %get3A_1670 : i32 to index
    %get3A_1672 = arith.constant 128 : index
    %get3A_1673 = tpu.vector_load %arg4[%get3A_1671, %get3A_1672] {strides = array<i32>} : memref<11x336xf32, #tpu.memory_space<vmem>>, vector<1x16xf32>,
    %get3A_1674 = vector.shape_cast %get3A_1673 : vector<1x16xf32> to vector<16xf32>
    %mul3A_1675 = arith.mulf %get3A_1656, %get3A_1674 : vector<16xf32>
    %add3A_1676 = arith.addf %get3A_1656, %get3A_1674 : vector<16xf32>
    %mul3A_1677 = arith.mulf %mul3A_1675, %add3A_1676 : vector<16xf32>
    %add3A_1678 = arith.addf %add3A_1606, %mul3A_1677 : vector<16xf32>
    %get3A_1679 = arith.constant 7 : i32
    %get3A_1680 = arith.index_cast %get3A_1679 : i32 to index
    %get3A_1681 = arith.constant 129 : index
    %get3A_1682 = tpu.vector_load %arg4[%get3A_1680, %get3A_1681] {strides = array<i32>} : memref<11x336xf32, #tpu.memory_space<vmem>>, vector<1x16xf32>,
    %get3A_1683 = vector.shape_cast %get3A_1682 : vector<1x16xf32> to vector<16xf32>
    %mul3A_1684 = arith.mulf %get3A_1674, %get3A_1683 : vector<16xf32>
    %add3A_1685 = arith.addf %get3A_1674, %get3A_1683 : vector<16xf32>
    %mul3A_1686 = arith.mulf %mul3A_1684, %add3A_1685 : vector<16xf32>
    %add3A_1687 = arith.addf %add3A_1615, %mul3A_1686 : vector<16xf32>
    %get3A_1688 = arith.constant 8 : i32
    %get3A_1689 = arith.index_cast %get3A_1688 : i32 to index
    %get3A_1690 = arith.constant 128 : index
    %get3A_1691 = tpu.vector_load %arg4[%get3A_1689, %get3A_1690] {strides = array<i32>} : memref<11x336xf32, #tpu.memory_space<vmem>>, vector<1x16xf32>,
    %get3A_1692 = vector.shape_cast %get3A_1691 : vector<1x16xf32> to vector<16xf32>
    %mul3A_1693 = arith.mulf %get3A_1674, %get3A_1692 : vector<16xf32>
    %add3A_1694 = arith.addf %get3A_1674, %get3A_1692 : vector<16xf32>
    %mul3A_1695 = arith.mulf %mul3A_1693, %add3A_1694 : vector<16xf32>
    %add3A_1696 = arith.addf %add3A_1624, %mul3A_1695 : vector<16xf32>
    %get3A_1697 = arith.constant 8 : i32
    %get3A_1698 = arith.index_cast %get3A_1697 : i32 to index
    %get3A_1699 = arith.constant 129 : index
    %get3A_1700 = tpu.vector_load %arg4[%get3A_1698, %get3A_1699] {strides = array<i32>} : memref<11x336xf32, #tpu.memory_space<vmem>>, vector<1x16xf32>,
    %get3A_1701 = vector.shape_cast %get3A_1700 : vector<1x16xf32> to vector<16xf32>
    %mul3A_1702 = arith.mulf %get3A_1692, %get3A_1701 : vector<16xf32>
    %add3A_1703 = arith.addf %get3A_1692, %get3A_1701 : vector<16xf32>
    %mul3A_1704 = arith.mulf %mul3A_1702, %add3A_1703 : vector<16xf32>
    %add3A_1705 = arith.addf %add3A_1633, %mul3A_1704 : vector<16xf32>
    %get3A_1706 = arith.constant 9 : i32
    %get3A_1707 = arith.index_cast %get3A_1706 : i32 to index
    %get3A_1708 = arith.constant 128 : index
    %get3A_1709 = tpu.vector_load %arg4[%get3A_1707, %get3A_1708] {strides = array<i32>} : memref<11x336xf32, #tpu.memory_space<vmem>>, vector<1x16xf32>,
    %get3A_1710 = vector.shape_cast %get3A_1709 : vector<1x16xf32> to vector<16xf32>
    %mul3A_1711 = arith.mulf %get3A_1692, %get3A_1710 : vector<16xf32>
    %add3A_1712 = arith.addf %get3A_1692, %get3A_1710 : vector<16xf32>
    %mul3A_1713 = arith.mulf %mul3A_1711, %add3A_1712 : vector<16xf32>
    %add3A_1714 = arith.addf %add3A_1642, %mul3A_1713 : vector<16xf32>
    %get3A_1715 = arith.constant 9 : i32
    %get3A_1716 = arith.index_cast %get3A_1715 : i32 to index
    %get3A_1717 = arith.constant 129 : index
    %get3A_1718 = tpu.vector_load %arg4[%get3A_1716, %get3A_1717] {strides = array<i32>} : memref<11x336xf32, #tpu.memory_space<vmem>>, vector<1x16xf32>,
    %get3A_1719 = vector.shape_cast %get3A_1718 : vector<1x16xf32> to vector<16xf32>
    %mul3A_1720 = arith.mulf %get3A_1710, %get3A_1719 : vector<16xf32>
    %add3A_1721 = arith.addf %get3A_1710, %get3A_1719 : vector<16xf32>
    %mul3A_1722 = arith.mulf %mul3A_1720, %add3A_1721 : vector<16xf32>
    %add3A_1723 = arith.addf %add3A_1651, %mul3A_1722 : vector<16xf32>
    %get3A_1724 = arith.constant 10 : i32
    %get3A_1725 = arith.index_cast %get3A_1724 : i32 to index
    %get3A_1726 = arith.constant 128 : index
    %get3A_1727 = tpu.vector_load %arg4[%get3A_1725, %get3A_1726] {strides = array<i32>} : memref<11x336xf32, #tpu.memory_space<vmem>>, vector<1x16xf32>,
    %get3A_1728 = vector.shape_cast %get3A_1727 : vector<1x16xf32> to vector<16xf32>
    %mul3A_1729 = arith.mulf %get3A_1710, %get3A_1728 : vector<16xf32>
    %add3A_1730 = arith.addf %get3A_1710, %get3A_1728 : vector<16xf32>
    %mul3A_1731 = arith.mulf %mul3A_1729, %add3A_1730 : vector<16xf32>
    %add3A_1732 = arith.addf %add3A_1660, %mul3A_1731 : vector<16xf32>
    %get3A_1733 = arith.constant 0 : i32
    %get3A_1734 = arith.index_cast %get3A_1733 : i32 to index
    %get3A_1735 = arith.constant 144 : index
    %get3A_1736 = tpu.vector_load %arg4[%get3A_1734, %get3A_1735] {strides = array<i32>} : memref<11x336xf32, #tpu.memory_space<vmem>>, vector<1x16xf32>,
    %get3A_1737 = vector.shape_cast %get3A_1736 : vector<1x16xf32> to vector<16xf32>
    %get3A_1738 = arith.constant 0 : i32
    %get3A_1739 = arith.index_cast %get3A_1738 : i32 to index
    %get3A_1740 = arith.constant 145 : index
    %get3A_1741 = tpu.vector_load %arg4[%get3A_1739, %get3A_1740] {strides = array<i32>} : memref<11x336xf32, #tpu.memory_space<vmem>>, vector<1x16xf32>,
    %get3A_1742 = vector.shape_cast %get3A_1741 : vector<1x16xf32> to vector<16xf32>
    %mul3A_1743 = arith.mulf %get3A_1737, %get3A_1742 : vector<16xf32>
    %add3A_1744 = arith.addf %get3A_1737, %get3A_1742 : vector<16xf32>
    %mul3A_1745 = arith.mulf %mul3A_1743, %add3A_1744 : vector<16xf32>
    %add3A_1746 = arith.addf %add3A_1669, %mul3A_1745 : vector<16xf32>
    %get3A_1747 = arith.constant 1 : i32
    %get3A_1748 = arith.index_cast %get3A_1747 : i32 to index
    %get3A_1749 = arith.constant 144 : index
    %get3A_1750 = tpu.vector_load %arg4[%get3A_1748, %get3A_1749] {strides = array<i32>} : memref<11x336xf32, #tpu.memory_space<vmem>>, vector<1x16xf32>,
    %get3A_1751 = vector.shape_cast %get3A_1750 : vector<1x16xf32> to vector<16xf32>
    %mul3A_1752 = arith.mulf %get3A_1737, %get3A_1751 : vector<16xf32>
    %add3A_1753 = arith.addf %get3A_1737, %get3A_1751 : vector<16xf32>
    %mul3A_1754 = arith.mulf %mul3A_1752, %add3A_1753 : vector<16xf32>
    %add3A_1755 = arith.addf %add3A_1678, %mul3A_1754 : vector<16xf32>
    %get3A_1756 = arith.constant 1 : i32
    %get3A_1757 = arith.index_cast %get3A_1756 : i32 to index
    %get3A_1758 = arith.constant 145 : index
    %get3A_1759 = tpu.vector_load %arg4[%get3A_1757, %get3A_1758] {strides = array<i32>} : memref<11x336xf32, #tpu.memory_space<vmem>>, vector<1x16xf32>,
    %get3A_1760 = vector.shape_cast %get3A_1759 : vector<1x16xf32> to vector<16xf32>
    %mul3A_1761 = arith.mulf %get3A_1751, %get3A_1760 : vector<16xf32>
    %add3A_1762 = arith.addf %get3A_1751, %get3A_1760 : vector<16xf32>
    %mul3A_1763 = arith.mulf %mul3A_1761, %add3A_1762 : vector<16xf32>
    %add3A_1764 = arith.addf %add3A_1687, %mul3A_1763 : vector<16xf32>
    %get3A_1765 = arith.constant 2 : i32
    %get3A_1766 = arith.index_cast %get3A_1765 : i32 to index
    %get3A_1767 = arith.constant 144 : index
    %get3A_1768 = tpu.vector_load %arg4[%get3A_1766, %get3A_1767] {strides = array<i32>} : memref<11x336xf32, #tpu.memory_space<vmem>>, vector<1x16xf32>,
    %get3A_1769 = vector.shape_cast %get3A_1768 : vector<1x16xf32> to vector<16xf32>
    %mul3A_1770 = arith.mulf %get3A_1751, %get3A_1769 : vector<16xf32>
    %add3A_1771 = arith.addf %get3A_1751, %get3A_1769 : vector<16xf32>
    %mul3A_1772 = arith.mulf %mul3A_1770, %add3A_1771 : vector<16xf32>
    %add3A_1773 = arith.addf %add3A_1696, %mul3A_1772 : vector<16xf32>
    %get3A_1774 = arith.constant 2 : i32
    %get3A_1775 = arith.index_cast %get3A_1774 : i32 to index
    %get3A_1776 = arith.constant 145 : index
    %get3A_1777 = tpu.vector_load %arg4[%get3A_1775, %get3A_1776] {strides = array<i32>} : memref<11x336xf32, #tpu.memory_space<vmem>>, vector<1x16xf32>,
    %get3A_1778 = vector.shape_cast %get3A_1777 : vector<1x16xf32> to vector<16xf32>
    %mul3A_1779 = arith.mulf %get3A_1769, %get3A_1778 : vector<16xf32>
    %add3A_1780 = arith.addf %get3A_1769, %get3A_1778 : vector<16xf32>
    %mul3A_1781 = arith.mulf %mul3A_1779, %add3A_1780 : vector<16xf32>
    %add3A_1782 = arith.addf %add3A_1705, %mul3A_1781 : vector<16xf32>
    %get3A_1783 = arith.constant 3 : i32
    %get3A_1784 = arith.index_cast %get3A_1783 : i32 to index
    %get3A_1785 = arith.constant 144 : index
    %get3A_1786 = tpu.vector_load %arg4[%get3A_1784, %get3A_1785] {strides = array<i32>} : memref<11x336xf32, #tpu.memory_space<vmem>>, vector<1x16xf32>,
    %get3A_1787 = vector.shape_cast %get3A_1786 : vector<1x16xf32> to vector<16xf32>
    %mul3A_1788 = arith.mulf %get3A_1769, %get3A_1787 : vector<16xf32>
    %add3A_1789 = arith.addf %get3A_1769, %get3A_1787 : vector<16xf32>
    %mul3A_1790 = arith.mulf %mul3A_1788, %add3A_1789 : vector<16xf32>
    %add3A_1791 = arith.addf %add3A_1714, %mul3A_1790 : vector<16xf32>
    %get3A_1792 = arith.constant 3 : i32
    %get3A_1793 = arith.index_cast %get3A_1792 : i32 to index
    %get3A_1794 = arith.constant 145 : index
    %get3A_1795 = tpu.vector_load %arg4[%get3A_1793, %get3A_1794] {strides = array<i32>} : memref<11x336xf32, #tpu.memory_space<vmem>>, vector<1x16xf32>,
    %get3A_1796 = vector.shape_cast %get3A_1795 : vector<1x16xf32> to vector<16xf32>
    %mul3A_1797 = arith.mulf %get3A_1787, %get3A_1796 : vector<16xf32>
    %add3A_1798 = arith.addf %get3A_1787, %get3A_1796 : vector<16xf32>
    %mul3A_1799 = arith.mulf %mul3A_1797, %add3A_1798 : vector<16xf32>
    %add3A_1800 = arith.addf %add3A_1723, %mul3A_1799 : vector<16xf32>
    %get3A_1801 = arith.constant 4 : i32
    %get3A_1802 = arith.index_cast %get3A_1801 : i32 to index
    %get3A_1803 = arith.constant 144 : index
    %get3A_1804 = tpu.vector_load %arg4[%get3A_1802, %get3A_1803] {strides = array<i32>} : memref<11x336xf32, #tpu.memory_space<vmem>>, vector<1x16xf32>,
    %get3A_1805 = vector.shape_cast %get3A_1804 : vector<1x16xf32> to vector<16xf32>
    %mul3A_1806 = arith.mulf %get3A_1787, %get3A_1805 : vector<16xf32>
    %add3A_1807 = arith.addf %get3A_1787, %get3A_1805 : vector<16xf32>
    %mul3A_1808 = arith.mulf %mul3A_1806, %add3A_1807 : vector<16xf32>
    %add3A_1809 = arith.addf %add3A_1732, %mul3A_1808 : vector<16xf32>
    %get3A_1810 = arith.constant 4 : i32
    %get3A_1811 = arith.index_cast %get3A_1810 : i32 to index
    %get3A_1812 = arith.constant 145 : index
    %get3A_1813 = tpu.vector_load %arg4[%get3A_1811, %get3A_1812] {strides = array<i32>} : memref<11x336xf32, #tpu.memory_space<vmem>>, vector<1x16xf32>,
    %get3A_1814 = vector.shape_cast %get3A_1813 : vector<1x16xf32> to vector<16xf32>
    %mul3A_1815 = arith.mulf %get3A_1805, %get3A_1814 : vector<16xf32>
    %add3A_1816 = arith.addf %get3A_1805, %get3A_1814 : vector<16xf32>
    %mul3A_1817 = arith.mulf %mul3A_1815, %add3A_1816 : vector<16xf32>
    %add3A_1818 = arith.addf %add3A_1746, %mul3A_1817 : vector<16xf32>
    %get3A_1819 = arith.constant 5 : i32
    %get3A_1820 = arith.index_cast %get3A_1819 : i32 to index
    %get3A_1821 = arith.constant 144 : index
    %get3A_1822 = tpu.vector_load %arg4[%get3A_1820, %get3A_1821] {strides = array<i32>} : memref<11x336xf32, #tpu.memory_space<vmem>>, vector<1x16xf32>,
    %get3A_1823 = vector.shape_cast %get3A_1822 : vector<1x16xf32> to vector<16xf32>
    %mul3A_1824 = arith.mulf %get3A_1805, %get3A_1823 : vector<16xf32>
    %add3A_1825 = arith.addf %get3A_1805, %get3A_1823 : vector<16xf32>
    %mul3A_1826 = arith.mulf %mul3A_1824, %add3A_1825 : vector<16xf32>
    %add3A_1827 = arith.addf %add3A_1755, %mul3A_1826 : vector<16xf32>
    %get3A_1828 = arith.constant 5 : i32
    %get3A_1829 = arith.index_cast %get3A_1828 : i32 to index
    %get3A_1830 = arith.constant 145 : index
    %get3A_1831 = tpu.vector_load %arg4[%get3A_1829, %get3A_1830] {strides = array<i32>} : memref<11x336xf32, #tpu.memory_space<vmem>>, vector<1x16xf32>,
    %get3A_1832 = vector.shape_cast %get3A_1831 : vector<1x16xf32> to vector<16xf32>
    %mul3A_1833 = arith.mulf %get3A_1823, %get3A_1832 : vector<16xf32>
    %add3A_1834 = arith.addf %get3A_1823, %get3A_1832 : vector<16xf32>
    %mul3A_1835 = arith.mulf %mul3A_1833, %add3A_1834 : vector<16xf32>
    %add3A_1836 = arith.addf %add3A_1764, %mul3A_1835 : vector<16xf32>
    %get3A_1837 = arith.constant 6 : i32
    %get3A_1838 = arith.index_cast %get3A_1837 : i32 to index
    %get3A_1839 = arith.constant 144 : index
    %get3A_1840 = tpu.vector_load %arg4[%get3A_1838, %get3A_1839] {strides = array<i32>} : memref<11x336xf32, #tpu.memory_space<vmem>>, vector<1x16xf32>,
    %get3A_1841 = vector.shape_cast %get3A_1840 : vector<1x16xf32> to vector<16xf32>
    %mul3A_1842 = arith.mulf %get3A_1823, %get3A_1841 : vector<16xf32>
    %add3A_1843 = arith.addf %get3A_1823, %get3A_1841 : vector<16xf32>
    %mul3A_1844 = arith.mulf %mul3A_1842, %add3A_1843 : vector<16xf32>
    %add3A_1845 = arith.addf %add3A_1773, %mul3A_1844 : vector<16xf32>
    %get3A_1846 = arith.constant 6 : i32
    %get3A_1847 = arith.index_cast %get3A_1846 : i32 to index
    %get3A_1848 = arith.constant 145 : index
    %get3A_1849 = tpu.vector_load %arg4[%get3A_1847, %get3A_1848] {strides = array<i32>} : memref<11x336xf32, #tpu.memory_space<vmem>>, vector<1x16xf32>,
    %get3A_1850 = vector.shape_cast %get3A_1849 : vector<1x16xf32> to vector<16xf32>
    %mul3A_1851 = arith.mulf %get3A_1841, %get3A_1850 : vector<16xf32>
    %add3A_1852 = arith.addf %get3A_1841, %get3A_1850 : vector<16xf32>
    %mul3A_1853 = arith.mulf %mul3A_1851, %add3A_1852 : vector<16xf32>
    %add3A_1854 = arith.addf %add3A_1782, %mul3A_1853 : vector<16xf32>
    %get3A_1855 = arith.constant 7 : i32
    %get3A_1856 = arith.index_cast %get3A_1855 : i32 to index
    %get3A_1857 = arith.constant 144 : index
    %get3A_1858 = tpu.vector_load %arg4[%get3A_1856, %get3A_1857] {strides = array<i32>} : memref<11x336xf32, #tpu.memory_space<vmem>>, vector<1x16xf32>,
    %get3A_1859 = vector.shape_cast %get3A_1858 : vector<1x16xf32> to vector<16xf32>
    %mul3A_1860 = arith.mulf %get3A_1841, %get3A_1859 : vector<16xf32>
    %add3A_1861 = arith.addf %get3A_1841, %get3A_1859 : vector<16xf32>
    %mul3A_1862 = arith.mulf %mul3A_1860, %add3A_1861 : vector<16xf32>
    %add3A_1863 = arith.addf %add3A_1791, %mul3A_1862 : vector<16xf32>
    %get3A_1864 = arith.constant 7 : i32
    %get3A_1865 = arith.index_cast %get3A_1864 : i32 to index
    %get3A_1866 = arith.constant 145 : index
    %get3A_1867 = tpu.vector_load %arg4[%get3A_1865, %get3A_1866] {strides = array<i32>} : memref<11x336xf32, #tpu.memory_space<vmem>>, vector<1x16xf32>,
    %get3A_1868 = vector.shape_cast %get3A_1867 : vector<1x16xf32> to vector<16xf32>
    %mul3A_1869 = arith.mulf %get3A_1859, %get3A_1868 : vector<16xf32>
    %add3A_1870 = arith.addf %get3A_1859, %get3A_1868 : vector<16xf32>
    %mul3A_1871 = arith.mulf %mul3A_1869, %add3A_1870 : vector<16xf32>
    %add3A_1872 = arith.addf %add3A_1800, %mul3A_1871 : vector<16xf32>
    %get3A_1873 = arith.constant 8 : i32
    %get3A_1874 = arith.index_cast %get3A_1873 : i32 to index
    %get3A_1875 = arith.constant 144 : index
    %get3A_1876 = tpu.vector_load %arg4[%get3A_1874, %get3A_1875] {strides = array<i32>} : memref<11x336xf32, #tpu.memory_space<vmem>>, vector<1x16xf32>,
    %get3A_1877 = vector.shape_cast %get3A_1876 : vector<1x16xf32> to vector<16xf32>
    %mul3A_1878 = arith.mulf %get3A_1859, %get3A_1877 : vector<16xf32>
    %add3A_1879 = arith.addf %get3A_1859, %get3A_1877 : vector<16xf32>
    %mul3A_1880 = arith.mulf %mul3A_1878, %add3A_1879 : vector<16xf32>
    %add3A_1881 = arith.addf %add3A_1809, %mul3A_1880 : vector<16xf32>
    %get3A_1882 = arith.constant 8 : i32
    %get3A_1883 = arith.index_cast %get3A_1882 : i32 to index
    %get3A_1884 = arith.constant 145 : index
    %get3A_1885 = tpu.vector_load %arg4[%get3A_1883, %get3A_1884] {strides = array<i32>} : memref<11x336xf32, #tpu.memory_space<vmem>>, vector<1x16xf32>,
    %get3A_1886 = vector.shape_cast %get3A_1885 : vector<1x16xf32> to vector<16xf32>
    %mul3A_1887 = arith.mulf %get3A_1877, %get3A_1886 : vector<16xf32>
    %add3A_1888 = arith.addf %get3A_1877, %get3A_1886 : vector<16xf32>
    %mul3A_1889 = arith.mulf %mul3A_1887, %add3A_1888 : vector<16xf32>
    %add3A_1890 = arith.addf %add3A_1818, %mul3A_1889 : vector<16xf32>
    %get3A_1891 = arith.constant 9 : i32
    %get3A_1892 = arith.index_cast %get3A_1891 : i32 to index
    %get3A_1893 = arith.constant 144 : index
    %get3A_1894 = tpu.vector_load %arg4[%get3A_1892, %get3A_1893] {strides = array<i32>} : memref<11x336xf32, #tpu.memory_space<vmem>>, vector<1x16xf32>,
    %get3A_1895 = vector.shape_cast %get3A_1894 : vector<1x16xf32> to vector<16xf32>
    %mul3A_1896 = arith.mulf %get3A_1877, %get3A_1895 : vector<16xf32>
    %add3A_1897 = arith.addf %get3A_1877, %get3A_1895 : vector<16xf32>
    %mul3A_1898 = arith.mulf %mul3A_1896, %add3A_1897 : vector<16xf32>
    %add3A_1899 = arith.addf %add3A_1827, %mul3A_1898 : vector<16xf32>
    %get3A_1900 = arith.constant 9 : i32
    %get3A_1901 = arith.index_cast %get3A_1900 : i32 to index
    %get3A_1902 = arith.constant 145 : index
    %get3A_1903 = tpu.vector_load %arg4[%get3A_1901, %get3A_1902] {strides = array<i32>} : memref<11x336xf32, #tpu.memory_space<vmem>>, vector<1x16xf32>,
    %get3A_1904 = vector.shape_cast %get3A_1903 : vector<1x16xf32> to vector<16xf32>
    %mul3A_1905 = arith.mulf %get3A_1895, %get3A_1904 : vector<16xf32>
    %add3A_1906 = arith.addf %get3A_1895, %get3A_1904 : vector<16xf32>
    %mul3A_1907 = arith.mulf %mul3A_1905, %add3A_1906 : vector<16xf32>
    %add3A_1908 = arith.addf %add3A_1836, %mul3A_1907 : vector<16xf32>
    %get3A_1909 = arith.constant 10 : i32
    %get3A_1910 = arith.index_cast %get3A_1909 : i32 to index
    %get3A_1911 = arith.constant 144 : index
    %get3A_1912 = tpu.vector_load %arg4[%get3A_1910, %get3A_1911] {strides = array<i32>} : memref<11x336xf32, #tpu.memory_space<vmem>>, vector<1x16xf32>,
    %get3A_1913 = vector.shape_cast %get3A_1912 : vector<1x16xf32> to vector<16xf32>
    %mul3A_1914 = arith.mulf %get3A_1895, %get3A_1913 : vector<16xf32>
    %add3A_1915 = arith.addf %get3A_1895, %get3A_1913 : vector<16xf32>
    %mul3A_1916 = arith.mulf %mul3A_1914, %add3A_1915 : vector<16xf32>
    %add3A_1917 = arith.addf %add3A_1845, %mul3A_1916 : vector<16xf32>
    %get3A_1918 = arith.constant 0 : i32
    %get3A_1919 = arith.index_cast %get3A_1918 : i32 to index
    %get3A_1920 = arith.constant 160 : index
    %get3A_1921 = tpu.vector_load %arg4[%get3A_1919, %get3A_1920] {strides = array<i32>} : memref<11x336xf32, #tpu.memory_space<vmem>>, vector<1x16xf32>,
    %get3A_1922 = vector.shape_cast %get3A_1921 : vector<1x16xf32> to vector<16xf32>
    %get3A_1923 = arith.constant 0 : i32
    %get3A_1924 = arith.index_cast %get3A_1923 : i32 to index
    %get3A_1925 = arith.constant 161 : index
    %get3A_1926 = tpu.vector_load %arg4[%get3A_1924, %get3A_1925] {strides = array<i32>} : memref<11x336xf32, #tpu.memory_space<vmem>>, vector<1x16xf32>,
    %get3A_1927 = vector.shape_cast %get3A_1926 : vector<1x16xf32> to vector<16xf32>
    %mul3A_1928 = arith.mulf %get3A_1922, %get3A_1927 : vector<16xf32>
    %add3A_1929 = arith.addf %get3A_1922, %get3A_1927 : vector<16xf32>
    %mul3A_1930 = arith.mulf %mul3A_1928, %add3A_1929 : vector<16xf32>
    %add3A_1931 = arith.addf %add3A_1854, %mul3A_1930 : vector<16xf32>
    %get3A_1932 = arith.constant 1 : i32
    %get3A_1933 = arith.index_cast %get3A_1932 : i32 to index
    %get3A_1934 = arith.constant 160 : index
    %get3A_1935 = tpu.vector_load %arg4[%get3A_1933, %get3A_1934] {strides = array<i32>} : memref<11x336xf32, #tpu.memory_space<vmem>>, vector<1x16xf32>,
    %get3A_1936 = vector.shape_cast %get3A_1935 : vector<1x16xf32> to vector<16xf32>
    %mul3A_1937 = arith.mulf %get3A_1922, %get3A_1936 : vector<16xf32>
    %add3A_1938 = arith.addf %get3A_1922, %get3A_1936 : vector<16xf32>
    %mul3A_1939 = arith.mulf %mul3A_1937, %add3A_1938 : vector<16xf32>
    %add3A_1940 = arith.addf %add3A_1863, %mul3A_1939 : vector<16xf32>
    %get3A_1941 = arith.constant 1 : i32
    %get3A_1942 = arith.index_cast %get3A_1941 : i32 to index
    %get3A_1943 = arith.constant 161 : index
    %get3A_1944 = tpu.vector_load %arg4[%get3A_1942, %get3A_1943] {strides = array<i32>} : memref<11x336xf32, #tpu.memory_space<vmem>>, vector<1x16xf32>,
    %get3A_1945 = vector.shape_cast %get3A_1944 : vector<1x16xf32> to vector<16xf32>
    %mul3A_1946 = arith.mulf %get3A_1936, %get3A_1945 : vector<16xf32>
    %add3A_1947 = arith.addf %get3A_1936, %get3A_1945 : vector<16xf32>
    %mul3A_1948 = arith.mulf %mul3A_1946, %add3A_1947 : vector<16xf32>
    %add3A_1949 = arith.addf %add3A_1872, %mul3A_1948 : vector<16xf32>
    %get3A_1950 = arith.constant 2 : i32
    %get3A_1951 = arith.index_cast %get3A_1950 : i32 to index
    %get3A_1952 = arith.constant 160 : index
    %get3A_1953 = tpu.vector_load %arg4[%get3A_1951, %get3A_1952] {strides = array<i32>} : memref<11x336xf32, #tpu.memory_space<vmem>>, vector<1x16xf32>,
    %get3A_1954 = vector.shape_cast %get3A_1953 : vector<1x16xf32> to vector<16xf32>
    %mul3A_1955 = arith.mulf %get3A_1936, %get3A_1954 : vector<16xf32>
    %add3A_1956 = arith.addf %get3A_1936, %get3A_1954 : vector<16xf32>
    %mul3A_1957 = arith.mulf %mul3A_1955, %add3A_1956 : vector<16xf32>
    %add3A_1958 = arith.addf %add3A_1881, %mul3A_1957 : vector<16xf32>
    %get3A_1959 = arith.constant 2 : i32
    %get3A_1960 = arith.index_cast %get3A_1959 : i32 to index
    %get3A_1961 = arith.constant 161 : index
    %get3A_1962 = tpu.vector_load %arg4[%get3A_1960, %get3A_1961] {strides = array<i32>} : memref<11x336xf32, #tpu.memory_space<vmem>>, vector<1x16xf32>,
    %get3A_1963 = vector.shape_cast %get3A_1962 : vector<1x16xf32> to vector<16xf32>
    %mul3A_1964 = arith.mulf %get3A_1954, %get3A_1963 : vector<16xf32>
    %add3A_1965 = arith.addf %get3A_1954, %get3A_1963 : vector<16xf32>
    %mul3A_1966 = arith.mulf %mul3A_1964, %add3A_1965 : vector<16xf32>
    %add3A_1967 = arith.addf %add3A_1890, %mul3A_1966 : vector<16xf32>
    %get3A_1968 = arith.constant 3 : i32
    %get3A_1969 = arith.index_cast %get3A_1968 : i32 to index
    %get3A_1970 = arith.constant 160 : index
    %get3A_1971 = tpu.vector_load %arg4[%get3A_1969, %get3A_1970] {strides = array<i32>} : memref<11x336xf32, #tpu.memory_space<vmem>>, vector<1x16xf32>,
    %get3A_1972 = vector.shape_cast %get3A_1971 : vector<1x16xf32> to vector<16xf32>
    %mul3A_1973 = arith.mulf %get3A_1954, %get3A_1972 : vector<16xf32>
    %add3A_1974 = arith.addf %get3A_1954, %get3A_1972 : vector<16xf32>
    %mul3A_1975 = arith.mulf %mul3A_1973, %add3A_1974 : vector<16xf32>
    %add3A_1976 = arith.addf %add3A_1899, %mul3A_1975 : vector<16xf32>
    %get3A_1977 = arith.constant 3 : i32
    %get3A_1978 = arith.index_cast %get3A_1977 : i32 to index
    %get3A_1979 = arith.constant 161 : index
    %get3A_1980 = tpu.vector_load %arg4[%get3A_1978, %get3A_1979] {strides = array<i32>} : memref<11x336xf32, #tpu.memory_space<vmem>>, vector<1x16xf32>,
    %get3A_1981 = vector.shape_cast %get3A_1980 : vector<1x16xf32> to vector<16xf32>
    %mul3A_1982 = arith.mulf %get3A_1972, %get3A_1981 : vector<16xf32>
    %add3A_1983 = arith.addf %get3A_1972, %get3A_1981 : vector<16xf32>
    %mul3A_1984 = arith.mulf %mul3A_1982, %add3A_1983 : vector<16xf32>
    %add3A_1985 = arith.addf %add3A_1908, %mul3A_1984 : vector<16xf32>
    %get3A_1986 = arith.constant 4 : i32
    %get3A_1987 = arith.index_cast %get3A_1986 : i32 to index
    %get3A_1988 = arith.constant 160 : index
    %get3A_1989 = tpu.vector_load %arg4[%get3A_1987, %get3A_1988] {strides = array<i32>} : memref<11x336xf32, #tpu.memory_space<vmem>>, vector<1x16xf32>,
    %get3A_1990 = vector.shape_cast %get3A_1989 : vector<1x16xf32> to vector<16xf32>
    %mul3A_1991 = arith.mulf %get3A_1972, %get3A_1990 : vector<16xf32>
    %add3A_1992 = arith.addf %get3A_1972, %get3A_1990 : vector<16xf32>
    %mul3A_1993 = arith.mulf %mul3A_1991, %add3A_1992 : vector<16xf32>
    %add3A_1994 = arith.addf %add3A_1917, %mul3A_1993 : vector<16xf32>
    %get3A_1995 = arith.constant 4 : i32
    %get3A_1996 = arith.index_cast %get3A_1995 : i32 to index
    %get3A_1997 = arith.constant 161 : index
    %get3A_1998 = tpu.vector_load %arg4[%get3A_1996, %get3A_1997] {strides = array<i32>} : memref<11x336xf32, #tpu.memory_space<vmem>>, vector<1x16xf32>,
    %get3A_1999 = vector.shape_cast %get3A_1998 : vector<1x16xf32> to vector<16xf32>
    %mul3A_2000 = arith.mulf %get3A_1990, %get3A_1999 : vector<16xf32>
    %add3A_2001 = arith.addf %get3A_1990, %get3A_1999 : vector<16xf32>
    %mul3A_2002 = arith.mulf %mul3A_2000, %add3A_2001 : vector<16xf32>
    %add3A_2003 = arith.addf %add3A_1931, %mul3A_2002 : vector<16xf32>
    %get3A_2004 = arith.constant 5 : i32
    %get3A_2005 = arith.index_cast %get3A_2004 : i32 to index
    %get3A_2006 = arith.constant 160 : index
    %get3A_2007 = tpu.vector_load %arg4[%get3A_2005, %get3A_2006] {strides = array<i32>} : memref<11x336xf32, #tpu.memory_space<vmem>>, vector<1x16xf32>,
    %get3A_2008 = vector.shape_cast %get3A_2007 : vector<1x16xf32> to vector<16xf32>
    %mul3A_2009 = arith.mulf %get3A_1990, %get3A_2008 : vector<16xf32>
    %add3A_2010 = arith.addf %get3A_1990, %get3A_2008 : vector<16xf32>
    %mul3A_2011 = arith.mulf %mul3A_2009, %add3A_2010 : vector<16xf32>
    %add3A_2012 = arith.addf %add3A_1940, %mul3A_2011 : vector<16xf32>
    %get3A_2013 = arith.constant 5 : i32
    %get3A_2014 = arith.index_cast %get3A_2013 : i32 to index
    %get3A_2015 = arith.constant 161 : index
    %get3A_2016 = tpu.vector_load %arg4[%get3A_2014, %get3A_2015] {strides = array<i32>} : memref<11x336xf32, #tpu.memory_space<vmem>>, vector<1x16xf32>,
    %get3A_2017 = vector.shape_cast %get3A_2016 : vector<1x16xf32> to vector<16xf32>
    %mul3A_2018 = arith.mulf %get3A_2008, %get3A_2017 : vector<16xf32>
    %add3A_2019 = arith.addf %get3A_2008, %get3A_2017 : vector<16xf32>
    %mul3A_2020 = arith.mulf %mul3A_2018, %add3A_2019 : vector<16xf32>
    %add3A_2021 = arith.addf %add3A_1949, %mul3A_2020 : vector<16xf32>
    %get3A_2022 = arith.constant 6 : i32
    %get3A_2023 = arith.index_cast %get3A_2022 : i32 to index
    %get3A_2024 = arith.constant 160 : index
    %get3A_2025 = tpu.vector_load %arg4[%get3A_2023, %get3A_2024] {strides = array<i32>} : memref<11x336xf32, #tpu.memory_space<vmem>>, vector<1x16xf32>,
    %get3A_2026 = vector.shape_cast %get3A_2025 : vector<1x16xf32> to vector<16xf32>
    %mul3A_2027 = arith.mulf %get3A_2008, %get3A_2026 : vector<16xf32>
    %add3A_2028 = arith.addf %get3A_2008, %get3A_2026 : vector<16xf32>
    %mul3A_2029 = arith.mulf %mul3A_2027, %add3A_2028 : vector<16xf32>
    %add3A_2030 = arith.addf %add3A_1958, %mul3A_2029 : vector<16xf32>
    %get3A_2031 = arith.constant 6 : i32
    %get3A_2032 = arith.index_cast %get3A_2031 : i32 to index
    %get3A_2033 = arith.constant 161 : index
    %get3A_2034 = tpu.vector_load %arg4[%get3A_2032, %get3A_2033] {strides = array<i32>} : memref<11x336xf32, #tpu.memory_space<vmem>>, vector<1x16xf32>,
    %get3A_2035 = vector.shape_cast %get3A_2034 : vector<1x16xf32> to vector<16xf32>
    %mul3A_2036 = arith.mulf %get3A_2026, %get3A_2035 : vector<16xf32>
    %add3A_2037 = arith.addf %get3A_2026, %get3A_2035 : vector<16xf32>
    %mul3A_2038 = arith.mulf %mul3A_2036, %add3A_2037 : vector<16xf32>
    %add3A_2039 = arith.addf %add3A_1967, %mul3A_2038 : vector<16xf32>
    %get3A_2040 = arith.constant 7 : i32
    %get3A_2041 = arith.index_cast %get3A_2040 : i32 to index
    %get3A_2042 = arith.constant 160 : index
    %get3A_2043 = tpu.vector_load %arg4[%get3A_2041, %get3A_2042] {strides = array<i32>} : memref<11x336xf32, #tpu.memory_space<vmem>>, vector<1x16xf32>,
    %get3A_2044 = vector.shape_cast %get3A_2043 : vector<1x16xf32> to vector<16xf32>
    %mul3A_2045 = arith.mulf %get3A_2026, %get3A_2044 : vector<16xf32>
    %add3A_2046 = arith.addf %get3A_2026, %get3A_2044 : vector<16xf32>
    %mul3A_2047 = arith.mulf %mul3A_2045, %add3A_2046 : vector<16xf32>
    %add3A_2048 = arith.addf %add3A_1976, %mul3A_2047 : vector<16xf32>
    %get3A_2049 = arith.constant 7 : i32
    %get3A_2050 = arith.index_cast %get3A_2049 : i32 to index
    %get3A_2051 = arith.constant 161 : index
    %get3A_2052 = tpu.vector_load %arg4[%get3A_2050, %get3A_2051] {strides = array<i32>} : memref<11x336xf32, #tpu.memory_space<vmem>>, vector<1x16xf32>,
    %get3A_2053 = vector.shape_cast %get3A_2052 : vector<1x16xf32> to vector<16xf32>
    %mul3A_2054 = arith.mulf %get3A_2044, %get3A_2053 : vector<16xf32>
    %add3A_2055 = arith.addf %get3A_2044, %get3A_2053 : vector<16xf32>
    %mul3A_2056 = arith.mulf %mul3A_2054, %add3A_2055 : vector<16xf32>
    %add3A_2057 = arith.addf %add3A_1985, %mul3A_2056 : vector<16xf32>
    %get3A_2058 = arith.constant 8 : i32
    %get3A_2059 = arith.index_cast %get3A_2058 : i32 to index
    %get3A_2060 = arith.constant 160 : index
    %get3A_2061 = tpu.vector_load %arg4[%get3A_2059, %get3A_2060] {strides = array<i32>} : memref<11x336xf32, #tpu.memory_space<vmem>>, vector<1x16xf32>,
    %get3A_2062 = vector.shape_cast %get3A_2061 : vector<1x16xf32> to vector<16xf32>
    %mul3A_2063 = arith.mulf %get3A_2044, %get3A_2062 : vector<16xf32>
    %add3A_2064 = arith.addf %get3A_2044, %get3A_2062 : vector<16xf32>
    %mul3A_2065 = arith.mulf %mul3A_2063, %add3A_2064 : vector<16xf32>
    %add3A_2066 = arith.addf %add3A_1994, %mul3A_2065 : vector<16xf32>
    %get3A_2067 = arith.constant 8 : i32
    %get3A_2068 = arith.index_cast %get3A_2067 : i32 to index
    %get3A_2069 = arith.constant 161 : index
    %get3A_2070 = tpu.vector_load %arg4[%get3A_2068, %get3A_2069] {strides = array<i32>} : memref<11x336xf32, #tpu.memory_space<vmem>>, vector<1x16xf32>,
    %get3A_2071 = vector.shape_cast %get3A_2070 : vector<1x16xf32> to vector<16xf32>
    %mul3A_2072 = arith.mulf %get3A_2062, %get3A_2071 : vector<16xf32>
    %add3A_2073 = arith.addf %get3A_2062, %get3A_2071 : vector<16xf32>
    %mul3A_2074 = arith.mulf %mul3A_2072, %add3A_2073 : vector<16xf32>
    %add3A_2075 = arith.addf %add3A_2003, %mul3A_2074 : vector<16xf32>
    %get3A_2076 = arith.constant 9 : i32
    %get3A_2077 = arith.index_cast %get3A_2076 : i32 to index
    %get3A_2078 = arith.constant 160 : index
    %get3A_2079 = tpu.vector_load %arg4[%get3A_2077, %get3A_2078] {strides = array<i32>} : memref<11x336xf32, #tpu.memory_space<vmem>>, vector<1x16xf32>,
    %get3A_2080 = vector.shape_cast %get3A_2079 : vector<1x16xf32> to vector<16xf32>
    %mul3A_2081 = arith.mulf %get3A_2062, %get3A_2080 : vector<16xf32>
    %add3A_2082 = arith.addf %get3A_2062, %get3A_2080 : vector<16xf32>
    %mul3A_2083 = arith.mulf %mul3A_2081, %add3A_2082 : vector<16xf32>
    %add3A_2084 = arith.addf %add3A_2012, %mul3A_2083 : vector<16xf32>
    %get3A_2085 = arith.constant 9 : i32
    %get3A_2086 = arith.index_cast %get3A_2085 : i32 to index
    %get3A_2087 = arith.constant 161 : index
    %get3A_2088 = tpu.vector_load %arg4[%get3A_2086, %get3A_2087] {strides = array<i32>} : memref<11x336xf32, #tpu.memory_space<vmem>>, vector<1x16xf32>,
    %get3A_2089 = vector.shape_cast %get3A_2088 : vector<1x16xf32> to vector<16xf32>
    %mul3A_2090 = arith.mulf %get3A_2080, %get3A_2089 : vector<16xf32>
    %add3A_2091 = arith.addf %get3A_2080, %get3A_2089 : vector<16xf32>
    %mul3A_2092 = arith.mulf %mul3A_2090, %add3A_2091 : vector<16xf32>
    %add3A_2093 = arith.addf %add3A_2021, %mul3A_2092 : vector<16xf32>
    %get3A_2094 = arith.constant 10 : i32
    %get3A_2095 = arith.index_cast %get3A_2094 : i32 to index
    %get3A_2096 = arith.constant 160 : index
    %get3A_2097 = tpu.vector_load %arg4[%get3A_2095, %get3A_2096] {strides = array<i32>} : memref<11x336xf32, #tpu.memory_space<vmem>>, vector<1x16xf32>,
    %get3A_2098 = vector.shape_cast %get3A_2097 : vector<1x16xf32> to vector<16xf32>
    %mul3A_2099 = arith.mulf %get3A_2080, %get3A_2098 : vector<16xf32>
    %add3A_2100 = arith.addf %get3A_2080, %get3A_2098 : vector<16xf32>
    %mul3A_2101 = arith.mulf %mul3A_2099, %add3A_2100 : vector<16xf32>
    %add3A_2102 = arith.addf %add3A_2030, %mul3A_2101 : vector<16xf32>
    %get3A_2103 = arith.constant 0 : i32
    %get3A_2104 = arith.index_cast %get3A_2103 : i32 to index
    %get3A_2105 = arith.constant 176 : index
    %get3A_2106 = tpu.vector_load %arg4[%get3A_2104, %get3A_2105] {strides = array<i32>} : memref<11x336xf32, #tpu.memory_space<vmem>>, vector<1x16xf32>,
    %get3A_2107 = vector.shape_cast %get3A_2106 : vector<1x16xf32> to vector<16xf32>
    %get3A_2108 = arith.constant 0 : i32
    %get3A_2109 = arith.index_cast %get3A_2108 : i32 to index
    %get3A_2110 = arith.constant 177 : index
    %get3A_2111 = tpu.vector_load %arg4[%get3A_2109, %get3A_2110] {strides = array<i32>} : memref<11x336xf32, #tpu.memory_space<vmem>>, vector<1x16xf32>,
    %get3A_2112 = vector.shape_cast %get3A_2111 : vector<1x16xf32> to vector<16xf32>
    %mul3A_2113 = arith.mulf %get3A_2107, %get3A_2112 : vector<16xf32>
    %add3A_2114 = arith.addf %get3A_2107, %get3A_2112 : vector<16xf32>
    %mul3A_2115 = arith.mulf %mul3A_2113, %add3A_2114 : vector<16xf32>
    %add3A_2116 = arith.addf %add3A_2039, %mul3A_2115 : vector<16xf32>
    %get3A_2117 = arith.constant 1 : i32
    %get3A_2118 = arith.index_cast %get3A_2117 : i32 to index
    %get3A_2119 = arith.constant 176 : index
    %get3A_2120 = tpu.vector_load %arg4[%get3A_2118, %get3A_2119] {strides = array<i32>} : memref<11x336xf32, #tpu.memory_space<vmem>>, vector<1x16xf32>,
    %get3A_2121 = vector.shape_cast %get3A_2120 : vector<1x16xf32> to vector<16xf32>
    %mul3A_2122 = arith.mulf %get3A_2107, %get3A_2121 : vector<16xf32>
    %add3A_2123 = arith.addf %get3A_2107, %get3A_2121 : vector<16xf32>
    %mul3A_2124 = arith.mulf %mul3A_2122, %add3A_2123 : vector<16xf32>
    %add3A_2125 = arith.addf %add3A_2048, %mul3A_2124 : vector<16xf32>
    %get3A_2126 = arith.constant 1 : i32
    %get3A_2127 = arith.index_cast %get3A_2126 : i32 to index
    %get3A_2128 = arith.constant 177 : index
    %get3A_2129 = tpu.vector_load %arg4[%get3A_2127, %get3A_2128] {strides = array<i32>} : memref<11x336xf32, #tpu.memory_space<vmem>>, vector<1x16xf32>,
    %get3A_2130 = vector.shape_cast %get3A_2129 : vector<1x16xf32> to vector<16xf32>
    %mul3A_2131 = arith.mulf %get3A_2121, %get3A_2130 : vector<16xf32>
    %add3A_2132 = arith.addf %get3A_2121, %get3A_2130 : vector<16xf32>
    %mul3A_2133 = arith.mulf %mul3A_2131, %add3A_2132 : vector<16xf32>
    %add3A_2134 = arith.addf %add3A_2057, %mul3A_2133 : vector<16xf32>
    %get3A_2135 = arith.constant 2 : i32
    %get3A_2136 = arith.index_cast %get3A_2135 : i32 to index
    %get3A_2137 = arith.constant 176 : index
    %get3A_2138 = tpu.vector_load %arg4[%get3A_2136, %get3A_2137] {strides = array<i32>} : memref<11x336xf32, #tpu.memory_space<vmem>>, vector<1x16xf32>,
    %get3A_2139 = vector.shape_cast %get3A_2138 : vector<1x16xf32> to vector<16xf32>
    %mul3A_2140 = arith.mulf %get3A_2121, %get3A_2139 : vector<16xf32>
    %add3A_2141 = arith.addf %get3A_2121, %get3A_2139 : vector<16xf32>
    %mul3A_2142 = arith.mulf %mul3A_2140, %add3A_2141 : vector<16xf32>
    %add3A_2143 = arith.addf %add3A_2066, %mul3A_2142 : vector<16xf32>
    %get3A_2144 = arith.constant 2 : i32
    %get3A_2145 = arith.index_cast %get3A_2144 : i32 to index
    %get3A_2146 = arith.constant 177 : index
    %get3A_2147 = tpu.vector_load %arg4[%get3A_2145, %get3A_2146] {strides = array<i32>} : memref<11x336xf32, #tpu.memory_space<vmem>>, vector<1x16xf32>,
    %get3A_2148 = vector.shape_cast %get3A_2147 : vector<1x16xf32> to vector<16xf32>
    %mul3A_2149 = arith.mulf %get3A_2139, %get3A_2148 : vector<16xf32>
    %add3A_2150 = arith.addf %get3A_2139, %get3A_2148 : vector<16xf32>
    %mul3A_2151 = arith.mulf %mul3A_2149, %add3A_2150 : vector<16xf32>
    %add3A_2152 = arith.addf %add3A_2075, %mul3A_2151 : vector<16xf32>
    %get3A_2153 = arith.constant 3 : i32
    %get3A_2154 = arith.index_cast %get3A_2153 : i32 to index
    %get3A_2155 = arith.constant 176 : index
    %get3A_2156 = tpu.vector_load %arg4[%get3A_2154, %get3A_2155] {strides = array<i32>} : memref<11x336xf32, #tpu.memory_space<vmem>>, vector<1x16xf32>,
    %get3A_2157 = vector.shape_cast %get3A_2156 : vector<1x16xf32> to vector<16xf32>
    %mul3A_2158 = arith.mulf %get3A_2139, %get3A_2157 : vector<16xf32>
    %add3A_2159 = arith.addf %get3A_2139, %get3A_2157 : vector<16xf32>
    %mul3A_2160 = arith.mulf %mul3A_2158, %add3A_2159 : vector<16xf32>
    %add3A_2161 = arith.addf %add3A_2084, %mul3A_2160 : vector<16xf32>
    %get3A_2162 = arith.constant 3 : i32
    %get3A_2163 = arith.index_cast %get3A_2162 : i32 to index
    %get3A_2164 = arith.constant 177 : index
    %get3A_2165 = tpu.vector_load %arg4[%get3A_2163, %get3A_2164] {strides = array<i32>} : memref<11x336xf32, #tpu.memory_space<vmem>>, vector<1x16xf32>,
    %get3A_2166 = vector.shape_cast %get3A_2165 : vector<1x16xf32> to vector<16xf32>
    %mul3A_2167 = arith.mulf %get3A_2157, %get3A_2166 : vector<16xf32>
    %add3A_2168 = arith.addf %get3A_2157, %get3A_2166 : vector<16xf32>
    %mul3A_2169 = arith.mulf %mul3A_2167, %add3A_2168 : vector<16xf32>
    %add3A_2170 = arith.addf %add3A_2093, %mul3A_2169 : vector<16xf32>
    %get3A_2171 = arith.constant 4 : i32
    %get3A_2172 = arith.index_cast %get3A_2171 : i32 to index
    %get3A_2173 = arith.constant 176 : index
    %get3A_2174 = tpu.vector_load %arg4[%get3A_2172, %get3A_2173] {strides = array<i32>} : memref<11x336xf32, #tpu.memory_space<vmem>>, vector<1x16xf32>,
    %get3A_2175 = vector.shape_cast %get3A_2174 : vector<1x16xf32> to vector<16xf32>
    %mul3A_2176 = arith.mulf %get3A_2157, %get3A_2175 : vector<16xf32>
    %add3A_2177 = arith.addf %get3A_2157, %get3A_2175 : vector<16xf32>
    %mul3A_2178 = arith.mulf %mul3A_2176, %add3A_2177 : vector<16xf32>
    %add3A_2179 = arith.addf %add3A_2102, %mul3A_2178 : vector<16xf32>
    %get3A_2180 = arith.constant 4 : i32
    %get3A_2181 = arith.index_cast %get3A_2180 : i32 to index
    %get3A_2182 = arith.constant 177 : index
    %get3A_2183 = tpu.vector_load %arg4[%get3A_2181, %get3A_2182] {strides = array<i32>} : memref<11x336xf32, #tpu.memory_space<vmem>>, vector<1x16xf32>,
    %get3A_2184 = vector.shape_cast %get3A_2183 : vector<1x16xf32> to vector<16xf32>
    %mul3A_2185 = arith.mulf %get3A_2175, %get3A_2184 : vector<16xf32>
    %add3A_2186 = arith.addf %get3A_2175, %get3A_2184 : vector<16xf32>
    %mul3A_2187 = arith.mulf %mul3A_2185, %add3A_2186 : vector<16xf32>
    %add3A_2188 = arith.addf %add3A_2116, %mul3A_2187 : vector<16xf32>
    %get3A_2189 = arith.constant 5 : i32
    %get3A_2190 = arith.index_cast %get3A_2189 : i32 to index
    %get3A_2191 = arith.constant 176 : index
    %get3A_2192 = tpu.vector_load %arg4[%get3A_2190, %get3A_2191] {strides = array<i32>} : memref<11x336xf32, #tpu.memory_space<vmem>>, vector<1x16xf32>,
    %get3A_2193 = vector.shape_cast %get3A_2192 : vector<1x16xf32> to vector<16xf32>
    %mul3A_2194 = arith.mulf %get3A_2175, %get3A_2193 : vector<16xf32>
    %add3A_2195 = arith.addf %get3A_2175, %get3A_2193 : vector<16xf32>
    %mul3A_2196 = arith.mulf %mul3A_2194, %add3A_2195 : vector<16xf32>
    %add3A_2197 = arith.addf %add3A_2125, %mul3A_2196 : vector<16xf32>
    %get3A_2198 = arith.constant 5 : i32
    %get3A_2199 = arith.index_cast %get3A_2198 : i32 to index
    %get3A_2200 = arith.constant 177 : index
    %get3A_2201 = tpu.vector_load %arg4[%get3A_2199, %get3A_2200] {strides = array<i32>} : memref<11x336xf32, #tpu.memory_space<vmem>>, vector<1x16xf32>,
    %get3A_2202 = vector.shape_cast %get3A_2201 : vector<1x16xf32> to vector<16xf32>
    %mul3A_2203 = arith.mulf %get3A_2193, %get3A_2202 : vector<16xf32>
    %add3A_2204 = arith.addf %get3A_2193, %get3A_2202 : vector<16xf32>
    %mul3A_2205 = arith.mulf %mul3A_2203, %add3A_2204 : vector<16xf32>
    %add3A_2206 = arith.addf %add3A_2134, %mul3A_2205 : vector<16xf32>
    %get3A_2207 = arith.constant 6 : i32
    %get3A_2208 = arith.index_cast %get3A_2207 : i32 to index
    %get3A_2209 = arith.constant 176 : index
    %get3A_2210 = tpu.vector_load %arg4[%get3A_2208, %get3A_2209] {strides = array<i32>} : memref<11x336xf32, #tpu.memory_space<vmem>>, vector<1x16xf32>,
    %get3A_2211 = vector.shape_cast %get3A_2210 : vector<1x16xf32> to vector<16xf32>
    %mul3A_2212 = arith.mulf %get3A_2193, %get3A_2211 : vector<16xf32>
    %add3A_2213 = arith.addf %get3A_2193, %get3A_2211 : vector<16xf32>
    %mul3A_2214 = arith.mulf %mul3A_2212, %add3A_2213 : vector<16xf32>
    %add3A_2215 = arith.addf %add3A_2143, %mul3A_2214 : vector<16xf32>
    %get3A_2216 = arith.constant 6 : i32
    %get3A_2217 = arith.index_cast %get3A_2216 : i32 to index
    %get3A_2218 = arith.constant 177 : index
    %get3A_2219 = tpu.vector_load %arg4[%get3A_2217, %get3A_2218] {strides = array<i32>} : memref<11x336xf32, #tpu.memory_space<vmem>>, vector<1x16xf32>,
    %get3A_2220 = vector.shape_cast %get3A_2219 : vector<1x16xf32> to vector<16xf32>
    %mul3A_2221 = arith.mulf %get3A_2211, %get3A_2220 : vector<16xf32>
    %add3A_2222 = arith.addf %get3A_2211, %get3A_2220 : vector<16xf32>
    %mul3A_2223 = arith.mulf %mul3A_2221, %add3A_2222 : vector<16xf32>
    %add3A_2224 = arith.addf %add3A_2152, %mul3A_2223 : vector<16xf32>
    %get3A_2225 = arith.constant 7 : i32
    %get3A_2226 = arith.index_cast %get3A_2225 : i32 to index
    %get3A_2227 = arith.constant 176 : index
    %get3A_2228 = tpu.vector_load %arg4[%get3A_2226, %get3A_2227] {strides = array<i32>} : memref<11x336xf32, #tpu.memory_space<vmem>>, vector<1x16xf32>,
    %get3A_2229 = vector.shape_cast %get3A_2228 : vector<1x16xf32> to vector<16xf32>
    %mul3A_2230 = arith.mulf %get3A_2211, %get3A_2229 : vector<16xf32>
    %add3A_2231 = arith.addf %get3A_2211, %get3A_2229 : vector<16xf32>
    %mul3A_2232 = arith.mulf %mul3A_2230, %add3A_2231 : vector<16xf32>
    %add3A_2233 = arith.addf %add3A_2161, %mul3A_2232 : vector<16xf32>
    %get3A_2234 = arith.constant 7 : i32
    %get3A_2235 = arith.index_cast %get3A_2234 : i32 to index
    %get3A_2236 = arith.constant 177 : index
    %get3A_2237 = tpu.vector_load %arg4[%get3A_2235, %get3A_2236] {strides = array<i32>} : memref<11x336xf32, #tpu.memory_space<vmem>>, vector<1x16xf32>,
    %get3A_2238 = vector.shape_cast %get3A_2237 : vector<1x16xf32> to vector<16xf32>
    %mul3A_2239 = arith.mulf %get3A_2229, %get3A_2238 : vector<16xf32>
    %add3A_2240 = arith.addf %get3A_2229, %get3A_2238 : vector<16xf32>
    %mul3A_2241 = arith.mulf %mul3A_2239, %add3A_2240 : vector<16xf32>
    %add3A_2242 = arith.addf %add3A_2170, %mul3A_2241 : vector<16xf32>
    %get3A_2243 = arith.constant 8 : i32
    %get3A_2244 = arith.index_cast %get3A_2243 : i32 to index
    %get3A_2245 = arith.constant 176 : index
    %get3A_2246 = tpu.vector_load %arg4[%get3A_2244, %get3A_2245] {strides = array<i32>} : memref<11x336xf32, #tpu.memory_space<vmem>>, vector<1x16xf32>,
    %get3A_2247 = vector.shape_cast %get3A_2246 : vector<1x16xf32> to vector<16xf32>
    %mul3A_2248 = arith.mulf %get3A_2229, %get3A_2247 : vector<16xf32>
    %add3A_2249 = arith.addf %get3A_2229, %get3A_2247 : vector<16xf32>
    %mul3A_2250 = arith.mulf %mul3A_2248, %add3A_2249 : vector<16xf32>
    %add3A_2251 = arith.addf %add3A_2179, %mul3A_2250 : vector<16xf32>
    %get3A_2252 = arith.constant 8 : i32
    %get3A_2253 = arith.index_cast %get3A_2252 : i32 to index
    %get3A_2254 = arith.constant 177 : index
    %get3A_2255 = tpu.vector_load %arg4[%get3A_2253, %get3A_2254] {strides = array<i32>} : memref<11x336xf32, #tpu.memory_space<vmem>>, vector<1x16xf32>,
    %get3A_2256 = vector.shape_cast %get3A_2255 : vector<1x16xf32> to vector<16xf32>
    %mul3A_2257 = arith.mulf %get3A_2247, %get3A_2256 : vector<16xf32>
    %add3A_2258 = arith.addf %get3A_2247, %get3A_2256 : vector<16xf32>
    %mul3A_2259 = arith.mulf %mul3A_2257, %add3A_2258 : vector<16xf32>
    %add3A_2260 = arith.addf %add3A_2188, %mul3A_2259 : vector<16xf32>
    %get3A_2261 = arith.constant 9 : i32
    %get3A_2262 = arith.index_cast %get3A_2261 : i32 to index
    %get3A_2263 = arith.constant 176 : index
    %get3A_2264 = tpu.vector_load %arg4[%get3A_2262, %get3A_2263] {strides = array<i32>} : memref<11x336xf32, #tpu.memory_space<vmem>>, vector<1x16xf32>,
    %get3A_2265 = vector.shape_cast %get3A_2264 : vector<1x16xf32> to vector<16xf32>
    %mul3A_2266 = arith.mulf %get3A_2247, %get3A_2265 : vector<16xf32>
    %add3A_2267 = arith.addf %get3A_2247, %get3A_2265 : vector<16xf32>
    %mul3A_2268 = arith.mulf %mul3A_2266, %add3A_2267 : vector<16xf32>
    %add3A_2269 = arith.addf %add3A_2197, %mul3A_2268 : vector<16xf32>
    %get3A_2270 = arith.constant 9 : i32
    %get3A_2271 = arith.index_cast %get3A_2270 : i32 to index
    %get3A_2272 = arith.constant 177 : index
    %get3A_2273 = tpu.vector_load %arg4[%get3A_2271, %get3A_2272] {strides = array<i32>} : memref<11x336xf32, #tpu.memory_space<vmem>>, vector<1x16xf32>,
    %get3A_2274 = vector.shape_cast %get3A_2273 : vector<1x16xf32> to vector<16xf32>
    %mul3A_2275 = arith.mulf %get3A_2265, %get3A_2274 : vector<16xf32>
    %add3A_2276 = arith.addf %get3A_2265, %get3A_2274 : vector<16xf32>
    %mul3A_2277 = arith.mulf %mul3A_2275, %add3A_2276 : vector<16xf32>
    %add3A_2278 = arith.addf %add3A_2206, %mul3A_2277 : vector<16xf32>
    %get3A_2279 = arith.constant 10 : i32
    %get3A_2280 = arith.index_cast %get3A_2279 : i32 to index
    %get3A_2281 = arith.constant 176 : index
    %get3A_2282 = tpu.vector_load %arg4[%get3A_2280, %get3A_2281] {strides = array<i32>} : memref<11x336xf32, #tpu.memory_space<vmem>>, vector<1x16xf32>,
    %get3A_2283 = vector.shape_cast %get3A_2282 : vector<1x16xf32> to vector<16xf32>
    %mul3A_2284 = arith.mulf %get3A_2265, %get3A_2283 : vector<16xf32>
    %add3A_2285 = arith.addf %get3A_2265, %get3A_2283 : vector<16xf32>
    %mul3A_2286 = arith.mulf %mul3A_2284, %add3A_2285 : vector<16xf32>
    %add3A_2287 = arith.addf %add3A_2215, %mul3A_2286 : vector<16xf32>
    %get3A_2288 = arith.constant 0 : i32
    %get3A_2289 = arith.index_cast %get3A_2288 : i32 to index
    %get3A_2290 = arith.constant 192 : index
    %get3A_2291 = tpu.vector_load %arg4[%get3A_2289, %get3A_2290] {strides = array<i32>} : memref<11x336xf32, #tpu.memory_space<vmem>>, vector<1x16xf32>,
    %get3A_2292 = vector.shape_cast %get3A_2291 : vector<1x16xf32> to vector<16xf32>
    %get3A_2293 = arith.constant 0 : i32
    %get3A_2294 = arith.index_cast %get3A_2293 : i32 to index
    %get3A_2295 = arith.constant 193 : index
    %get3A_2296 = tpu.vector_load %arg4[%get3A_2294, %get3A_2295] {strides = array<i32>} : memref<11x336xf32, #tpu.memory_space<vmem>>, vector<1x16xf32>,
    %get3A_2297 = vector.shape_cast %get3A_2296 : vector<1x16xf32> to vector<16xf32>
    %mul3A_2298 = arith.mulf %get3A_2292, %get3A_2297 : vector<16xf32>
    %add3A_2299 = arith.addf %get3A_2292, %get3A_2297 : vector<16xf32>
    %mul3A_2300 = arith.mulf %mul3A_2298, %add3A_2299 : vector<16xf32>
    %add3A_2301 = arith.addf %add3A_2224, %mul3A_2300 : vector<16xf32>
    %get3A_2302 = arith.constant 1 : i32
    %get3A_2303 = arith.index_cast %get3A_2302 : i32 to index
    %get3A_2304 = arith.constant 192 : index
    %get3A_2305 = tpu.vector_load %arg4[%get3A_2303, %get3A_2304] {strides = array<i32>} : memref<11x336xf32, #tpu.memory_space<vmem>>, vector<1x16xf32>,
    %get3A_2306 = vector.shape_cast %get3A_2305 : vector<1x16xf32> to vector<16xf32>
    %mul3A_2307 = arith.mulf %get3A_2292, %get3A_2306 : vector<16xf32>
    %add3A_2308 = arith.addf %get3A_2292, %get3A_2306 : vector<16xf32>
    %mul3A_2309 = arith.mulf %mul3A_2307, %add3A_2308 : vector<16xf32>
    %add3A_2310 = arith.addf %add3A_2233, %mul3A_2309 : vector<16xf32>
    %get3A_2311 = arith.constant 1 : i32
    %get3A_2312 = arith.index_cast %get3A_2311 : i32 to index
    %get3A_2313 = arith.constant 193 : index
    %get3A_2314 = tpu.vector_load %arg4[%get3A_2312, %get3A_2313] {strides = array<i32>} : memref<11x336xf32, #tpu.memory_space<vmem>>, vector<1x16xf32>,
    %get3A_2315 = vector.shape_cast %get3A_2314 : vector<1x16xf32> to vector<16xf32>
    %mul3A_2316 = arith.mulf %get3A_2306, %get3A_2315 : vector<16xf32>
    %add3A_2317 = arith.addf %get3A_2306, %get3A_2315 : vector<16xf32>
    %mul3A_2318 = arith.mulf %mul3A_2316, %add3A_2317 : vector<16xf32>
    %add3A_2319 = arith.addf %add3A_2242, %mul3A_2318 : vector<16xf32>
    %get3A_2320 = arith.constant 2 : i32
    %get3A_2321 = arith.index_cast %get3A_2320 : i32 to index
    %get3A_2322 = arith.constant 192 : index
    %get3A_2323 = tpu.vector_load %arg4[%get3A_2321, %get3A_2322] {strides = array<i32>} : memref<11x336xf32, #tpu.memory_space<vmem>>, vector<1x16xf32>,
    %get3A_2324 = vector.shape_cast %get3A_2323 : vector<1x16xf32> to vector<16xf32>
    %mul3A_2325 = arith.mulf %get3A_2306, %get3A_2324 : vector<16xf32>
    %add3A_2326 = arith.addf %get3A_2306, %get3A_2324 : vector<16xf32>
    %mul3A_2327 = arith.mulf %mul3A_2325, %add3A_2326 : vector<16xf32>
    %add3A_2328 = arith.addf %add3A_2251, %mul3A_2327 : vector<16xf32>
    %get3A_2329 = arith.constant 2 : i32
    %get3A_2330 = arith.index_cast %get3A_2329 : i32 to index
    %get3A_2331 = arith.constant 193 : index
    %get3A_2332 = tpu.vector_load %arg4[%get3A_2330, %get3A_2331] {strides = array<i32>} : memref<11x336xf32, #tpu.memory_space<vmem>>, vector<1x16xf32>,
    %get3A_2333 = vector.shape_cast %get3A_2332 : vector<1x16xf32> to vector<16xf32>
    %mul3A_2334 = arith.mulf %get3A_2324, %get3A_2333 : vector<16xf32>
    %add3A_2335 = arith.addf %get3A_2324, %get3A_2333 : vector<16xf32>
    %mul3A_2336 = arith.mulf %mul3A_2334, %add3A_2335 : vector<16xf32>
    %add3A_2337 = arith.addf %add3A_2260, %mul3A_2336 : vector<16xf32>
    %get3A_2338 = arith.constant 3 : i32
    %get3A_2339 = arith.index_cast %get3A_2338 : i32 to index
    %get3A_2340 = arith.constant 192 : index
    %get3A_2341 = tpu.vector_load %arg4[%get3A_2339, %get3A_2340] {strides = array<i32>} : memref<11x336xf32, #tpu.memory_space<vmem>>, vector<1x16xf32>,
    %get3A_2342 = vector.shape_cast %get3A_2341 : vector<1x16xf32> to vector<16xf32>
    %mul3A_2343 = arith.mulf %get3A_2324, %get3A_2342 : vector<16xf32>
    %add3A_2344 = arith.addf %get3A_2324, %get3A_2342 : vector<16xf32>
    %mul3A_2345 = arith.mulf %mul3A_2343, %add3A_2344 : vector<16xf32>
    %add3A_2346 = arith.addf %add3A_2269, %mul3A_2345 : vector<16xf32>
    %get3A_2347 = arith.constant 3 : i32
    %get3A_2348 = arith.index_cast %get3A_2347 : i32 to index
    %get3A_2349 = arith.constant 193 : index
    %get3A_2350 = tpu.vector_load %arg4[%get3A_2348, %get3A_2349] {strides = array<i32>} : memref<11x336xf32, #tpu.memory_space<vmem>>, vector<1x16xf32>,
    %get3A_2351 = vector.shape_cast %get3A_2350 : vector<1x16xf32> to vector<16xf32>
    %mul3A_2352 = arith.mulf %get3A_2342, %get3A_2351 : vector<16xf32>
    %add3A_2353 = arith.addf %get3A_2342, %get3A_2351 : vector<16xf32>
    %mul3A_2354 = arith.mulf %mul3A_2352, %add3A_2353 : vector<16xf32>
    %add3A_2355 = arith.addf %add3A_2278, %mul3A_2354 : vector<16xf32>
    %get3A_2356 = arith.constant 4 : i32
    %get3A_2357 = arith.index_cast %get3A_2356 : i32 to index
    %get3A_2358 = arith.constant 192 : index
    %get3A_2359 = tpu.vector_load %arg4[%get3A_2357, %get3A_2358] {strides = array<i32>} : memref<11x336xf32, #tpu.memory_space<vmem>>, vector<1x16xf32>,
    %get3A_2360 = vector.shape_cast %get3A_2359 : vector<1x16xf32> to vector<16xf32>
    %mul3A_2361 = arith.mulf %get3A_2342, %get3A_2360 : vector<16xf32>
    %add3A_2362 = arith.addf %get3A_2342, %get3A_2360 : vector<16xf32>
    %mul3A_2363 = arith.mulf %mul3A_2361, %add3A_2362 : vector<16xf32>
    %add3A_2364 = arith.addf %add3A_2287, %mul3A_2363 : vector<16xf32>
    %get3A_2365 = arith.constant 4 : i32
    %get3A_2366 = arith.index_cast %get3A_2365 : i32 to index
    %get3A_2367 = arith.constant 193 : index
    %get3A_2368 = tpu.vector_load %arg4[%get3A_2366, %get3A_2367] {strides = array<i32>} : memref<11x336xf32, #tpu.memory_space<vmem>>, vector<1x16xf32>,
    %get3A_2369 = vector.shape_cast %get3A_2368 : vector<1x16xf32> to vector<16xf32>
    %mul3A_2370 = arith.mulf %get3A_2360, %get3A_2369 : vector<16xf32>
    %add3A_2371 = arith.addf %get3A_2360, %get3A_2369 : vector<16xf32>
    %mul3A_2372 = arith.mulf %mul3A_2370, %add3A_2371 : vector<16xf32>
    %add3A_2373 = arith.addf %add3A_2301, %mul3A_2372 : vector<16xf32>
    %get3A_2374 = arith.constant 5 : i32
    %get3A_2375 = arith.index_cast %get3A_2374 : i32 to index
    %get3A_2376 = arith.constant 192 : index
    %get3A_2377 = tpu.vector_load %arg4[%get3A_2375, %get3A_2376] {strides = array<i32>} : memref<11x336xf32, #tpu.memory_space<vmem>>, vector<1x16xf32>,
    %get3A_2378 = vector.shape_cast %get3A_2377 : vector<1x16xf32> to vector<16xf32>
    %mul3A_2379 = arith.mulf %get3A_2360, %get3A_2378 : vector<16xf32>
    %add3A_2380 = arith.addf %get3A_2360, %get3A_2378 : vector<16xf32>
    %mul3A_2381 = arith.mulf %mul3A_2379, %add3A_2380 : vector<16xf32>
    %add3A_2382 = arith.addf %add3A_2310, %mul3A_2381 : vector<16xf32>
    %get3A_2383 = arith.constant 5 : i32
    %get3A_2384 = arith.index_cast %get3A_2383 : i32 to index
    %get3A_2385 = arith.constant 193 : index
    %get3A_2386 = tpu.vector_load %arg4[%get3A_2384, %get3A_2385] {strides = array<i32>} : memref<11x336xf32, #tpu.memory_space<vmem>>, vector<1x16xf32>,
    %get3A_2387 = vector.shape_cast %get3A_2386 : vector<1x16xf32> to vector<16xf32>
    %mul3A_2388 = arith.mulf %get3A_2378, %get3A_2387 : vector<16xf32>
    %add3A_2389 = arith.addf %get3A_2378, %get3A_2387 : vector<16xf32>
    %mul3A_2390 = arith.mulf %mul3A_2388, %add3A_2389 : vector<16xf32>
    %add3A_2391 = arith.addf %add3A_2319, %mul3A_2390 : vector<16xf32>
    %get3A_2392 = arith.constant 6 : i32
    %get3A_2393 = arith.index_cast %get3A_2392 : i32 to index
    %get3A_2394 = arith.constant 192 : index
    %get3A_2395 = tpu.vector_load %arg4[%get3A_2393, %get3A_2394] {strides = array<i32>} : memref<11x336xf32, #tpu.memory_space<vmem>>, vector<1x16xf32>,
    %get3A_2396 = vector.shape_cast %get3A_2395 : vector<1x16xf32> to vector<16xf32>
    %mul3A_2397 = arith.mulf %get3A_2378, %get3A_2396 : vector<16xf32>
    %add3A_2398 = arith.addf %get3A_2378, %get3A_2396 : vector<16xf32>
    %mul3A_2399 = arith.mulf %mul3A_2397, %add3A_2398 : vector<16xf32>
    %add3A_2400 = arith.addf %add3A_2328, %mul3A_2399 : vector<16xf32>
    %get3A_2401 = arith.constant 6 : i32
    %get3A_2402 = arith.index_cast %get3A_2401 : i32 to index
    %get3A_2403 = arith.constant 193 : index
    %get3A_2404 = tpu.vector_load %arg4[%get3A_2402, %get3A_2403] {strides = array<i32>} : memref<11x336xf32, #tpu.memory_space<vmem>>, vector<1x16xf32>,
    %get3A_2405 = vector.shape_cast %get3A_2404 : vector<1x16xf32> to vector<16xf32>
    %mul3A_2406 = arith.mulf %get3A_2396, %get3A_2405 : vector<16xf32>
    %add3A_2407 = arith.addf %get3A_2396, %get3A_2405 : vector<16xf32>
    %mul3A_2408 = arith.mulf %mul3A_2406, %add3A_2407 : vector<16xf32>
    %add3A_2409 = arith.addf %add3A_2337, %mul3A_2408 : vector<16xf32>
    %get3A_2410 = arith.constant 7 : i32
    %get3A_2411 = arith.index_cast %get3A_2410 : i32 to index
    %get3A_2412 = arith.constant 192 : index
    %get3A_2413 = tpu.vector_load %arg4[%get3A_2411, %get3A_2412] {strides = array<i32>} : memref<11x336xf32, #tpu.memory_space<vmem>>, vector<1x16xf32>,
    %get3A_2414 = vector.shape_cast %get3A_2413 : vector<1x16xf32> to vector<16xf32>
    %mul3A_2415 = arith.mulf %get3A_2396, %get3A_2414 : vector<16xf32>
    %add3A_2416 = arith.addf %get3A_2396, %get3A_2414 : vector<16xf32>
    %mul3A_2417 = arith.mulf %mul3A_2415, %add3A_2416 : vector<16xf32>
    %add3A_2418 = arith.addf %add3A_2346, %mul3A_2417 : vector<16xf32>
    %get3A_2419 = arith.constant 7 : i32
    %get3A_2420 = arith.index_cast %get3A_2419 : i32 to index
    %get3A_2421 = arith.constant 193 : index
    %get3A_2422 = tpu.vector_load %arg4[%get3A_2420, %get3A_2421] {strides = array<i32>} : memref<11x336xf32, #tpu.memory_space<vmem>>, vector<1x16xf32>,
    %get3A_2423 = vector.shape_cast %get3A_2422 : vector<1x16xf32> to vector<16xf32>
    %mul3A_2424 = arith.mulf %get3A_2414, %get3A_2423 : vector<16xf32>
    %add3A_2425 = arith.addf %get3A_2414, %get3A_2423 : vector<16xf32>
    %mul3A_2426 = arith.mulf %mul3A_2424, %add3A_2425 : vector<16xf32>
    %add3A_2427 = arith.addf %add3A_2355, %mul3A_2426 : vector<16xf32>
    %get3A_2428 = arith.constant 8 : i32
    %get3A_2429 = arith.index_cast %get3A_2428 : i32 to index
    %get3A_2430 = arith.constant 192 : index
    %get3A_2431 = tpu.vector_load %arg4[%get3A_2429, %get3A_2430] {strides = array<i32>} : memref<11x336xf32, #tpu.memory_space<vmem>>, vector<1x16xf32>,
    %get3A_2432 = vector.shape_cast %get3A_2431 : vector<1x16xf32> to vector<16xf32>
    %mul3A_2433 = arith.mulf %get3A_2414, %get3A_2432 : vector<16xf32>
    %add3A_2434 = arith.addf %get3A_2414, %get3A_2432 : vector<16xf32>
    %mul3A_2435 = arith.mulf %mul3A_2433, %add3A_2434 : vector<16xf32>
    %add3A_2436 = arith.addf %add3A_2364, %mul3A_2435 : vector<16xf32>
    %get3A_2437 = arith.constant 8 : i32
    %get3A_2438 = arith.index_cast %get3A_2437 : i32 to index
    %get3A_2439 = arith.constant 193 : index
    %get3A_2440 = tpu.vector_load %arg4[%get3A_2438, %get3A_2439] {strides = array<i32>} : memref<11x336xf32, #tpu.memory_space<vmem>>, vector<1x16xf32>,
    %get3A_2441 = vector.shape_cast %get3A_2440 : vector<1x16xf32> to vector<16xf32>
    %mul3A_2442 = arith.mulf %get3A_2432, %get3A_2441 : vector<16xf32>
    %add3A_2443 = arith.addf %get3A_2432, %get3A_2441 : vector<16xf32>
    %mul3A_2444 = arith.mulf %mul3A_2442, %add3A_2443 : vector<16xf32>
    %add3A_2445 = arith.addf %add3A_2373, %mul3A_2444 : vector<16xf32>
    %get3A_2446 = arith.constant 9 : i32
    %get3A_2447 = arith.index_cast %get3A_2446 : i32 to index
    %get3A_2448 = arith.constant 192 : index
    %get3A_2449 = tpu.vector_load %arg4[%get3A_2447, %get3A_2448] {strides = array<i32>} : memref<11x336xf32, #tpu.memory_space<vmem>>, vector<1x16xf32>,
    %get3A_2450 = vector.shape_cast %get3A_2449 : vector<1x16xf32> to vector<16xf32>
    %mul3A_2451 = arith.mulf %get3A_2432, %get3A_2450 : vector<16xf32>
    %add3A_2452 = arith.addf %get3A_2432, %get3A_2450 : vector<16xf32>
    %mul3A_2453 = arith.mulf %mul3A_2451, %add3A_2452 : vector<16xf32>
    %add3A_2454 = arith.addf %add3A_2382, %mul3A_2453 : vector<16xf32>
    %get3A_2455 = arith.constant 9 : i32
    %get3A_2456 = arith.index_cast %get3A_2455 : i32 to index
    %get3A_2457 = arith.constant 193 : index
    %get3A_2458 = tpu.vector_load %arg4[%get3A_2456, %get3A_2457] {strides = array<i32>} : memref<11x336xf32, #tpu.memory_space<vmem>>, vector<1x16xf32>,
    %get3A_2459 = vector.shape_cast %get3A_2458 : vector<1x16xf32> to vector<16xf32>
    %mul3A_2460 = arith.mulf %get3A_2450, %get3A_2459 : vector<16xf32>
    %add3A_2461 = arith.addf %get3A_2450, %get3A_2459 : vector<16xf32>
    %mul3A_2462 = arith.mulf %mul3A_2460, %add3A_2461 : vector<16xf32>
    %add3A_2463 = arith.addf %add3A_2391, %mul3A_2462 : vector<16xf32>
    %get3A_2464 = arith.constant 10 : i32
    %get3A_2465 = arith.index_cast %get3A_2464 : i32 to index
    %get3A_2466 = arith.constant 192 : index
    %get3A_2467 = tpu.vector_load %arg4[%get3A_2465, %get3A_2466] {strides = array<i32>} : memref<11x336xf32, #tpu.memory_space<vmem>>, vector<1x16xf32>,
    %get3A_2468 = vector.shape_cast %get3A_2467 : vector<1x16xf32> to vector<16xf32>
    %mul3A_2469 = arith.mulf %get3A_2450, %get3A_2468 : vector<16xf32>
    %add3A_2470 = arith.addf %get3A_2450, %get3A_2468 : vector<16xf32>
    %mul3A_2471 = arith.mulf %mul3A_2469, %add3A_2470 : vector<16xf32>
    %add3A_2472 = arith.addf %add3A_2400, %mul3A_2471 : vector<16xf32>
    %get3A_2473 = arith.constant 0 : i32
    %get3A_2474 = arith.index_cast %get3A_2473 : i32 to index
    %get3A_2475 = arith.constant 208 : index
    %get3A_2476 = tpu.vector_load %arg4[%get3A_2474, %get3A_2475] {strides = array<i32>} : memref<11x336xf32, #tpu.memory_space<vmem>>, vector<1x16xf32>,
    %get3A_2477 = vector.shape_cast %get3A_2476 : vector<1x16xf32> to vector<16xf32>
    %get3A_2478 = arith.constant 0 : i32
    %get3A_2479 = arith.index_cast %get3A_2478 : i32 to index
    %get3A_2480 = arith.constant 209 : index
    %get3A_2481 = tpu.vector_load %arg4[%get3A_2479, %get3A_2480] {strides = array<i32>} : memref<11x336xf32, #tpu.memory_space<vmem>>, vector<1x16xf32>,
    %get3A_2482 = vector.shape_cast %get3A_2481 : vector<1x16xf32> to vector<16xf32>
    %mul3A_2483 = arith.mulf %get3A_2477, %get3A_2482 : vector<16xf32>
    %add3A_2484 = arith.addf %get3A_2477, %get3A_2482 : vector<16xf32>
    %mul3A_2485 = arith.mulf %mul3A_2483, %add3A_2484 : vector<16xf32>
    %add3A_2486 = arith.addf %add3A_2409, %mul3A_2485 : vector<16xf32>
    %get3A_2487 = arith.constant 1 : i32
    %get3A_2488 = arith.index_cast %get3A_2487 : i32 to index
    %get3A_2489 = arith.constant 208 : index
    %get3A_2490 = tpu.vector_load %arg4[%get3A_2488, %get3A_2489] {strides = array<i32>} : memref<11x336xf32, #tpu.memory_space<vmem>>, vector<1x16xf32>,
    %get3A_2491 = vector.shape_cast %get3A_2490 : vector<1x16xf32> to vector<16xf32>
    %mul3A_2492 = arith.mulf %get3A_2477, %get3A_2491 : vector<16xf32>
    %add3A_2493 = arith.addf %get3A_2477, %get3A_2491 : vector<16xf32>
    %mul3A_2494 = arith.mulf %mul3A_2492, %add3A_2493 : vector<16xf32>
    %add3A_2495 = arith.addf %add3A_2418, %mul3A_2494 : vector<16xf32>
    %get3A_2496 = arith.constant 1 : i32
    %get3A_2497 = arith.index_cast %get3A_2496 : i32 to index
    %get3A_2498 = arith.constant 209 : index
    %get3A_2499 = tpu.vector_load %arg4[%get3A_2497, %get3A_2498] {strides = array<i32>} : memref<11x336xf32, #tpu.memory_space<vmem>>, vector<1x16xf32>,
    %get3A_2500 = vector.shape_cast %get3A_2499 : vector<1x16xf32> to vector<16xf32>
    %mul3A_2501 = arith.mulf %get3A_2491, %get3A_2500 : vector<16xf32>
    %add3A_2502 = arith.addf %get3A_2491, %get3A_2500 : vector<16xf32>
    %mul3A_2503 = arith.mulf %mul3A_2501, %add3A_2502 : vector<16xf32>
    %add3A_2504 = arith.addf %add3A_2427, %mul3A_2503 : vector<16xf32>
    %get3A_2505 = arith.constant 2 : i32
    %get3A_2506 = arith.index_cast %get3A_2505 : i32 to index
    %get3A_2507 = arith.constant 208 : index
    %get3A_2508 = tpu.vector_load %arg4[%get3A_2506, %get3A_2507] {strides = array<i32>} : memref<11x336xf32, #tpu.memory_space<vmem>>, vector<1x16xf32>,
    %get3A_2509 = vector.shape_cast %get3A_2508 : vector<1x16xf32> to vector<16xf32>
    %mul3A_2510 = arith.mulf %get3A_2491, %get3A_2509 : vector<16xf32>
    %add3A_2511 = arith.addf %get3A_2491, %get3A_2509 : vector<16xf32>
    %mul3A_2512 = arith.mulf %mul3A_2510, %add3A_2511 : vector<16xf32>
    %add3A_2513 = arith.addf %add3A_2436, %mul3A_2512 : vector<16xf32>
    %get3A_2514 = arith.constant 2 : i32
    %get3A_2515 = arith.index_cast %get3A_2514 : i32 to index
    %get3A_2516 = arith.constant 209 : index
    %get3A_2517 = tpu.vector_load %arg4[%get3A_2515, %get3A_2516] {strides = array<i32>} : memref<11x336xf32, #tpu.memory_space<vmem>>, vector<1x16xf32>,
    %get3A_2518 = vector.shape_cast %get3A_2517 : vector<1x16xf32> to vector<16xf32>
    %mul3A_2519 = arith.mulf %get3A_2509, %get3A_2518 : vector<16xf32>
    %add3A_2520 = arith.addf %get3A_2509, %get3A_2518 : vector<16xf32>
    %mul3A_2521 = arith.mulf %mul3A_2519, %add3A_2520 : vector<16xf32>
    %add3A_2522 = arith.addf %add3A_2445, %mul3A_2521 : vector<16xf32>
    %get3A_2523 = arith.constant 3 : i32
    %get3A_2524 = arith.index_cast %get3A_2523 : i32 to index
    %get3A_2525 = arith.constant 208 : index
    %get3A_2526 = tpu.vector_load %arg4[%get3A_2524, %get3A_2525] {strides = array<i32>} : memref<11x336xf32, #tpu.memory_space<vmem>>, vector<1x16xf32>,
    %get3A_2527 = vector.shape_cast %get3A_2526 : vector<1x16xf32> to vector<16xf32>
    %mul3A_2528 = arith.mulf %get3A_2509, %get3A_2527 : vector<16xf32>
    %add3A_2529 = arith.addf %get3A_2509, %get3A_2527 : vector<16xf32>
    %mul3A_2530 = arith.mulf %mul3A_2528, %add3A_2529 : vector<16xf32>
    %add3A_2531 = arith.addf %add3A_2454, %mul3A_2530 : vector<16xf32>
    %get3A_2532 = arith.constant 3 : i32
    %get3A_2533 = arith.index_cast %get3A_2532 : i32 to index
    %get3A_2534 = arith.constant 209 : index
    %get3A_2535 = tpu.vector_load %arg4[%get3A_2533, %get3A_2534] {strides = array<i32>} : memref<11x336xf32, #tpu.memory_space<vmem>>, vector<1x16xf32>,
    %get3A_2536 = vector.shape_cast %get3A_2535 : vector<1x16xf32> to vector<16xf32>
    %mul3A_2537 = arith.mulf %get3A_2527, %get3A_2536 : vector<16xf32>
    %add3A_2538 = arith.addf %get3A_2527, %get3A_2536 : vector<16xf32>
    %mul3A_2539 = arith.mulf %mul3A_2537, %add3A_2538 : vector<16xf32>
    %add3A_2540 = arith.addf %add3A_2463, %mul3A_2539 : vector<16xf32>
    %get3A_2541 = arith.constant 4 : i32
    %get3A_2542 = arith.index_cast %get3A_2541 : i32 to index
    %get3A_2543 = arith.constant 208 : index
    %get3A_2544 = tpu.vector_load %arg4[%get3A_2542, %get3A_2543] {strides = array<i32>} : memref<11x336xf32, #tpu.memory_space<vmem>>, vector<1x16xf32>,
    %get3A_2545 = vector.shape_cast %get3A_2544 : vector<1x16xf32> to vector<16xf32>
    %mul3A_2546 = arith.mulf %get3A_2527, %get3A_2545 : vector<16xf32>
    %add3A_2547 = arith.addf %get3A_2527, %get3A_2545 : vector<16xf32>
    %mul3A_2548 = arith.mulf %mul3A_2546, %add3A_2547 : vector<16xf32>
    %add3A_2549 = arith.addf %add3A_2472, %mul3A_2548 : vector<16xf32>
    %get3A_2550 = arith.constant 4 : i32
    %get3A_2551 = arith.index_cast %get3A_2550 : i32 to index
    %get3A_2552 = arith.constant 209 : index
    %get3A_2553 = tpu.vector_load %arg4[%get3A_2551, %get3A_2552] {strides = array<i32>} : memref<11x336xf32, #tpu.memory_space<vmem>>, vector<1x16xf32>,
    %get3A_2554 = vector.shape_cast %get3A_2553 : vector<1x16xf32> to vector<16xf32>
    %mul3A_2555 = arith.mulf %get3A_2545, %get3A_2554 : vector<16xf32>
    %add3A_2556 = arith.addf %get3A_2545, %get3A_2554 : vector<16xf32>
    %mul3A_2557 = arith.mulf %mul3A_2555, %add3A_2556 : vector<16xf32>
    %add3A_2558 = arith.addf %add3A_2486, %mul3A_2557 : vector<16xf32>
    %get3A_2559 = arith.constant 5 : i32
    %get3A_2560 = arith.index_cast %get3A_2559 : i32 to index
    %get3A_2561 = arith.constant 208 : index
    %get3A_2562 = tpu.vector_load %arg4[%get3A_2560, %get3A_2561] {strides = array<i32>} : memref<11x336xf32, #tpu.memory_space<vmem>>, vector<1x16xf32>,
    %get3A_2563 = vector.shape_cast %get3A_2562 : vector<1x16xf32> to vector<16xf32>
    %mul3A_2564 = arith.mulf %get3A_2545, %get3A_2563 : vector<16xf32>
    %add3A_2565 = arith.addf %get3A_2545, %get3A_2563 : vector<16xf32>
    %mul3A_2566 = arith.mulf %mul3A_2564, %add3A_2565 : vector<16xf32>
    %add3A_2567 = arith.addf %add3A_2495, %mul3A_2566 : vector<16xf32>
    %get3A_2568 = arith.constant 5 : i32
    %get3A_2569 = arith.index_cast %get3A_2568 : i32 to index
    %get3A_2570 = arith.constant 209 : index
    %get3A_2571 = tpu.vector_load %arg4[%get3A_2569, %get3A_2570] {strides = array<i32>} : memref<11x336xf32, #tpu.memory_space<vmem>>, vector<1x16xf32>,
    %get3A_2572 = vector.shape_cast %get3A_2571 : vector<1x16xf32> to vector<16xf32>
    %mul3A_2573 = arith.mulf %get3A_2563, %get3A_2572 : vector<16xf32>
    %add3A_2574 = arith.addf %get3A_2563, %get3A_2572 : vector<16xf32>
    %mul3A_2575 = arith.mulf %mul3A_2573, %add3A_2574 : vector<16xf32>
    %add3A_2576 = arith.addf %add3A_2504, %mul3A_2575 : vector<16xf32>
    %get3A_2577 = arith.constant 6 : i32
    %get3A_2578 = arith.index_cast %get3A_2577 : i32 to index
    %get3A_2579 = arith.constant 208 : index
    %get3A_2580 = tpu.vector_load %arg4[%get3A_2578, %get3A_2579] {strides = array<i32>} : memref<11x336xf32, #tpu.memory_space<vmem>>, vector<1x16xf32>,
    %get3A_2581 = vector.shape_cast %get3A_2580 : vector<1x16xf32> to vector<16xf32>
    %mul3A_2582 = arith.mulf %get3A_2563, %get3A_2581 : vector<16xf32>
    %add3A_2583 = arith.addf %get3A_2563, %get3A_2581 : vector<16xf32>
    %mul3A_2584 = arith.mulf %mul3A_2582, %add3A_2583 : vector<16xf32>
    %add3A_2585 = arith.addf %add3A_2513, %mul3A_2584 : vector<16xf32>
    %get3A_2586 = arith.constant 6 : i32
    %get3A_2587 = arith.index_cast %get3A_2586 : i32 to index
    %get3A_2588 = arith.constant 209 : index
    %get3A_2589 = tpu.vector_load %arg4[%get3A_2587, %get3A_2588] {strides = array<i32>} : memref<11x336xf32, #tpu.memory_space<vmem>>, vector<1x16xf32>,
    %get3A_2590 = vector.shape_cast %get3A_2589 : vector<1x16xf32> to vector<16xf32>
    %mul3A_2591 = arith.mulf %get3A_2581, %get3A_2590 : vector<16xf32>
    %add3A_2592 = arith.addf %get3A_2581, %get3A_2590 : vector<16xf32>
    %mul3A_2593 = arith.mulf %mul3A_2591, %add3A_2592 : vector<16xf32>
    %add3A_2594 = arith.addf %add3A_2522, %mul3A_2593 : vector<16xf32>
    %get3A_2595 = arith.constant 7 : i32
    %get3A_2596 = arith.index_cast %get3A_2595 : i32 to index
    %get3A_2597 = arith.constant 208 : index
    %get3A_2598 = tpu.vector_load %arg4[%get3A_2596, %get3A_2597] {strides = array<i32>} : memref<11x336xf32, #tpu.memory_space<vmem>>, vector<1x16xf32>,
    %get3A_2599 = vector.shape_cast %get3A_2598 : vector<1x16xf32> to vector<16xf32>
    %mul3A_2600 = arith.mulf %get3A_2581, %get3A_2599 : vector<16xf32>
    %add3A_2601 = arith.addf %get3A_2581, %get3A_2599 : vector<16xf32>
    %mul3A_2602 = arith.mulf %mul3A_2600, %add3A_2601 : vector<16xf32>
    %add3A_2603 = arith.addf %add3A_2531, %mul3A_2602 : vector<16xf32>
    %get3A_2604 = arith.constant 7 : i32
    %get3A_2605 = arith.index_cast %get3A_2604 : i32 to index
    %get3A_2606 = arith.constant 209 : index
    %get3A_2607 = tpu.vector_load %arg4[%get3A_2605, %get3A_2606] {strides = array<i32>} : memref<11x336xf32, #tpu.memory_space<vmem>>, vector<1x16xf32>,
    %get3A_2608 = vector.shape_cast %get3A_2607 : vector<1x16xf32> to vector<16xf32>
    %mul3A_2609 = arith.mulf %get3A_2599, %get3A_2608 : vector<16xf32>
    %add3A_2610 = arith.addf %get3A_2599, %get3A_2608 : vector<16xf32>
    %mul3A_2611 = arith.mulf %mul3A_2609, %add3A_2610 : vector<16xf32>
    %add3A_2612 = arith.addf %add3A_2540, %mul3A_2611 : vector<16xf32>
    %get3A_2613 = arith.constant 8 : i32
    %get3A_2614 = arith.index_cast %get3A_2613 : i32 to index
    %get3A_2615 = arith.constant 208 : index
    %get3A_2616 = tpu.vector_load %arg4[%get3A_2614, %get3A_2615] {strides = array<i32>} : memref<11x336xf32, #tpu.memory_space<vmem>>, vector<1x16xf32>,
    %get3A_2617 = vector.shape_cast %get3A_2616 : vector<1x16xf32> to vector<16xf32>
    %mul3A_2618 = arith.mulf %get3A_2599, %get3A_2617 : vector<16xf32>
    %add3A_2619 = arith.addf %get3A_2599, %get3A_2617 : vector<16xf32>
    %mul3A_2620 = arith.mulf %mul3A_2618, %add3A_2619 : vector<16xf32>
    %add3A_2621 = arith.addf %add3A_2549, %mul3A_2620 : vector<16xf32>
    %get3A_2622 = arith.constant 8 : i32
    %get3A_2623 = arith.index_cast %get3A_2622 : i32 to index
    %get3A_2624 = arith.constant 209 : index
    %get3A_2625 = tpu.vector_load %arg4[%get3A_2623, %get3A_2624] {strides = array<i32>} : memref<11x336xf32, #tpu.memory_space<vmem>>, vector<1x16xf32>,
    %get3A_2626 = vector.shape_cast %get3A_2625 : vector<1x16xf32> to vector<16xf32>
    %mul3A_2627 = arith.mulf %get3A_2617, %get3A_2626 : vector<16xf32>
    %add3A_2628 = arith.addf %get3A_2617, %get3A_2626 : vector<16xf32>
    %mul3A_2629 = arith.mulf %mul3A_2627, %add3A_2628 : vector<16xf32>
    %add3A_2630 = arith.addf %add3A_2558, %mul3A_2629 : vector<16xf32>
    %get3A_2631 = arith.constant 9 : i32
    %get3A_2632 = arith.index_cast %get3A_2631 : i32 to index
    %get3A_2633 = arith.constant 208 : index
    %get3A_2634 = tpu.vector_load %arg4[%get3A_2632, %get3A_2633] {strides = array<i32>} : memref<11x336xf32, #tpu.memory_space<vmem>>, vector<1x16xf32>,
    %get3A_2635 = vector.shape_cast %get3A_2634 : vector<1x16xf32> to vector<16xf32>
    %mul3A_2636 = arith.mulf %get3A_2617, %get3A_2635 : vector<16xf32>
    %add3A_2637 = arith.addf %get3A_2617, %get3A_2635 : vector<16xf32>
    %mul3A_2638 = arith.mulf %mul3A_2636, %add3A_2637 : vector<16xf32>
    %add3A_2639 = arith.addf %add3A_2567, %mul3A_2638 : vector<16xf32>
    %get3A_2640 = arith.constant 9 : i32
    %get3A_2641 = arith.index_cast %get3A_2640 : i32 to index
    %get3A_2642 = arith.constant 209 : index
    %get3A_2643 = tpu.vector_load %arg4[%get3A_2641, %get3A_2642] {strides = array<i32>} : memref<11x336xf32, #tpu.memory_space<vmem>>, vector<1x16xf32>,
    %get3A_2644 = vector.shape_cast %get3A_2643 : vector<1x16xf32> to vector<16xf32>
    %mul3A_2645 = arith.mulf %get3A_2635, %get3A_2644 : vector<16xf32>
    %add3A_2646 = arith.addf %get3A_2635, %get3A_2644 : vector<16xf32>
    %mul3A_2647 = arith.mulf %mul3A_2645, %add3A_2646 : vector<16xf32>
    %add3A_2648 = arith.addf %add3A_2576, %mul3A_2647 : vector<16xf32>
    %get3A_2649 = arith.constant 10 : i32
    %get3A_2650 = arith.index_cast %get3A_2649 : i32 to index
    %get3A_2651 = arith.constant 208 : index
    %get3A_2652 = tpu.vector_load %arg4[%get3A_2650, %get3A_2651] {strides = array<i32>} : memref<11x336xf32, #tpu.memory_space<vmem>>, vector<1x16xf32>,
    %get3A_2653 = vector.shape_cast %get3A_2652 : vector<1x16xf32> to vector<16xf32>
    %mul3A_2654 = arith.mulf %get3A_2635, %get3A_2653 : vector<16xf32>
    %add3A_2655 = arith.addf %get3A_2635, %get3A_2653 : vector<16xf32>
    %mul3A_2656 = arith.mulf %mul3A_2654, %add3A_2655 : vector<16xf32>
    %add3A_2657 = arith.addf %add3A_2585, %mul3A_2656 : vector<16xf32>
    %get3A_2658 = arith.constant 0 : i32
    %get3A_2659 = arith.index_cast %get3A_2658 : i32 to index
    %get3A_2660 = arith.constant 224 : index
    %get3A_2661 = tpu.vector_load %arg4[%get3A_2659, %get3A_2660] {strides = array<i32>} : memref<11x336xf32, #tpu.memory_space<vmem>>, vector<1x16xf32>,
    %get3A_2662 = vector.shape_cast %get3A_2661 : vector<1x16xf32> to vector<16xf32>
    %get3A_2663 = arith.constant 0 : i32
    %get3A_2664 = arith.index_cast %get3A_2663 : i32 to index
    %get3A_2665 = arith.constant 225 : index
    %get3A_2666 = tpu.vector_load %arg4[%get3A_2664, %get3A_2665] {strides = array<i32>} : memref<11x336xf32, #tpu.memory_space<vmem>>, vector<1x16xf32>,
    %get3A_2667 = vector.shape_cast %get3A_2666 : vector<1x16xf32> to vector<16xf32>
    %mul3A_2668 = arith.mulf %get3A_2662, %get3A_2667 : vector<16xf32>
    %add3A_2669 = arith.addf %get3A_2662, %get3A_2667 : vector<16xf32>
    %mul3A_2670 = arith.mulf %mul3A_2668, %add3A_2669 : vector<16xf32>
    %add3A_2671 = arith.addf %add3A_2594, %mul3A_2670 : vector<16xf32>
    %get3A_2672 = arith.constant 1 : i32
    %get3A_2673 = arith.index_cast %get3A_2672 : i32 to index
    %get3A_2674 = arith.constant 224 : index
    %get3A_2675 = tpu.vector_load %arg4[%get3A_2673, %get3A_2674] {strides = array<i32>} : memref<11x336xf32, #tpu.memory_space<vmem>>, vector<1x16xf32>,
    %get3A_2676 = vector.shape_cast %get3A_2675 : vector<1x16xf32> to vector<16xf32>
    %mul3A_2677 = arith.mulf %get3A_2662, %get3A_2676 : vector<16xf32>
    %add3A_2678 = arith.addf %get3A_2662, %get3A_2676 : vector<16xf32>
    %mul3A_2679 = arith.mulf %mul3A_2677, %add3A_2678 : vector<16xf32>
    %add3A_2680 = arith.addf %add3A_2603, %mul3A_2679 : vector<16xf32>
    %get3A_2681 = arith.constant 1 : i32
    %get3A_2682 = arith.index_cast %get3A_2681 : i32 to index
    %get3A_2683 = arith.constant 225 : index
    %get3A_2684 = tpu.vector_load %arg4[%get3A_2682, %get3A_2683] {strides = array<i32>} : memref<11x336xf32, #tpu.memory_space<vmem>>, vector<1x16xf32>,
    %get3A_2685 = vector.shape_cast %get3A_2684 : vector<1x16xf32> to vector<16xf32>
    %mul3A_2686 = arith.mulf %get3A_2676, %get3A_2685 : vector<16xf32>
    %add3A_2687 = arith.addf %get3A_2676, %get3A_2685 : vector<16xf32>
    %mul3A_2688 = arith.mulf %mul3A_2686, %add3A_2687 : vector<16xf32>
    %add3A_2689 = arith.addf %add3A_2612, %mul3A_2688 : vector<16xf32>
    %get3A_2690 = arith.constant 2 : i32
    %get3A_2691 = arith.index_cast %get3A_2690 : i32 to index
    %get3A_2692 = arith.constant 224 : index
    %get3A_2693 = tpu.vector_load %arg4[%get3A_2691, %get3A_2692] {strides = array<i32>} : memref<11x336xf32, #tpu.memory_space<vmem>>, vector<1x16xf32>,
    %get3A_2694 = vector.shape_cast %get3A_2693 : vector<1x16xf32> to vector<16xf32>
    %mul3A_2695 = arith.mulf %get3A_2676, %get3A_2694 : vector<16xf32>
    %add3A_2696 = arith.addf %get3A_2676, %get3A_2694 : vector<16xf32>
    %mul3A_2697 = arith.mulf %mul3A_2695, %add3A_2696 : vector<16xf32>
    %add3A_2698 = arith.addf %add3A_2621, %mul3A_2697 : vector<16xf32>
    %get3A_2699 = arith.constant 2 : i32
    %get3A_2700 = arith.index_cast %get3A_2699 : i32 to index
    %get3A_2701 = arith.constant 225 : index
    %get3A_2702 = tpu.vector_load %arg4[%get3A_2700, %get3A_2701] {strides = array<i32>} : memref<11x336xf32, #tpu.memory_space<vmem>>, vector<1x16xf32>,
    %get3A_2703 = vector.shape_cast %get3A_2702 : vector<1x16xf32> to vector<16xf32>
    %mul3A_2704 = arith.mulf %get3A_2694, %get3A_2703 : vector<16xf32>
    %add3A_2705 = arith.addf %get3A_2694, %get3A_2703 : vector<16xf32>
    %mul3A_2706 = arith.mulf %mul3A_2704, %add3A_2705 : vector<16xf32>
    %add3A_2707 = arith.addf %add3A_2630, %mul3A_2706 : vector<16xf32>
    %get3A_2708 = arith.constant 3 : i32
    %get3A_2709 = arith.index_cast %get3A_2708 : i32 to index
    %get3A_2710 = arith.constant 224 : index
    %get3A_2711 = tpu.vector_load %arg4[%get3A_2709, %get3A_2710] {strides = array<i32>} : memref<11x336xf32, #tpu.memory_space<vmem>>, vector<1x16xf32>,
    %get3A_2712 = vector.shape_cast %get3A_2711 : vector<1x16xf32> to vector<16xf32>
    %mul3A_2713 = arith.mulf %get3A_2694, %get3A_2712 : vector<16xf32>
    %add3A_2714 = arith.addf %get3A_2694, %get3A_2712 : vector<16xf32>
    %mul3A_2715 = arith.mulf %mul3A_2713, %add3A_2714 : vector<16xf32>
    %add3A_2716 = arith.addf %add3A_2639, %mul3A_2715 : vector<16xf32>
    %get3A_2717 = arith.constant 3 : i32
    %get3A_2718 = arith.index_cast %get3A_2717 : i32 to index
    %get3A_2719 = arith.constant 225 : index
    %get3A_2720 = tpu.vector_load %arg4[%get3A_2718, %get3A_2719] {strides = array<i32>} : memref<11x336xf32, #tpu.memory_space<vmem>>, vector<1x16xf32>,
    %get3A_2721 = vector.shape_cast %get3A_2720 : vector<1x16xf32> to vector<16xf32>
    %mul3A_2722 = arith.mulf %get3A_2712, %get3A_2721 : vector<16xf32>
    %add3A_2723 = arith.addf %get3A_2712, %get3A_2721 : vector<16xf32>
    %mul3A_2724 = arith.mulf %mul3A_2722, %add3A_2723 : vector<16xf32>
    %add3A_2725 = arith.addf %add3A_2648, %mul3A_2724 : vector<16xf32>
    %get3A_2726 = arith.constant 4 : i32
    %get3A_2727 = arith.index_cast %get3A_2726 : i32 to index
    %get3A_2728 = arith.constant 224 : index
    %get3A_2729 = tpu.vector_load %arg4[%get3A_2727, %get3A_2728] {strides = array<i32>} : memref<11x336xf32, #tpu.memory_space<vmem>>, vector<1x16xf32>,
    %get3A_2730 = vector.shape_cast %get3A_2729 : vector<1x16xf32> to vector<16xf32>
    %mul3A_2731 = arith.mulf %get3A_2712, %get3A_2730 : vector<16xf32>
    %add3A_2732 = arith.addf %get3A_2712, %get3A_2730 : vector<16xf32>
    %mul3A_2733 = arith.mulf %mul3A_2731, %add3A_2732 : vector<16xf32>
    %add3A_2734 = arith.addf %add3A_2657, %mul3A_2733 : vector<16xf32>
    %get3A_2735 = arith.constant 4 : i32
    %get3A_2736 = arith.index_cast %get3A_2735 : i32 to index
    %get3A_2737 = arith.constant 225 : index
    %get3A_2738 = tpu.vector_load %arg4[%get3A_2736, %get3A_2737] {strides = array<i32>} : memref<11x336xf32, #tpu.memory_space<vmem>>, vector<1x16xf32>,
    %get3A_2739 = vector.shape_cast %get3A_2738 : vector<1x16xf32> to vector<16xf32>
    %mul3A_2740 = arith.mulf %get3A_2730, %get3A_2739 : vector<16xf32>
    %add3A_2741 = arith.addf %get3A_2730, %get3A_2739 : vector<16xf32>
    %mul3A_2742 = arith.mulf %mul3A_2740, %add3A_2741 : vector<16xf32>
    %add3A_2743 = arith.addf %add3A_2671, %mul3A_2742 : vector<16xf32>
    %get3A_2744 = arith.constant 5 : i32
    %get3A_2745 = arith.index_cast %get3A_2744 : i32 to index
    %get3A_2746 = arith.constant 224 : index
    %get3A_2747 = tpu.vector_load %arg4[%get3A_2745, %get3A_2746] {strides = array<i32>} : memref<11x336xf32, #tpu.memory_space<vmem>>, vector<1x16xf32>,
    %get3A_2748 = vector.shape_cast %get3A_2747 : vector<1x16xf32> to vector<16xf32>
    %mul3A_2749 = arith.mulf %get3A_2730, %get3A_2748 : vector<16xf32>
    %add3A_2750 = arith.addf %get3A_2730, %get3A_2748 : vector<16xf32>
    %mul3A_2751 = arith.mulf %mul3A_2749, %add3A_2750 : vector<16xf32>
    %add3A_2752 = arith.addf %add3A_2680, %mul3A_2751 : vector<16xf32>
    %get3A_2753 = arith.constant 5 : i32
    %get3A_2754 = arith.index_cast %get3A_2753 : i32 to index
    %get3A_2755 = arith.constant 225 : index
    %get3A_2756 = tpu.vector_load %arg4[%get3A_2754, %get3A_2755] {strides = array<i32>} : memref<11x336xf32, #tpu.memory_space<vmem>>, vector<1x16xf32>,
    %get3A_2757 = vector.shape_cast %get3A_2756 : vector<1x16xf32> to vector<16xf32>
    %mul3A_2758 = arith.mulf %get3A_2748, %get3A_2757 : vector<16xf32>
    %add3A_2759 = arith.addf %get3A_2748, %get3A_2757 : vector<16xf32>
    %mul3A_2760 = arith.mulf %mul3A_2758, %add3A_2759 : vector<16xf32>
    %add3A_2761 = arith.addf %add3A_2689, %mul3A_2760 : vector<16xf32>
    %get3A_2762 = arith.constant 6 : i32
    %get3A_2763 = arith.index_cast %get3A_2762 : i32 to index
    %get3A_2764 = arith.constant 224 : index
    %get3A_2765 = tpu.vector_load %arg4[%get3A_2763, %get3A_2764] {strides = array<i32>} : memref<11x336xf32, #tpu.memory_space<vmem>>, vector<1x16xf32>,
    %get3A_2766 = vector.shape_cast %get3A_2765 : vector<1x16xf32> to vector<16xf32>
    %mul3A_2767 = arith.mulf %get3A_2748, %get3A_2766 : vector<16xf32>
    %add3A_2768 = arith.addf %get3A_2748, %get3A_2766 : vector<16xf32>
    %mul3A_2769 = arith.mulf %mul3A_2767, %add3A_2768 : vector<16xf32>
    %add3A_2770 = arith.addf %add3A_2698, %mul3A_2769 : vector<16xf32>
    %get3A_2771 = arith.constant 6 : i32
    %get3A_2772 = arith.index_cast %get3A_2771 : i32 to index
    %get3A_2773 = arith.constant 225 : index
    %get3A_2774 = tpu.vector_load %arg4[%get3A_2772, %get3A_2773] {strides = array<i32>} : memref<11x336xf32, #tpu.memory_space<vmem>>, vector<1x16xf32>,
    %get3A_2775 = vector.shape_cast %get3A_2774 : vector<1x16xf32> to vector<16xf32>
    %mul3A_2776 = arith.mulf %get3A_2766, %get3A_2775 : vector<16xf32>
    %add3A_2777 = arith.addf %get3A_2766, %get3A_2775 : vector<16xf32>
    %mul3A_2778 = arith.mulf %mul3A_2776, %add3A_2777 : vector<16xf32>
    %add3A_2779 = arith.addf %add3A_2707, %mul3A_2778 : vector<16xf32>
    %get3A_2780 = arith.constant 7 : i32
    %get3A_2781 = arith.index_cast %get3A_2780 : i32 to index
    %get3A_2782 = arith.constant 224 : index
    %get3A_2783 = tpu.vector_load %arg4[%get3A_2781, %get3A_2782] {strides = array<i32>} : memref<11x336xf32, #tpu.memory_space<vmem>>, vector<1x16xf32>,
    %get3A_2784 = vector.shape_cast %get3A_2783 : vector<1x16xf32> to vector<16xf32>
    %mul3A_2785 = arith.mulf %get3A_2766, %get3A_2784 : vector<16xf32>
    %add3A_2786 = arith.addf %get3A_2766, %get3A_2784 : vector<16xf32>
    %mul3A_2787 = arith.mulf %mul3A_2785, %add3A_2786 : vector<16xf32>
    %add3A_2788 = arith.addf %add3A_2716, %mul3A_2787 : vector<16xf32>
    %get3A_2789 = arith.constant 7 : i32
    %get3A_2790 = arith.index_cast %get3A_2789 : i32 to index
    %get3A_2791 = arith.constant 225 : index
    %get3A_2792 = tpu.vector_load %arg4[%get3A_2790, %get3A_2791] {strides = array<i32>} : memref<11x336xf32, #tpu.memory_space<vmem>>, vector<1x16xf32>,
    %get3A_2793 = vector.shape_cast %get3A_2792 : vector<1x16xf32> to vector<16xf32>
    %mul3A_2794 = arith.mulf %get3A_2784, %get3A_2793 : vector<16xf32>
    %add3A_2795 = arith.addf %get3A_2784, %get3A_2793 : vector<16xf32>
    %mul3A_2796 = arith.mulf %mul3A_2794, %add3A_2795 : vector<16xf32>
    %add3A_2797 = arith.addf %add3A_2725, %mul3A_2796 : vector<16xf32>
    %get3A_2798 = arith.constant 8 : i32
    %get3A_2799 = arith.index_cast %get3A_2798 : i32 to index
    %get3A_2800 = arith.constant 224 : index
    %get3A_2801 = tpu.vector_load %arg4[%get3A_2799, %get3A_2800] {strides = array<i32>} : memref<11x336xf32, #tpu.memory_space<vmem>>, vector<1x16xf32>,
    %get3A_2802 = vector.shape_cast %get3A_2801 : vector<1x16xf32> to vector<16xf32>
    %mul3A_2803 = arith.mulf %get3A_2784, %get3A_2802 : vector<16xf32>
    %add3A_2804 = arith.addf %get3A_2784, %get3A_2802 : vector<16xf32>
    %mul3A_2805 = arith.mulf %mul3A_2803, %add3A_2804 : vector<16xf32>
    %add3A_2806 = arith.addf %add3A_2734, %mul3A_2805 : vector<16xf32>
    %get3A_2807 = arith.constant 8 : i32
    %get3A_2808 = arith.index_cast %get3A_2807 : i32 to index
    %get3A_2809 = arith.constant 225 : index
    %get3A_2810 = tpu.vector_load %arg4[%get3A_2808, %get3A_2809] {strides = array<i32>} : memref<11x336xf32, #tpu.memory_space<vmem>>, vector<1x16xf32>,
    %get3A_2811 = vector.shape_cast %get3A_2810 : vector<1x16xf32> to vector<16xf32>
    %mul3A_2812 = arith.mulf %get3A_2802, %get3A_2811 : vector<16xf32>
    %add3A_2813 = arith.addf %get3A_2802, %get3A_2811 : vector<16xf32>
    %mul3A_2814 = arith.mulf %mul3A_2812, %add3A_2813 : vector<16xf32>
    %add3A_2815 = arith.addf %add3A_2743, %mul3A_2814 : vector<16xf32>
    %get3A_2816 = arith.constant 9 : i32
    %get3A_2817 = arith.index_cast %get3A_2816 : i32 to index
    %get3A_2818 = arith.constant 224 : index
    %get3A_2819 = tpu.vector_load %arg4[%get3A_2817, %get3A_2818] {strides = array<i32>} : memref<11x336xf32, #tpu.memory_space<vmem>>, vector<1x16xf32>,
    %get3A_2820 = vector.shape_cast %get3A_2819 : vector<1x16xf32> to vector<16xf32>
    %mul3A_2821 = arith.mulf %get3A_2802, %get3A_2820 : vector<16xf32>
    %add3A_2822 = arith.addf %get3A_2802, %get3A_2820 : vector<16xf32>
    %mul3A_2823 = arith.mulf %mul3A_2821, %add3A_2822 : vector<16xf32>
    %add3A_2824 = arith.addf %add3A_2752, %mul3A_2823 : vector<16xf32>
    %get3A_2825 = arith.constant 9 : i32
    %get3A_2826 = arith.index_cast %get3A_2825 : i32 to index
    %get3A_2827 = arith.constant 225 : index
    %get3A_2828 = tpu.vector_load %arg4[%get3A_2826, %get3A_2827] {strides = array<i32>} : memref<11x336xf32, #tpu.memory_space<vmem>>, vector<1x16xf32>,
    %get3A_2829 = vector.shape_cast %get3A_2828 : vector<1x16xf32> to vector<16xf32>
    %mul3A_2830 = arith.mulf %get3A_2820, %get3A_2829 : vector<16xf32>
    %add3A_2831 = arith.addf %get3A_2820, %get3A_2829 : vector<16xf32>
    %mul3A_2832 = arith.mulf %mul3A_2830, %add3A_2831 : vector<16xf32>
    %add3A_2833 = arith.addf %add3A_2761, %mul3A_2832 : vector<16xf32>
    %get3A_2834 = arith.constant 10 : i32
    %get3A_2835 = arith.index_cast %get3A_2834 : i32 to index
    %get3A_2836 = arith.constant 224 : index
    %get3A_2837 = tpu.vector_load %arg4[%get3A_2835, %get3A_2836] {strides = array<i32>} : memref<11x336xf32, #tpu.memory_space<vmem>>, vector<1x16xf32>,
    %get3A_2838 = vector.shape_cast %get3A_2837 : vector<1x16xf32> to vector<16xf32>
    %mul3A_2839 = arith.mulf %get3A_2820, %get3A_2838 : vector<16xf32>
    %add3A_2840 = arith.addf %get3A_2820, %get3A_2838 : vector<16xf32>
    %mul3A_2841 = arith.mulf %mul3A_2839, %add3A_2840 : vector<16xf32>
    %add3A_2842 = arith.addf %add3A_2770, %mul3A_2841 : vector<16xf32>
    %get3A_2843 = arith.constant 0 : i32
    %get3A_2844 = arith.index_cast %get3A_2843 : i32 to index
    %get3A_2845 = arith.constant 240 : index
    %get3A_2846 = tpu.vector_load %arg4[%get3A_2844, %get3A_2845] {strides = array<i32>} : memref<11x336xf32, #tpu.memory_space<vmem>>, vector<1x16xf32>,
    %get3A_2847 = vector.shape_cast %get3A_2846 : vector<1x16xf32> to vector<16xf32>
    %get3A_2848 = arith.constant 0 : i32
    %get3A_2849 = arith.index_cast %get3A_2848 : i32 to index
    %get3A_2850 = arith.constant 241 : index
    %get3A_2851 = tpu.vector_load %arg4[%get3A_2849, %get3A_2850] {strides = array<i32>} : memref<11x336xf32, #tpu.memory_space<vmem>>, vector<1x16xf32>,
    %get3A_2852 = vector.shape_cast %get3A_2851 : vector<1x16xf32> to vector<16xf32>
    %mul3A_2853 = arith.mulf %get3A_2847, %get3A_2852 : vector<16xf32>
    %add3A_2854 = arith.addf %get3A_2847, %get3A_2852 : vector<16xf32>
    %mul3A_2855 = arith.mulf %mul3A_2853, %add3A_2854 : vector<16xf32>
    %add3A_2856 = arith.addf %add3A_2779, %mul3A_2855 : vector<16xf32>
    %get3A_2857 = arith.constant 1 : i32
    %get3A_2858 = arith.index_cast %get3A_2857 : i32 to index
    %get3A_2859 = arith.constant 240 : index
    %get3A_2860 = tpu.vector_load %arg4[%get3A_2858, %get3A_2859] {strides = array<i32>} : memref<11x336xf32, #tpu.memory_space<vmem>>, vector<1x16xf32>,
    %get3A_2861 = vector.shape_cast %get3A_2860 : vector<1x16xf32> to vector<16xf32>
    %mul3A_2862 = arith.mulf %get3A_2847, %get3A_2861 : vector<16xf32>
    %add3A_2863 = arith.addf %get3A_2847, %get3A_2861 : vector<16xf32>
    %mul3A_2864 = arith.mulf %mul3A_2862, %add3A_2863 : vector<16xf32>
    %add3A_2865 = arith.addf %add3A_2788, %mul3A_2864 : vector<16xf32>
    %get3A_2866 = arith.constant 1 : i32
    %get3A_2867 = arith.index_cast %get3A_2866 : i32 to index
    %get3A_2868 = arith.constant 241 : index
    %get3A_2869 = tpu.vector_load %arg4[%get3A_2867, %get3A_2868] {strides = array<i32>} : memref<11x336xf32, #tpu.memory_space<vmem>>, vector<1x16xf32>,
    %get3A_2870 = vector.shape_cast %get3A_2869 : vector<1x16xf32> to vector<16xf32>
    %mul3A_2871 = arith.mulf %get3A_2861, %get3A_2870 : vector<16xf32>
    %add3A_2872 = arith.addf %get3A_2861, %get3A_2870 : vector<16xf32>
    %mul3A_2873 = arith.mulf %mul3A_2871, %add3A_2872 : vector<16xf32>
    %add3A_2874 = arith.addf %add3A_2797, %mul3A_2873 : vector<16xf32>
    %get3A_2875 = arith.constant 2 : i32
    %get3A_2876 = arith.index_cast %get3A_2875 : i32 to index
    %get3A_2877 = arith.constant 240 : index
    %get3A_2878 = tpu.vector_load %arg4[%get3A_2876, %get3A_2877] {strides = array<i32>} : memref<11x336xf32, #tpu.memory_space<vmem>>, vector<1x16xf32>,
    %get3A_2879 = vector.shape_cast %get3A_2878 : vector<1x16xf32> to vector<16xf32>
    %mul3A_2880 = arith.mulf %get3A_2861, %get3A_2879 : vector<16xf32>
    %add3A_2881 = arith.addf %get3A_2861, %get3A_2879 : vector<16xf32>
    %mul3A_2882 = arith.mulf %mul3A_2880, %add3A_2881 : vector<16xf32>
    %add3A_2883 = arith.addf %add3A_2806, %mul3A_2882 : vector<16xf32>
    %get3A_2884 = arith.constant 2 : i32
    %get3A_2885 = arith.index_cast %get3A_2884 : i32 to index
    %get3A_2886 = arith.constant 241 : index
    %get3A_2887 = tpu.vector_load %arg4[%get3A_2885, %get3A_2886] {strides = array<i32>} : memref<11x336xf32, #tpu.memory_space<vmem>>, vector<1x16xf32>,
    %get3A_2888 = vector.shape_cast %get3A_2887 : vector<1x16xf32> to vector<16xf32>
    %mul3A_2889 = arith.mulf %get3A_2879, %get3A_2888 : vector<16xf32>
    %add3A_2890 = arith.addf %get3A_2879, %get3A_2888 : vector<16xf32>
    %mul3A_2891 = arith.mulf %mul3A_2889, %add3A_2890 : vector<16xf32>
    %add3A_2892 = arith.addf %add3A_2815, %mul3A_2891 : vector<16xf32>
    %get3A_2893 = arith.constant 3 : i32
    %get3A_2894 = arith.index_cast %get3A_2893 : i32 to index
    %get3A_2895 = arith.constant 240 : index
    %get3A_2896 = tpu.vector_load %arg4[%get3A_2894, %get3A_2895] {strides = array<i32>} : memref<11x336xf32, #tpu.memory_space<vmem>>, vector<1x16xf32>,
    %get3A_2897 = vector.shape_cast %get3A_2896 : vector<1x16xf32> to vector<16xf32>
    %mul3A_2898 = arith.mulf %get3A_2879, %get3A_2897 : vector<16xf32>
    %add3A_2899 = arith.addf %get3A_2879, %get3A_2897 : vector<16xf32>
    %mul3A_2900 = arith.mulf %mul3A_2898, %add3A_2899 : vector<16xf32>
    %add3A_2901 = arith.addf %add3A_2824, %mul3A_2900 : vector<16xf32>
    %get3A_2902 = arith.constant 3 : i32
    %get3A_2903 = arith.index_cast %get3A_2902 : i32 to index
    %get3A_2904 = arith.constant 241 : index
    %get3A_2905 = tpu.vector_load %arg4[%get3A_2903, %get3A_2904] {strides = array<i32>} : memref<11x336xf32, #tpu.memory_space<vmem>>, vector<1x16xf32>,
    %get3A_2906 = vector.shape_cast %get3A_2905 : vector<1x16xf32> to vector<16xf32>
    %mul3A_2907 = arith.mulf %get3A_2897, %get3A_2906 : vector<16xf32>
    %add3A_2908 = arith.addf %get3A_2897, %get3A_2906 : vector<16xf32>
    %mul3A_2909 = arith.mulf %mul3A_2907, %add3A_2908 : vector<16xf32>
    %add3A_2910 = arith.addf %add3A_2833, %mul3A_2909 : vector<16xf32>
    %get3A_2911 = arith.constant 4 : i32
    %get3A_2912 = arith.index_cast %get3A_2911 : i32 to index
    %get3A_2913 = arith.constant 240 : index
    %get3A_2914 = tpu.vector_load %arg4[%get3A_2912, %get3A_2913] {strides = array<i32>} : memref<11x336xf32, #tpu.memory_space<vmem>>, vector<1x16xf32>,
    %get3A_2915 = vector.shape_cast %get3A_2914 : vector<1x16xf32> to vector<16xf32>
    %mul3A_2916 = arith.mulf %get3A_2897, %get3A_2915 : vector<16xf32>
    %add3A_2917 = arith.addf %get3A_2897, %get3A_2915 : vector<16xf32>
    %mul3A_2918 = arith.mulf %mul3A_2916, %add3A_2917 : vector<16xf32>
    %add3A_2919 = arith.addf %add3A_2842, %mul3A_2918 : vector<16xf32>
    %get3A_2920 = arith.constant 4 : i32
    %get3A_2921 = arith.index_cast %get3A_2920 : i32 to index
    %get3A_2922 = arith.constant 241 : index
    %get3A_2923 = tpu.vector_load %arg4[%get3A_2921, %get3A_2922] {strides = array<i32>} : memref<11x336xf32, #tpu.memory_space<vmem>>, vector<1x16xf32>,
    %get3A_2924 = vector.shape_cast %get3A_2923 : vector<1x16xf32> to vector<16xf32>
    %mul3A_2925 = arith.mulf %get3A_2915, %get3A_2924 : vector<16xf32>
    %add3A_2926 = arith.addf %get3A_2915, %get3A_2924 : vector<16xf32>
    %mul3A_2927 = arith.mulf %mul3A_2925, %add3A_2926 : vector<16xf32>
    %add3A_2928 = arith.addf %add3A_2856, %mul3A_2927 : vector<16xf32>
    %get3A_2929 = arith.constant 5 : i32
    %get3A_2930 = arith.index_cast %get3A_2929 : i32 to index
    %get3A_2931 = arith.constant 240 : index
    %get3A_2932 = tpu.vector_load %arg4[%get3A_2930, %get3A_2931] {strides = array<i32>} : memref<11x336xf32, #tpu.memory_space<vmem>>, vector<1x16xf32>,
    %get3A_2933 = vector.shape_cast %get3A_2932 : vector<1x16xf32> to vector<16xf32>
    %mul3A_2934 = arith.mulf %get3A_2915, %get3A_2933 : vector<16xf32>
    %add3A_2935 = arith.addf %get3A_2915, %get3A_2933 : vector<16xf32>
    %mul3A_2936 = arith.mulf %mul3A_2934, %add3A_2935 : vector<16xf32>
    %add3A_2937 = arith.addf %add3A_2865, %mul3A_2936 : vector<16xf32>
    %get3A_2938 = arith.constant 5 : i32
    %get3A_2939 = arith.index_cast %get3A_2938 : i32 to index
    %get3A_2940 = arith.constant 241 : index
    %get3A_2941 = tpu.vector_load %arg4[%get3A_2939, %get3A_2940] {strides = array<i32>} : memref<11x336xf32, #tpu.memory_space<vmem>>, vector<1x16xf32>,
    %get3A_2942 = vector.shape_cast %get3A_2941 : vector<1x16xf32> to vector<16xf32>
    %mul3A_2943 = arith.mulf %get3A_2933, %get3A_2942 : vector<16xf32>
    %add3A_2944 = arith.addf %get3A_2933, %get3A_2942 : vector<16xf32>
    %mul3A_2945 = arith.mulf %mul3A_2943, %add3A_2944 : vector<16xf32>
    %add3A_2946 = arith.addf %add3A_2874, %mul3A_2945 : vector<16xf32>
    %get3A_2947 = arith.constant 6 : i32
    %get3A_2948 = arith.index_cast %get3A_2947 : i32 to index
    %get3A_2949 = arith.constant 240 : index
    %get3A_2950 = tpu.vector_load %arg4[%get3A_2948, %get3A_2949] {strides = array<i32>} : memref<11x336xf32, #tpu.memory_space<vmem>>, vector<1x16xf32>,
    %get3A_2951 = vector.shape_cast %get3A_2950 : vector<1x16xf32> to vector<16xf32>
    %mul3A_2952 = arith.mulf %get3A_2933, %get3A_2951 : vector<16xf32>
    %add3A_2953 = arith.addf %get3A_2933, %get3A_2951 : vector<16xf32>
    %mul3A_2954 = arith.mulf %mul3A_2952, %add3A_2953 : vector<16xf32>
    %add3A_2955 = arith.addf %add3A_2883, %mul3A_2954 : vector<16xf32>
    %get3A_2956 = arith.constant 6 : i32
    %get3A_2957 = arith.index_cast %get3A_2956 : i32 to index
    %get3A_2958 = arith.constant 241 : index
    %get3A_2959 = tpu.vector_load %arg4[%get3A_2957, %get3A_2958] {strides = array<i32>} : memref<11x336xf32, #tpu.memory_space<vmem>>, vector<1x16xf32>,
    %get3A_2960 = vector.shape_cast %get3A_2959 : vector<1x16xf32> to vector<16xf32>
    %mul3A_2961 = arith.mulf %get3A_2951, %get3A_2960 : vector<16xf32>
    %add3A_2962 = arith.addf %get3A_2951, %get3A_2960 : vector<16xf32>
    %mul3A_2963 = arith.mulf %mul3A_2961, %add3A_2962 : vector<16xf32>
    %add3A_2964 = arith.addf %add3A_2892, %mul3A_2963 : vector<16xf32>
    %get3A_2965 = arith.constant 7 : i32
    %get3A_2966 = arith.index_cast %get3A_2965 : i32 to index
    %get3A_2967 = arith.constant 240 : index
    %get3A_2968 = tpu.vector_load %arg4[%get3A_2966, %get3A_2967] {strides = array<i32>} : memref<11x336xf32, #tpu.memory_space<vmem>>, vector<1x16xf32>,
    %get3A_2969 = vector.shape_cast %get3A_2968 : vector<1x16xf32> to vector<16xf32>
    %mul3A_2970 = arith.mulf %get3A_2951, %get3A_2969 : vector<16xf32>
    %add3A_2971 = arith.addf %get3A_2951, %get3A_2969 : vector<16xf32>
    %mul3A_2972 = arith.mulf %mul3A_2970, %add3A_2971 : vector<16xf32>
    %add3A_2973 = arith.addf %add3A_2901, %mul3A_2972 : vector<16xf32>
    %get3A_2974 = arith.constant 7 : i32
    %get3A_2975 = arith.index_cast %get3A_2974 : i32 to index
    %get3A_2976 = arith.constant 241 : index
    %get3A_2977 = tpu.vector_load %arg4[%get3A_2975, %get3A_2976] {strides = array<i32>} : memref<11x336xf32, #tpu.memory_space<vmem>>, vector<1x16xf32>,
    %get3A_2978 = vector.shape_cast %get3A_2977 : vector<1x16xf32> to vector<16xf32>
    %mul3A_2979 = arith.mulf %get3A_2969, %get3A_2978 : vector<16xf32>
    %add3A_2980 = arith.addf %get3A_2969, %get3A_2978 : vector<16xf32>
    %mul3A_2981 = arith.mulf %mul3A_2979, %add3A_2980 : vector<16xf32>
    %add3A_2982 = arith.addf %add3A_2910, %mul3A_2981 : vector<16xf32>
    %get3A_2983 = arith.constant 8 : i32
    %get3A_2984 = arith.index_cast %get3A_2983 : i32 to index
    %get3A_2985 = arith.constant 240 : index
    %get3A_2986 = tpu.vector_load %arg4[%get3A_2984, %get3A_2985] {strides = array<i32>} : memref<11x336xf32, #tpu.memory_space<vmem>>, vector<1x16xf32>,
    %get3A_2987 = vector.shape_cast %get3A_2986 : vector<1x16xf32> to vector<16xf32>
    %mul3A_2988 = arith.mulf %get3A_2969, %get3A_2987 : vector<16xf32>
    %add3A_2989 = arith.addf %get3A_2969, %get3A_2987 : vector<16xf32>
    %mul3A_2990 = arith.mulf %mul3A_2988, %add3A_2989 : vector<16xf32>
    %add3A_2991 = arith.addf %add3A_2919, %mul3A_2990 : vector<16xf32>
    %get3A_2992 = arith.constant 8 : i32
    %get3A_2993 = arith.index_cast %get3A_2992 : i32 to index
    %get3A_2994 = arith.constant 241 : index
    %get3A_2995 = tpu.vector_load %arg4[%get3A_2993, %get3A_2994] {strides = array<i32>} : memref<11x336xf32, #tpu.memory_space<vmem>>, vector<1x16xf32>,
    %get3A_2996 = vector.shape_cast %get3A_2995 : vector<1x16xf32> to vector<16xf32>
    %mul3A_2997 = arith.mulf %get3A_2987, %get3A_2996 : vector<16xf32>
    %add3A_2998 = arith.addf %get3A_2987, %get3A_2996 : vector<16xf32>
    %mul3A_2999 = arith.mulf %mul3A_2997, %add3A_2998 : vector<16xf32>
    %add3A_3000 = arith.addf %add3A_2928, %mul3A_2999 : vector<16xf32>
    %get3A_3001 = arith.constant 9 : i32
    %get3A_3002 = arith.index_cast %get3A_3001 : i32 to index
    %get3A_3003 = arith.constant 240 : index
    %get3A_3004 = tpu.vector_load %arg4[%get3A_3002, %get3A_3003] {strides = array<i32>} : memref<11x336xf32, #tpu.memory_space<vmem>>, vector<1x16xf32>,
    %get3A_3005 = vector.shape_cast %get3A_3004 : vector<1x16xf32> to vector<16xf32>
    %mul3A_3006 = arith.mulf %get3A_2987, %get3A_3005 : vector<16xf32>
    %add3A_3007 = arith.addf %get3A_2987, %get3A_3005 : vector<16xf32>
    %mul3A_3008 = arith.mulf %mul3A_3006, %add3A_3007 : vector<16xf32>
    %add3A_3009 = arith.addf %add3A_2937, %mul3A_3008 : vector<16xf32>
    %get3A_3010 = arith.constant 9 : i32
    %get3A_3011 = arith.index_cast %get3A_3010 : i32 to index
    %get3A_3012 = arith.constant 241 : index
    %get3A_3013 = tpu.vector_load %arg4[%get3A_3011, %get3A_3012] {strides = array<i32>} : memref<11x336xf32, #tpu.memory_space<vmem>>, vector<1x16xf32>,
    %get3A_3014 = vector.shape_cast %get3A_3013 : vector<1x16xf32> to vector<16xf32>
    %mul3A_3015 = arith.mulf %get3A_3005, %get3A_3014 : vector<16xf32>
    %add3A_3016 = arith.addf %get3A_3005, %get3A_3014 : vector<16xf32>
    %mul3A_3017 = arith.mulf %mul3A_3015, %add3A_3016 : vector<16xf32>
    %add3A_3018 = arith.addf %add3A_2946, %mul3A_3017 : vector<16xf32>
    %get3A_3019 = arith.constant 10 : i32
    %get3A_3020 = arith.index_cast %get3A_3019 : i32 to index
    %get3A_3021 = arith.constant 240 : index
    %get3A_3022 = tpu.vector_load %arg4[%get3A_3020, %get3A_3021] {strides = array<i32>} : memref<11x336xf32, #tpu.memory_space<vmem>>, vector<1x16xf32>,
    %get3A_3023 = vector.shape_cast %get3A_3022 : vector<1x16xf32> to vector<16xf32>
    %mul3A_3024 = arith.mulf %get3A_3005, %get3A_3023 : vector<16xf32>
    %add3A_3025 = arith.addf %get3A_3005, %get3A_3023 : vector<16xf32>
    %mul3A_3026 = arith.mulf %mul3A_3024, %add3A_3025 : vector<16xf32>
    %add3A_3027 = arith.addf %add3A_2955, %mul3A_3026 : vector<16xf32>
    %get3A_3028 = arith.constant 0 : i32
    %get3A_3029 = arith.index_cast %get3A_3028 : i32 to index
    %get3A_3030 = arith.constant 256 : index
    %get3A_3031 = tpu.vector_load %arg4[%get3A_3029, %get3A_3030] {strides = array<i32>} : memref<11x336xf32, #tpu.memory_space<vmem>>, vector<1x16xf32>,
    %get3A_3032 = vector.shape_cast %get3A_3031 : vector<1x16xf32> to vector<16xf32>
    %get3A_3033 = arith.constant 0 : i32
    %get3A_3034 = arith.index_cast %get3A_3033 : i32 to index
    %get3A_3035 = arith.constant 257 : index
    %get3A_3036 = tpu.vector_load %arg4[%get3A_3034, %get3A_3035] {strides = array<i32>} : memref<11x336xf32, #tpu.memory_space<vmem>>, vector<1x16xf32>,
    %get3A_3037 = vector.shape_cast %get3A_3036 : vector<1x16xf32> to vector<16xf32>
    %mul3A_3038 = arith.mulf %get3A_3032, %get3A_3037 : vector<16xf32>
    %add3A_3039 = arith.addf %get3A_3032, %get3A_3037 : vector<16xf32>
    %mul3A_3040 = arith.mulf %mul3A_3038, %add3A_3039 : vector<16xf32>
    %add3A_3041 = arith.addf %add3A_2964, %mul3A_3040 : vector<16xf32>
    %get3A_3042 = arith.constant 1 : i32
    %get3A_3043 = arith.index_cast %get3A_3042 : i32 to index
    %get3A_3044 = arith.constant 256 : index
    %get3A_3045 = tpu.vector_load %arg4[%get3A_3043, %get3A_3044] {strides = array<i32>} : memref<11x336xf32, #tpu.memory_space<vmem>>, vector<1x16xf32>,
    %get3A_3046 = vector.shape_cast %get3A_3045 : vector<1x16xf32> to vector<16xf32>
    %mul3A_3047 = arith.mulf %get3A_3032, %get3A_3046 : vector<16xf32>
    %add3A_3048 = arith.addf %get3A_3032, %get3A_3046 : vector<16xf32>
    %mul3A_3049 = arith.mulf %mul3A_3047, %add3A_3048 : vector<16xf32>
    %add3A_3050 = arith.addf %add3A_2973, %mul3A_3049 : vector<16xf32>
    %get3A_3051 = arith.constant 1 : i32
    %get3A_3052 = arith.index_cast %get3A_3051 : i32 to index
    %get3A_3053 = arith.constant 257 : index
    %get3A_3054 = tpu.vector_load %arg4[%get3A_3052, %get3A_3053] {strides = array<i32>} : memref<11x336xf32, #tpu.memory_space<vmem>>, vector<1x16xf32>,
    %get3A_3055 = vector.shape_cast %get3A_3054 : vector<1x16xf32> to vector<16xf32>
    %mul3A_3056 = arith.mulf %get3A_3046, %get3A_3055 : vector<16xf32>
    %add3A_3057 = arith.addf %get3A_3046, %get3A_3055 : vector<16xf32>
    %mul3A_3058 = arith.mulf %mul3A_3056, %add3A_3057 : vector<16xf32>
    %add3A_3059 = arith.addf %add3A_2982, %mul3A_3058 : vector<16xf32>
    %get3A_3060 = arith.constant 2 : i32
    %get3A_3061 = arith.index_cast %get3A_3060 : i32 to index
    %get3A_3062 = arith.constant 256 : index
    %get3A_3063 = tpu.vector_load %arg4[%get3A_3061, %get3A_3062] {strides = array<i32>} : memref<11x336xf32, #tpu.memory_space<vmem>>, vector<1x16xf32>,
    %get3A_3064 = vector.shape_cast %get3A_3063 : vector<1x16xf32> to vector<16xf32>
    %mul3A_3065 = arith.mulf %get3A_3046, %get3A_3064 : vector<16xf32>
    %add3A_3066 = arith.addf %get3A_3046, %get3A_3064 : vector<16xf32>
    %mul3A_3067 = arith.mulf %mul3A_3065, %add3A_3066 : vector<16xf32>
    %add3A_3068 = arith.addf %add3A_2991, %mul3A_3067 : vector<16xf32>
    %get3A_3069 = arith.constant 2 : i32
    %get3A_3070 = arith.index_cast %get3A_3069 : i32 to index
    %get3A_3071 = arith.constant 257 : index
    %get3A_3072 = tpu.vector_load %arg4[%get3A_3070, %get3A_3071] {strides = array<i32>} : memref<11x336xf32, #tpu.memory_space<vmem>>, vector<1x16xf32>,
    %get3A_3073 = vector.shape_cast %get3A_3072 : vector<1x16xf32> to vector<16xf32>
    %mul3A_3074 = arith.mulf %get3A_3064, %get3A_3073 : vector<16xf32>
    %add3A_3075 = arith.addf %get3A_3064, %get3A_3073 : vector<16xf32>
    %mul3A_3076 = arith.mulf %mul3A_3074, %add3A_3075 : vector<16xf32>
    %add3A_3077 = arith.addf %add3A_3000, %mul3A_3076 : vector<16xf32>
    %get3A_3078 = arith.constant 3 : i32
    %get3A_3079 = arith.index_cast %get3A_3078 : i32 to index
    %get3A_3080 = arith.constant 256 : index
    %get3A_3081 = tpu.vector_load %arg4[%get3A_3079, %get3A_3080] {strides = array<i32>} : memref<11x336xf32, #tpu.memory_space<vmem>>, vector<1x16xf32>,
    %get3A_3082 = vector.shape_cast %get3A_3081 : vector<1x16xf32> to vector<16xf32>
    %mul3A_3083 = arith.mulf %get3A_3064, %get3A_3082 : vector<16xf32>
    %add3A_3084 = arith.addf %get3A_3064, %get3A_3082 : vector<16xf32>
    %mul3A_3085 = arith.mulf %mul3A_3083, %add3A_3084 : vector<16xf32>
    %add3A_3086 = arith.addf %add3A_3009, %mul3A_3085 : vector<16xf32>
    %get3A_3087 = arith.constant 3 : i32
    %get3A_3088 = arith.index_cast %get3A_3087 : i32 to index
    %get3A_3089 = arith.constant 257 : index
    %get3A_3090 = tpu.vector_load %arg4[%get3A_3088, %get3A_3089] {strides = array<i32>} : memref<11x336xf32, #tpu.memory_space<vmem>>, vector<1x16xf32>,
    %get3A_3091 = vector.shape_cast %get3A_3090 : vector<1x16xf32> to vector<16xf32>
    %mul3A_3092 = arith.mulf %get3A_3082, %get3A_3091 : vector<16xf32>
    %add3A_3093 = arith.addf %get3A_3082, %get3A_3091 : vector<16xf32>
    %mul3A_3094 = arith.mulf %mul3A_3092, %add3A_3093 : vector<16xf32>
    %add3A_3095 = arith.addf %add3A_3018, %mul3A_3094 : vector<16xf32>
    %get3A_3096 = arith.constant 4 : i32
    %get3A_3097 = arith.index_cast %get3A_3096 : i32 to index
    %get3A_3098 = arith.constant 256 : index
    %get3A_3099 = tpu.vector_load %arg4[%get3A_3097, %get3A_3098] {strides = array<i32>} : memref<11x336xf32, #tpu.memory_space<vmem>>, vector<1x16xf32>,
    %get3A_3100 = vector.shape_cast %get3A_3099 : vector<1x16xf32> to vector<16xf32>
    %mul3A_3101 = arith.mulf %get3A_3082, %get3A_3100 : vector<16xf32>
    %add3A_3102 = arith.addf %get3A_3082, %get3A_3100 : vector<16xf32>
    %mul3A_3103 = arith.mulf %mul3A_3101, %add3A_3102 : vector<16xf32>
    %add3A_3104 = arith.addf %add3A_3027, %mul3A_3103 : vector<16xf32>
    %get3A_3105 = arith.constant 4 : i32
    %get3A_3106 = arith.index_cast %get3A_3105 : i32 to index
    %get3A_3107 = arith.constant 257 : index
    %get3A_3108 = tpu.vector_load %arg4[%get3A_3106, %get3A_3107] {strides = array<i32>} : memref<11x336xf32, #tpu.memory_space<vmem>>, vector<1x16xf32>,
    %get3A_3109 = vector.shape_cast %get3A_3108 : vector<1x16xf32> to vector<16xf32>
    %mul3A_3110 = arith.mulf %get3A_3100, %get3A_3109 : vector<16xf32>
    %add3A_3111 = arith.addf %get3A_3100, %get3A_3109 : vector<16xf32>
    %mul3A_3112 = arith.mulf %mul3A_3110, %add3A_3111 : vector<16xf32>
    %add3A_3113 = arith.addf %add3A_3041, %mul3A_3112 : vector<16xf32>
    %get3A_3114 = arith.constant 5 : i32
    %get3A_3115 = arith.index_cast %get3A_3114 : i32 to index
    %get3A_3116 = arith.constant 256 : index
    %get3A_3117 = tpu.vector_load %arg4[%get3A_3115, %get3A_3116] {strides = array<i32>} : memref<11x336xf32, #tpu.memory_space<vmem>>, vector<1x16xf32>,
    %get3A_3118 = vector.shape_cast %get3A_3117 : vector<1x16xf32> to vector<16xf32>
    %mul3A_3119 = arith.mulf %get3A_3100, %get3A_3118 : vector<16xf32>
    %add3A_3120 = arith.addf %get3A_3100, %get3A_3118 : vector<16xf32>
    %mul3A_3121 = arith.mulf %mul3A_3119, %add3A_3120 : vector<16xf32>
    %add3A_3122 = arith.addf %add3A_3050, %mul3A_3121 : vector<16xf32>
    %get3A_3123 = arith.constant 5 : i32
    %get3A_3124 = arith.index_cast %get3A_3123 : i32 to index
    %get3A_3125 = arith.constant 257 : index
    %get3A_3126 = tpu.vector_load %arg4[%get3A_3124, %get3A_3125] {strides = array<i32>} : memref<11x336xf32, #tpu.memory_space<vmem>>, vector<1x16xf32>,
    %get3A_3127 = vector.shape_cast %get3A_3126 : vector<1x16xf32> to vector<16xf32>
    %mul3A_3128 = arith.mulf %get3A_3118, %get3A_3127 : vector<16xf32>
    %add3A_3129 = arith.addf %get3A_3118, %get3A_3127 : vector<16xf32>
    %mul3A_3130 = arith.mulf %mul3A_3128, %add3A_3129 : vector<16xf32>
    %add3A_3131 = arith.addf %add3A_3059, %mul3A_3130 : vector<16xf32>
    %get3A_3132 = arith.constant 6 : i32
    %get3A_3133 = arith.index_cast %get3A_3132 : i32 to index
    %get3A_3134 = arith.constant 256 : index
    %get3A_3135 = tpu.vector_load %arg4[%get3A_3133, %get3A_3134] {strides = array<i32>} : memref<11x336xf32, #tpu.memory_space<vmem>>, vector<1x16xf32>,
    %get3A_3136 = vector.shape_cast %get3A_3135 : vector<1x16xf32> to vector<16xf32>
    %mul3A_3137 = arith.mulf %get3A_3118, %get3A_3136 : vector<16xf32>
    %add3A_3138 = arith.addf %get3A_3118, %get3A_3136 : vector<16xf32>
    %mul3A_3139 = arith.mulf %mul3A_3137, %add3A_3138 : vector<16xf32>
    %add3A_3140 = arith.addf %add3A_3068, %mul3A_3139 : vector<16xf32>
    %get3A_3141 = arith.constant 6 : i32
    %get3A_3142 = arith.index_cast %get3A_3141 : i32 to index
    %get3A_3143 = arith.constant 257 : index
    %get3A_3144 = tpu.vector_load %arg4[%get3A_3142, %get3A_3143] {strides = array<i32>} : memref<11x336xf32, #tpu.memory_space<vmem>>, vector<1x16xf32>,
    %get3A_3145 = vector.shape_cast %get3A_3144 : vector<1x16xf32> to vector<16xf32>
    %mul3A_3146 = arith.mulf %get3A_3136, %get3A_3145 : vector<16xf32>
    %add3A_3147 = arith.addf %get3A_3136, %get3A_3145 : vector<16xf32>
    %mul3A_3148 = arith.mulf %mul3A_3146, %add3A_3147 : vector<16xf32>
    %add3A_3149 = arith.addf %add3A_3077, %mul3A_3148 : vector<16xf32>
    %get3A_3150 = arith.constant 7 : i32
    %get3A_3151 = arith.index_cast %get3A_3150 : i32 to index
    %get3A_3152 = arith.constant 256 : index
    %get3A_3153 = tpu.vector_load %arg4[%get3A_3151, %get3A_3152] {strides = array<i32>} : memref<11x336xf32, #tpu.memory_space<vmem>>, vector<1x16xf32>,
    %get3A_3154 = vector.shape_cast %get3A_3153 : vector<1x16xf32> to vector<16xf32>
    %mul3A_3155 = arith.mulf %get3A_3136, %get3A_3154 : vector<16xf32>
    %add3A_3156 = arith.addf %get3A_3136, %get3A_3154 : vector<16xf32>
    %mul3A_3157 = arith.mulf %mul3A_3155, %add3A_3156 : vector<16xf32>
    %add3A_3158 = arith.addf %add3A_3086, %mul3A_3157 : vector<16xf32>
    %get3A_3159 = arith.constant 7 : i32
    %get3A_3160 = arith.index_cast %get3A_3159 : i32 to index
    %get3A_3161 = arith.constant 257 : index
    %get3A_3162 = tpu.vector_load %arg4[%get3A_3160, %get3A_3161] {strides = array<i32>} : memref<11x336xf32, #tpu.memory_space<vmem>>, vector<1x16xf32>,
    %get3A_3163 = vector.shape_cast %get3A_3162 : vector<1x16xf32> to vector<16xf32>
    %mul3A_3164 = arith.mulf %get3A_3154, %get3A_3163 : vector<16xf32>
    %add3A_3165 = arith.addf %get3A_3154, %get3A_3163 : vector<16xf32>
    %mul3A_3166 = arith.mulf %mul3A_3164, %add3A_3165 : vector<16xf32>
    %add3A_3167 = arith.addf %add3A_3095, %mul3A_3166 : vector<16xf32>
    %get3A_3168 = arith.constant 8 : i32
    %get3A_3169 = arith.index_cast %get3A_3168 : i32 to index
    %get3A_3170 = arith.constant 256 : index
    %get3A_3171 = tpu.vector_load %arg4[%get3A_3169, %get3A_3170] {strides = array<i32>} : memref<11x336xf32, #tpu.memory_space<vmem>>, vector<1x16xf32>,
    %get3A_3172 = vector.shape_cast %get3A_3171 : vector<1x16xf32> to vector<16xf32>
    %mul3A_3173 = arith.mulf %get3A_3154, %get3A_3172 : vector<16xf32>
    %add3A_3174 = arith.addf %get3A_3154, %get3A_3172 : vector<16xf32>
    %mul3A_3175 = arith.mulf %mul3A_3173, %add3A_3174 : vector<16xf32>
    %add3A_3176 = arith.addf %add3A_3104, %mul3A_3175 : vector<16xf32>
    %get3A_3177 = arith.constant 8 : i32
    %get3A_3178 = arith.index_cast %get3A_3177 : i32 to index
    %get3A_3179 = arith.constant 257 : index
    %get3A_3180 = tpu.vector_load %arg4[%get3A_3178, %get3A_3179] {strides = array<i32>} : memref<11x336xf32, #tpu.memory_space<vmem>>, vector<1x16xf32>,
    %get3A_3181 = vector.shape_cast %get3A_3180 : vector<1x16xf32> to vector<16xf32>
    %mul3A_3182 = arith.mulf %get3A_3172, %get3A_3181 : vector<16xf32>
    %add3A_3183 = arith.addf %get3A_3172, %get3A_3181 : vector<16xf32>
    %mul3A_3184 = arith.mulf %mul3A_3182, %add3A_3183 : vector<16xf32>
    %add3A_3185 = arith.addf %add3A_3113, %mul3A_3184 : vector<16xf32>
    %get3A_3186 = arith.constant 9 : i32
    %get3A_3187 = arith.index_cast %get3A_3186 : i32 to index
    %get3A_3188 = arith.constant 256 : index
    %get3A_3189 = tpu.vector_load %arg4[%get3A_3187, %get3A_3188] {strides = array<i32>} : memref<11x336xf32, #tpu.memory_space<vmem>>, vector<1x16xf32>,
    %get3A_3190 = vector.shape_cast %get3A_3189 : vector<1x16xf32> to vector<16xf32>
    %mul3A_3191 = arith.mulf %get3A_3172, %get3A_3190 : vector<16xf32>
    %add3A_3192 = arith.addf %get3A_3172, %get3A_3190 : vector<16xf32>
    %mul3A_3193 = arith.mulf %mul3A_3191, %add3A_3192 : vector<16xf32>
    %add3A_3194 = arith.addf %add3A_3122, %mul3A_3193 : vector<16xf32>
    %get3A_3195 = arith.constant 9 : i32
    %get3A_3196 = arith.index_cast %get3A_3195 : i32 to index
    %get3A_3197 = arith.constant 257 : index
    %get3A_3198 = tpu.vector_load %arg4[%get3A_3196, %get3A_3197] {strides = array<i32>} : memref<11x336xf32, #tpu.memory_space<vmem>>, vector<1x16xf32>,
    %get3A_3199 = vector.shape_cast %get3A_3198 : vector<1x16xf32> to vector<16xf32>
    %mul3A_3200 = arith.mulf %get3A_3190, %get3A_3199 : vector<16xf32>
    %add3A_3201 = arith.addf %get3A_3190, %get3A_3199 : vector<16xf32>
    %mul3A_3202 = arith.mulf %mul3A_3200, %add3A_3201 : vector<16xf32>
    %add3A_3203 = arith.addf %add3A_3131, %mul3A_3202 : vector<16xf32>
    %get3A_3204 = arith.constant 10 : i32
    %get3A_3205 = arith.index_cast %get3A_3204 : i32 to index
    %get3A_3206 = arith.constant 256 : index
    %get3A_3207 = tpu.vector_load %arg4[%get3A_3205, %get3A_3206] {strides = array<i32>} : memref<11x336xf32, #tpu.memory_space<vmem>>, vector<1x16xf32>,
    %get3A_3208 = vector.shape_cast %get3A_3207 : vector<1x16xf32> to vector<16xf32>
    %mul3A_3209 = arith.mulf %get3A_3190, %get3A_3208 : vector<16xf32>
    %add3A_3210 = arith.addf %get3A_3190, %get3A_3208 : vector<16xf32>
    %mul3A_3211 = arith.mulf %mul3A_3209, %add3A_3210 : vector<16xf32>
    %add3A_3212 = arith.addf %add3A_3140, %mul3A_3211 : vector<16xf32>
    %get3A_3213 = arith.constant 0 : i32
    %get3A_3214 = arith.index_cast %get3A_3213 : i32 to index
    %get3A_3215 = arith.constant 272 : index
    %get3A_3216 = tpu.vector_load %arg4[%get3A_3214, %get3A_3215] {strides = array<i32>} : memref<11x336xf32, #tpu.memory_space<vmem>>, vector<1x16xf32>,
    %get3A_3217 = vector.shape_cast %get3A_3216 : vector<1x16xf32> to vector<16xf32>
    %get3A_3218 = arith.constant 0 : i32
    %get3A_3219 = arith.index_cast %get3A_3218 : i32 to index
    %get3A_3220 = arith.constant 273 : index
    %get3A_3221 = tpu.vector_load %arg4[%get3A_3219, %get3A_3220] {strides = array<i32>} : memref<11x336xf32, #tpu.memory_space<vmem>>, vector<1x16xf32>,
    %get3A_3222 = vector.shape_cast %get3A_3221 : vector<1x16xf32> to vector<16xf32>
    %mul3A_3223 = arith.mulf %get3A_3217, %get3A_3222 : vector<16xf32>
    %add3A_3224 = arith.addf %get3A_3217, %get3A_3222 : vector<16xf32>
    %mul3A_3225 = arith.mulf %mul3A_3223, %add3A_3224 : vector<16xf32>
    %add3A_3226 = arith.addf %add3A_3149, %mul3A_3225 : vector<16xf32>
    %get3A_3227 = arith.constant 1 : i32
    %get3A_3228 = arith.index_cast %get3A_3227 : i32 to index
    %get3A_3229 = arith.constant 272 : index
    %get3A_3230 = tpu.vector_load %arg4[%get3A_3228, %get3A_3229] {strides = array<i32>} : memref<11x336xf32, #tpu.memory_space<vmem>>, vector<1x16xf32>,
    %get3A_3231 = vector.shape_cast %get3A_3230 : vector<1x16xf32> to vector<16xf32>
    %mul3A_3232 = arith.mulf %get3A_3217, %get3A_3231 : vector<16xf32>
    %add3A_3233 = arith.addf %get3A_3217, %get3A_3231 : vector<16xf32>
    %mul3A_3234 = arith.mulf %mul3A_3232, %add3A_3233 : vector<16xf32>
    %add3A_3235 = arith.addf %add3A_3158, %mul3A_3234 : vector<16xf32>
    %get3A_3236 = arith.constant 1 : i32
    %get3A_3237 = arith.index_cast %get3A_3236 : i32 to index
    %get3A_3238 = arith.constant 273 : index
    %get3A_3239 = tpu.vector_load %arg4[%get3A_3237, %get3A_3238] {strides = array<i32>} : memref<11x336xf32, #tpu.memory_space<vmem>>, vector<1x16xf32>,
    %get3A_3240 = vector.shape_cast %get3A_3239 : vector<1x16xf32> to vector<16xf32>
    %mul3A_3241 = arith.mulf %get3A_3231, %get3A_3240 : vector<16xf32>
    %add3A_3242 = arith.addf %get3A_3231, %get3A_3240 : vector<16xf32>
    %mul3A_3243 = arith.mulf %mul3A_3241, %add3A_3242 : vector<16xf32>
    %add3A_3244 = arith.addf %add3A_3167, %mul3A_3243 : vector<16xf32>
    %get3A_3245 = arith.constant 2 : i32
    %get3A_3246 = arith.index_cast %get3A_3245 : i32 to index
    %get3A_3247 = arith.constant 272 : index
    %get3A_3248 = tpu.vector_load %arg4[%get3A_3246, %get3A_3247] {strides = array<i32>} : memref<11x336xf32, #tpu.memory_space<vmem>>, vector<1x16xf32>,
    %get3A_3249 = vector.shape_cast %get3A_3248 : vector<1x16xf32> to vector<16xf32>
    %mul3A_3250 = arith.mulf %get3A_3231, %get3A_3249 : vector<16xf32>
    %add3A_3251 = arith.addf %get3A_3231, %get3A_3249 : vector<16xf32>
    %mul3A_3252 = arith.mulf %mul3A_3250, %add3A_3251 : vector<16xf32>
    %add3A_3253 = arith.addf %add3A_3176, %mul3A_3252 : vector<16xf32>
    %get3A_3254 = arith.constant 2 : i32
    %get3A_3255 = arith.index_cast %get3A_3254 : i32 to index
    %get3A_3256 = arith.constant 273 : index
    %get3A_3257 = tpu.vector_load %arg4[%get3A_3255, %get3A_3256] {strides = array<i32>} : memref<11x336xf32, #tpu.memory_space<vmem>>, vector<1x16xf32>,
    %get3A_3258 = vector.shape_cast %get3A_3257 : vector<1x16xf32> to vector<16xf32>
    %mul3A_3259 = arith.mulf %get3A_3249, %get3A_3258 : vector<16xf32>
    %add3A_3260 = arith.addf %get3A_3249, %get3A_3258 : vector<16xf32>
    %mul3A_3261 = arith.mulf %mul3A_3259, %add3A_3260 : vector<16xf32>
    %add3A_3262 = arith.addf %add3A_3185, %mul3A_3261 : vector<16xf32>
    %get3A_3263 = arith.constant 3 : i32
    %get3A_3264 = arith.index_cast %get3A_3263 : i32 to index
    %get3A_3265 = arith.constant 272 : index
    %get3A_3266 = tpu.vector_load %arg4[%get3A_3264, %get3A_3265] {strides = array<i32>} : memref<11x336xf32, #tpu.memory_space<vmem>>, vector<1x16xf32>,
    %get3A_3267 = vector.shape_cast %get3A_3266 : vector<1x16xf32> to vector<16xf32>
    %mul3A_3268 = arith.mulf %get3A_3249, %get3A_3267 : vector<16xf32>
    %add3A_3269 = arith.addf %get3A_3249, %get3A_3267 : vector<16xf32>
    %mul3A_3270 = arith.mulf %mul3A_3268, %add3A_3269 : vector<16xf32>
    %add3A_3271 = arith.addf %add3A_3194, %mul3A_3270 : vector<16xf32>
    %get3A_3272 = arith.constant 3 : i32
    %get3A_3273 = arith.index_cast %get3A_3272 : i32 to index
    %get3A_3274 = arith.constant 273 : index
    %get3A_3275 = tpu.vector_load %arg4[%get3A_3273, %get3A_3274] {strides = array<i32>} : memref<11x336xf32, #tpu.memory_space<vmem>>, vector<1x16xf32>,
    %get3A_3276 = vector.shape_cast %get3A_3275 : vector<1x16xf32> to vector<16xf32>
    %mul3A_3277 = arith.mulf %get3A_3267, %get3A_3276 : vector<16xf32>
    %add3A_3278 = arith.addf %get3A_3267, %get3A_3276 : vector<16xf32>
    %mul3A_3279 = arith.mulf %mul3A_3277, %add3A_3278 : vector<16xf32>
    %add3A_3280 = arith.addf %add3A_3203, %mul3A_3279 : vector<16xf32>
    %get3A_3281 = arith.constant 4 : i32
    %get3A_3282 = arith.index_cast %get3A_3281 : i32 to index
    %get3A_3283 = arith.constant 272 : index
    %get3A_3284 = tpu.vector_load %arg4[%get3A_3282, %get3A_3283] {strides = array<i32>} : memref<11x336xf32, #tpu.memory_space<vmem>>, vector<1x16xf32>,
    %get3A_3285 = vector.shape_cast %get3A_3284 : vector<1x16xf32> to vector<16xf32>
    %mul3A_3286 = arith.mulf %get3A_3267, %get3A_3285 : vector<16xf32>
    %add3A_3287 = arith.addf %get3A_3267, %get3A_3285 : vector<16xf32>
    %mul3A_3288 = arith.mulf %mul3A_3286, %add3A_3287 : vector<16xf32>
    %add3A_3289 = arith.addf %add3A_3212, %mul3A_3288 : vector<16xf32>
    %get3A_3290 = arith.constant 4 : i32
    %get3A_3291 = arith.index_cast %get3A_3290 : i32 to index
    %get3A_3292 = arith.constant 273 : index
    %get3A_3293 = tpu.vector_load %arg4[%get3A_3291, %get3A_3292] {strides = array<i32>} : memref<11x336xf32, #tpu.memory_space<vmem>>, vector<1x16xf32>,
    %get3A_3294 = vector.shape_cast %get3A_3293 : vector<1x16xf32> to vector<16xf32>
    %mul3A_3295 = arith.mulf %get3A_3285, %get3A_3294 : vector<16xf32>
    %add3A_3296 = arith.addf %get3A_3285, %get3A_3294 : vector<16xf32>
    %mul3A_3297 = arith.mulf %mul3A_3295, %add3A_3296 : vector<16xf32>
    %add3A_3298 = arith.addf %add3A_3226, %mul3A_3297 : vector<16xf32>
    %get3A_3299 = arith.constant 5 : i32
    %get3A_3300 = arith.index_cast %get3A_3299 : i32 to index
    %get3A_3301 = arith.constant 272 : index
    %get3A_3302 = tpu.vector_load %arg4[%get3A_3300, %get3A_3301] {strides = array<i32>} : memref<11x336xf32, #tpu.memory_space<vmem>>, vector<1x16xf32>,
    %get3A_3303 = vector.shape_cast %get3A_3302 : vector<1x16xf32> to vector<16xf32>
    %mul3A_3304 = arith.mulf %get3A_3285, %get3A_3303 : vector<16xf32>
    %add3A_3305 = arith.addf %get3A_3285, %get3A_3303 : vector<16xf32>
    %mul3A_3306 = arith.mulf %mul3A_3304, %add3A_3305 : vector<16xf32>
    %add3A_3307 = arith.addf %add3A_3235, %mul3A_3306 : vector<16xf32>
    %get3A_3308 = arith.constant 5 : i32
    %get3A_3309 = arith.index_cast %get3A_3308 : i32 to index
    %get3A_3310 = arith.constant 273 : index
    %get3A_3311 = tpu.vector_load %arg4[%get3A_3309, %get3A_3310] {strides = array<i32>} : memref<11x336xf32, #tpu.memory_space<vmem>>, vector<1x16xf32>,
    %get3A_3312 = vector.shape_cast %get3A_3311 : vector<1x16xf32> to vector<16xf32>
    %mul3A_3313 = arith.mulf %get3A_3303, %get3A_3312 : vector<16xf32>
    %add3A_3314 = arith.addf %get3A_3303, %get3A_3312 : vector<16xf32>
    %mul3A_3315 = arith.mulf %mul3A_3313, %add3A_3314 : vector<16xf32>
    %add3A_3316 = arith.addf %add3A_3244, %mul3A_3315 : vector<16xf32>
    %get3A_3317 = arith.constant 6 : i32
    %get3A_3318 = arith.index_cast %get3A_3317 : i32 to index
    %get3A_3319 = arith.constant 272 : index
    %get3A_3320 = tpu.vector_load %arg4[%get3A_3318, %get3A_3319] {strides = array<i32>} : memref<11x336xf32, #tpu.memory_space<vmem>>, vector<1x16xf32>,
    %get3A_3321 = vector.shape_cast %get3A_3320 : vector<1x16xf32> to vector<16xf32>
    %mul3A_3322 = arith.mulf %get3A_3303, %get3A_3321 : vector<16xf32>
    %add3A_3323 = arith.addf %get3A_3303, %get3A_3321 : vector<16xf32>
    %mul3A_3324 = arith.mulf %mul3A_3322, %add3A_3323 : vector<16xf32>
    %add3A_3325 = arith.addf %add3A_3253, %mul3A_3324 : vector<16xf32>
    %get3A_3326 = arith.constant 6 : i32
    %get3A_3327 = arith.index_cast %get3A_3326 : i32 to index
    %get3A_3328 = arith.constant 273 : index
    %get3A_3329 = tpu.vector_load %arg4[%get3A_3327, %get3A_3328] {strides = array<i32>} : memref<11x336xf32, #tpu.memory_space<vmem>>, vector<1x16xf32>,
    %get3A_3330 = vector.shape_cast %get3A_3329 : vector<1x16xf32> to vector<16xf32>
    %mul3A_3331 = arith.mulf %get3A_3321, %get3A_3330 : vector<16xf32>
    %add3A_3332 = arith.addf %get3A_3321, %get3A_3330 : vector<16xf32>
    %mul3A_3333 = arith.mulf %mul3A_3331, %add3A_3332 : vector<16xf32>
    %add3A_3334 = arith.addf %add3A_3262, %mul3A_3333 : vector<16xf32>
    %get3A_3335 = arith.constant 7 : i32
    %get3A_3336 = arith.index_cast %get3A_3335 : i32 to index
    %get3A_3337 = arith.constant 272 : index
    %get3A_3338 = tpu.vector_load %arg4[%get3A_3336, %get3A_3337] {strides = array<i32>} : memref<11x336xf32, #tpu.memory_space<vmem>>, vector<1x16xf32>,
    %get3A_3339 = vector.shape_cast %get3A_3338 : vector<1x16xf32> to vector<16xf32>
    %mul3A_3340 = arith.mulf %get3A_3321, %get3A_3339 : vector<16xf32>
    %add3A_3341 = arith.addf %get3A_3321, %get3A_3339 : vector<16xf32>
    %mul3A_3342 = arith.mulf %mul3A_3340, %add3A_3341 : vector<16xf32>
    %add3A_3343 = arith.addf %add3A_3271, %mul3A_3342 : vector<16xf32>
    %get3A_3344 = arith.constant 7 : i32
    %get3A_3345 = arith.index_cast %get3A_3344 : i32 to index
    %get3A_3346 = arith.constant 273 : index
    %get3A_3347 = tpu.vector_load %arg4[%get3A_3345, %get3A_3346] {strides = array<i32>} : memref<11x336xf32, #tpu.memory_space<vmem>>, vector<1x16xf32>,
    %get3A_3348 = vector.shape_cast %get3A_3347 : vector<1x16xf32> to vector<16xf32>
    %mul3A_3349 = arith.mulf %get3A_3339, %get3A_3348 : vector<16xf32>
    %add3A_3350 = arith.addf %get3A_3339, %get3A_3348 : vector<16xf32>
    %mul3A_3351 = arith.mulf %mul3A_3349, %add3A_3350 : vector<16xf32>
    %add3A_3352 = arith.addf %add3A_3280, %mul3A_3351 : vector<16xf32>
    %get3A_3353 = arith.constant 8 : i32
    %get3A_3354 = arith.index_cast %get3A_3353 : i32 to index
    %get3A_3355 = arith.constant 272 : index
    %get3A_3356 = tpu.vector_load %arg4[%get3A_3354, %get3A_3355] {strides = array<i32>} : memref<11x336xf32, #tpu.memory_space<vmem>>, vector<1x16xf32>,
    %get3A_3357 = vector.shape_cast %get3A_3356 : vector<1x16xf32> to vector<16xf32>
    %mul3A_3358 = arith.mulf %get3A_3339, %get3A_3357 : vector<16xf32>
    %add3A_3359 = arith.addf %get3A_3339, %get3A_3357 : vector<16xf32>
    %mul3A_3360 = arith.mulf %mul3A_3358, %add3A_3359 : vector<16xf32>
    %add3A_3361 = arith.addf %add3A_3289, %mul3A_3360 : vector<16xf32>
    %get3A_3362 = arith.constant 8 : i32
    %get3A_3363 = arith.index_cast %get3A_3362 : i32 to index
    %get3A_3364 = arith.constant 273 : index
    %get3A_3365 = tpu.vector_load %arg4[%get3A_3363, %get3A_3364] {strides = array<i32>} : memref<11x336xf32, #tpu.memory_space<vmem>>, vector<1x16xf32>,
    %get3A_3366 = vector.shape_cast %get3A_3365 : vector<1x16xf32> to vector<16xf32>
    %mul3A_3367 = arith.mulf %get3A_3357, %get3A_3366 : vector<16xf32>
    %add3A_3368 = arith.addf %get3A_3357, %get3A_3366 : vector<16xf32>
    %mul3A_3369 = arith.mulf %mul3A_3367, %add3A_3368 : vector<16xf32>
    %add3A_3370 = arith.addf %add3A_3298, %mul3A_3369 : vector<16xf32>
    %get3A_3371 = arith.constant 9 : i32
    %get3A_3372 = arith.index_cast %get3A_3371 : i32 to index
    %get3A_3373 = arith.constant 272 : index
    %get3A_3374 = tpu.vector_load %arg4[%get3A_3372, %get3A_3373] {strides = array<i32>} : memref<11x336xf32, #tpu.memory_space<vmem>>, vector<1x16xf32>,
    %get3A_3375 = vector.shape_cast %get3A_3374 : vector<1x16xf32> to vector<16xf32>
    %mul3A_3376 = arith.mulf %get3A_3357, %get3A_3375 : vector<16xf32>
    %add3A_3377 = arith.addf %get3A_3357, %get3A_3375 : vector<16xf32>
    %mul3A_3378 = arith.mulf %mul3A_3376, %add3A_3377 : vector<16xf32>
    %add3A_3379 = arith.addf %add3A_3307, %mul3A_3378 : vector<16xf32>
    %get3A_3380 = arith.constant 9 : i32
    %get3A_3381 = arith.index_cast %get3A_3380 : i32 to index
    %get3A_3382 = arith.constant 273 : index
    %get3A_3383 = tpu.vector_load %arg4[%get3A_3381, %get3A_3382] {strides = array<i32>} : memref<11x336xf32, #tpu.memory_space<vmem>>, vector<1x16xf32>,
    %get3A_3384 = vector.shape_cast %get3A_3383 : vector<1x16xf32> to vector<16xf32>
    %mul3A_3385 = arith.mulf %get3A_3375, %get3A_3384 : vector<16xf32>
    %add3A_3386 = arith.addf %get3A_3375, %get3A_3384 : vector<16xf32>
    %mul3A_3387 = arith.mulf %mul3A_3385, %add3A_3386 : vector<16xf32>
    %add3A_3388 = arith.addf %add3A_3316, %mul3A_3387 : vector<16xf32>
    %get3A_3389 = arith.constant 10 : i32
    %get3A_3390 = arith.index_cast %get3A_3389 : i32 to index
    %get3A_3391 = arith.constant 272 : index
    %get3A_3392 = tpu.vector_load %arg4[%get3A_3390, %get3A_3391] {strides = array<i32>} : memref<11x336xf32, #tpu.memory_space<vmem>>, vector<1x16xf32>,
    %get3A_3393 = vector.shape_cast %get3A_3392 : vector<1x16xf32> to vector<16xf32>
    %mul3A_3394 = arith.mulf %get3A_3375, %get3A_3393 : vector<16xf32>
    %add3A_3395 = arith.addf %get3A_3375, %get3A_3393 : vector<16xf32>
    %mul3A_3396 = arith.mulf %mul3A_3394, %add3A_3395 : vector<16xf32>
    %add3A_3397 = arith.addf %add3A_3325, %mul3A_3396 : vector<16xf32>
    %get3A_3398 = arith.constant 0 : i32
    %get3A_3399 = arith.index_cast %get3A_3398 : i32 to index
    %get3A_3400 = arith.constant 288 : index
    %get3A_3401 = tpu.vector_load %arg4[%get3A_3399, %get3A_3400] {strides = array<i32>} : memref<11x336xf32, #tpu.memory_space<vmem>>, vector<1x16xf32>,
    %get3A_3402 = vector.shape_cast %get3A_3401 : vector<1x16xf32> to vector<16xf32>
    %get3A_3403 = arith.constant 0 : i32
    %get3A_3404 = arith.index_cast %get3A_3403 : i32 to index
    %get3A_3405 = arith.constant 289 : index
    %get3A_3406 = tpu.vector_load %arg4[%get3A_3404, %get3A_3405] {strides = array<i32>} : memref<11x336xf32, #tpu.memory_space<vmem>>, vector<1x16xf32>,
    %get3A_3407 = vector.shape_cast %get3A_3406 : vector<1x16xf32> to vector<16xf32>
    %mul3A_3408 = arith.mulf %get3A_3402, %get3A_3407 : vector<16xf32>
    %add3A_3409 = arith.addf %get3A_3402, %get3A_3407 : vector<16xf32>
    %mul3A_3410 = arith.mulf %mul3A_3408, %add3A_3409 : vector<16xf32>
    %add3A_3411 = arith.addf %add3A_3334, %mul3A_3410 : vector<16xf32>
    %get3A_3412 = arith.constant 1 : i32
    %get3A_3413 = arith.index_cast %get3A_3412 : i32 to index
    %get3A_3414 = arith.constant 288 : index
    %get3A_3415 = tpu.vector_load %arg4[%get3A_3413, %get3A_3414] {strides = array<i32>} : memref<11x336xf32, #tpu.memory_space<vmem>>, vector<1x16xf32>,
    %get3A_3416 = vector.shape_cast %get3A_3415 : vector<1x16xf32> to vector<16xf32>
    %mul3A_3417 = arith.mulf %get3A_3402, %get3A_3416 : vector<16xf32>
    %add3A_3418 = arith.addf %get3A_3402, %get3A_3416 : vector<16xf32>
    %mul3A_3419 = arith.mulf %mul3A_3417, %add3A_3418 : vector<16xf32>
    %add3A_3420 = arith.addf %add3A_3343, %mul3A_3419 : vector<16xf32>
    %get3A_3421 = arith.constant 1 : i32
    %get3A_3422 = arith.index_cast %get3A_3421 : i32 to index
    %get3A_3423 = arith.constant 289 : index
    %get3A_3424 = tpu.vector_load %arg4[%get3A_3422, %get3A_3423] {strides = array<i32>} : memref<11x336xf32, #tpu.memory_space<vmem>>, vector<1x16xf32>,
    %get3A_3425 = vector.shape_cast %get3A_3424 : vector<1x16xf32> to vector<16xf32>
    %mul3A_3426 = arith.mulf %get3A_3416, %get3A_3425 : vector<16xf32>
    %add3A_3427 = arith.addf %get3A_3416, %get3A_3425 : vector<16xf32>
    %mul3A_3428 = arith.mulf %mul3A_3426, %add3A_3427 : vector<16xf32>
    %add3A_3429 = arith.addf %add3A_3352, %mul3A_3428 : vector<16xf32>
    %get3A_3430 = arith.constant 2 : i32
    %get3A_3431 = arith.index_cast %get3A_3430 : i32 to index
    %get3A_3432 = arith.constant 288 : index
    %get3A_3433 = tpu.vector_load %arg4[%get3A_3431, %get3A_3432] {strides = array<i32>} : memref<11x336xf32, #tpu.memory_space<vmem>>, vector<1x16xf32>,
    %get3A_3434 = vector.shape_cast %get3A_3433 : vector<1x16xf32> to vector<16xf32>
    %mul3A_3435 = arith.mulf %get3A_3416, %get3A_3434 : vector<16xf32>
    %add3A_3436 = arith.addf %get3A_3416, %get3A_3434 : vector<16xf32>
    %mul3A_3437 = arith.mulf %mul3A_3435, %add3A_3436 : vector<16xf32>
    %add3A_3438 = arith.addf %add3A_3361, %mul3A_3437 : vector<16xf32>
    %get3A_3439 = arith.constant 2 : i32
    %get3A_3440 = arith.index_cast %get3A_3439 : i32 to index
    %get3A_3441 = arith.constant 289 : index
    %get3A_3442 = tpu.vector_load %arg4[%get3A_3440, %get3A_3441] {strides = array<i32>} : memref<11x336xf32, #tpu.memory_space<vmem>>, vector<1x16xf32>,
    %get3A_3443 = vector.shape_cast %get3A_3442 : vector<1x16xf32> to vector<16xf32>
    %mul3A_3444 = arith.mulf %get3A_3434, %get3A_3443 : vector<16xf32>
    %add3A_3445 = arith.addf %get3A_3434, %get3A_3443 : vector<16xf32>
    %mul3A_3446 = arith.mulf %mul3A_3444, %add3A_3445 : vector<16xf32>
    %add3A_3447 = arith.addf %add3A_3370, %mul3A_3446 : vector<16xf32>
    %get3A_3448 = arith.constant 3 : i32
    %get3A_3449 = arith.index_cast %get3A_3448 : i32 to index
    %get3A_3450 = arith.constant 288 : index
    %get3A_3451 = tpu.vector_load %arg4[%get3A_3449, %get3A_3450] {strides = array<i32>} : memref<11x336xf32, #tpu.memory_space<vmem>>, vector<1x16xf32>,
    %get3A_3452 = vector.shape_cast %get3A_3451 : vector<1x16xf32> to vector<16xf32>
    %mul3A_3453 = arith.mulf %get3A_3434, %get3A_3452 : vector<16xf32>
    %add3A_3454 = arith.addf %get3A_3434, %get3A_3452 : vector<16xf32>
    %mul3A_3455 = arith.mulf %mul3A_3453, %add3A_3454 : vector<16xf32>
    %add3A_3456 = arith.addf %add3A_3379, %mul3A_3455 : vector<16xf32>
    %get3A_3457 = arith.constant 3 : i32
    %get3A_3458 = arith.index_cast %get3A_3457 : i32 to index
    %get3A_3459 = arith.constant 289 : index
    %get3A_3460 = tpu.vector_load %arg4[%get3A_3458, %get3A_3459] {strides = array<i32>} : memref<11x336xf32, #tpu.memory_space<vmem>>, vector<1x16xf32>,
    %get3A_3461 = vector.shape_cast %get3A_3460 : vector<1x16xf32> to vector<16xf32>
    %mul3A_3462 = arith.mulf %get3A_3452, %get3A_3461 : vector<16xf32>
    %add3A_3463 = arith.addf %get3A_3452, %get3A_3461 : vector<16xf32>
    %mul3A_3464 = arith.mulf %mul3A_3462, %add3A_3463 : vector<16xf32>
    %add3A_3465 = arith.addf %add3A_3388, %mul3A_3464 : vector<16xf32>
    %get3A_3466 = arith.constant 4 : i32
    %get3A_3467 = arith.index_cast %get3A_3466 : i32 to index
    %get3A_3468 = arith.constant 288 : index
    %get3A_3469 = tpu.vector_load %arg4[%get3A_3467, %get3A_3468] {strides = array<i32>} : memref<11x336xf32, #tpu.memory_space<vmem>>, vector<1x16xf32>,
    %get3A_3470 = vector.shape_cast %get3A_3469 : vector<1x16xf32> to vector<16xf32>
    %mul3A_3471 = arith.mulf %get3A_3452, %get3A_3470 : vector<16xf32>
    %add3A_3472 = arith.addf %get3A_3452, %get3A_3470 : vector<16xf32>
    %mul3A_3473 = arith.mulf %mul3A_3471, %add3A_3472 : vector<16xf32>
    %add3A_3474 = arith.addf %add3A_3397, %mul3A_3473 : vector<16xf32>
    %get3A_3475 = arith.constant 4 : i32
    %get3A_3476 = arith.index_cast %get3A_3475 : i32 to index
    %get3A_3477 = arith.constant 289 : index
    %get3A_3478 = tpu.vector_load %arg4[%get3A_3476, %get3A_3477] {strides = array<i32>} : memref<11x336xf32, #tpu.memory_space<vmem>>, vector<1x16xf32>,
    %get3A_3479 = vector.shape_cast %get3A_3478 : vector<1x16xf32> to vector<16xf32>
    %mul3A_3480 = arith.mulf %get3A_3470, %get3A_3479 : vector<16xf32>
    %add3A_3481 = arith.addf %get3A_3470, %get3A_3479 : vector<16xf32>
    %mul3A_3482 = arith.mulf %mul3A_3480, %add3A_3481 : vector<16xf32>
    %add3A_3483 = arith.addf %add3A_3411, %mul3A_3482 : vector<16xf32>
    %get3A_3484 = arith.constant 5 : i32
    %get3A_3485 = arith.index_cast %get3A_3484 : i32 to index
    %get3A_3486 = arith.constant 288 : index
    %get3A_3487 = tpu.vector_load %arg4[%get3A_3485, %get3A_3486] {strides = array<i32>} : memref<11x336xf32, #tpu.memory_space<vmem>>, vector<1x16xf32>,
    %get3A_3488 = vector.shape_cast %get3A_3487 : vector<1x16xf32> to vector<16xf32>
    %mul3A_3489 = arith.mulf %get3A_3470, %get3A_3488 : vector<16xf32>
    %add3A_3490 = arith.addf %get3A_3470, %get3A_3488 : vector<16xf32>
    %mul3A_3491 = arith.mulf %mul3A_3489, %add3A_3490 : vector<16xf32>
    %add3A_3492 = arith.addf %add3A_3420, %mul3A_3491 : vector<16xf32>
    %get3A_3493 = arith.constant 5 : i32
    %get3A_3494 = arith.index_cast %get3A_3493 : i32 to index
    %get3A_3495 = arith.constant 289 : index
    %get3A_3496 = tpu.vector_load %arg4[%get3A_3494, %get3A_3495] {strides = array<i32>} : memref<11x336xf32, #tpu.memory_space<vmem>>, vector<1x16xf32>,
    %get3A_3497 = vector.shape_cast %get3A_3496 : vector<1x16xf32> to vector<16xf32>
    %mul3A_3498 = arith.mulf %get3A_3488, %get3A_3497 : vector<16xf32>
    %add3A_3499 = arith.addf %get3A_3488, %get3A_3497 : vector<16xf32>
    %mul3A_3500 = arith.mulf %mul3A_3498, %add3A_3499 : vector<16xf32>
    %add3A_3501 = arith.addf %add3A_3429, %mul3A_3500 : vector<16xf32>
    %get3A_3502 = arith.constant 6 : i32
    %get3A_3503 = arith.index_cast %get3A_3502 : i32 to index
    %get3A_3504 = arith.constant 288 : index
    %get3A_3505 = tpu.vector_load %arg4[%get3A_3503, %get3A_3504] {strides = array<i32>} : memref<11x336xf32, #tpu.memory_space<vmem>>, vector<1x16xf32>,
    %get3A_3506 = vector.shape_cast %get3A_3505 : vector<1x16xf32> to vector<16xf32>
    %mul3A_3507 = arith.mulf %get3A_3488, %get3A_3506 : vector<16xf32>
    %add3A_3508 = arith.addf %get3A_3488, %get3A_3506 : vector<16xf32>
    %mul3A_3509 = arith.mulf %mul3A_3507, %add3A_3508 : vector<16xf32>
    %add3A_3510 = arith.addf %add3A_3438, %mul3A_3509 : vector<16xf32>
    %get3A_3511 = arith.constant 6 : i32
    %get3A_3512 = arith.index_cast %get3A_3511 : i32 to index
    %get3A_3513 = arith.constant 289 : index
    %get3A_3514 = tpu.vector_load %arg4[%get3A_3512, %get3A_3513] {strides = array<i32>} : memref<11x336xf32, #tpu.memory_space<vmem>>, vector<1x16xf32>,
    %get3A_3515 = vector.shape_cast %get3A_3514 : vector<1x16xf32> to vector<16xf32>
    %mul3A_3516 = arith.mulf %get3A_3506, %get3A_3515 : vector<16xf32>
    %add3A_3517 = arith.addf %get3A_3506, %get3A_3515 : vector<16xf32>
    %mul3A_3518 = arith.mulf %mul3A_3516, %add3A_3517 : vector<16xf32>
    %add3A_3519 = arith.addf %add3A_3447, %mul3A_3518 : vector<16xf32>
    %get3A_3520 = arith.constant 7 : i32
    %get3A_3521 = arith.index_cast %get3A_3520 : i32 to index
    %get3A_3522 = arith.constant 288 : index
    %get3A_3523 = tpu.vector_load %arg4[%get3A_3521, %get3A_3522] {strides = array<i32>} : memref<11x336xf32, #tpu.memory_space<vmem>>, vector<1x16xf32>,
    %get3A_3524 = vector.shape_cast %get3A_3523 : vector<1x16xf32> to vector<16xf32>
    %mul3A_3525 = arith.mulf %get3A_3506, %get3A_3524 : vector<16xf32>
    %add3A_3526 = arith.addf %get3A_3506, %get3A_3524 : vector<16xf32>
    %mul3A_3527 = arith.mulf %mul3A_3525, %add3A_3526 : vector<16xf32>
    %add3A_3528 = arith.addf %add3A_3456, %mul3A_3527 : vector<16xf32>
    %get3A_3529 = arith.constant 7 : i32
    %get3A_3530 = arith.index_cast %get3A_3529 : i32 to index
    %get3A_3531 = arith.constant 289 : index
    %get3A_3532 = tpu.vector_load %arg4[%get3A_3530, %get3A_3531] {strides = array<i32>} : memref<11x336xf32, #tpu.memory_space<vmem>>, vector<1x16xf32>,
    %get3A_3533 = vector.shape_cast %get3A_3532 : vector<1x16xf32> to vector<16xf32>
    %mul3A_3534 = arith.mulf %get3A_3524, %get3A_3533 : vector<16xf32>
    %add3A_3535 = arith.addf %get3A_3524, %get3A_3533 : vector<16xf32>
    %mul3A_3536 = arith.mulf %mul3A_3534, %add3A_3535 : vector<16xf32>
    %add3A_3537 = arith.addf %add3A_3465, %mul3A_3536 : vector<16xf32>
    %get3A_3538 = arith.constant 8 : i32
    %get3A_3539 = arith.index_cast %get3A_3538 : i32 to index
    %get3A_3540 = arith.constant 288 : index
    %get3A_3541 = tpu.vector_load %arg4[%get3A_3539, %get3A_3540] {strides = array<i32>} : memref<11x336xf32, #tpu.memory_space<vmem>>, vector<1x16xf32>,
    %get3A_3542 = vector.shape_cast %get3A_3541 : vector<1x16xf32> to vector<16xf32>
    %mul3A_3543 = arith.mulf %get3A_3524, %get3A_3542 : vector<16xf32>
    %add3A_3544 = arith.addf %get3A_3524, %get3A_3542 : vector<16xf32>
    %mul3A_3545 = arith.mulf %mul3A_3543, %add3A_3544 : vector<16xf32>
    %add3A_3546 = arith.addf %add3A_3474, %mul3A_3545 : vector<16xf32>
    %get3A_3547 = arith.constant 8 : i32
    %get3A_3548 = arith.index_cast %get3A_3547 : i32 to index
    %get3A_3549 = arith.constant 289 : index
    %get3A_3550 = tpu.vector_load %arg4[%get3A_3548, %get3A_3549] {strides = array<i32>} : memref<11x336xf32, #tpu.memory_space<vmem>>, vector<1x16xf32>,
    %get3A_3551 = vector.shape_cast %get3A_3550 : vector<1x16xf32> to vector<16xf32>
    %mul3A_3552 = arith.mulf %get3A_3542, %get3A_3551 : vector<16xf32>
    %add3A_3553 = arith.addf %get3A_3542, %get3A_3551 : vector<16xf32>
    %mul3A_3554 = arith.mulf %mul3A_3552, %add3A_3553 : vector<16xf32>
    %add3A_3555 = arith.addf %add3A_3483, %mul3A_3554 : vector<16xf32>
    %get3A_3556 = arith.constant 9 : i32
    %get3A_3557 = arith.index_cast %get3A_3556 : i32 to index
    %get3A_3558 = arith.constant 288 : index
    %get3A_3559 = tpu.vector_load %arg4[%get3A_3557, %get3A_3558] {strides = array<i32>} : memref<11x336xf32, #tpu.memory_space<vmem>>, vector<1x16xf32>,
    %get3A_3560 = vector.shape_cast %get3A_3559 : vector<1x16xf32> to vector<16xf32>
    %mul3A_3561 = arith.mulf %get3A_3542, %get3A_3560 : vector<16xf32>
    %add3A_3562 = arith.addf %get3A_3542, %get3A_3560 : vector<16xf32>
    %mul3A_3563 = arith.mulf %mul3A_3561, %add3A_3562 : vector<16xf32>
    %add3A_3564 = arith.addf %add3A_3492, %mul3A_3563 : vector<16xf32>
    %get3A_3565 = arith.constant 9 : i32
    %get3A_3566 = arith.index_cast %get3A_3565 : i32 to index
    %get3A_3567 = arith.constant 289 : index
    %get3A_3568 = tpu.vector_load %arg4[%get3A_3566, %get3A_3567] {strides = array<i32>} : memref<11x336xf32, #tpu.memory_space<vmem>>, vector<1x16xf32>,
    %get3A_3569 = vector.shape_cast %get3A_3568 : vector<1x16xf32> to vector<16xf32>
    %mul3A_3570 = arith.mulf %get3A_3560, %get3A_3569 : vector<16xf32>
    %add3A_3571 = arith.addf %get3A_3560, %get3A_3569 : vector<16xf32>
    %mul3A_3572 = arith.mulf %mul3A_3570, %add3A_3571 : vector<16xf32>
    %add3A_3573 = arith.addf %add3A_3501, %mul3A_3572 : vector<16xf32>
    %get3A_3574 = arith.constant 10 : i32
    %get3A_3575 = arith.index_cast %get3A_3574 : i32 to index
    %get3A_3576 = arith.constant 288 : index
    %get3A_3577 = tpu.vector_load %arg4[%get3A_3575, %get3A_3576] {strides = array<i32>} : memref<11x336xf32, #tpu.memory_space<vmem>>, vector<1x16xf32>,
    %get3A_3578 = vector.shape_cast %get3A_3577 : vector<1x16xf32> to vector<16xf32>
    %mul3A_3579 = arith.mulf %get3A_3560, %get3A_3578 : vector<16xf32>
    %add3A_3580 = arith.addf %get3A_3560, %get3A_3578 : vector<16xf32>
    %mul3A_3581 = arith.mulf %mul3A_3579, %add3A_3580 : vector<16xf32>
    %add3A_3582 = arith.addf %add3A_3510, %mul3A_3581 : vector<16xf32>
    %get3A_3583 = arith.constant 0 : i32
    %get3A_3584 = arith.index_cast %get3A_3583 : i32 to index
    %get3A_3585 = arith.constant 304 : index
    %get3A_3586 = tpu.vector_load %arg4[%get3A_3584, %get3A_3585] {strides = array<i32>} : memref<11x336xf32, #tpu.memory_space<vmem>>, vector<1x16xf32>,
    %get3A_3587 = vector.shape_cast %get3A_3586 : vector<1x16xf32> to vector<16xf32>
    %get3A_3588 = arith.constant 0 : i32
    %get3A_3589 = arith.index_cast %get3A_3588 : i32 to index
    %get3A_3590 = arith.constant 305 : index
    %get3A_3591 = tpu.vector_load %arg4[%get3A_3589, %get3A_3590] {strides = array<i32>} : memref<11x336xf32, #tpu.memory_space<vmem>>, vector<1x16xf32>,
    %get3A_3592 = vector.shape_cast %get3A_3591 : vector<1x16xf32> to vector<16xf32>
    %mul3A_3593 = arith.mulf %get3A_3587, %get3A_3592 : vector<16xf32>
    %add3A_3594 = arith.addf %get3A_3587, %get3A_3592 : vector<16xf32>
    %mul3A_3595 = arith.mulf %mul3A_3593, %add3A_3594 : vector<16xf32>
    %add3A_3596 = arith.addf %add3A_3519, %mul3A_3595 : vector<16xf32>
    %get3A_3597 = arith.constant 1 : i32
    %get3A_3598 = arith.index_cast %get3A_3597 : i32 to index
    %get3A_3599 = arith.constant 304 : index
    %get3A_3600 = tpu.vector_load %arg4[%get3A_3598, %get3A_3599] {strides = array<i32>} : memref<11x336xf32, #tpu.memory_space<vmem>>, vector<1x16xf32>,
    %get3A_3601 = vector.shape_cast %get3A_3600 : vector<1x16xf32> to vector<16xf32>
    %mul3A_3602 = arith.mulf %get3A_3587, %get3A_3601 : vector<16xf32>
    %add3A_3603 = arith.addf %get3A_3587, %get3A_3601 : vector<16xf32>
    %mul3A_3604 = arith.mulf %mul3A_3602, %add3A_3603 : vector<16xf32>
    %add3A_3605 = arith.addf %add3A_3528, %mul3A_3604 : vector<16xf32>
    %get3A_3606 = arith.constant 1 : i32
    %get3A_3607 = arith.index_cast %get3A_3606 : i32 to index
    %get3A_3608 = arith.constant 305 : index
    %get3A_3609 = tpu.vector_load %arg4[%get3A_3607, %get3A_3608] {strides = array<i32>} : memref<11x336xf32, #tpu.memory_space<vmem>>, vector<1x16xf32>,
    %get3A_3610 = vector.shape_cast %get3A_3609 : vector<1x16xf32> to vector<16xf32>
    %mul3A_3611 = arith.mulf %get3A_3601, %get3A_3610 : vector<16xf32>
    %add3A_3612 = arith.addf %get3A_3601, %get3A_3610 : vector<16xf32>
    %mul3A_3613 = arith.mulf %mul3A_3611, %add3A_3612 : vector<16xf32>
    %add3A_3614 = arith.addf %add3A_3537, %mul3A_3613 : vector<16xf32>
    %get3A_3615 = arith.constant 2 : i32
    %get3A_3616 = arith.index_cast %get3A_3615 : i32 to index
    %get3A_3617 = arith.constant 304 : index
    %get3A_3618 = tpu.vector_load %arg4[%get3A_3616, %get3A_3617] {strides = array<i32>} : memref<11x336xf32, #tpu.memory_space<vmem>>, vector<1x16xf32>,
    %get3A_3619 = vector.shape_cast %get3A_3618 : vector<1x16xf32> to vector<16xf32>
    %mul3A_3620 = arith.mulf %get3A_3601, %get3A_3619 : vector<16xf32>
    %add3A_3621 = arith.addf %get3A_3601, %get3A_3619 : vector<16xf32>
    %mul3A_3622 = arith.mulf %mul3A_3620, %add3A_3621 : vector<16xf32>
    %add3A_3623 = arith.addf %add3A_3546, %mul3A_3622 : vector<16xf32>
    %get3A_3624 = arith.constant 2 : i32
    %get3A_3625 = arith.index_cast %get3A_3624 : i32 to index
    %get3A_3626 = arith.constant 305 : index
    %get3A_3627 = tpu.vector_load %arg4[%get3A_3625, %get3A_3626] {strides = array<i32>} : memref<11x336xf32, #tpu.memory_space<vmem>>, vector<1x16xf32>,
    %get3A_3628 = vector.shape_cast %get3A_3627 : vector<1x16xf32> to vector<16xf32>
    %mul3A_3629 = arith.mulf %get3A_3619, %get3A_3628 : vector<16xf32>
    %add3A_3630 = arith.addf %get3A_3619, %get3A_3628 : vector<16xf32>
    %mul3A_3631 = arith.mulf %mul3A_3629, %add3A_3630 : vector<16xf32>
    %add3A_3632 = arith.addf %add3A_3555, %mul3A_3631 : vector<16xf32>
    %get3A_3633 = arith.constant 3 : i32
    %get3A_3634 = arith.index_cast %get3A_3633 : i32 to index
    %get3A_3635 = arith.constant 304 : index
    %get3A_3636 = tpu.vector_load %arg4[%get3A_3634, %get3A_3635] {strides = array<i32>} : memref<11x336xf32, #tpu.memory_space<vmem>>, vector<1x16xf32>,
    %get3A_3637 = vector.shape_cast %get3A_3636 : vector<1x16xf32> to vector<16xf32>
    %mul3A_3638 = arith.mulf %get3A_3619, %get3A_3637 : vector<16xf32>
    %add3A_3639 = arith.addf %get3A_3619, %get3A_3637 : vector<16xf32>
    %mul3A_3640 = arith.mulf %mul3A_3638, %add3A_3639 : vector<16xf32>
    %add3A_3641 = arith.addf %add3A_3564, %mul3A_3640 : vector<16xf32>
    %get3A_3642 = arith.constant 3 : i32
    %get3A_3643 = arith.index_cast %get3A_3642 : i32 to index
    %get3A_3644 = arith.constant 305 : index
    %get3A_3645 = tpu.vector_load %arg4[%get3A_3643, %get3A_3644] {strides = array<i32>} : memref<11x336xf32, #tpu.memory_space<vmem>>, vector<1x16xf32>,
    %get3A_3646 = vector.shape_cast %get3A_3645 : vector<1x16xf32> to vector<16xf32>
    %mul3A_3647 = arith.mulf %get3A_3637, %get3A_3646 : vector<16xf32>
    %add3A_3648 = arith.addf %get3A_3637, %get3A_3646 : vector<16xf32>
    %mul3A_3649 = arith.mulf %mul3A_3647, %add3A_3648 : vector<16xf32>
    %add3A_3650 = arith.addf %add3A_3573, %mul3A_3649 : vector<16xf32>
    %get3A_3651 = arith.constant 4 : i32
    %get3A_3652 = arith.index_cast %get3A_3651 : i32 to index
    %get3A_3653 = arith.constant 304 : index
    %get3A_3654 = tpu.vector_load %arg4[%get3A_3652, %get3A_3653] {strides = array<i32>} : memref<11x336xf32, #tpu.memory_space<vmem>>, vector<1x16xf32>,
    %get3A_3655 = vector.shape_cast %get3A_3654 : vector<1x16xf32> to vector<16xf32>
    %mul3A_3656 = arith.mulf %get3A_3637, %get3A_3655 : vector<16xf32>
    %add3A_3657 = arith.addf %get3A_3637, %get3A_3655 : vector<16xf32>
    %mul3A_3658 = arith.mulf %mul3A_3656, %add3A_3657 : vector<16xf32>
    %add3A_3659 = arith.addf %add3A_3582, %mul3A_3658 : vector<16xf32>
    %get3A_3660 = arith.constant 4 : i32
    %get3A_3661 = arith.index_cast %get3A_3660 : i32 to index
    %get3A_3662 = arith.constant 305 : index
    %get3A_3663 = tpu.vector_load %arg4[%get3A_3661, %get3A_3662] {strides = array<i32>} : memref<11x336xf32, #tpu.memory_space<vmem>>, vector<1x16xf32>,
    %get3A_3664 = vector.shape_cast %get3A_3663 : vector<1x16xf32> to vector<16xf32>
    %mul3A_3665 = arith.mulf %get3A_3655, %get3A_3664 : vector<16xf32>
    %add3A_3666 = arith.addf %get3A_3655, %get3A_3664 : vector<16xf32>
    %mul3A_3667 = arith.mulf %mul3A_3665, %add3A_3666 : vector<16xf32>
    %add3A_3668 = arith.addf %add3A_3596, %mul3A_3667 : vector<16xf32>
    %get3A_3669 = arith.constant 5 : i32
    %get3A_3670 = arith.index_cast %get3A_3669 : i32 to index
    %get3A_3671 = arith.constant 304 : index
    %get3A_3672 = tpu.vector_load %arg4[%get3A_3670, %get3A_3671] {strides = array<i32>} : memref<11x336xf32, #tpu.memory_space<vmem>>, vector<1x16xf32>,
    %get3A_3673 = vector.shape_cast %get3A_3672 : vector<1x16xf32> to vector<16xf32>
    %mul3A_3674 = arith.mulf %get3A_3655, %get3A_3673 : vector<16xf32>
    %add3A_3675 = arith.addf %get3A_3655, %get3A_3673 : vector<16xf32>
    %mul3A_3676 = arith.mulf %mul3A_3674, %add3A_3675 : vector<16xf32>
    %add3A_3677 = arith.addf %add3A_3605, %mul3A_3676 : vector<16xf32>
    %get3A_3678 = arith.constant 5 : i32
    %get3A_3679 = arith.index_cast %get3A_3678 : i32 to index
    %get3A_3680 = arith.constant 305 : index
    %get3A_3681 = tpu.vector_load %arg4[%get3A_3679, %get3A_3680] {strides = array<i32>} : memref<11x336xf32, #tpu.memory_space<vmem>>, vector<1x16xf32>,
    %get3A_3682 = vector.shape_cast %get3A_3681 : vector<1x16xf32> to vector<16xf32>
    %mul3A_3683 = arith.mulf %get3A_3673, %get3A_3682 : vector<16xf32>
    %add3A_3684 = arith.addf %get3A_3673, %get3A_3682 : vector<16xf32>
    %mul3A_3685 = arith.mulf %mul3A_3683, %add3A_3684 : vector<16xf32>
    %add3A_3686 = arith.addf %add3A_3614, %mul3A_3685 : vector<16xf32>
    %get3A_3687 = arith.constant 6 : i32
    %get3A_3688 = arith.index_cast %get3A_3687 : i32 to index
    %get3A_3689 = arith.constant 304 : index
    %get3A_3690 = tpu.vector_load %arg4[%get3A_3688, %get3A_3689] {strides = array<i32>} : memref<11x336xf32, #tpu.memory_space<vmem>>, vector<1x16xf32>,
    %get3A_3691 = vector.shape_cast %get3A_3690 : vector<1x16xf32> to vector<16xf32>
    %mul3A_3692 = arith.mulf %get3A_3673, %get3A_3691 : vector<16xf32>
    %add3A_3693 = arith.addf %get3A_3673, %get3A_3691 : vector<16xf32>
    %mul3A_3694 = arith.mulf %mul3A_3692, %add3A_3693 : vector<16xf32>
    %add3A_3695 = arith.addf %add3A_3623, %mul3A_3694 : vector<16xf32>
    %get3A_3696 = arith.constant 6 : i32
    %get3A_3697 = arith.index_cast %get3A_3696 : i32 to index
    %get3A_3698 = arith.constant 305 : index
    %get3A_3699 = tpu.vector_load %arg4[%get3A_3697, %get3A_3698] {strides = array<i32>} : memref<11x336xf32, #tpu.memory_space<vmem>>, vector<1x16xf32>,
    %get3A_3700 = vector.shape_cast %get3A_3699 : vector<1x16xf32> to vector<16xf32>
    %mul3A_3701 = arith.mulf %get3A_3691, %get3A_3700 : vector<16xf32>
    %add3A_3702 = arith.addf %get3A_3691, %get3A_3700 : vector<16xf32>
    %mul3A_3703 = arith.mulf %mul3A_3701, %add3A_3702 : vector<16xf32>
    %add3A_3704 = arith.addf %add3A_3632, %mul3A_3703 : vector<16xf32>
    %get3A_3705 = arith.constant 7 : i32
    %get3A_3706 = arith.index_cast %get3A_3705 : i32 to index
    %get3A_3707 = arith.constant 304 : index
    %get3A_3708 = tpu.vector_load %arg4[%get3A_3706, %get3A_3707] {strides = array<i32>} : memref<11x336xf32, #tpu.memory_space<vmem>>, vector<1x16xf32>,
    %get3A_3709 = vector.shape_cast %get3A_3708 : vector<1x16xf32> to vector<16xf32>
    %mul3A_3710 = arith.mulf %get3A_3691, %get3A_3709 : vector<16xf32>
    %add3A_3711 = arith.addf %get3A_3691, %get3A_3709 : vector<16xf32>
    %mul3A_3712 = arith.mulf %mul3A_3710, %add3A_3711 : vector<16xf32>
    %add3A_3713 = arith.addf %add3A_3641, %mul3A_3712 : vector<16xf32>
    %get3A_3714 = arith.constant 7 : i32
    %get3A_3715 = arith.index_cast %get3A_3714 : i32 to index
    %get3A_3716 = arith.constant 305 : index
    %get3A_3717 = tpu.vector_load %arg4[%get3A_3715, %get3A_3716] {strides = array<i32>} : memref<11x336xf32, #tpu.memory_space<vmem>>, vector<1x16xf32>,
    %get3A_3718 = vector.shape_cast %get3A_3717 : vector<1x16xf32> to vector<16xf32>
    %mul3A_3719 = arith.mulf %get3A_3709, %get3A_3718 : vector<16xf32>
    %add3A_3720 = arith.addf %get3A_3709, %get3A_3718 : vector<16xf32>
    %mul3A_3721 = arith.mulf %mul3A_3719, %add3A_3720 : vector<16xf32>
    %add3A_3722 = arith.addf %add3A_3650, %mul3A_3721 : vector<16xf32>
    %get3A_3723 = arith.constant 8 : i32
    %get3A_3724 = arith.index_cast %get3A_3723 : i32 to index
    %get3A_3725 = arith.constant 304 : index
    %get3A_3726 = tpu.vector_load %arg4[%get3A_3724, %get3A_3725] {strides = array<i32>} : memref<11x336xf32, #tpu.memory_space<vmem>>, vector<1x16xf32>,
    %get3A_3727 = vector.shape_cast %get3A_3726 : vector<1x16xf32> to vector<16xf32>
    %mul3A_3728 = arith.mulf %get3A_3709, %get3A_3727 : vector<16xf32>
    %add3A_3729 = arith.addf %get3A_3709, %get3A_3727 : vector<16xf32>
    %mul3A_3730 = arith.mulf %mul3A_3728, %add3A_3729 : vector<16xf32>
    %add3A_3731 = arith.addf %add3A_3659, %mul3A_3730 : vector<16xf32>
    %get3A_3732 = arith.constant 8 : i32
    %get3A_3733 = arith.index_cast %get3A_3732 : i32 to index
    %get3A_3734 = arith.constant 305 : index
    %get3A_3735 = tpu.vector_load %arg4[%get3A_3733, %get3A_3734] {strides = array<i32>} : memref<11x336xf32, #tpu.memory_space<vmem>>, vector<1x16xf32>,
    %get3A_3736 = vector.shape_cast %get3A_3735 : vector<1x16xf32> to vector<16xf32>
    %mul3A_3737 = arith.mulf %get3A_3727, %get3A_3736 : vector<16xf32>
    %add3A_3738 = arith.addf %get3A_3727, %get3A_3736 : vector<16xf32>
    %mul3A_3739 = arith.mulf %mul3A_3737, %add3A_3738 : vector<16xf32>
    %add3A_3740 = arith.addf %add3A_3668, %mul3A_3739 : vector<16xf32>
    %get3A_3741 = arith.constant 9 : i32
    %get3A_3742 = arith.index_cast %get3A_3741 : i32 to index
    %get3A_3743 = arith.constant 304 : index
    %get3A_3744 = tpu.vector_load %arg4[%get3A_3742, %get3A_3743] {strides = array<i32>} : memref<11x336xf32, #tpu.memory_space<vmem>>, vector<1x16xf32>,
    %get3A_3745 = vector.shape_cast %get3A_3744 : vector<1x16xf32> to vector<16xf32>
    %mul3A_3746 = arith.mulf %get3A_3727, %get3A_3745 : vector<16xf32>
    %add3A_3747 = arith.addf %get3A_3727, %get3A_3745 : vector<16xf32>
    %mul3A_3748 = arith.mulf %mul3A_3746, %add3A_3747 : vector<16xf32>
    %add3A_3749 = arith.addf %add3A_3677, %mul3A_3748 : vector<16xf32>
    %get3A_3750 = arith.constant 9 : i32
    %get3A_3751 = arith.index_cast %get3A_3750 : i32 to index
    %get3A_3752 = arith.constant 305 : index
    %get3A_3753 = tpu.vector_load %arg4[%get3A_3751, %get3A_3752] {strides = array<i32>} : memref<11x336xf32, #tpu.memory_space<vmem>>, vector<1x16xf32>,
    %get3A_3754 = vector.shape_cast %get3A_3753 : vector<1x16xf32> to vector<16xf32>
    %mul3A_3755 = arith.mulf %get3A_3745, %get3A_3754 : vector<16xf32>
    %add3A_3756 = arith.addf %get3A_3745, %get3A_3754 : vector<16xf32>
    %mul3A_3757 = arith.mulf %mul3A_3755, %add3A_3756 : vector<16xf32>
    %add3A_3758 = arith.addf %add3A_3686, %mul3A_3757 : vector<16xf32>
    %get3A_3759 = arith.constant 10 : i32
    %get3A_3760 = arith.index_cast %get3A_3759 : i32 to index
    %get3A_3761 = arith.constant 304 : index
    %get3A_3762 = tpu.vector_load %arg4[%get3A_3760, %get3A_3761] {strides = array<i32>} : memref<11x336xf32, #tpu.memory_space<vmem>>, vector<1x16xf32>,
    %get3A_3763 = vector.shape_cast %get3A_3762 : vector<1x16xf32> to vector<16xf32>
    %mul3A_3764 = arith.mulf %get3A_3745, %get3A_3763 : vector<16xf32>
    %add3A_3765 = arith.addf %get3A_3745, %get3A_3763 : vector<16xf32>
    %mul3A_3766 = arith.mulf %mul3A_3764, %add3A_3765 : vector<16xf32>
    %add3A_3767 = arith.addf %add3A_3695, %mul3A_3766 : vector<16xf32>
    %add3A_3768 = arith.addf %add3A_3704, %add3A_3713 : vector<16xf32>
    %add3A_3769 = arith.addf %add3A_3768, %add3A_3722 : vector<16xf32>
    %add3A_3770 = arith.addf %add3A_3769, %add3A_3731 : vector<16xf32>
    %add3A_3771 = arith.addf %add3A_3770, %add3A_3740 : vector<16xf32>
    %add3A_3772 = arith.addf %add3A_3771, %add3A_3749 : vector<16xf32>
    %add3A_3773 = arith.addf %add3A_3772, %add3A_3758 : vector<16xf32>
    %add3A_3774 = arith.addf %add3A_3773, %add3A_3767 : vector<16xf32>
    %swap3A_3775 = arith.constant 0 : index
    %swap3A_3776 = tpu.vector_load %arg5[%swap3A_3775] {strides = array<i32>} : memref<16xf32, #tpu.memory_space<vmem>>, vector<16xf32>,
    %swap3A_3777 = vector.shape_cast %swap3A_3776 : vector<16xf32> to vector<16xf32>
    %swap3A_3778 = vector.shape_cast %add3A_3774 : vector<16xf32> to vector<16xf32>
    tpu.vector_store %arg5[%swap3A_3775], %swap3A_3778 {strides = array<i32>} : memref<16xf32, #tpu.memory_space<vmem>>, vector<16xf32>,
    %mul3A_3779 = arith.constant 16 : i32
    %mul3A_3780 = arith.muli %add3A, %mul3A_3779 : i32
    "tpu.region"() ({
      %run_scoped3A = tpu.sem_alloc : memref<!tpu.dma_semaphore, #tpu.memory_space<semaphore_mem>>
      %dma_start3A = tpu.memref_slice %arg3[%mul3A_3780] : memref<512xf32, #tpu.memory_space<hbm>> -> memref<16xf32, #tpu.memory_space<hbm>>
      %dma_start3A_3781 = tpu.memref_slice %arg3[%mul3A_3780] : memref<512xf32, #tpu.memory_space<hbm>> -> memref<16xf32, #tpu.memory_space<hbm>>
      tpu.enqueue_dma source(%arg5 : memref<16xf32, #tpu.memory_space<vmem>>) target(%dma_start3A_3781 : memref<16xf32, #tpu.memory_space<hbm>>) target_semaphore(%run_scoped3A : memref<!tpu.dma_semaphore, #tpu.memory_space<semaphore_mem>>)
      %dma_wait3A = tpu.memref_slice %arg3[%mul3A_3780] : memref<512xf32, #tpu.memory_space<hbm>> -> memref<16xf32, #tpu.memory_space<hbm>>
      %dma_wait3A_3782 = tpu.memref_slice %arg3[%mul3A_3780] : memref<512xf32, #tpu.memory_space<hbm>> -> memref<16xf32, #tpu.memory_space<hbm>>
      tpu.wait_dma2 semaphore(%run_scoped3A : memref<!tpu.dma_semaphore, #tpu.memory_space<semaphore_mem>>) src(%arg5 : memref<16xf32, #tpu.memory_space<vmem>>) dst(%dma_wait3A_3782 : memref<16xf32, #tpu.memory_space<hbm>>)
      tpu.yield
    }) : () -> ()
    return
  }
}

module attributes {stable_mosaic.version = 14 : i64} {
  func.func @_finish_body(%arg0: memref<512xf32, #tpu.memory_space<vmem>>, %arg1: memref<1x1xf32, #tpu.memory_space<vmem>>) attributes {dimension_semantics = [], scalar_prefetch = 0 : i64, scratch_operands = 0 : i64, tpu.core_type = #tpu.core_type<tc>} {
    %get3A = arith.constant 0 : index
    %get3A_0 = vector.load %arg0[%get3A] : memref<512xf32, #tpu.memory_space<vmem>>, vector<512xf32>
    %reduce_sum3A = vector.shape_cast %get3A_0 : vector<512xf32> to vector<1x512xf32>
    %reduce_sum3A_1 = arith.constant dense<0.000000e+00> : vector<1xf32>
    %reduce_sum3A_2 = vector.multi_reduction <add>, %reduce_sum3A, %reduce_sum3A_1 [1] : vector<1x512xf32> to vector<1xf32>
    %reduce_sum3A_3 = vector.shape_cast %reduce_sum3A_2 : vector<1xf32> to vector<1x1xf32>
    %reduce_sum3A_4 = vector.extract %reduce_sum3A_3[0, 0] : f32 from vector<1x1xf32>
    %sqrt3A = math.sqrt %reduce_sum3A_4 : f32
    %broadcast_in_dim3A = vector.broadcast %sqrt3A : f32 to vector<1x1xf32>
    %swap3A = arith.constant 0 : index
    %swap3A_5 = arith.constant 0 : index
    %swap3A_6 = vector.load %arg1[%swap3A, %swap3A_5] : memref<1x1xf32, #tpu.memory_space<vmem>>, vector<1x1xf32>
    tpu.vector_store %arg1[%swap3A, %swap3A_5], %broadcast_in_dim3A {strides = array<i32>} : memref<1x1xf32, #tpu.memory_space<vmem>>, vector<1x1xf32>,
    return
  }
}

</mosaic_0001>

<sc_bundles>
// kernel: kernel.4.cloned.1.call-start
scs
__scs_entry_jumppad:
0x0: {  	(pc) =	sbr.rel $0x88, $3  }
0x1: {  	(tag) =	ssettag $0x0;
	lr =	simm.s32 $0x1  }
0x2: {  	[smem:$0x3FA0] =	sst lr;
	_ =	strace $0xD0000000  }
0x3: {  	_ = 	snop  }
0x4: {  	_ = 	snop  }
0x5: {  	_ = 	snop  }
0x6: {  	_ = 	snop  }
0x7: {  	_ = 	snop  }
__scs_overlays_trampoline_lowered:
0x8: {  	[smem:$0x3FAF] =	sst s0  }
0x9: {  	[smem:$0x3FB0] =	sst s1  }
0xa: {  	[smem:$0x3FB1] =	sst s2  }
0xb: {  	[smem:$0x3FB2] =	sst s3  }
0xc: {  	[smem:$0x3FB3] =	sst s4  }
0xd: {  	[smem:$0x3FB4] =	sst s5  }
0xe: {  	[smem:$0x3FB5] =	sst s6  }
0xf: {  	[smem:$0x3FB6] =	sst s7  }
0x10: {  	[smem:$0x3FB7] =	sst s8  }
0x11: {  	[smem:$0x3FB8] =	sst s9;
	s0 =	simm.s32 @!p0 $0x0  }
0x12: {  	s1 =	sld [smem:$0x3F9E];
	s0 =	simm.s32 @p0 $0x1  }
0x13: {  	[smem:$0x3FB9] =	sst s0;
	s0 =	simm.s32 @!p1 $0x0  }
0x14: {  	s2 =	sld [smem:$0x3F9D];
	s0 =	simm.s32 @p1 $0x1  }
0x15: {  	[smem:$0x3FBA] =	sst s0;
	s0 =	simm.s32 @!p2 $0x0  }
0x16: {  	s3 =	sld [smem:$0x3FDB];
	s0 =	simm.s32 @p2 $0x1  }
0x17: {  	s4 =	simm.s32 $0x1BF5;
	[smem:$0x3FBC] =	sst s0  }
0x18: {  	s0 =	sld [smem:$0x3F9F];
	_ =	swait.ge [sflag:s4], $0x0  }
0x19: {  	s7 =	sld [smem:$0x3FA0]  }
0x1a: {  	s8 =	sadd.s32 $0xFFFFE003, lr  }
0x1b: {  	s9 =	sadd.s32 $0xFFFFFEF7, lr;
	s5 =	simm.s32 $0xFFFFFFFF;
	p2 =	slt.u32 s8, $0xFFFFF086  }
0x1c: {  	p1 =	slt.u32 s9, $0xF7A;
	s5 =	simm.s32 @!p2 $0x0  }
0x1d: {  	s5 =	simm.s32 @p1 $0x1;
	p0 =	seq.s32 s7, s2  }
0x1e: {  	s7 =	smul.u32 @!p0 $0xF7A, s2;
	p2 =	seq.s32 @!p0 s5, $0x0  }
0x1f: {  	s9 =	smul.u32 $0xF7A, s1;
	s8 =	simm.s32 @!p0 $0x1BF5;
	p2 =	por !p2, p0  }
0x20: {  	[sflag:s8] =	ssyncset.s32 @!p0 $0xFFFFF086;
	s6 =	sadd.s32 @!p0 s3, s7;
	s7 =	simm.s32 @!p0 $0x108  }
0x21: {  	s3 =	sadd.s32 s3, s9;
	s6 =	sadd.s32 @!p0 $0x88, s6;
	s7 =	simm.s32 @p2 $0x1082  }
0x22: {  	[simem:s7], [sflag:s8] =	dma.local @!p0 [hbm:s6], $0xF7A  }
0x23: {  	s9 =	sor.u32 $0xD0000000, s2;
	s6 =	simm.s32 $0x108;
	_ =	swait.ge @!p0 [sflag:s8], $0x0  }
0x24: {  	s3 =	sadd.s32 $0x88, s3;
	s6 =	simm.s32 @!p1 $0x1082;
	[sflag:s4] =	ssyncset.s32 $0xFFFFF086  }
0x25: {  	[simem:s6], [sflag:s4] =	dma.local [hbm:s3], $0xF7A  }
0x26: {  	[smem:$0x3FA0] =	sst s1;
	(tag) =	ssettag s2;
	_ =	strace s9  }
0x27: {  	s1 =	sld [smem:$0x3FB0]  }
0x28: {  	s2 =	sld [smem:$0x3FB1]  }
0x29: {  	s4 =	sld [smem:$0x3FB3]  }
0x2a: {  	p0 =	seq.s32 s5, $0x0;
	s5 =	sld [smem:$0x3FB4]  }
0x2b: {  	s6 =	sld [smem:$0x3FB5]  }
0x2c: {  	s7 =	sld [smem:$0x3FB6]  }
0x2d: {  	s3 =	simm.s32 $0x108;
	s8 =	sld [smem:$0x3FB7]  }
0x2e: {  	s3 =	simm.s32 @!p0 $0x1082;
	s9 =	sld [smem:$0x3FB8]  }
0x2f: {  	lr =	sadd.s32 s0, s3;
	s0 =	sld [smem:$0x3FAF]  }
0x30: {  	s3 =	sld [smem:$0x3FB2]  }
0x31: {  	[smem:$0x3FBB] =	sst s10  }
0x32: {  	s10 =	sld [smem:$0x3FB9];
	_ =	sdelay $0x3  }
0x33: {  	p0 =	seq.s32 s10, $0x1;
	s10 =	sld [smem:$0x3FBB];
	_ =	sdelay $0x3  }
0x34: {  	[smem:$0x3FBB] =	sst s10  }
0x35: {  	s10 =	sld [smem:$0x3FBA];
	_ =	sdelay $0x3  }
0x36: {  	p1 =	seq.s32 s10, $0x1;
	s10 =	sld [smem:$0x3FBB];
	_ =	sdelay $0x3  }
0x37: {  	[smem:$0x3FBB] =	sst s10  }
0x38: {  	s10 =	sld [smem:$0x3FBC]  }
0x39: {  	_ = 	snop;
	(pc) =	sbr.ind lr, $3  }
0x3a: {  	_ = 	snop  }
0x3b: {  	_ = 	snop  }
0x3c: {  	p2 =	seq.s32 s10, $0x1;
	s10 =	sld [smem:$0x3FBB]  }
0x3d: {  	_ =	shalt  }
0x3e: {  	_ =	shalt  }
0x3f: {  	_ =	shalt  }
0x40: {  	_ =	shalt  }
0x41: {  	_ =	shalt  }
0x42: {  	_ =	shalt  }
0x43: {  	_ =	shalt  }
0x44: {  	_ =	shalt  }
0x45: {  	_ =	shalt  }
0x46: {  	_ =	shalt  }
0x47: {  	_ =	shalt  }
0x48: {  	_ =	shalt  }
0x49: {  	_ =	shalt  }
0x4a: {  	_ =	shalt  }
0x4b: {  	_ =	shalt  }
0x4c: {  	_ =	shalt  }
0x4d: {  	_ =	shalt  }
0x4e: {  	_ =	shalt  }
0x4f: {  	_ =	shalt  }
0x50: {  	_ =	shalt  }
0x51: {  	_ =	shalt  }
0x52: {  	_ =	shalt  }
0x53: {  	_ =	shalt  }
0x54: {  	_ =	shalt  }
0x55: {  	_ =	shalt  }
0x56: {  	_ =	shalt  }
0x57: {  	_ =	shalt  }
0x58: {  	_ =	shalt  }
0x59: {  	_ =	shalt  }
0x5a: {  	_ =	shalt  }
0x5b: {  	_ =	shalt  }
0x5c: {  	_ =	shalt  }
0x5d: {  	_ =	shalt  }
0x5e: {  	_ =	shalt  }
0x5f: {  	_ =	shalt  }
0x60: {  	_ =	shalt  }
0x61: {  	_ =	shalt  }
0x62: {  	_ =	shalt  }
0x63: {  	_ =	shalt  }
0x64: {  	_ =	shalt  }
0x65: {  	_ =	shalt  }
0x66: {  	_ =	shalt  }
0x67: {  	_ =	shalt  }
0x68: {  	_ =	shalt  }
0x69: {  	_ =	shalt  }
0x6a: {  	_ =	shalt  }
0x6b: {  	_ =	shalt  }
0x6c: {  	_ =	shalt  }
0x6d: {  	_ =	shalt  }
0x6e: {  	_ =	shalt  }
0x6f: {  	_ =	shalt  }
0x70: {  	_ =	shalt  }
0x71: {  	_ =	shalt  }
0x72: {  	_ =	shalt  }
0x73: {  	_ =	shalt  }
0x74: {  	_ =	shalt  }
0x75: {  	_ =	shalt  }
0x76: {  	_ =	shalt  }
0x77: {  	_ =	shalt  }
0x78: {  	_ =	shalt  }
0x79: {  	_ =	shalt  }
0x7a: {  	_ =	shalt  }
0x7b: {  	_ =	shalt  }
0x7c: {  	_ =	shalt  }
0x7d: {  	_ =	shalt  }
0x7e: {  	_ =	shalt  }
0x7f: {  	_ =	shalt  }
0x80: {  	_ =	shalt  }
0x81: {  	_ =	shalt  }
0x82: {  	_ =	shalt  }
0x83: {  	_ =	shalt  }
0x84: {  	_ =	shalt  }
0x85: {  	_ =	shalt  }
0x86: {  	_ =	shalt  }
0x87: {  	_ =	shalt  }
.Lfunc_end0:
.L_simem_size_0:
called_computation_lowered:
.L_overlay_start_0:
0x88: {  	s2 =	sld [smem:$0x3FD9]  }
0x89: {  	s3 =	sld [smem:$0x3FFE];
	_ =	sdelay $0x1  }
0x8a: {  	s1 =	srdreg.scid  }
0x8b: {  	s0 =	sand.u32 $0x1, s1  }
0x8c: {  	s16 =	sshll.u32 s0, $0xA;
	s2 =	sadd.s32 s3, s2  }
0x8d: {  	s2 =	sadd.s32 s2, s16  }
0x8e: {  	[smem:$0x3FC7] =	sst s2  }
0x8f: {  	_ = 	snop  }
0x90: {  	(tm) =	ssettm $0x1  }
0x91: {  	s17 =	sld [smem:$0x3FFB];
	_ =	sdelay $0x3  }
0x92: {  	_ =	strace s17  }
0x93: {  	s2 =	sld [smem:$0x3FFC];
	_ =	sdelay $0x3  }
0x94: {  	_ =	strace s2  }
0x95: {  	s2 =	sld [smem:$0x3FFD];
	_ =	sdelay $0x3  }
0x96: {  	_ =	strace s2  }
0x97: {  	_ =	strace $0x8FFFFFFF  }
0x98: {  	s18 =	sld [smem:$0x3FDB];
	_ =	sdelay $0x1  }
0x99: {  	s19 =	simm.s32 $_scs_section_size  }
0x9a: {  	s4 =	simm.s32 $_size__tile_overlayer_lowered;
	s5 =	simm.s32 $_tile_overlayer_lowered  }
0x9b: {  	s22 =	simm.s32 $0x1BFF;
	s21 =	sshll.u32 s5, $0x1;
	s2 =	sadd.s32 s19, s18  }
0x9c: {  	s6 =	simm.s32 $0x0;
	s20 =	sshll.u32 s4, $0x1;
	s4 =	sadd.s32 s21, s2  }
0x9d: {  	[timem:s6], [sflag:s22] =	dma.local [hbm:s4], s20  }
0x9e: {  	_ =	swait.ge [sflag:s22], s20  }
0x9f: {  	s3 =	ssub.s32 $0x0, s20;
	[sflag:s22] =	ssyncset.done $0x0  }
0xa0: {  	[sflag:s22] =	ssyncadd.s32 s3;
	_ =	sdelay $0x1  }
0xa1: {  	s23 =	simm.s32 $0x1B8B  }
0xa2: {  	_ =	swait.ge [sflag:s23], $0x1  }
0xa3: {  	[sflag:s23] =	ssyncset.done $0x0  }
0xa4: {  	s25 =	simm.s32 $0x1B8E;
	s24 =	sld [smem:$0x3FFE];
	[sflag:s23] =	ssyncadd.s32 $0xFFFFFFFF  }
0xa5: {  	s26 =	simm.s32 $execute0_lowered;
	[smem:$0x3FD2] =	sst s25  }
0xa6: {  	s4 =	sshll.u32 s26, $0x1;
	_ =	strace $0x80000046;
	[dreg:$0x1] =	wrdreg $0xFFFFFFFF  }
0xa7: {  	s28 =	simm.s32 $_size_execute0_lowered;
	s2 =	sadd.s32 s2, s4;
	[dreg:$0x0] =	wrdreg $0x0  }
0xa8: {  	s4 =	sshll.u32 s28, $0x1;
	[dreg:$0x2] =	wrdreg s2  }
0xa9: {  	[dreg:$0x3] =	wrdreg s4  }
0xaa: {  	[dreg:$0x4] =	wrdreg $0xC0  }
0xab: {  	_ =	task [dreg:s6], $0x5FFFF  }
0xac: {  	[dreg:$0x1] =	wrdreg $0xFFFFFFFF  }
0xad: {  	[dreg:$0x0] =	wrdreg $0x60  }
0xae: {  	[dreg:$0x2] =	wrdreg s24  }
0xaf: {  	[dreg:$0x3] =	wrdreg $0x9  }
0xb0: {  	_ =	task.clear_ibuf [dreg:s6], $0x4FFFF;
	_ =	strace $0x90000046  }
0xb1: {  	s29 =	simm.s32 $0x9;
	_ =	strace $0x80000048  }
0xb2: {  	_ =	swait.ge [sflag:s29], $0x1  }
0xb3: {  	[sflag:s29] =	ssyncadd.s32 $0xFFFFFFFF  }
0xb4: {  	_ =	strace $0x90000048  }
0xb5: {  	_ =	sfence  }
0xb6: {  	s30 =	sld [smem:$0x0];
	_ =	sdelay $0x2  }
0xb7: {  	s31 =	sshll.u32 s1, $0xD;
	s1 =	sshrl.u32 s1, $0x2  }
0xb8: {  	s3 =	sand.u32 $0x4000, s31;
	s1 =	sadd.s32 s1, s30  }
0xb9: {  	s0 =	sor.u32 s3, s0;
	s1 =	sshll.u32 s1, $0x11  }
0xba: {  	s0 =	sor.u32 s1, s0  }
0xbb: {  	s0 =	sadd.s32 $0x8F2B, s0  }
0xbc: {  	[sflag:s0] =	ssyncadd.remote.s32 $0x1  }
0xbd: {  	_ =	sfence.sel $0xFFFF  }
0xbe: {  	[dreg:$0x0] =	wrdreg $0xFFFFFFFF;
	(pc) =	sbr.abs _section_cstart, $3  }
0xbf: {  	[dreg:$0x1] =	wrdreg $0xFFFFFFFF  }
0xc0: {  	_ =	task.clear_ibuf [dreg:s6], $0x2FFFF;
	_ =	strace $0x9FFFFFFF  }
0xc1: {  	(tm) =	ssettm $0x7FFFFFFF  }
tec
execute0_lowered:
.L_overlay_start_1:
0x0: {  	(tag) =	ssettag $0x1  }
0x1: {  	s1 =	srdreg.scid;
	s0 =	stileid.u32  }
0x2: {  	s4 =	rddreg [dreg:$0x0];
	s5 =	sand.u32 $0x1, s1;
	s3 =	sshll.u32 s0, $0x1  }
0x3: {  	s2 =	simm.s32 $0x0;
	s1 =	rddreg [dreg:$0x1];
	s6 =	sor.u32 s5, s3  }
0x4: {  	[smem:$0x7FF] =	sst s2;
	s3 =	sshll.u32 s6, $0x1  }
0x5: {  	p0 =	seq.s32 s6, $0x1F;
	s6 =	smul.u32 $0x190, s6;
	s7 =	sadd.s32 s3, s4  }
0x6: {  	_ =	strace $0x80000047;
	s3 =	sadd.s32 $0x3670, s4;
	s7 =	sadd.s32 $0x3800, s7  }
0x7: {  	s4 =	sadd.s32 s6, s4;
	s6 =	sadd.s32 @p0 $0x78, s3;
	[dreg:$0x2] =	wrdreg s7  }
0x8: {  	s7 =	sadd.s32 @p0 $0x28, s3;
	[dreg:$0xf] =	wrdreg s6  }
0x9: {  	s6 =	sadd.s32 @p0 $0xA0, s3;
	[dreg:$0xd] =	wrdreg s7  }
0xa: {  	s4 =	sadd.s32 $0x600, s4;
	s7 =	sadd.s32 @p0 $0x50, s3;
	[dreg:$0x10] =	wrdreg s6  }
0xb: {  	s6 =	sadd.s32 @!p0 $0x28, s4;
	[dreg:$0xe] =	wrdreg s7  }
0xc: {  	s12 =	simm.s32 $0x1;
	s8 =	sadd.s32 @!p0 $0xF0, s4;
	[dreg:$0x3] =	wrdreg s6  }
0xd: {  	s5 =	ssub.s32 $0x2, s5;
	s9 =	sadd.s32 @!p0 $0x118, s4;
	[dreg:$0x8] =	wrdreg s8  }
0xe: {  	s31 =	sshrl.u32 s5, $0x1;
	s10 =	sadd.s32 @!p0 $0x140, s4;
	[dreg:$0x9] =	wrdreg s9  }
0xf: {  	s5 =	ssub.s32 s5, s31;
	s11 =	sadd.s32 @!p0 $0x168, s4;
	[dreg:$0xa] =	wrdreg s10  }
0x10: {  	s5 =	smax.u32 s5, $0x1;
	s6 =	sadd.s32 @!p0 $0x50, s4;
	[dreg:$0xb] =	wrdreg s11  }
0x11: {  	s7 =	sadd.s32 @!p0 $0xC8, s4;
	s8 =	sadd.s32 @p0 $0x118, s3;
	[dreg:$0x4] =	wrdreg s6  }
0x12: {  	s9 =	sadd.s32 @p0 $0x140, s3;
	s11 =	sadd.s32 @!p0 $0x190, s4;
	[dreg:$0x7] =	wrdreg s7  }
0x13: {  	s10 =	sadd.s32 @p0 $0x168, s3;
	s6 =	sadd.s32 @!p0 $0x78, s4;
	[dreg:$0xc] =	wrdreg s11  }
0x14: {  	s7 =	sadd.s32 @p0 $0xF0, s3;
	[dreg:$0x5] =	wrdreg s6;
	s6 =	sadd.s32 @!p0 $0xA0, s4  }
0x15: {  	v0 =	vimm.f32 $0.0e+00;
	s11 =	simm.s32 $0xE70;
	[dreg:$0x6] =	wrdreg s6;
	s6 =	sadd.s32 @p0 $0xC8, s3  }
.LBB2_1:
0x16: {  	s13 =	simm.s32 @p0 $0x0  }
0x17: {  	[tilespmem:s13], [sflag:$0x1] =	stream.linear.gather @p0 [hbm4b:s3+s13], $0x140, $0x38;
	[tilespmem:$0xE80] =	vst v63  }
0x18: {  	s14 =	rddreg [dreg:$0xd];
	s15 =	simm.s32 @p0 $0x150  }
0x19: {  	[tilespmem:s15], [sflag:$0x1] =	stream.linear.gather @p0 [hbm4b:s14+s13], $0x140, $0x38;
	[tilespmem:$0xE80] =	vst v63  }
0x1a: {  	s16 =	rddreg [dreg:$0xe];
	s14 =	simm.s32 @p0 $0x2A0  }
0x1b: {  	[tilespmem:s14], [sflag:$0x1] =	stream.linear.gather @p0 [hbm4b:s16+s13], $0x140, $0x38;
	[tilespmem:$0xE80] =	vst v63  }
0x1c: {  	s15 =	rddreg [dreg:$0xf];
	s14 =	simm.s32 @p0 $0x3F0  }
0x1d: {  	[tilespmem:s14], [sflag:$0x1] =	stream.linear.gather @p0 [hbm4b:s15+s13], $0x140, $0x38;
	[tilespmem:$0xE80] =	vst v63  }
0x1e: {  	s16 =	rddreg [dreg:$0x10];
	s14 =	simm.s32 @p0 $0x540  }
0x1f: {  	[tilespmem:s14], [sflag:$0x1] =	stream.linear.gather @p0 [hbm4b:s16+s13], $0x140, $0x38;
	[tilespmem:$0xE80] =	vst v63  }
0x20: {  	s14 =	simm.s32 @p0 $0x690  }
0x21: {  	[tilespmem:s14], [sflag:$0x1] =	stream.linear.gather @p0 [hbm4b:s6+s13], $0x140, $0x38;
	[tilespmem:$0xE80] =	vst v63  }
0x22: {  	s14 =	simm.s32 @p0 $0x7E0  }
0x23: {  	[tilespmem:s14], [sflag:$0x1] =	stream.linear.gather @p0 [hbm4b:s7+s13], $0x140, $0x38;
	[tilespmem:$0xE80] =	vst v63  }
0x24: {  	s14 =	simm.s32 @p0 $0x930  }
0x25: {  	[tilespmem:s14], [sflag:$0x1] =	stream.linear.gather @p0 [hbm4b:s8+s13], $0x140, $0x38;
	[tilespmem:$0xE80] =	vst v63  }
0x26: {  	s14 =	simm.s32 @p0 $0xA80  }
0x27: {  	[tilespmem:s14], [sflag:$0x1] =	stream.linear.gather @p0 [hbm4b:s9+s13], $0x140, $0x38;
	[tilespmem:$0xE80] =	vst v63  }
0x28: {  	s14 =	simm.s32 @p0 $0xBD0  }
0x29: {  	[tilespmem:s14], [sflag:$0x1] =	stream.linear.gather @p0 [hbm4b:s10+s13], $0x140, $0x38;
	[tilespmem:$0xE80] =	vst v63  }
0x2a: {  	s13 =	simm.s32 @p0 $0x1  }
0x2b: {  	_ =	swait.ge @p0 [sflag:s13], $0xC80  }
0x2c: {  	[sflag:s13] =	ssyncset.done @p0 $0x0  }
0x2d: {  	v1 =	vimm.f32 @p0 $0.0e+00;
	[sflag:s13] =	ssyncadd.s32 @p0 $0xFFFFF380  }
0x2e: {  	[tilespmem:$0xD20] =	vst @p0 v1  }
0x2f: {  	[tilespmem:$0xD30] =	vst @p0 v1  }
0x30: {  	[tilespmem:$0xD40] =	vst @p0 v1  }
0x31: {  	[tilespmem:$0xD50] =	vst @p0 v1  }
0x32: {  	[tilespmem:$0xD60] =	vst @p0 v1  }
0x33: {  	[tilespmem:$0xD70] =	vst @p0 v1  }
0x34: {  	[tilespmem:$0xD80] =	vst @p0 v1  }
0x35: {  	[tilespmem:$0xD90] =	vst @p0 v1  }
0x36: {  	[tilespmem:$0xDA0] =	vst @p0 v1  }
0x37: {  	[tilespmem:$0xDB0] =	vst @p0 v1  }
0x38: {  	[tilespmem:$0xDC0] =	vst @p0 v1  }
0x39: {  	[tilespmem:$0xDD0] =	vst @p0 v1  }
0x3a: {  	[tilespmem:$0xDE0] =	vst @p0 v1  }
0x3b: {  	[tilespmem:$0xDF0] =	vst @p0 v1  }
0x3c: {  	[tilespmem:$0xE00] =	vst @p0 v1  }
0x3d: {  	[tilespmem:$0xE10] =	vst @p0 v1  }
0x3e: {  	[tilespmem:$0xE20] =	vst @p0 v1  }
0x3f: {  	[tilespmem:$0xE30] =	vst @p0 v1  }
0x40: {  	[tilespmem:$0xE40] =	vst @p0 v1  }
0x41: {  	s13 =	simm.s32 @!p0 $0x0;
	[tilespmem:$0xE50] =	vst @p0 v1  }
0x42: {  	[tilespmem:s13], [sflag:$0x1] =	stream.linear.gather @!p0 [hbm4b:s4+s13], $0x140, $0x38;
	[tilespmem:$0xE80] =	vst v63  }
0x43: {  	s15 =	simm.s32 @!p0 $0x150;
	s14 =	rddreg [dreg:$0x3]  }
0x44: {  	[tilespmem:s15], [sflag:$0x1] =	stream.linear.gather @!p0 [hbm4b:s14+s13], $0x140, $0x38;
	[tilespmem:$0xE80] =	vst v63  }
0x45: {  	s16 =	rddreg [dreg:$0x4];
	s14 =	simm.s32 @!p0 $0x2A0  }
0x46: {  	[tilespmem:s14], [sflag:$0x1] =	stream.linear.gather @!p0 [hbm4b:s16+s13], $0x140, $0x38;
	[tilespmem:$0xE80] =	vst v63  }
0x47: {  	s15 =	rddreg [dreg:$0x5];
	s14 =	simm.s32 @!p0 $0x3F0  }
0x48: {  	[tilespmem:s14], [sflag:$0x1] =	stream.linear.gather @!p0 [hbm4b:s15+s13], $0x140, $0x38;
	[tilespmem:$0xE80] =	vst v63  }
0x49: {  	s16 =	rddreg [dreg:$0x6];
	s14 =	simm.s32 @!p0 $0x540  }
0x4a: {  	[tilespmem:s14], [sflag:$0x1] =	stream.linear.gather @!p0 [hbm4b:s16+s13], $0x140, $0x38;
	[tilespmem:$0xE80] =	vst v63  }
0x4b: {  	s15 =	rddreg [dreg:$0x7];
	s14 =	simm.s32 @!p0 $0x690  }
0x4c: {  	[tilespmem:s14], [sflag:$0x1] =	stream.linear.gather @!p0 [hbm4b:s15+s13], $0x140, $0x38;
	[tilespmem:$0xE80] =	vst v63  }
0x4d: {  	s16 =	rddreg [dreg:$0x8];
	s14 =	simm.s32 @!p0 $0x7E0  }
0x4e: {  	[tilespmem:s14], [sflag:$0x1] =	stream.linear.gather @!p0 [hbm4b:s16+s13], $0x140, $0x38;
	[tilespmem:$0xE80] =	vst v63  }
0x4f: {  	s15 =	rddreg [dreg:$0x9];
	s14 =	simm.s32 @!p0 $0x930  }
0x50: {  	[tilespmem:s14], [sflag:$0x1] =	stream.linear.gather @!p0 [hbm4b:s15+s13], $0x140, $0x38;
	[tilespmem:$0xE80] =	vst v63  }
0x51: {  	s16 =	rddreg [dreg:$0xa];
	s14 =	simm.s32 @!p0 $0xA80  }
0x52: {  	[tilespmem:s14], [sflag:$0x1] =	stream.linear.gather @!p0 [hbm4b:s16+s13], $0x140, $0x38;
	[tilespmem:$0xE80] =	vst v63  }
0x53: {  	s15 =	rddreg [dreg:$0xb];
	s14 =	simm.s32 @!p0 $0xBD0  }
0x54: {  	[tilespmem:s14], [sflag:$0x1] =	stream.linear.gather @!p0 [hbm4b:s15+s13], $0x140, $0x38;
	[tilespmem:$0xE80] =	vst v63  }
0x55: {  	s16 =	rddreg [dreg:$0xc];
	s14 =	simm.s32 @!p0 $0xD20  }
0x56: {  	[tilespmem:s14], [sflag:$0x1] =	stream.linear.gather @!p0 [hbm4b:s16+s13], $0x140, $0x38;
	[tilespmem:$0xE80] =	vst v63  }
0x57: {  	s13 =	simm.s32 @!p0 $0x1  }
0x58: {  	_ =	swait.ge @!p0 [sflag:s13], $0xDC0  }
0x59: {  	[sflag:s13] =	ssyncset.done @!p0 $0x0  }
0x5a: {  	[sflag:s13] =	ssyncadd.s32 @!p0 $0xFFFFF240  }
0x5b: {  	v1 =	vld [tilespmem:$0x0]  }
0x5c: {  	v2 =	vld [tilespmem:$0x1]  }
0x5d: {  	v3 =	vld [tilespmem:$0x150]  }
0x5e: {  	v4 =	vld [tilespmem:$0x151]  }
0x5f: {  	v6 =	vld [tilespmem:$0x2A0]  }
0x60: {  	v8 =	vld [tilespmem:$0x2A1]  }
0x61: {  	v20 =	vld [tilespmem:$0x3F0]  }
0x62: {  	v21 =	vld [tilespmem:$0x3F1]  }
0x63: {  	v10 =	vld [tilespmem:$0x540]  }
0x64: {  	v12 =	vld [tilespmem:$0x541]  }
0x65: {  	v13 =	vld [tilespmem:$0x690]  }
0x66: {  	v14 =	vld [tilespmem:$0x691]  }
0x67: {  	v26 =	vld [tilespmem:$0x7E0]  }
0x68: {  	v27 =	vld [tilespmem:$0x7E1]  }
0x69: {  	v16 =	vld [tilespmem:$0x930]  }
0x6a: {  	v18 =	vld [tilespmem:$0x931]  }
0x6b: {  	v19 =	vld [tilespmem:$0xA80]  }
0x6c: {  	v33 =	vld [tilespmem:$0xBD0]  }
0x6d: {  	v34 =	vld [tilespmem:$0xBD1];
	v5 =	vmul.f32 v2, v1  }
0x6e: {  	v37 =	vld [tilespmem:$0xD20];
	v2 =	vadd.f32 v2, v1;
	v7 =	vmul.f32 v3, v1;
	v9 =	vmul.f32 v4, v3  }
0x6f: {  	v42 =	vld [tilespmem:$0x10];
	v1 =	vadd.f32 v3, v1;
	v11 =	vmul.f32 v6, v3;
	v22 =	vmul.f32 v8, v6  }
0x70: {  	v45 =	vld [tilespmem:$0x11];
	v4 =	vadd.f32 v4, v3;
	v23 =	vmul.f32 v20, v6;
	v24 =	vmul.f32 v21, v20  }
0x71: {  	v47 =	vld [tilespmem:$0x160];
	v3 =	vadd.f32 v6, v3;
	v25 =	vmul.f32 v10, v20;
	v15 =	vmul.f32 v12, v10  }
0x72: {  	v49 =	vld [tilespmem:$0x161];
	v8 =	vadd.f32 v8, v6;
	v17 =	vmul.f32 v13, v10;
	v28 =	vmul.f32 v14, v13  }
0x73: {  	v51 =	vld [tilespmem:$0x2B0];
	v6 =	vadd.f32 v20, v6;
	v29 =	vmul.f32 v26, v13;
	v30 =	vmul.f32 v27, v26  }
0x74: {  	v52 =	vld [tilespmem:$0x2B1];
	v12 =	vadd.f32 v12, v10;
	v31 =	vmul.f32 v16, v26;
	v35 =	vmul.f32 v18, v16  }
0x75: {  	v14 =	vadd.f32 v14, v13;
	v38 =	vmul.f32 v19, v16;
	v43 =	vmul.f32 v33, v19  }
0x76: {  	v36 =	vadd.f32 v18, v16;
	v46 =	vmul.f32 v34, v33;
	v48 =	vmul.f32 v37, v33  }
0x77: {  	v39 =	vadd.f32 v19, v16;
	v53 =	vmul.f32 v45, v42;
	v56 =	vmul.f32 v47, v42  }
0x78: {  	v44 =	vadd.f32 v33, v19;
	v58 =	vmul.f32 v49, v47;
	v59 =	vmul.f32 v51, v47  }
0x79: {  	v54 =	vadd.f32 v45, v42;
	v62 =	vmul.f32 v52, v51;
	v2 =	vmul.f32 v2, v5  }
0x7a: {  	v57 =	vadd.f32 v47, v42;
	v1 =	vmul.f32 v1, v7;
	v4 =	vmul.f32 v4, v9  }
0x7b: {  	v60 =	vadd.f32 v51, v47;
	v3 =	vmul.f32 v3, v11;
	v8 =	vmul.f32 v8, v22  }
0x7c: {  	v7 =	vadd.f32 v21, v20;
	v6 =	vmul.f32 v6, v23;
	v5 =	vadd.f32 v10, v20  }
0x7d: {  	v55 =	vld [tilespmem:$0x400];
	v10 =	vadd.f32 v13, v10;
	v12 =	vmul.f32 v12, v15;
	v13 =	vadd.f32 v26, v13  }
0x7e: {  	v61 =	vld [tilespmem:$0x401];
	v14 =	vmul.f32 v14, v28;
	v11 =	vadd.f32 v27, v26;
	v9 =	vadd.f32 v16, v26  }
0x7f: {  	v15 =	vmul.f32 v44, v43;
	v2 =	vadd.f32 $0.0e+00, v2;
	v1 =	vadd.f32 $0.0e+00, v1  }
0x80: {  	v16 =	vmul.f32 v60, v59;
	v4 =	vadd.f32 $0.0e+00, v4;
	v3 =	vadd.f32 $0.0e+00, v3  }
0x81: {  	v7 =	vmul.f32 v7, v24;
	v8 =	vadd.f32 $0.0e+00, v8;
	v5 =	vmul.f32 v5, v25  }
0x82: {  	v6 =	vadd.f32 $0.0e+00, v6;
	v10 =	vmul.f32 v10, v17;
	v13 =	vmul.f32 v13, v29  }
0x83: {  	v63 =	vld [tilespmem:$0x550];
	v32 =	vmul.f32 v11, v30;
	v11 =	vadd.f32 v37, v33;
	v30 =	vadd.f32 v61, v55  }
0x84: {  	v20 =	vld [tilespmem:$0xA81];
	v9 =	vmul.f32 v9, v31;
	v7 =	vadd.f32 $0.0e+00, v7;
	v5 =	vadd.f32 $0.0e+00, v5  }
0x85: {  	v27 =	vld [tilespmem:$0x6A0];
	v24 =	vmul.f32 v55, v51;
	v2 =	vadd.f32 v12, v2;
	v1 =	vadd.f32 v10, v1  }
0x86: {  	v28 =	vld [tilespmem:$0x6A1];
	v29 =	vmul.f32 v61, v55;
	v4 =	vadd.f32 v14, v4;
	v3 =	vadd.f32 v13, v3  }
0x87: {  	v43 =	vld [tilespmem:$0xA90];
	v8 =	vadd.f32 v32, v8;
	v6 =	vadd.f32 v9, v6;
	v10 =	vmul.f32 v36, v35  }
0x88: {  	v44 =	vld [tilespmem:$0xA91];
	v9 =	vmul.f32 v39, v38;
	v12 =	vadd.f32 v34, v33;
	v11 =	vmul.f32 v11, v48  }
0x89: {  	v25 =	vld [tilespmem:$0x551];
	v14 =	vadd.f32 v49, v47;
	v32 =	vmul.f32 v63, v55;
	v40 =	vmul.f32 v20, v19  }
0x8a: {  	v31 =	vld [tilespmem:$0x7F0];
	v41 =	vadd.f32 v20, v19;
	v35 =	vmul.f32 v27, v63;
	v36 =	vadd.f32 v27, v63  }
0x8b: {  	v37 =	vld [tilespmem:$0x7F1];
	v38 =	vmul.f32 v28, v27;
	v7 =	vadd.f32 v10, v7;
	v5 =	vadd.f32 v9, v5  }
0x8c: {  	v50 =	vmul.f32 v12, v46;
	v1 =	vadd.f32 v15, v1;
	v3 =	vadd.f32 v11, v3  }
0x8d: {  	v9 =	vmul.f32 v54, v53;
	v11 =	vmul.f32 v57, v56;
	v12 =	vadd.f32 v52, v51  }
0x8e: {  	v59 =	vld [tilespmem:$0x170];
	v10 =	vadd.f32 v55, v51;
	v15 =	vadd.f32 v63, v55;
	v55 =	vmul.f32 v44, v43  }
0x8f: {  	v60 =	vld [tilespmem:$0x171];
	v13 =	vmul.f32 v41, v40;
	v33 =	vmul.f32 v25, v63;
	v34 =	vadd.f32 v25, v63  }
0x90: {  	v39 =	vld [tilespmem:$0x940];
	v40 =	vmul.f32 v31, v27;
	v46 =	vadd.f32 v37, v31;
	v4 =	vadd.f32 v50, v4  }
0x91: {  	v47 =	vld [tilespmem:$0xBE0];
	v45 =	vmul.f32 v37, v31;
	v8 =	vadd.f32 v9, v8;
	v6 =	vadd.f32 v11, v6  }
0x92: {  	v26 =	vmul.f32 v12, v62;
	v5 =	vadd.f32 v16, v5;
	v10 =	vmul.f32 v10, v24  }
0x93: {  	v21 =	vld [tilespmem:$0x21];
	v9 =	vmul.f32 v30, v29;
	v12 =	vadd.f32 v28, v27;
	v11 =	vadd.f32 v31, v27  }
0x94: {  	v51 =	vld [tilespmem:$0xBE1];
	v29 =	vmul.f32 v60, v59;
	v2 =	vadd.f32 v13, v2;
	v13 =	vmul.f32 v14, v58  }
0x95: {  	v54 =	vld [tilespmem:$0xD30];
	v48 =	vmul.f32 v39, v31;
	v14 =	vadd.f32 v39, v31;
	v52 =	vmul.f32 v43, v39  }
0x96: {  	v56 =	vld [tilespmem:$0x20];
	v53 =	vadd.f32 v43, v39;
	v57 =	vmul.f32 v47, v43;
	v1 =	vadd.f32 v10, v1  }
0x97: {  	v10 =	vmul.f32 v15, v32;
	v15 =	vmul.f32 v36, v35;
	v4 =	vadd.f32 v9, v4  }
0x98: {  	v41 =	vld [tilespmem:$0x941];
	v42 =	vmul.f32 v12, v38;
	v11 =	vmul.f32 v11, v40;
	v12 =	vadd.f32 v44, v43  }
0x99: {  	v9 =	vmul.f32 v46, v45;
	v7 =	vadd.f32 v13, v7;
	v2 =	vadd.f32 v26, v2  }
0x9a: {  	v13 =	vmul.f32 v34, v33;
	v61 =	vmul.f32 v51, v47;
	v62 =	vadd.f32 v51, v47  }
0x9b: {  	v63 =	vld [tilespmem:$0x2C0];
	v23 =	vmul.f32 v54, v47;
	v24 =	vmul.f32 v21, v56;
	v25 =	vadd.f32 v21, v56  }
0x9c: {  	v28 =	vld [tilespmem:$0x2C1];
	v26 =	vmul.f32 v59, v56;
	v27 =	vadd.f32 v59, v56;
	v3 =	vadd.f32 v10, v3  }
0x9d: {  	v30 =	vld [tilespmem:$0x410];
	v6 =	vadd.f32 v15, v6;
	v5 =	vadd.f32 v11, v5;
	v49 =	vmul.f32 v41, v39  }
0x9e: {  	v50 =	vadd.f32 v41, v39;
	v11 =	vmul.f32 v14, v48;
	v14 =	vmul.f32 v53, v52  }
0x9f: {  	v32 =	vld [tilespmem:$0x411];
	v10 =	vadd.f32 v47, v43;
	v58 =	vmul.f32 v12, v55;
	v15 =	vadd.f32 v54, v47  }
0xa0: {  	v38 =	vld [tilespmem:$0x6B0];
	v12 =	vadd.f32 v60, v59;
	v31 =	vmul.f32 v63, v59;
	v8 =	vadd.f32 v13, v8  }
0xa1: {  	v44 =	vld [tilespmem:$0x6B1];
	v7 =	vadd.f32 v42, v7;
	v2 =	vadd.f32 v9, v2;
	v9 =	vmul.f32 v62, v61  }
0xa2: {  	v46 =	vld [tilespmem:$0x800];
	v36 =	vmul.f32 v28, v63;
	v37 =	vadd.f32 v28, v63;
	v39 =	vmul.f32 v30, v63  }
0xa3: {  	v13 =	vmul.f32 v50, v49;
	v1 =	vadd.f32 v11, v1;
	v3 =	vadd.f32 v14, v3  }
0xa4: {  	v35 =	vld [tilespmem:$0x561];
	v10 =	vmul.f32 v10, v57;
	v11 =	vadd.f32 v63, v59;
	v14 =	vadd.f32 v30, v63  }
0xa5: {  	v34 =	vld [tilespmem:$0x560];
	v33 =	vmul.f32 v12, v29;
	v8 =	vadd.f32 v58, v8;
	v7 =	vadd.f32 v9, v7  }
0xa6: {  	v9 =	vmul.f32 v37, v36;
	v40 =	vmul.f32 v32, v30;
	v41 =	vadd.f32 v32, v30  }
0xa7: {  	v48 =	vld [tilespmem:$0x801];
	v52 =	vmul.f32 v44, v38;
	v55 =	vmul.f32 v46, v38;
	v4 =	vadd.f32 v13, v4  }
0xa8: {  	v6 =	vadd.f32 v10, v6;
	v10 =	vmul.f32 v15, v23;
	v13 =	vmul.f32 v25, v24  }
0xa9: {  	v51 =	vld [tilespmem:$0x951];
	v53 =	vadd.f32 v44, v38;
	v15 =	vmul.f32 v27, v26;
	v11 =	vmul.f32 v11, v31  }
0xaa: {  	v54 =	vld [tilespmem:$0xAA0];
	v42 =	vmul.f32 v34, v30;
	v43 =	vadd.f32 v34, v30;
	v45 =	vmul.f32 v35, v34  }
0xab: {  	v61 =	vld [tilespmem:$0xBF0];
	v12 =	vadd.f32 v35, v34;
	v47 =	vmul.f32 v38, v34;
	v8 =	vadd.f32 v9, v8  }
0xac: {  	v50 =	vld [tilespmem:$0x950];
	v9 =	vmul.f32 v53, v52;
	v57 =	vadd.f32 v48, v46;
	v5 =	vadd.f32 v10, v5  }
0xad: {  	v63 =	vld [tilespmem:$0xBF1];
	v56 =	vmul.f32 v48, v46;
	v2 =	vadd.f32 v13, v2;
	v1 =	vadd.f32 v15, v1  }
0xae: {  	v4 =	vadd.f32 v33, v4;
	v3 =	vadd.f32 v11, v3;
	v11 =	vmul.f32 v14, v39  }
0xaf: {  	v28 =	vld [tilespmem:$0x31];
	v13 =	vmul.f32 v41, v40;
	v14 =	vmul.f32 v43, v42;
	v10 =	vadd.f32 v38, v34  }
0xb0: {  	v58 =	vld [tilespmem:$0xAA1];
	v49 =	vmul.f32 v12, v45;
	v15 =	vadd.f32 v46, v38;
	v32 =	vmul.f32 v61, v54  }
0xb1: {  	v25 =	vld [tilespmem:$0xD40];
	v59 =	vmul.f32 v50, v46;
	v60 =	vadd.f32 v50, v46;
	v62 =	vmul.f32 v51, v50  }
0xb2: {  	v27 =	vld [tilespmem:$0x30];
	v12 =	vadd.f32 v51, v50;
	v24 =	vmul.f32 v54, v50;
	v34 =	vadd.f32 v63, v61  }
0xb3: {  	v31 =	vld [tilespmem:$0x180];
	v33 =	vmul.f32 v63, v61;
	v6 =	vadd.f32 v11, v6;
	v7 =	vadd.f32 v13, v7  }
0xb4: {  	v37 =	vld [tilespmem:$0x181];
	v5 =	vadd.f32 v14, v5;
	v10 =	vmul.f32 v10, v47;
	v2 =	vadd.f32 v49, v2  }
0xb5: {  	v13 =	vmul.f32 v57, v56;
	v11 =	vadd.f32 v54, v50;
	v4 =	vadd.f32 v9, v4  }
0xb6: {  	v39 =	vld [tilespmem:$0x2D0];
	v29 =	vmul.f32 v58, v54;
	v30 =	vadd.f32 v58, v54;
	v14 =	vadd.f32 v61, v54  }
0xb7: {  	v41 =	vld [tilespmem:$0x2D1];
	v26 =	vmul.f32 v12, v62;
	v35 =	vmul.f32 v25, v61;
	v36 =	vadd.f32 v25, v61  }
0xb8: {  	v43 =	vld [tilespmem:$0x420];
	v38 =	vmul.f32 v28, v27;
	v12 =	vadd.f32 v28, v27;
	v40 =	vmul.f32 v31, v27  }
0xb9: {  	v44 =	vld [tilespmem:$0x421];
	v45 =	vmul.f32 v37, v31;
	v1 =	vadd.f32 v10, v1;
	v10 =	vmul.f32 v15, v55  }
0xba: {  	v46 =	vadd.f32 v37, v31;
	v15 =	vmul.f32 v60, v59;
	v11 =	vmul.f32 v11, v24  }
0xbb: {  	v8 =	vadd.f32 v13, v8;
	v9 =	vmul.f32 v30, v29;
	v13 =	vmul.f32 v34, v33  }
0xbc: {  	v53 =	vld [tilespmem:$0x571];
	v7 =	vadd.f32 v26, v7;
	v42 =	vmul.f32 v12, v38;
	v48 =	vmul.f32 v39, v31  }
0xbd: {  	v63 =	vld [tilespmem:$0x960];
	v49 =	vmul.f32 v41, v39;
	v50 =	vadd.f32 v41, v39;
	v52 =	vadd.f32 v43, v39  }
0xbe: {  	v47 =	vld [tilespmem:$0x570];
	v51 =	vmul.f32 v43, v39;
	v12 =	vadd.f32 v44, v43;
	v3 =	vadd.f32 v10, v3  }
0xbf: {  	v57 =	vld [tilespmem:$0x6C1];
	v54 =	vmul.f32 v44, v43;
	v6 =	vadd.f32 v15, v6;
	v5 =	vadd.f32 v11, v5  }
0xc0: {  	v55 =	vld [tilespmem:$0x6C0];
	v11 =	vmul.f32 v14, v32;
	v10 =	vadd.f32 v31, v27;
	v2 =	vadd.f32 v9, v2  }
0xc1: {  	v59 =	vld [tilespmem:$0x810];
	v14 =	vmul.f32 v36, v35;
	v4 =	vadd.f32 v13, v4;
	v15 =	vadd.f32 v39, v31  }
0xc2: {  	v60 =	vld [tilespmem:$0x811];
	v9 =	vmul.f32 v46, v45;
	v8 =	vadd.f32 v42, v8;
	v13 =	vmul.f32 v50, v49  }
0xc3: {  	v29 =	vld [tilespmem:$0xAB0];
	v56 =	vmul.f32 v47, v43;
	v58 =	vmul.f32 v12, v54;
	v62 =	vadd.f32 v53, v47  }
0xc4: {  	v33 =	vld [tilespmem:$0xC00];
	v61 =	vmul.f32 v53, v47;
	v1 =	vadd.f32 v11, v1;
	v3 =	vadd.f32 v14, v3  }
0xc5: {  	v34 =	vld [tilespmem:$0xC01];
	v10 =	vmul.f32 v10, v40;
	v11 =	vadd.f32 v47, v43;
	v7 =	vadd.f32 v9, v7  }
0xc6: {  	v37 =	vld [tilespmem:$0xD50];
	v2 =	vadd.f32 v13, v2;
	v4 =	vadd.f32 v58, v4;
	v22 =	vmul.f32 v55, v47  }
0xc7: {  	v41 =	vld [tilespmem:$0x40];
	v14 =	vadd.f32 v55, v47;
	v9 =	vmul.f32 v62, v61;
	v23 =	vmul.f32 v57, v55  }
0xc8: {  	v44 =	vld [tilespmem:$0x41];
	v24 =	vadd.f32 v57, v55;
	v25 =	vmul.f32 v59, v55;
	v28 =	vmul.f32 v60, v59  }
0xc9: {  	v27 =	vld [tilespmem:$0x961];
	v26 =	vadd.f32 v59, v55;
	v30 =	vmul.f32 v63, v59;
	v38 =	vmul.f32 v29, v63  }
0xca: {  	v31 =	vld [tilespmem:$0xAB1];
	v12 =	vadd.f32 v60, v59;
	v42 =	vmul.f32 v33, v29;
	v45 =	vmul.f32 v34, v33  }
0xcb: {  	v46 =	vld [tilespmem:$0x190];
	v47 =	vmul.f32 v37, v33;
	v6 =	vadd.f32 v10, v6;
	v10 =	vmul.f32 v15, v48  }
0xcc: {  	v43 =	vadd.f32 v33, v29;
	v15 =	vmul.f32 v52, v51;
	v11 =	vmul.f32 v11, v56  }
0xcd: {  	v52 =	vmul.f32 v44, v41;
	v53 =	vadd.f32 v44, v41;
	v13 =	vmul.f32 v24, v23  }
0xce: {  	v50 =	vld [tilespmem:$0x2E0];
	v8 =	vadd.f32 v9, v8;
	v32 =	vmul.f32 v12, v28;
	v36 =	vadd.f32 v27, v63  }
0xcf: {  	v54 =	vld [tilespmem:$0x430];
	v35 =	vmul.f32 v27, v63;
	v40 =	vadd.f32 v31, v29;
	v12 =	vadd.f32 v34, v33  }
0xd0: {  	v39 =	vmul.f32 v31, v29;
	v56 =	vadd.f32 v46, v41;
	v5 =	vadd.f32 v10, v5  }
0xd1: {  	v55 =	vmul.f32 v46, v41;
	v1 =	vadd.f32 v15, v1;
	v3 =	vadd.f32 v11, v3  }
0xd2: {  	v60 =	vld [tilespmem:$0x431];
	v11 =	vmul.f32 v14, v22;
	v14 =	vmul.f32 v26, v25;
	v10 =	vadd.f32 v63, v59  }
0xd3: {  	v62 =	vld [tilespmem:$0x580];
	v15 =	vadd.f32 v29, v63;
	v58 =	vmul.f32 v50, v46;
	v59 =	vadd.f32 v50, v46  }
0xd4: {  	v48 =	vld [tilespmem:$0x191];
	v63 =	vmul.f32 v54, v50;
	v7 =	vadd.f32 v13, v7;
	v9 =	vmul.f32 v36, v35  }
0xd5: {  	v51 =	vld [tilespmem:$0x2E1];
	v2 =	vadd.f32 v32, v2;
	v13 =	vmul.f32 v40, v39;
	v49 =	vmul.f32 v12, v45  }
0xd6: {  	v6 =	vadd.f32 v11, v6;
	v5 =	vadd.f32 v14, v5;
	v10 =	vmul.f32 v10, v30  }
0xd7: {  	v24 =	vld [tilespmem:$0x581];
	v11 =	vadd.f32 v37, v33;
	v16 =	vmul.f32 v59, v58;
	v28 =	vmul.f32 v60, v54  }
0xd8: {  	v29 =	vadd.f32 v60, v54;
	v31 =	vmul.f32 v62, v54;
	v4 =	vadd.f32 v9, v4  }
0xd9: {  	v26 =	vld [tilespmem:$0x6D0];
	v8 =	vadd.f32 v13, v8;
	v7 =	vadd.f32 v49, v7;
	v9 =	vmul.f32 v53, v52  }
0xda: {  	v27 =	vld [tilespmem:$0x6D1];
	v57 =	vmul.f32 v48, v46;
	v14 =	vadd.f32 v48, v46;
	v61 =	vmul.f32 v51, v50  }
0xdb: {  	v36 =	vld [tilespmem:$0x821];
	v1 =	vadd.f32 v10, v1;
	v10 =	vmul.f32 v15, v38;
	v15 =	vmul.f32 v43, v42  }
0xdc: {  	v40 =	vld [tilespmem:$0x971];
	v12 =	vadd.f32 v51, v50;
	v11 =	vmul.f32 v11, v47;
	v32 =	vmul.f32 v24, v62  }
0xdd: {  	v30 =	vld [tilespmem:$0x820];
	v33 =	vadd.f32 v24, v62;
	v13 =	vmul.f32 v14, v57;
	v2 =	vadd.f32 v9, v2  }
0xde: {  	v59 =	vld [tilespmem:$0x1A0];
	v25 =	vmul.f32 v12, v61;
	v9 =	vmul.f32 v29, v28;
	v35 =	vadd.f32 v26, v62  }
0xdf: {  	v60 =	vld [tilespmem:$0x1A1];
	v34 =	vmul.f32 v26, v62;
	v12 =	vadd.f32 v27, v26;
	v3 =	vadd.f32 v10, v3  }
0xe0: {  	v46 =	vld [tilespmem:$0xC10];
	v37 =	vmul.f32 v27, v26;
	v6 =	vadd.f32 v15, v6;
	v5 =	vadd.f32 v11, v5  }
0xe1: {  	v53 =	vld [tilespmem:$0xD60];
	v11 =	vmul.f32 v56, v55;
	v10 =	vadd.f32 v54, v50;
	v15 =	vadd.f32 v62, v54  }
0xe2: {  	v38 =	vld [tilespmem:$0x970];
	v4 =	vadd.f32 v13, v4;
	v8 =	vadd.f32 v25, v8;
	v13 =	vmul.f32 v33, v32  }
0xe3: {  	v42 =	vld [tilespmem:$0xAC0];
	v39 =	vmul.f32 v30, v26;
	v7 =	vadd.f32 v9, v7;
	v41 =	vmul.f32 v12, v37  }
0xe4: {  	v43 =	vld [tilespmem:$0xAC1];
	v44 =	vmul.f32 v36, v30;
	v45 =	vadd.f32 v36, v30;
	v29 =	vmul.f32 v60, v59  }
0xe5: {  	v1 =	vadd.f32 v11, v1;
	v3 =	vadd.f32 v16, v3;
	v10 =	vmul.f32 v10, v63  }
0xe6: {  	v57 =	vld [tilespmem:$0x51];
	v11 =	vadd.f32 v30, v26;
	v23 =	vmul.f32 v53, v46;
	v2 =	vadd.f32 v13, v2  }
0xe7: {  	v50 =	vld [tilespmem:$0xC11];
	v4 =	vadd.f32 v41, v4;
	v47 =	vmul.f32 v38, v30;
	v14 =	vadd.f32 v38, v30  }
0xe8: {  	v55 =	vld [tilespmem:$0x50];
	v9 =	vmul.f32 v45, v44;
	v48 =	vmul.f32 v40, v38;
	v49 =	vadd.f32 v40, v38  }
0xe9: {  	v51 =	vmul.f32 v42, v38;
	v54 =	vmul.f32 v43, v42;
	v12 =	vadd.f32 v43, v42  }
0xea: {  	v56 =	vmul.f32 v46, v42;
	v6 =	vadd.f32 v10, v6;
	v10 =	vmul.f32 v15, v31  }
0xeb: {  	v52 =	vadd.f32 v42, v38;
	v15 =	vmul.f32 v35, v34;
	v11 =	vmul.f32 v11, v39  }
0xec: {  	v13 =	vmul.f32 v49, v48;
	v8 =	vadd.f32 v9, v8;
	v58 =	vmul.f32 v12, v54  }
0xed: {  	v28 =	vld [tilespmem:$0x2F1];
	v61 =	vmul.f32 v50, v46;
	v62 =	vadd.f32 v50, v46;
	v25 =	vadd.f32 v57, v55  }
0xee: {  	v63 =	vld [tilespmem:$0x2F0];
	v24 =	vmul.f32 v57, v55;
	v27 =	vadd.f32 v59, v55;
	v12 =	vadd.f32 v60, v59  }
0xef: {  	v32 =	vld [tilespmem:$0x441];
	v26 =	vmul.f32 v59, v55;
	v5 =	vadd.f32 v10, v5;
	v1 =	vadd.f32 v15, v1  }
0xf0: {  	v30 =	vld [tilespmem:$0x440];
	v3 =	vadd.f32 v11, v3;
	v11 =	vmul.f32 v14, v47;
	v10 =	vadd.f32 v46, v42  }
0xf1: {  	v38 =	vld [tilespmem:$0x6E0];
	v14 =	vmul.f32 v52, v51;
	v15 =	vadd.f32 v53, v46;
	v7 =	vadd.f32 v13, v7  }
0xf2: {  	v44 =	vld [tilespmem:$0x6E1];
	v2 =	vadd.f32 v58, v2;
	v9 =	vmul.f32 v62, v61;
	v13 =	vmul.f32 v25, v24  }
0xf3: {  	v34 =	vld [tilespmem:$0x590];
	v31 =	vmul.f32 v63, v59;
	v33 =	vmul.f32 v12, v29;
	v37 =	vadd.f32 v28, v63  }
0xf4: {  	v35 =	vld [tilespmem:$0x591];
	v36 =	vmul.f32 v28, v63;
	v6 =	vadd.f32 v11, v6;
	v5 =	vadd.f32 v14, v5  }
0xf5: {  	v10 =	vmul.f32 v10, v56;
	v11 =	vadd.f32 v63, v59;
	v39 =	vmul.f32 v30, v63  }
0xf6: {  	v50 =	vld [tilespmem:$0x980];
	v14 =	vadd.f32 v30, v63;
	v40 =	vmul.f32 v32, v30;
	v41 =	vadd.f32 v32, v30  }
0xf7: {  	v54 =	vld [tilespmem:$0xAD0];
	v52 =	vmul.f32 v44, v38;
	v53 =	vadd.f32 v44, v38;
	v4 =	vadd.f32 v9, v4  }
0xf8: {  	v46 =	vld [tilespmem:$0x830];
	v8 =	vadd.f32 v13, v8;
	v9 =	vmul.f32 v37, v36;
	v42 =	vmul.f32 v34, v30  }
0xf9: {  	v48 =	vld [tilespmem:$0x831];
	v45 =	vmul.f32 v35, v34;
	v12 =	vadd.f32 v35, v34;
	v47 =	vmul.f32 v38, v34  }
0xfa: {  	v51 =	vld [tilespmem:$0x981];
	v1 =	vadd.f32 v10, v1;
	v10 =	vmul.f32 v15, v23;
	v15 =	vmul.f32 v27, v26  }
0xfb: {  	v7 =	vadd.f32 v33, v7;
	v11 =	vmul.f32 v11, v31;
	v13 =	vmul.f32 v41, v40  }
0xfc: {  	v58 =	vld [tilespmem:$0xAD1];
	v43 =	vadd.f32 v34, v30;
	v24 =	vmul.f32 v54, v50;
	v49 =	vmul.f32 v12, v45  }
0xfd: {  	v61 =	vld [tilespmem:$0xC20];
	v2 =	vadd.f32 v9, v2;
	v55 =	vmul.f32 v46, v38;
	v9 =	vmul.f32 v53, v52  }
0xfe: {  	v25 =	vld [tilespmem:$0xD70];
	v56 =	vmul.f32 v48, v46;
	v57 =	vadd.f32 v48, v46;
	v60 =	vadd.f32 v50, v46  }
0xff: {  	v59 =	vmul.f32 v50, v46;
	v12 =	vadd.f32 v51, v50;
	v3 =	vadd.f32 v10, v3  }
0x100: {  	v63 =	vld [tilespmem:$0xC21];
	v62 =	vmul.f32 v51, v50;
	v6 =	vadd.f32 v15, v6;
	v5 =	vadd.f32 v11, v5  }
0x101: {  	v11 =	vmul.f32 v14, v39;
	v14 =	vmul.f32 v43, v42;
	v10 =	vadd.f32 v38, v34  }
0x102: {  	v28 =	vld [tilespmem:$0x61];
	v4 =	vadd.f32 v13, v4;
	v15 =	vadd.f32 v46, v38;
	v29 =	vmul.f32 v58, v54  }
0x103: {  	v37 =	vld [tilespmem:$0x1B1];
	v30 =	vadd.f32 v58, v54;
	v32 =	vmul.f32 v61, v54;
	v35 =	vmul.f32 v25, v61  }
0x104: {  	v27 =	vld [tilespmem:$0x60];
	v36 =	vadd.f32 v25, v61;
	v8 =	vadd.f32 v49, v8;
	v13 =	vmul.f32 v57, v56  }
0x105: {  	v31 =	vld [tilespmem:$0x1B0];
	v7 =	vadd.f32 v9, v7;
	v26 =	vmul.f32 v12, v62;
	v34 =	vadd.f32 v63, v61  }
0x106: {  	v33 =	vmul.f32 v63, v61;
	v1 =	vadd.f32 v11, v1;
	v3 =	vadd.f32 v14, v3  }
0x107: {  	v41 =	vld [tilespmem:$0x301];
	v10 =	vmul.f32 v10, v47;
	v11 =	vadd.f32 v54, v50;
	v14 =	vadd.f32 v61, v54  }
0x108: {  	v39 =	vld [tilespmem:$0x300];
	v9 =	vmul.f32 v30, v29;
	v2 =	vadd.f32 v13, v2;
	v4 =	vadd.f32 v26, v4  }
0x109: {  	v43 =	vld [tilespmem:$0x450];
	v13 =	vmul.f32 v34, v33;
	v38 =	vmul.f32 v28, v27;
	v12 =	vadd.f32 v28, v27  }
0x10a: {  	v44 =	vld [tilespmem:$0x451];
	v40 =	vmul.f32 v31, v27;
	v45 =	vmul.f32 v37, v31;
	v46 =	vadd.f32 v37, v31  }
0x10b: {  	v53 =	vld [tilespmem:$0x5A1];
	v6 =	vadd.f32 v10, v6;
	v10 =	vmul.f32 v15, v55;
	v15 =	vmul.f32 v60, v59  }
0x10c: {  	v57 =	vld [tilespmem:$0x6F1];
	v11 =	vmul.f32 v11, v24;
	v8 =	vadd.f32 v9, v8;
	v42 =	vmul.f32 v12, v38  }
0x10d: {  	v63 =	vld [tilespmem:$0x990];
	v7 =	vadd.f32 v13, v7;
	v48 =	vmul.f32 v39, v31;
	v9 =	vmul.f32 v46, v45  }
0x10e: {  	v47 =	vld [tilespmem:$0x5A0];
	v49 =	vmul.f32 v41, v39;
	v50 =	vadd.f32 v41, v39;
	v52 =	vadd.f32 v43, v39  }
0x10f: {  	v29 =	vld [tilespmem:$0xAE0];
	v51 =	vmul.f32 v43, v39;
	v12 =	vadd.f32 v44, v43;
	v5 =	vadd.f32 v10, v5  }
0x110: {  	v33 =	vld [tilespmem:$0xC30];
	v54 =	vmul.f32 v44, v43;
	v1 =	vadd.f32 v15, v1;
	v3 =	vadd.f32 v11, v3  }
0x111: {  	v34 =	vld [tilespmem:$0xC31];
	v11 =	vmul.f32 v14, v32;
	v14 =	vmul.f32 v36, v35;
	v10 =	vadd.f32 v31, v27  }
0x112: {  	v37 =	vld [tilespmem:$0xD80];
	v15 =	vadd.f32 v39, v31;
	v2 =	vadd.f32 v42, v2;
	v13 =	vmul.f32 v50, v49  }
0x113: {  	v55 =	vld [tilespmem:$0x6F0];
	v56 =	vmul.f32 v47, v43;
	v4 =	vadd.f32 v9, v4;
	v58 =	vmul.f32 v12, v54  }
0x114: {  	v59 =	vld [tilespmem:$0x840];
	v61 =	vmul.f32 v53, v47;
	v62 =	vadd.f32 v53, v47;
	v38 =	vmul.f32 v29, v63  }
0x115: {  	v60 =	vld [tilespmem:$0x841];
	v6 =	vadd.f32 v11, v6;
	v5 =	vadd.f32 v14, v5;
	v10 =	vmul.f32 v10, v40  }
0x116: {  	v41 =	vld [tilespmem:$0x70];
	v11 =	vadd.f32 v47, v43;
	v42 =	vmul.f32 v33, v29;
	v43 =	vadd.f32 v33, v29  }
0x117: {  	v44 =	vld [tilespmem:$0x71];
	v45 =	vmul.f32 v34, v33;
	v8 =	vadd.f32 v13, v8;
	v7 =	vadd.f32 v58, v7  }
0x118: {  	v46 =	vld [tilespmem:$0x1C0];
	v22 =	vmul.f32 v55, v47;
	v14 =	vadd.f32 v55, v47;
	v9 =	vmul.f32 v62, v61  }
0x119: {  	v27 =	vld [tilespmem:$0x991];
	v23 =	vmul.f32 v57, v55;
	v24 =	vadd.f32 v57, v55;
	v25 =	vmul.f32 v59, v55  }
0x11a: {  	v31 =	vld [tilespmem:$0xAE1];
	v26 =	vadd.f32 v59, v55;
	v28 =	vmul.f32 v60, v59;
	v30 =	vmul.f32 v63, v59  }
0x11b: {  	v47 =	vmul.f32 v37, v33;
	v1 =	vadd.f32 v10, v1;
	v10 =	vmul.f32 v15, v48  }
0x11c: {  	v12 =	vadd.f32 v60, v59;
	v15 =	vmul.f32 v52, v51;
	v11 =	vmul.f32 v11, v56  }
0x11d: {  	v52 =	vmul.f32 v44, v41;
	v53 =	vadd.f32 v44, v41;
	v55 =	vmul.f32 v46, v41  }
0x11e: {  	v50 =	vld [tilespmem:$0x310];
	v56 =	vadd.f32 v46, v41;
	v13 =	vmul.f32 v24, v23;
	v2 =	vadd.f32 v9, v2  }
0x11f: {  	v54 =	vld [tilespmem:$0x460];
	v32 =	vmul.f32 v12, v28;
	v36 =	vadd.f32 v27, v63;
	v40 =	vadd.f32 v31, v29  }
0x120: {  	v35 =	vmul.f32 v27, v63;
	v12 =	vadd.f32 v34, v33;
	v3 =	vadd.f32 v10, v3  }
0x121: {  	v39 =	vmul.f32 v31, v29;
	v6 =	vadd.f32 v15, v6;
	v5 =	vadd.f32 v11, v5  }
0x122: {  	v60 =	vld [tilespmem:$0x461];
	v11 =	vmul.f32 v14, v22;
	v14 =	vmul.f32 v26, v25;
	v10 =	vadd.f32 v63, v59  }
0x123: {  	v62 =	vld [tilespmem:$0x5B0];
	v15 =	vadd.f32 v29, v63;
	v58 =	vmul.f32 v50, v46;
	v59 =	vadd.f32 v50, v46  }
0x124: {  	v48 =	vld [tilespmem:$0x1C1];
	v63 =	vmul.f32 v54, v50;
	v4 =	vadd.f32 v13, v4;
	v9 =	vmul.f32 v36, v35  }
0x125: {  	v51 =	vld [tilespmem:$0x311];
	v8 =	vadd.f32 v32, v8;
	v13 =	vmul.f32 v40, v39;
	v49 =	vmul.f32 v12, v45  }
0x126: {  	v1 =	vadd.f32 v11, v1;
	v3 =	vadd.f32 v14, v3;
	v10 =	vmul.f32 v10, v30  }
0x127: {  	v24 =	vld [tilespmem:$0x5B1];
	v11 =	vadd.f32 v37, v33;
	v16 =	vmul.f32 v59, v58;
	v28 =	vmul.f32 v60, v54  }
0x128: {  	v29 =	vadd.f32 v60, v54;
	v31 =	vmul.f32 v62, v54;
	v7 =	vadd.f32 v9, v7  }
0x129: {  	v26 =	vld [tilespmem:$0x700];
	v2 =	vadd.f32 v13, v2;
	v4 =	vadd.f32 v49, v4;
	v9 =	vmul.f32 v53, v52  }
0x12a: {  	v27 =	vld [tilespmem:$0x701];
	v57 =	vmul.f32 v48, v46;
	v14 =	vadd.f32 v48, v46;
	v61 =	vmul.f32 v51, v50  }
0x12b: {  	v36 =	vld [tilespmem:$0x851];
	v6 =	vadd.f32 v10, v6;
	v10 =	vmul.f32 v15, v38;
	v15 =	vmul.f32 v43, v42  }
0x12c: {  	v40 =	vld [tilespmem:$0x9A1];
	v12 =	vadd.f32 v51, v50;
	v11 =	vmul.f32 v11, v47;
	v32 =	vmul.f32 v24, v62  }
0x12d: {  	v30 =	vld [tilespmem:$0x850];
	v33 =	vadd.f32 v24, v62;
	v13 =	vmul.f32 v14, v57;
	v8 =	vadd.f32 v9, v8  }
0x12e: {  	v59 =	vld [tilespmem:$0x1D0];
	v25 =	vmul.f32 v12, v61;
	v9 =	vmul.f32 v29, v28;
	v35 =	vadd.f32 v26, v62  }
0x12f: {  	v60 =	vld [tilespmem:$0x1D1];
	v34 =	vmul.f32 v26, v62;
	v12 =	vadd.f32 v27, v26;
	v5 =	vadd.f32 v10, v5  }
0x130: {  	v46 =	vld [tilespmem:$0xC40];
	v37 =	vmul.f32 v27, v26;
	v1 =	vadd.f32 v15, v1;
	v3 =	vadd.f32 v11, v3  }
0x131: {  	v53 =	vld [tilespmem:$0xD90];
	v11 =	vmul.f32 v56, v55;
	v10 =	vadd.f32 v54, v50;
	v15 =	vadd.f32 v62, v54  }
0x132: {  	v38 =	vld [tilespmem:$0x9A0];
	v7 =	vadd.f32 v13, v7;
	v2 =	vadd.f32 v25, v2;
	v13 =	vmul.f32 v33, v32  }
0x133: {  	v42 =	vld [tilespmem:$0xAF0];
	v39 =	vmul.f32 v30, v26;
	v4 =	vadd.f32 v9, v4;
	v41 =	vmul.f32 v12, v37  }
0x134: {  	v43 =	vld [tilespmem:$0xAF1];
	v44 =	vmul.f32 v36, v30;
	v45 =	vadd.f32 v36, v30;
	v29 =	vmul.f32 v60, v59  }
0x135: {  	v6 =	vadd.f32 v11, v6;
	v5 =	vadd.f32 v16, v5;
	v10 =	vmul.f32 v10, v63  }
0x136: {  	v57 =	vld [tilespmem:$0x81];
	v11 =	vadd.f32 v30, v26;
	v23 =	vmul.f32 v53, v46;
	v8 =	vadd.f32 v13, v8  }
0x137: {  	v50 =	vld [tilespmem:$0xC41];
	v7 =	vadd.f32 v41, v7;
	v47 =	vmul.f32 v38, v30;
	v14 =	vadd.f32 v38, v30  }
0x138: {  	v55 =	vld [tilespmem:$0x80];
	v9 =	vmul.f32 v45, v44;
	v48 =	vmul.f32 v40, v38;
	v49 =	vadd.f32 v40, v38  }
0x139: {  	v51 =	vmul.f32 v42, v38;
	v54 =	vmul.f32 v43, v42;
	v12 =	vadd.f32 v43, v42  }
0x13a: {  	v56 =	vmul.f32 v46, v42;
	v1 =	vadd.f32 v10, v1;
	v10 =	vmul.f32 v15, v31  }
0x13b: {  	v52 =	vadd.f32 v42, v38;
	v15 =	vmul.f32 v35, v34;
	v11 =	vmul.f32 v11, v39  }
0x13c: {  	v13 =	vmul.f32 v49, v48;
	v2 =	vadd.f32 v9, v2;
	v58 =	vmul.f32 v12, v54  }
0x13d: {  	v28 =	vld [tilespmem:$0x321];
	v61 =	vmul.f32 v50, v46;
	v62 =	vadd.f32 v50, v46;
	v25 =	vadd.f32 v57, v55  }
0x13e: {  	v63 =	vld [tilespmem:$0x320];
	v24 =	vmul.f32 v57, v55;
	v27 =	vadd.f32 v59, v55;
	v12 =	vadd.f32 v60, v59  }
0x13f: {  	v32 =	vld [tilespmem:$0x471];
	v26 =	vmul.f32 v59, v55;
	v3 =	vadd.f32 v10, v3;
	v6 =	vadd.f32 v15, v6  }
0x140: {  	v30 =	vld [tilespmem:$0x470];
	v5 =	vadd.f32 v11, v5;
	v11 =	vmul.f32 v14, v47;
	v10 =	vadd.f32 v46, v42  }
0x141: {  	v38 =	vld [tilespmem:$0x710];
	v14 =	vmul.f32 v52, v51;
	v15 =	vadd.f32 v53, v46;
	v4 =	vadd.f32 v13, v4  }
0x142: {  	v44 =	vld [tilespmem:$0x711];
	v8 =	vadd.f32 v58, v8;
	v9 =	vmul.f32 v62, v61;
	v13 =	vmul.f32 v25, v24  }
0x143: {  	v34 =	vld [tilespmem:$0x5C0];
	v31 =	vmul.f32 v63, v59;
	v33 =	vmul.f32 v12, v29;
	v37 =	vadd.f32 v28, v63  }
0x144: {  	v35 =	vld [tilespmem:$0x5C1];
	v36 =	vmul.f32 v28, v63;
	v1 =	vadd.f32 v11, v1;
	v3 =	vadd.f32 v14, v3  }
0x145: {  	v10 =	vmul.f32 v10, v56;
	v11 =	vadd.f32 v63, v59;
	v39 =	vmul.f32 v30, v63  }
0x146: {  	v50 =	vld [tilespmem:$0x9B0];
	v14 =	vadd.f32 v30, v63;
	v40 =	vmul.f32 v32, v30;
	v41 =	vadd.f32 v32, v30  }
0x147: {  	v54 =	vld [tilespmem:$0xB00];
	v52 =	vmul.f32 v44, v38;
	v53 =	vadd.f32 v44, v38;
	v7 =	vadd.f32 v9, v7  }
0x148: {  	v46 =	vld [tilespmem:$0x860];
	v2 =	vadd.f32 v13, v2;
	v9 =	vmul.f32 v37, v36;
	v42 =	vmul.f32 v34, v30  }
0x149: {  	v48 =	vld [tilespmem:$0x861];
	v45 =	vmul.f32 v35, v34;
	v12 =	vadd.f32 v35, v34;
	v47 =	vmul.f32 v38, v34  }
0x14a: {  	v51 =	vld [tilespmem:$0x9B1];
	v6 =	vadd.f32 v10, v6;
	v10 =	vmul.f32 v15, v23;
	v15 =	vmul.f32 v27, v26  }
0x14b: {  	v4 =	vadd.f32 v33, v4;
	v11 =	vmul.f32 v11, v31;
	v13 =	vmul.f32 v41, v40  }
0x14c: {  	v58 =	vld [tilespmem:$0xB01];
	v43 =	vadd.f32 v34, v30;
	v24 =	vmul.f32 v54, v50;
	v49 =	vmul.f32 v12, v45  }
0x14d: {  	v61 =	vld [tilespmem:$0xC50];
	v8 =	vadd.f32 v9, v8;
	v55 =	vmul.f32 v46, v38;
	v9 =	vmul.f32 v53, v52  }
0x14e: {  	v25 =	vld [tilespmem:$0xDA0];
	v56 =	vmul.f32 v48, v46;
	v57 =	vadd.f32 v48, v46;
	v60 =	vadd.f32 v50, v46  }
0x14f: {  	v59 =	vmul.f32 v50, v46;
	v12 =	vadd.f32 v51, v50;
	v5 =	vadd.f32 v10, v5  }
0x150: {  	v63 =	vld [tilespmem:$0xC51];
	v62 =	vmul.f32 v51, v50;
	v1 =	vadd.f32 v15, v1;
	v3 =	vadd.f32 v11, v3  }
0x151: {  	v11 =	vmul.f32 v14, v39;
	v14 =	vmul.f32 v43, v42;
	v10 =	vadd.f32 v38, v34  }
0x152: {  	v28 =	vld [tilespmem:$0x91];
	v7 =	vadd.f32 v13, v7;
	v15 =	vadd.f32 v46, v38;
	v29 =	vmul.f32 v58, v54  }
0x153: {  	v37 =	vld [tilespmem:$0x1E1];
	v30 =	vadd.f32 v58, v54;
	v32 =	vmul.f32 v61, v54;
	v35 =	vmul.f32 v25, v61  }
0x154: {  	v27 =	vld [tilespmem:$0x90];
	v36 =	vadd.f32 v25, v61;
	v2 =	vadd.f32 v49, v2;
	v13 =	vmul.f32 v57, v56  }
0x155: {  	v31 =	vld [tilespmem:$0x1E0];
	v4 =	vadd.f32 v9, v4;
	v26 =	vmul.f32 v12, v62;
	v34 =	vadd.f32 v63, v61  }
0x156: {  	v33 =	vmul.f32 v63, v61;
	v6 =	vadd.f32 v11, v6;
	v5 =	vadd.f32 v14, v5  }
0x157: {  	v41 =	vld [tilespmem:$0x331];
	v10 =	vmul.f32 v10, v47;
	v11 =	vadd.f32 v54, v50;
	v14 =	vadd.f32 v61, v54  }
0x158: {  	v39 =	vld [tilespmem:$0x330];
	v9 =	vmul.f32 v30, v29;
	v8 =	vadd.f32 v13, v8;
	v7 =	vadd.f32 v26, v7  }
0x159: {  	v43 =	vld [tilespmem:$0x480];
	v13 =	vmul.f32 v34, v33;
	v38 =	vmul.f32 v28, v27;
	v12 =	vadd.f32 v28, v27  }
0x15a: {  	v44 =	vld [tilespmem:$0x481];
	v40 =	vmul.f32 v31, v27;
	v45 =	vmul.f32 v37, v31;
	v46 =	vadd.f32 v37, v31  }
0x15b: {  	v53 =	vld [tilespmem:$0x5D1];
	v1 =	vadd.f32 v10, v1;
	v10 =	vmul.f32 v15, v55;
	v15 =	vmul.f32 v60, v59  }
0x15c: {  	v57 =	vld [tilespmem:$0x721];
	v11 =	vmul.f32 v11, v24;
	v2 =	vadd.f32 v9, v2;
	v42 =	vmul.f32 v12, v38  }
0x15d: {  	v63 =	vld [tilespmem:$0x9C0];
	v4 =	vadd.f32 v13, v4;
	v48 =	vmul.f32 v39, v31;
	v9 =	vmul.f32 v46, v45  }
0x15e: {  	v47 =	vld [tilespmem:$0x5D0];
	v49 =	vmul.f32 v41, v39;
	v50 =	vadd.f32 v41, v39;
	v52 =	vadd.f32 v43, v39  }
0x15f: {  	v29 =	vld [tilespmem:$0xB10];
	v51 =	vmul.f32 v43, v39;
	v12 =	vadd.f32 v44, v43;
	v3 =	vadd.f32 v10, v3  }
0x160: {  	v33 =	vld [tilespmem:$0xC60];
	v54 =	vmul.f32 v44, v43;
	v6 =	vadd.f32 v15, v6;
	v5 =	vadd.f32 v11, v5  }
0x161: {  	v34 =	vld [tilespmem:$0xC61];
	v11 =	vmul.f32 v14, v32;
	v14 =	vmul.f32 v36, v35;
	v10 =	vadd.f32 v31, v27  }
0x162: {  	v37 =	vld [tilespmem:$0xDB0];
	v15 =	vadd.f32 v39, v31;
	v8 =	vadd.f32 v42, v8;
	v13 =	vmul.f32 v50, v49  }
0x163: {  	v55 =	vld [tilespmem:$0x720];
	v56 =	vmul.f32 v47, v43;
	v7 =	vadd.f32 v9, v7;
	v58 =	vmul.f32 v12, v54  }
0x164: {  	v59 =	vld [tilespmem:$0x870];
	v61 =	vmul.f32 v53, v47;
	v62 =	vadd.f32 v53, v47;
	v38 =	vmul.f32 v29, v63  }
0x165: {  	v60 =	vld [tilespmem:$0x871];
	v1 =	vadd.f32 v11, v1;
	v3 =	vadd.f32 v14, v3;
	v10 =	vmul.f32 v10, v40  }
0x166: {  	v41 =	vld [tilespmem:$0xA0];
	v11 =	vadd.f32 v47, v43;
	v42 =	vmul.f32 v33, v29;
	v43 =	vadd.f32 v33, v29  }
0x167: {  	v44 =	vld [tilespmem:$0xA1];
	v45 =	vmul.f32 v34, v33;
	v2 =	vadd.f32 v13, v2;
	v4 =	vadd.f32 v58, v4  }
0x168: {  	v46 =	vld [tilespmem:$0x1F0];
	v22 =	vmul.f32 v55, v47;
	v14 =	vadd.f32 v55, v47;
	v9 =	vmul.f32 v62, v61  }
0x169: {  	v27 =	vld [tilespmem:$0x9C1];
	v23 =	vmul.f32 v57, v55;
	v24 =	vadd.f32 v57, v55;
	v25 =	vmul.f32 v59, v55  }
0x16a: {  	v31 =	vld [tilespmem:$0xB11];
	v26 =	vadd.f32 v59, v55;
	v28 =	vmul.f32 v60, v59;
	v30 =	vmul.f32 v63, v59  }
0x16b: {  	v47 =	vmul.f32 v37, v33;
	v6 =	vadd.f32 v10, v6;
	v10 =	vmul.f32 v15, v48  }
0x16c: {  	v12 =	vadd.f32 v60, v59;
	v15 =	vmul.f32 v52, v51;
	v11 =	vmul.f32 v11, v56  }
0x16d: {  	v52 =	vmul.f32 v44, v41;
	v53 =	vadd.f32 v44, v41;
	v55 =	vmul.f32 v46, v41  }
0x16e: {  	v50 =	vld [tilespmem:$0x340];
	v56 =	vadd.f32 v46, v41;
	v13 =	vmul.f32 v24, v23;
	v8 =	vadd.f32 v9, v8  }
0x16f: {  	v54 =	vld [tilespmem:$0x490];
	v32 =	vmul.f32 v12, v28;
	v36 =	vadd.f32 v27, v63;
	v40 =	vadd.f32 v31, v29  }
0x170: {  	v35 =	vmul.f32 v27, v63;
	v12 =	vadd.f32 v34, v33;
	v5 =	vadd.f32 v10, v5  }
0x171: {  	v39 =	vmul.f32 v31, v29;
	v1 =	vadd.f32 v15, v1;
	v3 =	vadd.f32 v11, v3  }
0x172: {  	v60 =	vld [tilespmem:$0x491];
	v11 =	vmul.f32 v14, v22;
	v14 =	vmul.f32 v26, v25;
	v10 =	vadd.f32 v63, v59  }
0x173: {  	v62 =	vld [tilespmem:$0x5E0];
	v15 =	vadd.f32 v29, v63;
	v58 =	vmul.f32 v50, v46;
	v59 =	vadd.f32 v50, v46  }
0x174: {  	v48 =	vld [tilespmem:$0x1F1];
	v63 =	vmul.f32 v54, v50;
	v7 =	vadd.f32 v13, v7;
	v9 =	vmul.f32 v36, v35  }
0x175: {  	v51 =	vld [tilespmem:$0x341];
	v2 =	vadd.f32 v32, v2;
	v13 =	vmul.f32 v40, v39;
	v49 =	vmul.f32 v12, v45  }
0x176: {  	v6 =	vadd.f32 v11, v6;
	v5 =	vadd.f32 v14, v5;
	v10 =	vmul.f32 v10, v30  }
0x177: {  	v24 =	vld [tilespmem:$0x5E1];
	v11 =	vadd.f32 v37, v33;
	v16 =	vmul.f32 v59, v58;
	v28 =	vmul.f32 v60, v54  }
0x178: {  	v29 =	vadd.f32 v60, v54;
	v31 =	vmul.f32 v62, v54;
	v4 =	vadd.f32 v9, v4  }
0x179: {  	v26 =	vld [tilespmem:$0x730];
	v8 =	vadd.f32 v13, v8;
	v7 =	vadd.f32 v49, v7;
	v9 =	vmul.f32 v53, v52  }
0x17a: {  	v27 =	vld [tilespmem:$0x731];
	v57 =	vmul.f32 v48, v46;
	v14 =	vadd.f32 v48, v46;
	v61 =	vmul.f32 v51, v50  }
0x17b: {  	v36 =	vld [tilespmem:$0x881];
	v1 =	vadd.f32 v10, v1;
	v10 =	vmul.f32 v15, v38;
	v15 =	vmul.f32 v43, v42  }
0x17c: {  	v40 =	vld [tilespmem:$0x9D1];
	v12 =	vadd.f32 v51, v50;
	v11 =	vmul.f32 v11, v47;
	v32 =	vmul.f32 v24, v62  }
0x17d: {  	v30 =	vld [tilespmem:$0x880];
	v33 =	vadd.f32 v24, v62;
	v13 =	vmul.f32 v14, v57;
	v2 =	vadd.f32 v9, v2  }
0x17e: {  	v59 =	vld [tilespmem:$0x200];
	v25 =	vmul.f32 v12, v61;
	v9 =	vmul.f32 v29, v28;
	v35 =	vadd.f32 v26, v62  }
0x17f: {  	v60 =	vld [tilespmem:$0x201];
	v34 =	vmul.f32 v26, v62;
	v12 =	vadd.f32 v27, v26;
	v3 =	vadd.f32 v10, v3  }
0x180: {  	v46 =	vld [tilespmem:$0xC70];
	v37 =	vmul.f32 v27, v26;
	v6 =	vadd.f32 v15, v6;
	v5 =	vadd.f32 v11, v5  }
0x181: {  	v53 =	vld [tilespmem:$0xDC0];
	v11 =	vmul.f32 v56, v55;
	v10 =	vadd.f32 v54, v50;
	v15 =	vadd.f32 v62, v54  }
0x182: {  	v38 =	vld [tilespmem:$0x9D0];
	v4 =	vadd.f32 v13, v4;
	v8 =	vadd.f32 v25, v8;
	v13 =	vmul.f32 v33, v32  }
0x183: {  	v42 =	vld [tilespmem:$0xB20];
	v39 =	vmul.f32 v30, v26;
	v7 =	vadd.f32 v9, v7;
	v41 =	vmul.f32 v12, v37  }
0x184: {  	v43 =	vld [tilespmem:$0xB21];
	v44 =	vmul.f32 v36, v30;
	v45 =	vadd.f32 v36, v30;
	v29 =	vmul.f32 v60, v59  }
0x185: {  	v1 =	vadd.f32 v11, v1;
	v3 =	vadd.f32 v16, v3;
	v10 =	vmul.f32 v10, v63  }
0x186: {  	v57 =	vld [tilespmem:$0xB1];
	v11 =	vadd.f32 v30, v26;
	v23 =	vmul.f32 v53, v46;
	v2 =	vadd.f32 v13, v2  }
0x187: {  	v50 =	vld [tilespmem:$0xC71];
	v4 =	vadd.f32 v41, v4;
	v47 =	vmul.f32 v38, v30;
	v14 =	vadd.f32 v38, v30  }
0x188: {  	v55 =	vld [tilespmem:$0xB0];
	v9 =	vmul.f32 v45, v44;
	v48 =	vmul.f32 v40, v38;
	v49 =	vadd.f32 v40, v38  }
0x189: {  	v51 =	vmul.f32 v42, v38;
	v54 =	vmul.f32 v43, v42;
	v12 =	vadd.f32 v43, v42  }
0x18a: {  	v56 =	vmul.f32 v46, v42;
	v6 =	vadd.f32 v10, v6;
	v10 =	vmul.f32 v15, v31  }
0x18b: {  	v52 =	vadd.f32 v42, v38;
	v15 =	vmul.f32 v35, v34;
	v11 =	vmul.f32 v11, v39  }
0x18c: {  	v13 =	vmul.f32 v49, v48;
	v8 =	vadd.f32 v9, v8;
	v58 =	vmul.f32 v12, v54  }
0x18d: {  	v28 =	vld [tilespmem:$0x351];
	v61 =	vmul.f32 v50, v46;
	v62 =	vadd.f32 v50, v46;
	v25 =	vadd.f32 v57, v55  }
0x18e: {  	v63 =	vld [tilespmem:$0x350];
	v24 =	vmul.f32 v57, v55;
	v27 =	vadd.f32 v59, v55;
	v12 =	vadd.f32 v60, v59  }
0x18f: {  	v32 =	vld [tilespmem:$0x4A1];
	v26 =	vmul.f32 v59, v55;
	v5 =	vadd.f32 v10, v5;
	v1 =	vadd.f32 v15, v1  }
0x190: {  	v30 =	vld [tilespmem:$0x4A0];
	v3 =	vadd.f32 v11, v3;
	v11 =	vmul.f32 v14, v47;
	v10 =	vadd.f32 v46, v42  }
0x191: {  	v38 =	vld [tilespmem:$0x740];
	v14 =	vmul.f32 v52, v51;
	v15 =	vadd.f32 v53, v46;
	v7 =	vadd.f32 v13, v7  }
0x192: {  	v44 =	vld [tilespmem:$0x741];
	v2 =	vadd.f32 v58, v2;
	v9 =	vmul.f32 v62, v61;
	v13 =	vmul.f32 v25, v24  }
0x193: {  	v34 =	vld [tilespmem:$0x5F0];
	v31 =	vmul.f32 v63, v59;
	v33 =	vmul.f32 v12, v29;
	v37 =	vadd.f32 v28, v63  }
0x194: {  	v35 =	vld [tilespmem:$0x5F1];
	v36 =	vmul.f32 v28, v63;
	v6 =	vadd.f32 v11, v6;
	v5 =	vadd.f32 v14, v5  }
0x195: {  	v10 =	vmul.f32 v10, v56;
	v11 =	vadd.f32 v63, v59;
	v39 =	vmul.f32 v30, v63  }
0x196: {  	v50 =	vld [tilespmem:$0x9E0];
	v14 =	vadd.f32 v30, v63;
	v40 =	vmul.f32 v32, v30;
	v41 =	vadd.f32 v32, v30  }
0x197: {  	v54 =	vld [tilespmem:$0xB30];
	v52 =	vmul.f32 v44, v38;
	v53 =	vadd.f32 v44, v38;
	v4 =	vadd.f32 v9, v4  }
0x198: {  	v46 =	vld [tilespmem:$0x890];
	v8 =	vadd.f32 v13, v8;
	v9 =	vmul.f32 v37, v36;
	v42 =	vmul.f32 v34, v30  }
0x199: {  	v48 =	vld [tilespmem:$0x891];
	v45 =	vmul.f32 v35, v34;
	v12 =	vadd.f32 v35, v34;
	v47 =	vmul.f32 v38, v34  }
0x19a: {  	v51 =	vld [tilespmem:$0x9E1];
	v1 =	vadd.f32 v10, v1;
	v10 =	vmul.f32 v15, v23;
	v15 =	vmul.f32 v27, v26  }
0x19b: {  	v7 =	vadd.f32 v33, v7;
	v11 =	vmul.f32 v11, v31;
	v13 =	vmul.f32 v41, v40  }
0x19c: {  	v58 =	vld [tilespmem:$0xB31];
	v43 =	vadd.f32 v34, v30;
	v24 =	vmul.f32 v54, v50;
	v49 =	vmul.f32 v12, v45  }
0x19d: {  	v61 =	vld [tilespmem:$0xC80];
	v2 =	vadd.f32 v9, v2;
	v55 =	vmul.f32 v46, v38;
	v9 =	vmul.f32 v53, v52  }
0x19e: {  	v25 =	vld [tilespmem:$0xDD0];
	v56 =	vmul.f32 v48, v46;
	v57 =	vadd.f32 v48, v46;
	v60 =	vadd.f32 v50, v46  }
0x19f: {  	v59 =	vmul.f32 v50, v46;
	v12 =	vadd.f32 v51, v50;
	v3 =	vadd.f32 v10, v3  }
0x1a0: {  	v63 =	vld [tilespmem:$0xC81];
	v62 =	vmul.f32 v51, v50;
	v6 =	vadd.f32 v15, v6;
	v5 =	vadd.f32 v11, v5  }
0x1a1: {  	v11 =	vmul.f32 v14, v39;
	v14 =	vmul.f32 v43, v42;
	v10 =	vadd.f32 v38, v34  }
0x1a2: {  	v28 =	vld [tilespmem:$0xC1];
	v4 =	vadd.f32 v13, v4;
	v15 =	vadd.f32 v46, v38;
	v29 =	vmul.f32 v58, v54  }
0x1a3: {  	v37 =	vld [tilespmem:$0x211];
	v30 =	vadd.f32 v58, v54;
	v32 =	vmul.f32 v61, v54;
	v35 =	vmul.f32 v25, v61  }
0x1a4: {  	v27 =	vld [tilespmem:$0xC0];
	v36 =	vadd.f32 v25, v61;
	v8 =	vadd.f32 v49, v8;
	v13 =	vmul.f32 v57, v56  }
0x1a5: {  	v31 =	vld [tilespmem:$0x210];
	v7 =	vadd.f32 v9, v7;
	v26 =	vmul.f32 v12, v62;
	v34 =	vadd.f32 v63, v61  }
0x1a6: {  	v33 =	vmul.f32 v63, v61;
	v1 =	vadd.f32 v11, v1;
	v3 =	vadd.f32 v14, v3  }
0x1a7: {  	v41 =	vld [tilespmem:$0x361];
	v10 =	vmul.f32 v10, v47;
	v11 =	vadd.f32 v54, v50;
	v14 =	vadd.f32 v61, v54  }
0x1a8: {  	v39 =	vld [tilespmem:$0x360];
	v9 =	vmul.f32 v30, v29;
	v2 =	vadd.f32 v13, v2;
	v4 =	vadd.f32 v26, v4  }
0x1a9: {  	v43 =	vld [tilespmem:$0x4B0];
	v13 =	vmul.f32 v34, v33;
	v38 =	vmul.f32 v28, v27;
	v12 =	vadd.f32 v28, v27  }
0x1aa: {  	v44 =	vld [tilespmem:$0x4B1];
	v40 =	vmul.f32 v31, v27;
	v45 =	vmul.f32 v37, v31;
	v46 =	vadd.f32 v37, v31  }
0x1ab: {  	v53 =	vld [tilespmem:$0x601];
	v6 =	vadd.f32 v10, v6;
	v10 =	vmul.f32 v15, v55;
	v15 =	vmul.f32 v60, v59  }
0x1ac: {  	v57 =	vld [tilespmem:$0x751];
	v11 =	vmul.f32 v11, v24;
	v8 =	vadd.f32 v9, v8;
	v42 =	vmul.f32 v12, v38  }
0x1ad: {  	v63 =	vld [tilespmem:$0x9F0];
	v7 =	vadd.f32 v13, v7;
	v48 =	vmul.f32 v39, v31;
	v9 =	vmul.f32 v46, v45  }
0x1ae: {  	v47 =	vld [tilespmem:$0x600];
	v49 =	vmul.f32 v41, v39;
	v50 =	vadd.f32 v41, v39;
	v52 =	vadd.f32 v43, v39  }
0x1af: {  	v29 =	vld [tilespmem:$0xB40];
	v51 =	vmul.f32 v43, v39;
	v12 =	vadd.f32 v44, v43;
	v5 =	vadd.f32 v10, v5  }
0x1b0: {  	v33 =	vld [tilespmem:$0xC90];
	v54 =	vmul.f32 v44, v43;
	v1 =	vadd.f32 v15, v1;
	v3 =	vadd.f32 v11, v3  }
0x1b1: {  	v34 =	vld [tilespmem:$0xC91];
	v11 =	vmul.f32 v14, v32;
	v14 =	vmul.f32 v36, v35;
	v10 =	vadd.f32 v31, v27  }
0x1b2: {  	v37 =	vld [tilespmem:$0xDE0];
	v15 =	vadd.f32 v39, v31;
	v2 =	vadd.f32 v42, v2;
	v13 =	vmul.f32 v50, v49  }
0x1b3: {  	v55 =	vld [tilespmem:$0x750];
	v56 =	vmul.f32 v47, v43;
	v4 =	vadd.f32 v9, v4;
	v58 =	vmul.f32 v12, v54  }
0x1b4: {  	v59 =	vld [tilespmem:$0x8A0];
	v61 =	vmul.f32 v53, v47;
	v62 =	vadd.f32 v53, v47;
	v38 =	vmul.f32 v29, v63  }
0x1b5: {  	v60 =	vld [tilespmem:$0x8A1];
	v6 =	vadd.f32 v11, v6;
	v5 =	vadd.f32 v14, v5;
	v10 =	vmul.f32 v10, v40  }
0x1b6: {  	v41 =	vld [tilespmem:$0xD0];
	v11 =	vadd.f32 v47, v43;
	v42 =	vmul.f32 v33, v29;
	v43 =	vadd.f32 v33, v29  }
0x1b7: {  	v44 =	vld [tilespmem:$0xD1];
	v45 =	vmul.f32 v34, v33;
	v8 =	vadd.f32 v13, v8;
	v7 =	vadd.f32 v58, v7  }
0x1b8: {  	v46 =	vld [tilespmem:$0x220];
	v22 =	vmul.f32 v55, v47;
	v14 =	vadd.f32 v55, v47;
	v9 =	vmul.f32 v62, v61  }
0x1b9: {  	v27 =	vld [tilespmem:$0x9F1];
	v23 =	vmul.f32 v57, v55;
	v24 =	vadd.f32 v57, v55;
	v25 =	vmul.f32 v59, v55  }
0x1ba: {  	v31 =	vld [tilespmem:$0xB41];
	v26 =	vadd.f32 v59, v55;
	v28 =	vmul.f32 v60, v59;
	v30 =	vmul.f32 v63, v59  }
0x1bb: {  	v47 =	vmul.f32 v37, v33;
	v1 =	vadd.f32 v10, v1;
	v10 =	vmul.f32 v15, v48  }
0x1bc: {  	v12 =	vadd.f32 v60, v59;
	v15 =	vmul.f32 v52, v51;
	v11 =	vmul.f32 v11, v56  }
0x1bd: {  	v52 =	vmul.f32 v44, v41;
	v53 =	vadd.f32 v44, v41;
	v55 =	vmul.f32 v46, v41  }
0x1be: {  	v50 =	vld [tilespmem:$0x370];
	v56 =	vadd.f32 v46, v41;
	v13 =	vmul.f32 v24, v23;
	v2 =	vadd.f32 v9, v2  }
0x1bf: {  	v54 =	vld [tilespmem:$0x4C0];
	v32 =	vmul.f32 v12, v28;
	v36 =	vadd.f32 v27, v63;
	v40 =	vadd.f32 v31, v29  }
0x1c0: {  	v35 =	vmul.f32 v27, v63;
	v12 =	vadd.f32 v34, v33;
	v3 =	vadd.f32 v10, v3  }
0x1c1: {  	v39 =	vmul.f32 v31, v29;
	v6 =	vadd.f32 v15, v6;
	v5 =	vadd.f32 v11, v5  }
0x1c2: {  	v60 =	vld [tilespmem:$0x4C1];
	v11 =	vmul.f32 v14, v22;
	v14 =	vmul.f32 v26, v25;
	v10 =	vadd.f32 v63, v59  }
0x1c3: {  	v62 =	vld [tilespmem:$0x610];
	v15 =	vadd.f32 v29, v63;
	v58 =	vmul.f32 v50, v46;
	v59 =	vadd.f32 v50, v46  }
0x1c4: {  	v48 =	vld [tilespmem:$0x221];
	v63 =	vmul.f32 v54, v50;
	v4 =	vadd.f32 v13, v4;
	v9 =	vmul.f32 v36, v35  }
0x1c5: {  	v51 =	vld [tilespmem:$0x371];
	v8 =	vadd.f32 v32, v8;
	v13 =	vmul.f32 v40, v39;
	v49 =	vmul.f32 v12, v45  }
0x1c6: {  	v1 =	vadd.f32 v11, v1;
	v3 =	vadd.f32 v14, v3;
	v10 =	vmul.f32 v10, v30  }
0x1c7: {  	v24 =	vld [tilespmem:$0x611];
	v11 =	vadd.f32 v37, v33;
	v16 =	vmul.f32 v59, v58;
	v28 =	vmul.f32 v60, v54  }
0x1c8: {  	v29 =	vadd.f32 v60, v54;
	v31 =	vmul.f32 v62, v54;
	v7 =	vadd.f32 v9, v7  }
0x1c9: {  	v26 =	vld [tilespmem:$0x760];
	v2 =	vadd.f32 v13, v2;
	v4 =	vadd.f32 v49, v4;
	v9 =	vmul.f32 v53, v52  }
0x1ca: {  	v27 =	vld [tilespmem:$0x761];
	v57 =	vmul.f32 v48, v46;
	v14 =	vadd.f32 v48, v46;
	v61 =	vmul.f32 v51, v50  }
0x1cb: {  	v36 =	vld [tilespmem:$0x8B1];
	v6 =	vadd.f32 v10, v6;
	v10 =	vmul.f32 v15, v38;
	v15 =	vmul.f32 v43, v42  }
0x1cc: {  	v40 =	vld [tilespmem:$0xA01];
	v12 =	vadd.f32 v51, v50;
	v11 =	vmul.f32 v11, v47;
	v32 =	vmul.f32 v24, v62  }
0x1cd: {  	v30 =	vld [tilespmem:$0x8B0];
	v33 =	vadd.f32 v24, v62;
	v13 =	vmul.f32 v14, v57;
	v8 =	vadd.f32 v9, v8  }
0x1ce: {  	v59 =	vld [tilespmem:$0x230];
	v25 =	vmul.f32 v12, v61;
	v9 =	vmul.f32 v29, v28;
	v35 =	vadd.f32 v26, v62  }
0x1cf: {  	v60 =	vld [tilespmem:$0x231];
	v34 =	vmul.f32 v26, v62;
	v12 =	vadd.f32 v27, v26;
	v5 =	vadd.f32 v10, v5  }
0x1d0: {  	v46 =	vld [tilespmem:$0xCA0];
	v37 =	vmul.f32 v27, v26;
	v1 =	vadd.f32 v15, v1;
	v3 =	vadd.f32 v11, v3  }
0x1d1: {  	v53 =	vld [tilespmem:$0xDF0];
	v11 =	vmul.f32 v56, v55;
	v10 =	vadd.f32 v54, v50;
	v15 =	vadd.f32 v62, v54  }
0x1d2: {  	v38 =	vld [tilespmem:$0xA00];
	v7 =	vadd.f32 v13, v7;
	v2 =	vadd.f32 v25, v2;
	v13 =	vmul.f32 v33, v32  }
0x1d3: {  	v42 =	vld [tilespmem:$0xB50];
	v39 =	vmul.f32 v30, v26;
	v4 =	vadd.f32 v9, v4;
	v41 =	vmul.f32 v12, v37  }
0x1d4: {  	v43 =	vld [tilespmem:$0xB51];
	v44 =	vmul.f32 v36, v30;
	v45 =	vadd.f32 v36, v30;
	v29 =	vmul.f32 v60, v59  }
0x1d5: {  	v6 =	vadd.f32 v11, v6;
	v5 =	vadd.f32 v16, v5;
	v10 =	vmul.f32 v10, v63  }
0x1d6: {  	v57 =	vld [tilespmem:$0xE1];
	v11 =	vadd.f32 v30, v26;
	v23 =	vmul.f32 v53, v46;
	v8 =	vadd.f32 v13, v8  }
0x1d7: {  	v50 =	vld [tilespmem:$0xCA1];
	v7 =	vadd.f32 v41, v7;
	v47 =	vmul.f32 v38, v30;
	v14 =	vadd.f32 v38, v30  }
0x1d8: {  	v55 =	vld [tilespmem:$0xE0];
	v9 =	vmul.f32 v45, v44;
	v48 =	vmul.f32 v40, v38;
	v49 =	vadd.f32 v40, v38  }
0x1d9: {  	v51 =	vmul.f32 v42, v38;
	v54 =	vmul.f32 v43, v42;
	v12 =	vadd.f32 v43, v42  }
0x1da: {  	v56 =	vmul.f32 v46, v42;
	v1 =	vadd.f32 v10, v1;
	v10 =	vmul.f32 v15, v31  }
0x1db: {  	v52 =	vadd.f32 v42, v38;
	v15 =	vmul.f32 v35, v34;
	v11 =	vmul.f32 v11, v39  }
0x1dc: {  	v13 =	vmul.f32 v49, v48;
	v2 =	vadd.f32 v9, v2;
	v58 =	vmul.f32 v12, v54  }
0x1dd: {  	v28 =	vld [tilespmem:$0x381];
	v61 =	vmul.f32 v50, v46;
	v62 =	vadd.f32 v50, v46;
	v25 =	vadd.f32 v57, v55  }
0x1de: {  	v63 =	vld [tilespmem:$0x380];
	v24 =	vmul.f32 v57, v55;
	v27 =	vadd.f32 v59, v55;
	v12 =	vadd.f32 v60, v59  }
0x1df: {  	v32 =	vld [tilespmem:$0x4D1];
	v26 =	vmul.f32 v59, v55;
	v3 =	vadd.f32 v10, v3;
	v6 =	vadd.f32 v15, v6  }
0x1e0: {  	v30 =	vld [tilespmem:$0x4D0];
	v5 =	vadd.f32 v11, v5;
	v11 =	vmul.f32 v14, v47;
	v10 =	vadd.f32 v46, v42  }
0x1e1: {  	v38 =	vld [tilespmem:$0x770];
	v14 =	vmul.f32 v52, v51;
	v15 =	vadd.f32 v53, v46;
	v4 =	vadd.f32 v13, v4  }
0x1e2: {  	v44 =	vld [tilespmem:$0x771];
	v8 =	vadd.f32 v58, v8;
	v9 =	vmul.f32 v62, v61;
	v13 =	vmul.f32 v25, v24  }
0x1e3: {  	v34 =	vld [tilespmem:$0x620];
	v31 =	vmul.f32 v63, v59;
	v33 =	vmul.f32 v12, v29;
	v37 =	vadd.f32 v28, v63  }
0x1e4: {  	v35 =	vld [tilespmem:$0x621];
	v36 =	vmul.f32 v28, v63;
	v1 =	vadd.f32 v11, v1;
	v3 =	vadd.f32 v14, v3  }
0x1e5: {  	v10 =	vmul.f32 v10, v56;
	v11 =	vadd.f32 v63, v59;
	v39 =	vmul.f32 v30, v63  }
0x1e6: {  	v50 =	vld [tilespmem:$0xA10];
	v14 =	vadd.f32 v30, v63;
	v40 =	vmul.f32 v32, v30;
	v41 =	vadd.f32 v32, v30  }
0x1e7: {  	v54 =	vld [tilespmem:$0xB60];
	v52 =	vmul.f32 v44, v38;
	v53 =	vadd.f32 v44, v38;
	v7 =	vadd.f32 v9, v7  }
0x1e8: {  	v46 =	vld [tilespmem:$0x8C0];
	v2 =	vadd.f32 v13, v2;
	v9 =	vmul.f32 v37, v36;
	v42 =	vmul.f32 v34, v30  }
0x1e9: {  	v48 =	vld [tilespmem:$0x8C1];
	v45 =	vmul.f32 v35, v34;
	v12 =	vadd.f32 v35, v34;
	v47 =	vmul.f32 v38, v34  }
0x1ea: {  	v51 =	vld [tilespmem:$0xA11];
	v6 =	vadd.f32 v10, v6;
	v10 =	vmul.f32 v15, v23;
	v15 =	vmul.f32 v27, v26  }
0x1eb: {  	v4 =	vadd.f32 v33, v4;
	v11 =	vmul.f32 v11, v31;
	v13 =	vmul.f32 v41, v40  }
0x1ec: {  	v58 =	vld [tilespmem:$0xB61];
	v43 =	vadd.f32 v34, v30;
	v24 =	vmul.f32 v54, v50;
	v49 =	vmul.f32 v12, v45  }
0x1ed: {  	v61 =	vld [tilespmem:$0xCB0];
	v8 =	vadd.f32 v9, v8;
	v55 =	vmul.f32 v46, v38;
	v9 =	vmul.f32 v53, v52  }
0x1ee: {  	v25 =	vld [tilespmem:$0xE00];
	v56 =	vmul.f32 v48, v46;
	v57 =	vadd.f32 v48, v46;
	v60 =	vadd.f32 v50, v46  }
0x1ef: {  	v59 =	vmul.f32 v50, v46;
	v12 =	vadd.f32 v51, v50;
	v5 =	vadd.f32 v10, v5  }
0x1f0: {  	v63 =	vld [tilespmem:$0xCB1];
	v62 =	vmul.f32 v51, v50;
	v1 =	vadd.f32 v15, v1;
	v3 =	vadd.f32 v11, v3  }
0x1f1: {  	v11 =	vmul.f32 v14, v39;
	v14 =	vmul.f32 v43, v42;
	v10 =	vadd.f32 v38, v34  }
0x1f2: {  	v28 =	vld [tilespmem:$0xF1];
	v7 =	vadd.f32 v13, v7;
	v15 =	vadd.f32 v46, v38;
	v29 =	vmul.f32 v58, v54  }
0x1f3: {  	v37 =	vld [tilespmem:$0x241];
	v30 =	vadd.f32 v58, v54;
	v32 =	vmul.f32 v61, v54;
	v35 =	vmul.f32 v25, v61  }
0x1f4: {  	v27 =	vld [tilespmem:$0xF0];
	v36 =	vadd.f32 v25, v61;
	v2 =	vadd.f32 v49, v2;
	v13 =	vmul.f32 v57, v56  }
0x1f5: {  	v31 =	vld [tilespmem:$0x240];
	v4 =	vadd.f32 v9, v4;
	v26 =	vmul.f32 v12, v62;
	v34 =	vadd.f32 v63, v61  }
0x1f6: {  	v33 =	vmul.f32 v63, v61;
	v6 =	vadd.f32 v11, v6;
	v5 =	vadd.f32 v14, v5  }
0x1f7: {  	v41 =	vld [tilespmem:$0x391];
	v10 =	vmul.f32 v10, v47;
	v11 =	vadd.f32 v54, v50;
	v14 =	vadd.f32 v61, v54  }
0x1f8: {  	v39 =	vld [tilespmem:$0x390];
	v9 =	vmul.f32 v30, v29;
	v8 =	vadd.f32 v13, v8;
	v7 =	vadd.f32 v26, v7  }
0x1f9: {  	v43 =	vld [tilespmem:$0x4E0];
	v13 =	vmul.f32 v34, v33;
	v38 =	vmul.f32 v28, v27;
	v12 =	vadd.f32 v28, v27  }
0x1fa: {  	v44 =	vld [tilespmem:$0x4E1];
	v40 =	vmul.f32 v31, v27;
	v45 =	vmul.f32 v37, v31;
	v46 =	vadd.f32 v37, v31  }
0x1fb: {  	v1 =	vadd.f32 v10, v1;
	v10 =	vmul.f32 v15, v55;
	v15 =	vmul.f32 v60, v59  }
0x1fc: {  	v53 =	vld [tilespmem:$0x631];
	v11 =	vmul.f32 v11, v24;
	v2 =	vadd.f32 v9, v2;
	v42 =	vmul.f32 v12, v38  }
0x1fd: {  	v57 =	vld [tilespmem:$0x781];
	v4 =	vadd.f32 v13, v4;
	v48 =	vmul.f32 v39, v31;
	v9 =	vmul.f32 v46, v45  }
0x1fe: {  	v47 =	vld [tilespmem:$0x630];
	v49 =	vmul.f32 v41, v39;
	v50 =	vadd.f32 v41, v39;
	v52 =	vadd.f32 v43, v39  }
0x1ff: {  	v63 =	vld [tilespmem:$0xA20];
	v51 =	vmul.f32 v43, v39;
	v12 =	vadd.f32 v44, v43;
	v3 =	vadd.f32 v10, v3  }
0x200: {  	v26 =	vld [tilespmem:$0xA21];
	v54 =	vmul.f32 v44, v43;
	v6 =	vadd.f32 v15, v6;
	v5 =	vadd.f32 v11, v5  }
0x201: {  	v28 =	vld [tilespmem:$0xB70];
	v11 =	vmul.f32 v14, v32;
	v14 =	vmul.f32 v36, v35;
	v10 =	vadd.f32 v31, v27  }
0x202: {  	v30 =	vld [tilespmem:$0xB71];
	v15 =	vadd.f32 v39, v31;
	v8 =	vadd.f32 v42, v8;
	v13 =	vmul.f32 v50, v49  }
0x203: {  	v55 =	vld [tilespmem:$0x780];
	v56 =	vmul.f32 v47, v43;
	v7 =	vadd.f32 v9, v7;
	v58 =	vmul.f32 v12, v54  }
0x204: {  	v59 =	vld [tilespmem:$0x8D0];
	v61 =	vmul.f32 v53, v47;
	v62 =	vadd.f32 v53, v47;
	v1 =	vadd.f32 v11, v1  }
0x205: {  	v60 =	vld [tilespmem:$0x8D1];
	v3 =	vadd.f32 v14, v3;
	v10 =	vmul.f32 v10, v40;
	v11 =	vadd.f32 v47, v43  }
0x206: {  	v34 =	vmul.f32 v26, v63;
	v35 =	vadd.f32 v26, v63;
	v37 =	vmul.f32 v28, v63  }
0x207: {  	v38 =	vmul.f32 v30, v28;
	v39 =	vadd.f32 v30, v28;
	v2 =	vadd.f32 v13, v2  }
0x208: {  	v33 =	vld [tilespmem:$0xCC1];
	v4 =	vadd.f32 v58, v4;
	v21 =	vmul.f32 v55, v47;
	v14 =	vadd.f32 v55, v47  }
0x209: {  	v32 =	vld [tilespmem:$0xCC0];
	v9 =	vmul.f32 v62, v61;
	v22 =	vmul.f32 v57, v55;
	v23 =	vadd.f32 v57, v55  }
0x20a: {  	v45 =	vld [tilespmem:$0x250];
	v24 =	vmul.f32 v59, v55;
	v27 =	vmul.f32 v60, v59;
	v12 =	vadd.f32 v60, v59  }
0x20b: {  	v36 =	vld [tilespmem:$0xE10];
	v29 =	vmul.f32 v63, v59;
	v6 =	vadd.f32 v10, v6;
	v10 =	vmul.f32 v15, v48  }
0x20c: {  	v49 =	vld [tilespmem:$0x3A0];
	v25 =	vadd.f32 v59, v55;
	v15 =	vmul.f32 v52, v51;
	v11 =	vmul.f32 v11, v56  }
0x20d: {  	v50 =	vld [tilespmem:$0x3A1];
	v13 =	vmul.f32 v23, v22;
	v8 =	vadd.f32 v9, v8;
	v31 =	vmul.f32 v12, v27  }
0x20e: {  	v53 =	vld [tilespmem:$0x4F0];
	v9 =	vmul.f32 v35, v34;
	v41 =	vmul.f32 v32, v28;
	v42 =	vadd.f32 v32, v28  }
0x20f: {  	v40 =	vld [tilespmem:$0x100];
	v44 =	vmul.f32 v33, v32;
	v12 =	vadd.f32 v33, v32;
	v5 =	vadd.f32 v10, v5  }
0x210: {  	v43 =	vld [tilespmem:$0x101];
	v46 =	vmul.f32 v36, v32;
	v1 =	vadd.f32 v15, v1;
	v3 =	vadd.f32 v11, v3  }
0x211: {  	v11 =	vmul.f32 v14, v21;
	v14 =	vmul.f32 v25, v24;
	v10 =	vadd.f32 v63, v59  }
0x212: {  	v15 =	vadd.f32 v28, v63;
	v57 =	vmul.f32 v49, v45;
	v58 =	vadd.f32 v49, v45  }
0x213: {  	v47 =	vld [tilespmem:$0x251];
	v60 =	vmul.f32 v50, v49;
	v62 =	vmul.f32 v53, v49;
	v7 =	vadd.f32 v13, v7  }
0x214: {  	v61 =	vld [tilespmem:$0x640];
	v2 =	vadd.f32 v31, v2;
	v13 =	vmul.f32 v39, v38;
	v4 =	vadd.f32 v9, v4  }
0x215: {  	v48 =	vmul.f32 v12, v44;
	v51 =	vmul.f32 v43, v40;
	v52 =	vadd.f32 v43, v40  }
0x216: {  	v34 =	vld [tilespmem:$0x8E1];
	v54 =	vmul.f32 v45, v40;
	v55 =	vadd.f32 v45, v40;
	v12 =	vadd.f32 v50, v49  }
0x217: {  	v59 =	vld [tilespmem:$0x4F1];
	v6 =	vadd.f32 v11, v6;
	v5 =	vadd.f32 v14, v5;
	v10 =	vmul.f32 v10, v29  }
0x218: {  	v63 =	vld [tilespmem:$0x641];
	v11 =	vadd.f32 v36, v32;
	v56 =	vmul.f32 v47, v45;
	v14 =	vadd.f32 v47, v45  }
0x219: {  	v24 =	vld [tilespmem:$0x790];
	v16 =	vmul.f32 v58, v57;
	v29 =	vmul.f32 v61, v53;
	v8 =	vadd.f32 v13, v8  }
0x21a: {  	v25 =	vld [tilespmem:$0x791];
	v7 =	vadd.f32 v48, v7;
	v9 =	vmul.f32 v52, v51;
	v23 =	vmul.f32 v12, v60  }
0x21b: {  	v28 =	vld [tilespmem:$0x8E0];
	v1 =	vadd.f32 v10, v1;
	v10 =	vmul.f32 v15, v37;
	v15 =	vmul.f32 v42, v41  }
0x21c: {  	v40 =	vld [tilespmem:$0xB80];
	v11 =	vmul.f32 v11, v46;
	v13 =	vmul.f32 v14, v56;
	v2 =	vadd.f32 v9, v2  }
0x21d: {  	v44 =	vld [tilespmem:$0xCD0];
	v8 =	vadd.f32 v23, v8;
	v26 =	vmul.f32 v59, v53;
	v27 =	vadd.f32 v59, v53  }
0x21e: {  	v38 =	vld [tilespmem:$0xA31];
	v30 =	vmul.f32 v63, v61;
	v31 =	vadd.f32 v63, v61;
	v32 =	vmul.f32 v24, v61  }
0x21f: {  	v36 =	vld [tilespmem:$0xA30];
	v33 =	vadd.f32 v24, v61;
	v35 =	vmul.f32 v25, v24;
	v12 =	vadd.f32 v25, v24  }
0x220: {  	v57 =	vld [tilespmem:$0x260];
	v37 =	vmul.f32 v28, v24;
	v43 =	vadd.f32 v34, v28;
	v3 =	vadd.f32 v10, v3  }
0x221: {  	v58 =	vld [tilespmem:$0x261];
	v42 =	vmul.f32 v34, v28;
	v6 =	vadd.f32 v15, v6;
	v5 =	vadd.f32 v11, v5  }
0x222: {  	v11 =	vmul.f32 v55, v54;
	v10 =	vadd.f32 v53, v49;
	v54 =	vmul.f32 v44, v40  }
0x223: {  	v48 =	vld [tilespmem:$0xCD1];
	v4 =	vadd.f32 v13, v4;
	v9 =	vmul.f32 v27, v26;
	v13 =	vmul.f32 v31, v30  }
0x224: {  	v51 =	vld [tilespmem:$0xE20];
	v15 =	vadd.f32 v61, v53;
	v39 =	vmul.f32 v12, v35;
	v45 =	vmul.f32 v36, v28  }
0x225: {  	v41 =	vld [tilespmem:$0xB81];
	v14 =	vadd.f32 v36, v28;
	v46 =	vmul.f32 v38, v36;
	v47 =	vadd.f32 v38, v36  }
0x226: {  	v49 =	vmul.f32 v40, v36;
	v50 =	vadd.f32 v40, v36;
	v25 =	vmul.f32 v58, v57  }
0x227: {  	v1 =	vadd.f32 v11, v1;
	v3 =	vadd.f32 v16, v3;
	v10 =	vmul.f32 v10, v62  }
0x228: {  	v53 =	vld [tilespmem:$0x110];
	v11 =	vadd.f32 v28, v24;
	v59 =	vmul.f32 v48, v44;
	v60 =	vadd.f32 v48, v44  }
0x229: {  	v55 =	vld [tilespmem:$0x111];
	v62 =	vmul.f32 v51, v44;
	v7 =	vadd.f32 v9, v7;
	v9 =	vmul.f32 v43, v42  }
0x22a: {  	v2 =	vadd.f32 v13, v2;
	v13 =	vmul.f32 v47, v46;
	v52 =	vmul.f32 v41, v40  }
0x22b: {  	v61 =	vld [tilespmem:$0x3B0];
	v12 =	vadd.f32 v41, v40;
	v6 =	vadd.f32 v10, v6;
	v10 =	vmul.f32 v15, v29  }
0x22c: {  	v26 =	vld [tilespmem:$0x500];
	v4 =	vadd.f32 v39, v4;
	v15 =	vmul.f32 v33, v32;
	v11 =	vmul.f32 v11, v37  }
0x22d: {  	v30 =	vld [tilespmem:$0x650];
	v8 =	vadd.f32 v9, v8;
	v56 =	vmul.f32 v12, v52;
	v7 =	vadd.f32 v13, v7  }
0x22e: {  	v31 =	vld [tilespmem:$0x651];
	v9 =	vmul.f32 v60, v59;
	v63 =	vmul.f32 v55, v53;
	v21 =	vadd.f32 v55, v53  }
0x22f: {  	v34 =	vld [tilespmem:$0x7A0];
	v22 =	vmul.f32 v57, v53;
	v23 =	vadd.f32 v57, v53;
	v12 =	vadd.f32 v58, v57  }
0x230: {  	v24 =	vld [tilespmem:$0x3B1];
	v27 =	vmul.f32 v61, v57;
	v5 =	vadd.f32 v10, v5;
	v1 =	vadd.f32 v15, v1  }
0x231: {  	v28 =	vld [tilespmem:$0x501];
	v3 =	vadd.f32 v11, v3;
	v11 =	vmul.f32 v14, v45;
	v14 =	vmul.f32 v50, v49  }
0x232: {  	v10 =	vadd.f32 v44, v40;
	v15 =	vadd.f32 v51, v44;
	v35 =	vmul.f32 v26, v61  }
0x233: {  	v42 =	vld [tilespmem:$0x8F0];
	v38 =	vmul.f32 v30, v26;
	v39 =	vadd.f32 v30, v26;
	v41 =	vmul.f32 v31, v30  }
0x234: {  	v46 =	vld [tilespmem:$0xA40];
	v43 =	vmul.f32 v34, v30;
	v2 =	vadd.f32 v56, v2;
	v13 =	vmul.f32 v21, v63  }
0x235: {  	v47 =	vld [tilespmem:$0xA41];
	v4 =	vadd.f32 v9, v4;
	v29 =	vmul.f32 v12, v25;
	v33 =	vadd.f32 v24, v61  }
0x236: {  	v32 =	vmul.f32 v24, v61;
	v37 =	vadd.f32 v28, v26;
	v12 =	vadd.f32 v31, v30  }
0x237: {  	v36 =	vmul.f32 v28, v26;
	v6 =	vadd.f32 v11, v6;
	v5 =	vadd.f32 v14, v5  }
0x238: {  	v59 =	vld [tilespmem:$0xCE1];
	v10 =	vmul.f32 v10, v54;
	v11 =	vadd.f32 v61, v57;
	v14 =	vadd.f32 v26, v61  }
0x239: {  	v40 =	vld [tilespmem:$0x7A1];
	v51 =	vmul.f32 v42, v34;
	v55 =	vmul.f32 v46, v42;
	v56 =	vadd.f32 v46, v42  }
0x23a: {  	v44 =	vld [tilespmem:$0x8F1];
	v58 =	vmul.f32 v47, v46;
	v8 =	vadd.f32 v13, v8;
	v9 =	vmul.f32 v33, v32  }
0x23b: {  	v50 =	vld [tilespmem:$0xB90];
	v7 =	vadd.f32 v29, v7;
	v13 =	vmul.f32 v37, v36;
	v45 =	vmul.f32 v12, v41  }
0x23c: {  	v63 =	vld [tilespmem:$0x120];
	v12 =	vadd.f32 v47, v46;
	v1 =	vadd.f32 v10, v1;
	v10 =	vmul.f32 v15, v62  }
0x23d: {  	v25 =	vld [tilespmem:$0x270];
	v15 =	vmul.f32 v23, v22;
	v11 =	vmul.f32 v11, v27;
	v2 =	vadd.f32 v9, v2  }
0x23e: {  	v31 =	vld [tilespmem:$0x271];
	v4 =	vadd.f32 v13, v4;
	v8 =	vadd.f32 v45, v8;
	v48 =	vmul.f32 v40, v34  }
0x23f: {  	v54 =	vld [tilespmem:$0xB91];
	v49 =	vadd.f32 v40, v34;
	v52 =	vmul.f32 v44, v42;
	v53 =	vadd.f32 v44, v42  }
0x240: {  	v57 =	vld [tilespmem:$0xCE0];
	v60 =	vmul.f32 v50, v46;
	v62 =	vmul.f32 v12, v58;
	v3 =	vadd.f32 v10, v3  }
0x241: {  	v61 =	vld [tilespmem:$0xE30];
	v6 =	vadd.f32 v15, v6;
	v5 =	vadd.f32 v11, v5;
	v11 =	vmul.f32 v14, v35  }
0x242: {  	v33 =	vld [tilespmem:$0x3C0];
	v14 =	vmul.f32 v39, v38;
	v10 =	vadd.f32 v34, v30;
	v15 =	vadd.f32 v42, v34  }
0x243: {  	v37 =	vld [tilespmem:$0x510];
	v34 =	vmul.f32 v25, v63;
	v39 =	vmul.f32 v31, v25;
	v40 =	vadd.f32 v31, v25  }
0x244: {  	v41 =	vld [tilespmem:$0x660];
	v9 =	vmul.f32 v49, v48;
	v13 =	vmul.f32 v53, v52;
	v4 =	vadd.f32 v62, v4  }
0x245: {  	v23 =	vmul.f32 v54, v50;
	v24 =	vadd.f32 v54, v50;
	v26 =	vmul.f32 v57, v50  }
0x246: {  	v22 =	vld [tilespmem:$0x121];
	v27 =	vmul.f32 v59, v57;
	v28 =	vadd.f32 v59, v57;
	v30 =	vadd.f32 v61, v57  }
0x247: {  	v29 =	vmul.f32 v61, v57;
	v1 =	vadd.f32 v11, v1;
	v3 =	vadd.f32 v14, v3  }
0x248: {  	v47 =	vld [tilespmem:$0x661];
	v10 =	vmul.f32 v10, v43;
	v11 =	vadd.f32 v50, v46;
	v42 =	vmul.f32 v33, v25  }
0x249: {  	v14 =	vadd.f32 v57, v50;
	v45 =	vmul.f32 v37, v33;
	v50 =	vmul.f32 v41, v37  }
0x24a: {  	v35 =	vld [tilespmem:$0x3C1];
	v7 =	vadd.f32 v9, v7;
	v2 =	vadd.f32 v13, v2;
	v9 =	vmul.f32 v24, v23  }
0x24b: {  	v38 =	vld [tilespmem:$0x511];
	v13 =	vmul.f32 v28, v27;
	v32 =	vmul.f32 v22, v63;
	v12 =	vadd.f32 v22, v63  }
0x24c: {  	v6 =	vadd.f32 v10, v6;
	v10 =	vmul.f32 v15, v51;
	v15 =	vmul.f32 v56, v55  }
0x24d: {  	v49 =	vld [tilespmem:$0x7B0];
	v46 =	vadd.f32 v37, v33;
	v11 =	vmul.f32 v11, v60;
	v55 =	vmul.f32 v47, v41  }
0x24e: {  	v53 =	vld [tilespmem:$0x900];
	v56 =	vadd.f32 v47, v41;
	v8 =	vadd.f32 v9, v8;
	v36 =	vmul.f32 v12, v32  }
0x24f: {  	v54 =	vld [tilespmem:$0x901];
	v7 =	vadd.f32 v13, v7;
	v9 =	vmul.f32 v40, v39;
	v44 =	vadd.f32 v35, v33  }
0x250: {  	v43 =	vmul.f32 v35, v33;
	v12 =	vadd.f32 v38, v37;
	v5 =	vadd.f32 v10, v5  }
0x251: {  	v48 =	vmul.f32 v38, v37;
	v1 =	vadd.f32 v15, v1;
	v3 =	vadd.f32 v11, v3  }
0x252: {  	v57 =	vld [tilespmem:$0xA50];
	v11 =	vmul.f32 v14, v26;
	v14 =	vmul.f32 v30, v29;
	v10 =	vadd.f32 v25, v63  }
0x253: {  	v15 =	vadd.f32 v33, v25;
	v58 =	vmul.f32 v49, v41;
	v61 =	vmul.f32 v53, v49  }
0x254: {  	v51 =	vld [tilespmem:$0x7B1];
	v62 =	vadd.f32 v53, v49;
	v24 =	vmul.f32 v54, v53;
	v2 =	vadd.f32 v36, v2  }
0x255: {  	v13 =	vmul.f32 v44, v43;
	v4 =	vadd.f32 v9, v4;
	v52 =	vmul.f32 v12, v48  }
0x256: {  	v27 =	vld [tilespmem:$0xBA1];
	v9 =	vmul.f32 v56, v55;
	v12 =	vadd.f32 v54, v53;
	v6 =	vadd.f32 v11, v6  }
0x257: {  	v63 =	vld [tilespmem:$0xA51];
	v26 =	vmul.f32 v57, v53;
	v5 =	vadd.f32 v14, v5;
	v11 =	vadd.f32 v41, v37  }
0x258: {  	v25 =	vld [tilespmem:$0xBA0];
	v10 =	vmul.f32 v10, v34;
	v14 =	vadd.f32 v49, v41;
	v8 =	vadd.f32 v13, v8  }
0x259: {  	v29 =	vld [tilespmem:$0xCF0];
	v7 =	vadd.f32 v52, v7;
	v59 =	vmul.f32 v51, v49;
	v60 =	vadd.f32 v51, v49  }
0x25a: {  	v30 =	vld [tilespmem:$0xCF1];
	v28 =	vmul.f32 v12, v24;
	v1 =	vadd.f32 v10, v1;
	v10 =	vmul.f32 v15, v42  }
0x25b: {  	v33 =	vld [tilespmem:$0xE40];
	v2 =	vadd.f32 v9, v2;
	v15 =	vmul.f32 v46, v45;
	v11 =	vmul.f32 v11, v50  }
0x25c: {  	[tilespmem:$0x140] =	vst v0;
	v13 =	vmul.f32 v60, v59;
	v8 =	vadd.f32 v28, v8;
	v31 =	vmul.f32 v63, v57  }
0x25d: {  	v40 =	vld [tilespmem:$0x131];
	v32 =	vadd.f32 v63, v57;
	v34 =	vmul.f32 v25, v57;
	v35 =	vmul.f32 v27, v25  }
0x25e: {  	[tilespmem:$0x3E0] =	vst v0;
	v37 =	vld [tilespmem:$0x130];
	v36 =	vadd.f32 v27, v25;
	v38 =	vmul.f32 v29, v25;
	v39 =	vadd.f32 v29, v25  }
0x25f: {  	[tilespmem:$0x290] =	vst v0;
	v47 =	vld [tilespmem:$0x3D1];
	v41 =	vmul.f32 v30, v29;
	v12 =	vadd.f32 v30, v29;
	v3 =	vadd.f32 v10, v3  }
0x260: {  	v44 =	vld [tilespmem:$0x281];
	v43 =	vmul.f32 v33, v29;
	v6 =	vadd.f32 v15, v6;
	v5 =	vadd.f32 v11, v5  }
0x261: {  	[tilespmem:$0x530] =	vst v0;
	v42 =	vld [tilespmem:$0x280];
	v11 =	vmul.f32 v14, v58;
	v14 =	vmul.f32 v62, v61;
	v10 =	vadd.f32 v57, v53  }
0x262: {  	v56 =	vld [tilespmem:$0x521];
	v15 =	vadd.f32 v25, v57;
	v4 =	vadd.f32 v13, v4;
	v9 =	vmul.f32 v32, v31  }
0x263: {  	v46 =	vld [tilespmem:$0x3D0];
	v13 =	vmul.f32 v36, v35;
	v45 =	vmul.f32 v12, v41;
	v49 =	vadd.f32 v40, v37  }
0x264: {  	v50 =	vld [tilespmem:$0x520];
	v48 =	vmul.f32 v40, v37;
	v1 =	vadd.f32 v11, v1;
	v3 =	vadd.f32 v14, v3  }
0x265: {  	v10 =	vmul.f32 v10, v26;
	v11 =	vadd.f32 v33, v29;
	v7 =	vadd.f32 v9, v7  }
0x266: {  	[tilespmem:$0x680] =	vst v0;
	v2 =	vadd.f32 v13, v2;
	v4 =	vadd.f32 v45, v4;
	v51 =	vmul.f32 v42, v37  }
0x267: {  	v60 =	vld [tilespmem:$0x671];
	v9 =	vmul.f32 v49, v48;
	v53 =	vmul.f32 v44, v42;
	v14 =	vadd.f32 v44, v42  }
0x268: {  	v58 =	vld [tilespmem:$0x670];
	v54 =	vmul.f32 v46, v42;
	v55 =	vadd.f32 v46, v42;
	v57 =	vmul.f32 v47, v46  }
0x269: {  	[tilespmem:$0x7D0] =	vst v0;
	v62 =	vld [tilespmem:$0x7C0];
	v12 =	vadd.f32 v47, v46;
	v59 =	vmul.f32 v50, v46;
	v24 =	vmul.f32 v56, v50  }
0x26a: {  	v63 =	vld [tilespmem:$0x7C1];
	v6 =	vadd.f32 v10, v6;
	v10 =	vmul.f32 v15, v34;
	v15 =	vmul.f32 v39, v38  }
0x26b: {  	v25 =	vadd.f32 v56, v50;
	v11 =	vmul.f32 v11, v43;
	v13 =	vmul.f32 v14, v53  }
0x26c: {  	v31 =	vld [tilespmem:$0xA60];
	v52 =	vadd.f32 v42, v37;
	v16 =	vmul.f32 v55, v54;
	v61 =	vmul.f32 v12, v57  }
0x26d: {  	[tilespmem:$0x920] =	vst v0;
	v36 =	vld [tilespmem:$0xBB0];
	v8 =	vadd.f32 v9, v8;
	v27 =	vmul.f32 v58, v50;
	v9 =	vmul.f32 v25, v24  }
0x26e: {  	v28 =	vld [tilespmem:$0x911];
	v29 =	vmul.f32 v60, v58;
	v30 =	vadd.f32 v60, v58;
	v19 =	vadd.f32 v62, v58  }
0x26f: {  	v26 =	vld [tilespmem:$0x910];
	v32 =	vmul.f32 v62, v58;
	v12 =	vadd.f32 v63, v62;
	v5 =	vadd.f32 v10, v5  }
0x270: {  	[tilespmem:$0xA70] =	vst v0;
	v34 =	vmul.f32 v63, v62;
	v1 =	vadd.f32 v15, v1;
	v3 =	vadd.f32 v11, v3  }
0x271: {  	v33 =	vld [tilespmem:$0xA61];
	v11 =	vmul.f32 v52, v51;
	v10 =	vadd.f32 v50, v46;
	v15 =	vadd.f32 v58, v50  }
0x272: {  	v47 =	vmul.f32 v36, v31;
	v48 =	vadd.f32 v36, v31;
	v7 =	vadd.f32 v13, v7  }
0x273: {  	v2 =	vadd.f32 v61, v2;
	v13 =	vmul.f32 v30, v29;
	v35 =	vmul.f32 v19, v32  }
0x274: {  	v4 =	vadd.f32 v9, v4;
	v12 =	vmul.f32 v12, v34;
	v37 =	vmul.f32 v28, v26  }
0x275: {  	[tilespmem:$0xBC0] =	vst v0;
	v38 =	vadd.f32 v28, v26;
	v39 =	vmul.f32 v31, v26;
	v40 =	vadd.f32 v31, v26  }
0x276: {  	v43 =	vld [tilespmem:$0xBB1];
	v41 =	vmul.f32 v33, v31;
	v42 =	vadd.f32 v33, v31;
	v10 =	vmul.f32 v10, v59  }
0x277: {  	v50 =	vmul.f32 v26, v62;
	v6 =	vadd.f32 v11, v6;
	v5 =	vadd.f32 v16, v5  }
0x278: {  	v46 =	vld [tilespmem:$0xD00];
	v44 =	vmul.f32 v38, v37;
	v45 =	vmul.f32 v40, v39;
	v1 =	vadd.f32 v10, v1  }
0x279: {  	[tilespmem:$0xD10] =	vst v0;
	v8 =	vadd.f32 v13, v8;
	v7 =	vadd.f32 v12, v7;
	v9 =	vmul.f32 v42, v41  }
0x27a: {  	v49 =	vld [tilespmem:$0xD01];
	v10 =	vmul.f32 v15, v27;
	v2 =	vadd.f32 v44, v2;
	v1 =	vadd.f32 v45, v1  }
0x27b: {  	v52 =	vmul.f32 v43, v36;
	v53 =	vadd.f32 v43, v36;
	v4 =	vadd.f32 v9, v4  }
0x27c: {  	v55 =	vld [tilespmem:$0xE50];
	v51 =	vmul.f32 v48, v47;
	v3 =	vadd.f32 v10, v3;
	v1 =	vadd.f32 v1, v2  }
0x27d: {  	v6 =	vadd.f32 v35, v6;
	v56 =	vmul.f32 v53, v52;
	v10 =	vadd.f32 v46, v36  }
0x27e: {  	v54 =	vmul.f32 v46, v36;
	v3 =	vadd.f32 v51, v3;
	v1 =	vadd.f32 v4, v1  }
0x27f: {  	v58 =	vmul.f32 v49, v46;
	v59 =	vadd.f32 v49, v46;
	v8 =	vadd.f32 v56, v8  }
0x280: {  	v2 =	vadd.f32 v26, v62;
	v57 =	vmul.f32 v10, v54;
	v1 =	vadd.f32 v3, v1  }
0x281: {  	v61 =	vmul.f32 v55, v46;
	v60 =	vmul.f32 v59, v58;
	v62 =	vadd.f32 v55, v46  }
0x282: {  	v2 =	vmul.f32 v2, v50;
	v3 =	vadd.f32 v57, v6;
	v1 =	vadd.f32 v8, v1  }
0x283: {  	v4 =	vadd.f32 v60, v7  }
0x284: {  	v63 =	vmul.f32 v62, v61;
	v2 =	vadd.f32 v2, v5;
	v1 =	vadd.f32 v3, v1;
	_ =	sdelay $0x1  }
0x285: {  	v2 =	vadd.f32 v63, v2;
	v1 =	vadd.f32 v4, v1;
	_ =	sdelay $0x1  }
0x286: {  	s5 =	sadd.s32 $0xFFFFFFFF, s5;
	v1 =	vadd.f32 v2, v1  }
0x287: {  	p1 =	sne.s32 s5, $0x0  }
.Ltmp0:
0x288: {  	s31 =	rddreg [dreg:$0x2];
	[tilespmem:$0xE70] =	vst v1;
	(pc) =	sbr.rel @p1 .LBB2_1-.Ltmp0, $4  }
0x289: {  	[hbm4b:s31+s2] =	stream.linear.scatter [tilespmem:s11], [sflag:$0x1], $0x10, $0x38;
	[tilespmem:$0xE80] =	vst v63  }
0x28a: {  	_ =	swait.ge [sflag:s12], $0x10  }
0x28b: {  	[sflag:s12] =	ssyncset.done $0x0  }
0x28c: {  	[sflag:s12] =	ssyncadd.s32 $0xFFFFFFF0  }
0x28d: {  	_ =	sfence.sel $0x180000  }
0x28e: {  	[bflag:$0x0] =	sbarrier.arrive $0xFFFF  }
0x28f: {  	p0 =	sne.s32 s0, $0x0;
	_ =	strace $0x90000047  }
0x290: {  	s0 =	sadd.s32 @!p0 $0x100000, s1;
	[bflag:$0x2] =	sbarrier.arrive $0xFFFF  }
0x291: {  	[sflag:s0] =	ssyncadd.tile.s32 @!p0 $0x1;
	_ =	shalt  }
.Lfunc_end2:
_tile_overlayer_lowered:
.L_overlay_start_2:
0x292: {  	(tag) =	ssettag $0x2  }
0x293: {  	s0 =	rddreg [dreg:$0x0];
	s2 =	stileid.u32  }
0x294: {  	s1 =	rddreg [dreg:$0x1];
	p0 =	sne.s32 s2, $0x0  }
0x295: {  	s3 =	rddreg [dreg:$0x2];
	[bflag:$0x3] =	sbarrier.arrive $0xFFFF;
	s2 =	simm.s32 @!p0 $0x1C01  }
0x296: {  	[timem:s3], [sflag:s2] =	dma.local @!p0 [hbm:s0], s1  }
0x297: {  	s0 =	simm.s32 @!p0 $0x1  }
0x298: {  	_ =	swait.ge @!p0 [sflag:s0], s1  }
0x299: {  	s1 =	ssub.s32 @!p0 $0x0, s1;
	[sflag:s0] =	ssyncset.done @!p0 $0x0  }
0x29a: {  	[sflag:s0] =	ssyncadd.s32 @!p0 s1  }
0x29b: {  	[bflag:$0x3] =	sbarrier.arrive $0xFFFF  }
0x29c: {  	_ =	shalt  }

</sc_bundles>
